<compile_context>
chip_gen: v7x
topology: tpu7x:2x2x1
jax: 0.10.2.dev20260603
libtpu: 0.0.44.dev20260713+nightly
codegen_flags: <defaults>
</compile_context>

<pallas_src>
import functools

import jax
import jax.numpy as jnp
from jax import lax
from jax.experimental import pallas as pl
from jax.experimental.pallas import tpu as pltpu
from jax.experimental.pallas import tpu_sc as plsc

FEAT = 1024
KDIM = 1024
VDIM = 1024
DICT = 2048
NQ = 16384
K = 5
KPAD = 16
TEMP = 0.15
BN = 512

NWORK = 32
QPW = NQ // NWORK
CH = 8
NCHUNK = QPW // CH


def _norm_kernel(keys_ref, kn_ref):
    keys = keys_ref[...]
    kn_ref[...] = keys / jnp.maximum(
        jnp.sqrt(jnp.sum(keys * keys, axis=1, keepdims=True)), 1e-12)


def _block_kernel(q_ref, w1_ref, b1_ref, w2_ref, b2_ref, kn_ref,
                  sim_ref, idx_ref, w_ref):
    x = q_ref[...]
    h = jnp.maximum(
        jnp.dot(x, w1_ref[...], preferred_element_type=jnp.float32)
        + b1_ref[...], 0.0)
    qp = jnp.dot(h, w2_ref[...], preferred_element_type=jnp.float32) + b2_ref[...]
    qn = qp / jnp.maximum(
        jnp.sqrt(jnp.sum(qp * qp, axis=1, keepdims=True)), 1e-12)

    sim = lax.dot_general(qn, kn_ref[...], (((1,), (1,)), ((), ())),
                          preferred_element_type=jnp.float32)
    sim_ref[...] = sim

    neg = jnp.float32(-jnp.inf)
    iota = lax.broadcasted_iota(jnp.int32, (BN, DICT), 1)
    d = jnp.max(sim, axis=1, keepdims=True)
    d1 = d
    ds = [d]
    for _ in range(K - 1):
        d = jnp.max(jnp.where(sim < d, sim, neg), axis=1, keepdims=True)
        ds.append(d)

    idx_cols = []
    e_cols = []
    z = jnp.zeros((BN, 1), jnp.float32)
    for dj in ds:
        fin = dj > neg
        ij = jnp.min(jnp.where(sim == dj, iota, DICT), axis=1, keepdims=True)
        ej = jnp.where(fin, jnp.exp((dj - d1) * (1.0 / TEMP)), 0.0)
        idx_cols.append(jnp.where(fin, ij, 0))
        e_cols.append(ej)
        z = z + ej
    zinv = 1.0 / z
    pad_i = jnp.zeros((BN, KPAD - K), jnp.int32)
    pad_f = jnp.zeros((BN, KPAD - K), jnp.float32)
    idx_ref[...] = jnp.concatenate(idx_cols + [pad_i], axis=1)
    w_ref[...] = jnp.concatenate([e * zinv for e in e_cols] + [pad_f], axis=1)


def _tc_stage(q_feats, W1, b1, W2, b2, keys):
    kn = pl.pallas_call(
        _norm_kernel,
        out_shape=jax.ShapeDtypeStruct((DICT, KDIM), jnp.float32),
    )(keys)
    grid = (NQ // BN,)
    return pl.pallas_call(
        _block_kernel,
        grid=grid,
        in_specs=[
            pl.BlockSpec((BN, FEAT), lambda i: (i, 0)),
            pl.BlockSpec((FEAT, KDIM), lambda i: (0, 0)),
            pl.BlockSpec((1, KDIM), lambda i: (0, 0)),
            pl.BlockSpec((KDIM, KDIM), lambda i: (0, 0)),
            pl.BlockSpec((1, KDIM), lambda i: (0, 0)),
            pl.BlockSpec((DICT, KDIM), lambda i: (0, 0)),
        ],
        out_specs=[
            pl.BlockSpec((BN, DICT), lambda i: (i, 0)),
            pl.BlockSpec((BN, KPAD), lambda i: (i, 0)),
            pl.BlockSpec((BN, KPAD), lambda i: (i, 0)),
        ],
        out_shape=[
            jax.ShapeDtypeStruct((NQ, DICT), jnp.float32),
            jax.ShapeDtypeStruct((NQ, KPAD), jnp.int32),
            jax.ShapeDtypeStruct((NQ, KPAD), jnp.float32),
        ],
        compiler_params=pltpu.CompilerParams(
            dimension_semantics=("arbitrary",)),
    )(q_feats, W1, b1.reshape(1, KDIM), W2, b2.reshape(1, KDIM), kn)


def _sc_combine_body(values_hbm, idxt_hbm, w_hbm, out_hbm,
                     ic0, ic1, ic2, ic3, ic4, wv, rows, acc,
                     sem0, sem1, sem2, sem3, sem4, outsem):
    nc = 2
    wid = lax.axis_index("s") * nc + lax.axis_index("c")
    base = wid * QPW
    sems = [sem0, sem1, sem2, sem3, sem4]
    icols = [ic0, ic1, ic2, ic3, ic4]

    for k in range(K):
        pltpu.sync_copy(idxt_hbm.at[k, pl.ds(base, QPW)], icols[k])
    pltpu.sync_copy(w_hbm.at[pl.ds(base, QPW)], wv)

    def issue(c, k):
        pltpu.async_copy(
            values_hbm.at[icols[k].at[pl.ds(c * CH, CH)]],
            rows.at[k], sems[k])

    def drain(c, k):
        pltpu.make_async_copy(
            values_hbm.at[icols[k].at[pl.ds(c * CH, CH)]],
            rows.at[k], sems[k]).wait()

    def combine(c):
        cb = c * CH
        for q in range(CH):
            w_row = wv[cb + q, :]
            w0 = w_row[0]
            w1 = w_row[1]
            w2 = w_row[2]
            w3 = w_row[3]
            w4 = w_row[4]

            def d_body(d, _, q=q, w0=w0, w1=w1, w2=w2, w3=w3, w4=w4):
                s = d * 16
                acc[q, pl.ds(s, 16)] = (
                    w0 * rows[0, q, pl.ds(s, 16)]
                    + w1 * rows[1, q, pl.ds(s, 16)]
                    + w2 * rows[2, q, pl.ds(s, 16)]
                    + w3 * rows[3, q, pl.ds(s, 16)]
                    + w4 * rows[4, q, pl.ds(s, 16)])
                return 0

            lax.fori_loop(0, VDIM // 16, d_body, 0, unroll=8)

    for k in range(K):
        issue(0, k)

    def chunk_body(c, _):
        for k in range(K):
            drain(c, k)

        @pl.when(c > 0)
        def _wait_out():
            pltpu.make_async_copy(
                acc, out_hbm.at[pl.ds(base + (c - 1) * CH, CH)],
                outsem).wait()

        combine(c)
        for k in range(K):
            @pl.when(c + 1 < NCHUNK)
            def _prefetch(k=k):
                issue(c + 1, k)

        pltpu.async_copy(acc, out_hbm.at[pl.ds(base + c * CH, CH)], outsem)
        return 0

    lax.fori_loop(0, NCHUNK, chunk_body, 0)
    pltpu.make_async_copy(
        acc, out_hbm.at[pl.ds(base + (NCHUNK - 1) * CH, CH)], outsem).wait()


def _sc_stage(values, idx_t, w):
    mesh = plsc.VectorSubcoreMesh(core_axis_name="c", subcore_axis_name="s")
    kfn = functools.partial(
        pl.kernel,
        mesh=mesh,
        out_type=jax.ShapeDtypeStruct((NQ, VDIM), jnp.float32),
        scratch_types=[pltpu.VMEM((QPW,), jnp.int32) for _ in range(K)] + [
            pltpu.VMEM((QPW, KPAD), jnp.float32),
            pltpu.VMEM((K, CH, VDIM), jnp.float32),
            pltpu.VMEM((CH, VDIM), jnp.float32),
        ] + [pltpu.SemaphoreType.DMA for _ in range(K + 1)],
    )(_sc_combine_body)
    return kfn(values, idx_t, w)


@jax.jit
def kernel(q_feats, W1, b1, W2, b2, keys, values, topk):
    del topk
    sim, idx, w = _tc_stage(q_feats, W1, b1, W2, b2, keys)
    idx_t = jnp.transpose(idx)
    retrieved = _sc_stage(values, idx_t, w)
    return retrieved, sim

# --- scband reference (transcript-rebuilt; emitter-appended) ---
"""Pipeline reference for scband-dictionary-module-39015482917650 (READ-ONLY COPY).

The authoritative reference and input builder live on the scoring server;
editing this copy changes nothing except your own understanding.
"""

import jax, jax.numpy as jnp
import numpy as np

FEAT_DIM = 1024
KEY_DIM = 1024
VAL_DIM = 1024
DICT_SIZE = 2048
N_QUERIES = 16384
TOPK = 5


def _normalize(x, axis=-1, eps=1e-12):
    n = jnp.linalg.norm(x, ord=2, axis=axis, keepdims=True)
    return x / jnp.maximum(n, eps)


def setup_inputs(seed: int = 0) -> dict:
    key = jax.random.key(seed)
    ks = jax.random.split(key, 8)
    q_feats = jax.random.normal(ks[0], (N_QUERIES, FEAT_DIM), dtype=jnp.float32)
    # key_gen MLP params: Linear(feat_dim, key_dim) -> ReLU -> Linear(key_dim, key_dim)
    lim1 = 1.0 / np.sqrt(FEAT_DIM)
    lim2 = 1.0 / np.sqrt(KEY_DIM)
    W1 = jax.random.uniform(ks[1], (FEAT_DIM, KEY_DIM), jnp.float32, -lim1, lim1)
    b1 = jax.random.uniform(ks[2], (KEY_DIM,), jnp.float32, -lim1, lim1)
    W2 = jax.random.uniform(ks[3], (KEY_DIM, KEY_DIM), jnp.float32, -lim2, lim2)
    b2 = jax.random.uniform(ks[4], (KEY_DIM,), jnp.float32, -lim2, lim2)
    keys = jax.random.normal(ks[5], (DICT_SIZE, KEY_DIM), dtype=jnp.float32) * 0.02
    values = jax.random.normal(ks[6], (DICT_SIZE, VAL_DIM), dtype=jnp.float32) * 0.02
    return {"q_feats": q_feats, "W1": W1, "b1": b1, "W2": W2, "b2": b2,
            "keys": keys, "values": values, "topk": 5}


def reference(q_feats, W1, b1, W2, b2, keys, values, topk):
    temperature = 0.15
    # key_gen MLP
    h = jnp.maximum(q_feats @ W1 + b1, 0.0)
    q_proj = h @ W2 + b2
    q = _normalize(q_proj, axis=-1)
    k = _normalize(keys, axis=-1)
    sim = q @ k.T  # [N, dict_size]
    sim = sim + 0.0 * jnp.asarray(topk, dtype=sim.dtype)
    topk_vals, topk_idx = jax.lax.top_k(sim, TOPK)  # [N, topk]
    weights = jax.nn.softmax(topk_vals / temperature, axis=-1)
    v = jnp.take(values, topk_idx, axis=0)  # [N, topk, val_dim]
    retrieved = jnp.sum(weights[..., None] * v, axis=1)  # [N, val_dim]
    return (retrieved, sim)

if __name__ == "__main__":
    import jax
    _d = setup_inputs()
    print(jax.jit(kernel)(*tuple(_d.values())))

</pallas_src>

<mosaic_0001>
#map = affine_map<(d0, d1) -> (0, 0)>
module attributes {stable_mosaic.version = 14 : i64} {
  func.func @_sc_combine_body(%arg0: i32, %arg1: i32, %arg2: memref<2048x1024xf32, #tpu.memory_space<hbm>>, %arg3: memref<16x16384xi32, #tpu.memory_space<hbm>>, %arg4: memref<16384x16xf32, #tpu.memory_space<hbm>>, %arg5: memref<16384x1024xf32, #tpu.memory_space<hbm>>, %arg6: memref<512xi32, #tpu.memory_space<vmem>>, %arg7: memref<512xi32, #tpu.memory_space<vmem>>, %arg8: memref<512xi32, #tpu.memory_space<vmem>>, %arg9: memref<512xi32, #tpu.memory_space<vmem>>, %arg10: memref<512xi32, #tpu.memory_space<vmem>>, %arg11: memref<512x16xf32, #tpu.memory_space<vmem>>, %arg12: memref<5x8x1024xf32, #tpu.memory_space<vmem>>, %arg13: memref<8x1024xf32, #tpu.memory_space<vmem>>, %arg14: memref<!tpu.dma_semaphore, #tpu.memory_space<semaphore_mem>>, %arg15: memref<!tpu.dma_semaphore, #tpu.memory_space<semaphore_mem>>, %arg16: memref<!tpu.dma_semaphore, #tpu.memory_space<semaphore_mem>>, %arg17: memref<!tpu.dma_semaphore, #tpu.memory_space<semaphore_mem>>, %arg18: memref<!tpu.dma_semaphore, #tpu.memory_space<semaphore_mem>>, %arg19: memref<!tpu.dma_semaphore, #tpu.memory_space<semaphore_mem>>) attributes {dimension_semantics = [#tpu.dimension_semantics<core_parallel>, #tpu.dimension_semantics<subcore_parallel>], iteration_bounds = array<i64: 2, 16>, scalar_prefetch = 0 : i64, scratch_operands = 14 : i64, tpu.core_type = #tpu.core_type<sc_vector_subcore>, window_params = [{transform_indices = #map}, {transform_indices = #map}, {transform_indices = #map}, {transform_indices = #map}]} {
    %mul3A = arith.constant 2 : i32
    %mul3A_0 = arith.muli %arg1, %mul3A : i32
    %add3A = arith.addi %mul3A_0, %arg0 : i32
    %mul3A_1 = arith.constant 512 : i32
    %mul3A_2 = arith.muli %add3A, %mul3A_1 : i32
    %run_scoped3A = arith.constant 0 : i32
    "tpu.region"() ({
      %run_scoped3A_67 = tpu.sem_alloc : memref<!tpu.dma_semaphore, #tpu.memory_space<semaphore_mem>>
      %dma_start3A_68 = tpu.memref_slice %arg3[%run_scoped3A, %mul3A_2] : memref<16x16384xi32, #tpu.memory_space<hbm>> -> memref<1x512xi32, #tpu.memory_space<hbm>>
      %dma_start3A_69 = tpu.memref_squeeze %dma_start3A_68 : memref<1x512xi32, #tpu.memory_space<hbm>> -> memref<512xi32, #tpu.memory_space<hbm>>
      %dma_start3A_70 = tpu.memref_slice %arg3[%run_scoped3A, %mul3A_2] : memref<16x16384xi32, #tpu.memory_space<hbm>> -> memref<1x512xi32, #tpu.memory_space<hbm>>
      %dma_start3A_71 = tpu.memref_squeeze %dma_start3A_70 : memref<1x512xi32, #tpu.memory_space<hbm>> -> memref<512xi32, #tpu.memory_space<hbm>>
      tpu.enqueue_dma source(%dma_start3A_71 : memref<512xi32, #tpu.memory_space<hbm>>) target(%arg6 : memref<512xi32, #tpu.memory_space<vmem>>) target_semaphore(%run_scoped3A_67 : memref<!tpu.dma_semaphore, #tpu.memory_space<semaphore_mem>>)
      %dma_wait3A_72 = tpu.memref_slice %arg3[%run_scoped3A, %mul3A_2] : memref<16x16384xi32, #tpu.memory_space<hbm>> -> memref<1x512xi32, #tpu.memory_space<hbm>>
      %dma_wait3A_73 = tpu.memref_squeeze %dma_wait3A_72 : memref<1x512xi32, #tpu.memory_space<hbm>> -> memref<512xi32, #tpu.memory_space<hbm>>
      %dma_wait3A_74 = tpu.memref_slice %arg3[%run_scoped3A, %mul3A_2] : memref<16x16384xi32, #tpu.memory_space<hbm>> -> memref<1x512xi32, #tpu.memory_space<hbm>>
      %dma_wait3A_75 = tpu.memref_squeeze %dma_wait3A_74 : memref<1x512xi32, #tpu.memory_space<hbm>> -> memref<512xi32, #tpu.memory_space<hbm>>
      tpu.wait_dma2 semaphore(%run_scoped3A_67 : memref<!tpu.dma_semaphore, #tpu.memory_space<semaphore_mem>>) src(%dma_wait3A_75 : memref<512xi32, #tpu.memory_space<hbm>>) dst(%arg6 : memref<512xi32, #tpu.memory_space<vmem>>)
      tpu.yield
    }) : () -> ()
    %run_scoped3A_3 = arith.constant 1 : i32
    "tpu.region"() ({
      %run_scoped3A_67 = tpu.sem_alloc : memref<!tpu.dma_semaphore, #tpu.memory_space<semaphore_mem>>
      %dma_start3A_68 = tpu.memref_slice %arg3[%run_scoped3A_3, %mul3A_2] : memref<16x16384xi32, #tpu.memory_space<hbm>> -> memref<1x512xi32, #tpu.memory_space<hbm>>
      %dma_start3A_69 = tpu.memref_squeeze %dma_start3A_68 : memref<1x512xi32, #tpu.memory_space<hbm>> -> memref<512xi32, #tpu.memory_space<hbm>>
      %dma_start3A_70 = tpu.memref_slice %arg3[%run_scoped3A_3, %mul3A_2] : memref<16x16384xi32, #tpu.memory_space<hbm>> -> memref<1x512xi32, #tpu.memory_space<hbm>>
      %dma_start3A_71 = tpu.memref_squeeze %dma_start3A_70 : memref<1x512xi32, #tpu.memory_space<hbm>> -> memref<512xi32, #tpu.memory_space<hbm>>
      tpu.enqueue_dma source(%dma_start3A_71 : memref<512xi32, #tpu.memory_space<hbm>>) target(%arg7 : memref<512xi32, #tpu.memory_space<vmem>>) target_semaphore(%run_scoped3A_67 : memref<!tpu.dma_semaphore, #tpu.memory_space<semaphore_mem>>)
      %dma_wait3A_72 = tpu.memref_slice %arg3[%run_scoped3A_3, %mul3A_2] : memref<16x16384xi32, #tpu.memory_space<hbm>> -> memref<1x512xi32, #tpu.memory_space<hbm>>
      %dma_wait3A_73 = tpu.memref_squeeze %dma_wait3A_72 : memref<1x512xi32, #tpu.memory_space<hbm>> -> memref<512xi32, #tpu.memory_space<hbm>>
      %dma_wait3A_74 = tpu.memref_slice %arg3[%run_scoped3A_3, %mul3A_2] : memref<16x16384xi32, #tpu.memory_space<hbm>> -> memref<1x512xi32, #tpu.memory_space<hbm>>
      %dma_wait3A_75 = tpu.memref_squeeze %dma_wait3A_74 : memref<1x512xi32, #tpu.memory_space<hbm>> -> memref<512xi32, #tpu.memory_space<hbm>>
      tpu.wait_dma2 semaphore(%run_scoped3A_67 : memref<!tpu.dma_semaphore, #tpu.memory_space<semaphore_mem>>) src(%dma_wait3A_75 : memref<512xi32, #tpu.memory_space<hbm>>) dst(%arg7 : memref<512xi32, #tpu.memory_space<vmem>>)
      tpu.yield
    }) : () -> ()
    %run_scoped3A_4 = arith.constant 2 : i32
    "tpu.region"() ({
      %run_scoped3A_67 = tpu.sem_alloc : memref<!tpu.dma_semaphore, #tpu.memory_space<semaphore_mem>>
      %dma_start3A_68 = tpu.memref_slice %arg3[%run_scoped3A_4, %mul3A_2] : memref<16x16384xi32, #tpu.memory_space<hbm>> -> memref<1x512xi32, #tpu.memory_space<hbm>>
      %dma_start3A_69 = tpu.memref_squeeze %dma_start3A_68 : memref<1x512xi32, #tpu.memory_space<hbm>> -> memref<512xi32, #tpu.memory_space<hbm>>
      %dma_start3A_70 = tpu.memref_slice %arg3[%run_scoped3A_4, %mul3A_2] : memref<16x16384xi32, #tpu.memory_space<hbm>> -> memref<1x512xi32, #tpu.memory_space<hbm>>
      %dma_start3A_71 = tpu.memref_squeeze %dma_start3A_70 : memref<1x512xi32, #tpu.memory_space<hbm>> -> memref<512xi32, #tpu.memory_space<hbm>>
      tpu.enqueue_dma source(%dma_start3A_71 : memref<512xi32, #tpu.memory_space<hbm>>) target(%arg8 : memref<512xi32, #tpu.memory_space<vmem>>) target_semaphore(%run_scoped3A_67 : memref<!tpu.dma_semaphore, #tpu.memory_space<semaphore_mem>>)
      %dma_wait3A_72 = tpu.memref_slice %arg3[%run_scoped3A_4, %mul3A_2] : memref<16x16384xi32, #tpu.memory_space<hbm>> -> memref<1x512xi32, #tpu.memory_space<hbm>>
      %dma_wait3A_73 = tpu.memref_squeeze %dma_wait3A_72 : memref<1x512xi32, #tpu.memory_space<hbm>> -> memref<512xi32, #tpu.memory_space<hbm>>
      %dma_wait3A_74 = tpu.memref_slice %arg3[%run_scoped3A_4, %mul3A_2] : memref<16x16384xi32, #tpu.memory_space<hbm>> -> memref<1x512xi32, #tpu.memory_space<hbm>>
      %dma_wait3A_75 = tpu.memref_squeeze %dma_wait3A_74 : memref<1x512xi32, #tpu.memory_space<hbm>> -> memref<512xi32, #tpu.memory_space<hbm>>
      tpu.wait_dma2 semaphore(%run_scoped3A_67 : memref<!tpu.dma_semaphore, #tpu.memory_space<semaphore_mem>>) src(%dma_wait3A_75 : memref<512xi32, #tpu.memory_space<hbm>>) dst(%arg8 : memref<512xi32, #tpu.memory_space<vmem>>)
      tpu.yield
    }) : () -> ()
    %run_scoped3A_5 = arith.constant 3 : i32
    "tpu.region"() ({
      %run_scoped3A_67 = tpu.sem_alloc : memref<!tpu.dma_semaphore, #tpu.memory_space<semaphore_mem>>
      %dma_start3A_68 = tpu.memref_slice %arg3[%run_scoped3A_5, %mul3A_2] : memref<16x16384xi32, #tpu.memory_space<hbm>> -> memref<1x512xi32, #tpu.memory_space<hbm>>
      %dma_start3A_69 = tpu.memref_squeeze %dma_start3A_68 : memref<1x512xi32, #tpu.memory_space<hbm>> -> memref<512xi32, #tpu.memory_space<hbm>>
      %dma_start3A_70 = tpu.memref_slice %arg3[%run_scoped3A_5, %mul3A_2] : memref<16x16384xi32, #tpu.memory_space<hbm>> -> memref<1x512xi32, #tpu.memory_space<hbm>>
      %dma_start3A_71 = tpu.memref_squeeze %dma_start3A_70 : memref<1x512xi32, #tpu.memory_space<hbm>> -> memref<512xi32, #tpu.memory_space<hbm>>
      tpu.enqueue_dma source(%dma_start3A_71 : memref<512xi32, #tpu.memory_space<hbm>>) target(%arg9 : memref<512xi32, #tpu.memory_space<vmem>>) target_semaphore(%run_scoped3A_67 : memref<!tpu.dma_semaphore, #tpu.memory_space<semaphore_mem>>)
      %dma_wait3A_72 = tpu.memref_slice %arg3[%run_scoped3A_5, %mul3A_2] : memref<16x16384xi32, #tpu.memory_space<hbm>> -> memref<1x512xi32, #tpu.memory_space<hbm>>
      %dma_wait3A_73 = tpu.memref_squeeze %dma_wait3A_72 : memref<1x512xi32, #tpu.memory_space<hbm>> -> memref<512xi32, #tpu.memory_space<hbm>>
      %dma_wait3A_74 = tpu.memref_slice %arg3[%run_scoped3A_5, %mul3A_2] : memref<16x16384xi32, #tpu.memory_space<hbm>> -> memref<1x512xi32, #tpu.memory_space<hbm>>
      %dma_wait3A_75 = tpu.memref_squeeze %dma_wait3A_74 : memref<1x512xi32, #tpu.memory_space<hbm>> -> memref<512xi32, #tpu.memory_space<hbm>>
      tpu.wait_dma2 semaphore(%run_scoped3A_67 : memref<!tpu.dma_semaphore, #tpu.memory_space<semaphore_mem>>) src(%dma_wait3A_75 : memref<512xi32, #tpu.memory_space<hbm>>) dst(%arg9 : memref<512xi32, #tpu.memory_space<vmem>>)
      tpu.yield
    }) : () -> ()
    %run_scoped3A_6 = arith.constant 4 : i32
    "tpu.region"() ({
      %run_scoped3A_67 = tpu.sem_alloc : memref<!tpu.dma_semaphore, #tpu.memory_space<semaphore_mem>>
      %dma_start3A_68 = tpu.memref_slice %arg3[%run_scoped3A_6, %mul3A_2] : memref<16x16384xi32, #tpu.memory_space<hbm>> -> memref<1x512xi32, #tpu.memory_space<hbm>>
      %dma_start3A_69 = tpu.memref_squeeze %dma_start3A_68 : memref<1x512xi32, #tpu.memory_space<hbm>> -> memref<512xi32, #tpu.memory_space<hbm>>
      %dma_start3A_70 = tpu.memref_slice %arg3[%run_scoped3A_6, %mul3A_2] : memref<16x16384xi32, #tpu.memory_space<hbm>> -> memref<1x512xi32, #tpu.memory_space<hbm>>
      %dma_start3A_71 = tpu.memref_squeeze %dma_start3A_70 : memref<1x512xi32, #tpu.memory_space<hbm>> -> memref<512xi32, #tpu.memory_space<hbm>>
      tpu.enqueue_dma source(%dma_start3A_71 : memref<512xi32, #tpu.memory_space<hbm>>) target(%arg10 : memref<512xi32, #tpu.memory_space<vmem>>) target_semaphore(%run_scoped3A_67 : memref<!tpu.dma_semaphore, #tpu.memory_space<semaphore_mem>>)
      %dma_wait3A_72 = tpu.memref_slice %arg3[%run_scoped3A_6, %mul3A_2] : memref<16x16384xi32, #tpu.memory_space<hbm>> -> memref<1x512xi32, #tpu.memory_space<hbm>>
      %dma_wait3A_73 = tpu.memref_squeeze %dma_wait3A_72 : memref<1x512xi32, #tpu.memory_space<hbm>> -> memref<512xi32, #tpu.memory_space<hbm>>
      %dma_wait3A_74 = tpu.memref_slice %arg3[%run_scoped3A_6, %mul3A_2] : memref<16x16384xi32, #tpu.memory_space<hbm>> -> memref<1x512xi32, #tpu.memory_space<hbm>>
      %dma_wait3A_75 = tpu.memref_squeeze %dma_wait3A_74 : memref<1x512xi32, #tpu.memory_space<hbm>> -> memref<512xi32, #tpu.memory_space<hbm>>
      tpu.wait_dma2 semaphore(%run_scoped3A_67 : memref<!tpu.dma_semaphore, #tpu.memory_space<semaphore_mem>>) src(%dma_wait3A_75 : memref<512xi32, #tpu.memory_space<hbm>>) dst(%arg10 : memref<512xi32, #tpu.memory_space<vmem>>)
      tpu.yield
    }) : () -> ()
    "tpu.region"() ({
      %run_scoped3A_67 = tpu.sem_alloc : memref<!tpu.dma_semaphore, #tpu.memory_space<semaphore_mem>>
      %dma_start3A_68 = arith.constant 0 : i32
      %dma_start3A_69 = tpu.memref_slice %arg4[%mul3A_2, %dma_start3A_68] : memref<16384x16xf32, #tpu.memory_space<hbm>> -> memref<512x16xf32, #tpu.memory_space<hbm>>
      %dma_start3A_70 = arith.constant 0 : i32
      %dma_start3A_71 = tpu.memref_slice %arg4[%mul3A_2, %dma_start3A_70] : memref<16384x16xf32, #tpu.memory_space<hbm>> -> memref<512x16xf32, #tpu.memory_space<hbm>>
      tpu.enqueue_dma source(%dma_start3A_71 : memref<512x16xf32, #tpu.memory_space<hbm>>) target(%arg11 : memref<512x16xf32, #tpu.memory_space<vmem>>) target_semaphore(%run_scoped3A_67 : memref<!tpu.dma_semaphore, #tpu.memory_space<semaphore_mem>>)
      %dma_wait3A_72 = arith.constant 0 : i32
      %dma_wait3A_73 = tpu.memref_slice %arg4[%mul3A_2, %dma_wait3A_72] : memref<16384x16xf32, #tpu.memory_space<hbm>> -> memref<512x16xf32, #tpu.memory_space<hbm>>
      %dma_wait3A_74 = arith.constant 0 : i32
      %dma_wait3A_75 = tpu.memref_slice %arg4[%mul3A_2, %dma_wait3A_74] : memref<16384x16xf32, #tpu.memory_space<hbm>> -> memref<512x16xf32, #tpu.memory_space<hbm>>
      tpu.wait_dma2 semaphore(%run_scoped3A_67 : memref<!tpu.dma_semaphore, #tpu.memory_space<semaphore_mem>>) src(%dma_wait3A_75 : memref<512x16xf32, #tpu.memory_space<hbm>>) dst(%arg11 : memref<512x16xf32, #tpu.memory_space<vmem>>)
      tpu.yield
    }) : () -> ()
    %dma_start3A = arith.constant 0 : i32
    %dma_start3A_7 = arith.constant 0 : i32
    %dma_start3A_8 = arith.constant 0 : i32
    %dma_start3A_9 = tpu.memref_slice %arg12[%dma_start3A, %dma_start3A_7, %dma_start3A_8] : memref<5x8x1024xf32, #tpu.memory_space<vmem>> -> memref<1x8x1024xf32, #tpu.memory_space<vmem>>
    %dma_start3A_10 = tpu.memref_squeeze %dma_start3A_9 : memref<1x8x1024xf32, #tpu.memory_space<vmem>> -> memref<8x1024xf32, #tpu.memory_space<vmem>>
    %dma_start3A_11 = arith.constant 0 : i32
    %dma_start3A_12 = tpu.memref_slice %arg6[%dma_start3A_11] : memref<512xi32, #tpu.memory_space<vmem>> -> memref<8xi32, #tpu.memory_space<vmem>>
    %dma_start3A_13 = arith.constant 0 : i32
    %dma_start3A_14 = arith.constant 0 : i32
    %dma_start3A_15 = tpu.memref_slice %arg2[%dma_start3A_13, %dma_start3A_14] : memref<2048x1024xf32, #tpu.memory_space<hbm>> -> memref<2048x1024xf32, #tpu.memory_space<hbm>>
    tpu.enqueue_indirect_dma source(%dma_start3A_15 : memref<2048x1024xf32, #tpu.memory_space<hbm>>) target(%dma_start3A_10 : memref<8x1024xf32, #tpu.memory_space<vmem>>) offsets(%dma_start3A_12 : memref<8xi32, #tpu.memory_space<vmem>>) semaphore(%arg14 : memref<!tpu.dma_semaphore, #tpu.memory_space<semaphore_mem>>)
    %dma_start3A_16 = arith.constant 1 : i32
    %dma_start3A_17 = arith.constant 0 : i32
    %dma_start3A_18 = arith.constant 0 : i32
    %dma_start3A_19 = tpu.memref_slice %arg12[%dma_start3A_16, %dma_start3A_17, %dma_start3A_18] : memref<5x8x1024xf32, #tpu.memory_space<vmem>> -> memref<1x8x1024xf32, #tpu.memory_space<vmem>>
    %dma_start3A_20 = tpu.memref_squeeze %dma_start3A_19 : memref<1x8x1024xf32, #tpu.memory_space<vmem>> -> memref<8x1024xf32, #tpu.memory_space<vmem>>
    %dma_start3A_21 = arith.constant 0 : i32
    %dma_start3A_22 = tpu.memref_slice %arg7[%dma_start3A_21] : memref<512xi32, #tpu.memory_space<vmem>> -> memref<8xi32, #tpu.memory_space<vmem>>
    %dma_start3A_23 = arith.constant 0 : i32
    %dma_start3A_24 = arith.constant 0 : i32
    %dma_start3A_25 = tpu.memref_slice %arg2[%dma_start3A_23, %dma_start3A_24] : memref<2048x1024xf32, #tpu.memory_space<hbm>> -> memref<2048x1024xf32, #tpu.memory_space<hbm>>
    tpu.enqueue_indirect_dma source(%dma_start3A_25 : memref<2048x1024xf32, #tpu.memory_space<hbm>>) target(%dma_start3A_20 : memref<8x1024xf32, #tpu.memory_space<vmem>>) offsets(%dma_start3A_22 : memref<8xi32, #tpu.memory_space<vmem>>) semaphore(%arg15 : memref<!tpu.dma_semaphore, #tpu.memory_space<semaphore_mem>>)
    %dma_start3A_26 = arith.constant 2 : i32
    %dma_start3A_27 = arith.constant 0 : i32
    %dma_start3A_28 = arith.constant 0 : i32
    %dma_start3A_29 = tpu.memref_slice %arg12[%dma_start3A_26, %dma_start3A_27, %dma_start3A_28] : memref<5x8x1024xf32, #tpu.memory_space<vmem>> -> memref<1x8x1024xf32, #tpu.memory_space<vmem>>
    %dma_start3A_30 = tpu.memref_squeeze %dma_start3A_29 : memref<1x8x1024xf32, #tpu.memory_space<vmem>> -> memref<8x1024xf32, #tpu.memory_space<vmem>>
    %dma_start3A_31 = arith.constant 0 : i32
    %dma_start3A_32 = tpu.memref_slice %arg8[%dma_start3A_31] : memref<512xi32, #tpu.memory_space<vmem>> -> memref<8xi32, #tpu.memory_space<vmem>>
    %dma_start3A_33 = arith.constant 0 : i32
    %dma_start3A_34 = arith.constant 0 : i32
    %dma_start3A_35 = tpu.memref_slice %arg2[%dma_start3A_33, %dma_start3A_34] : memref<2048x1024xf32, #tpu.memory_space<hbm>> -> memref<2048x1024xf32, #tpu.memory_space<hbm>>
    tpu.enqueue_indirect_dma source(%dma_start3A_35 : memref<2048x1024xf32, #tpu.memory_space<hbm>>) target(%dma_start3A_30 : memref<8x1024xf32, #tpu.memory_space<vmem>>) offsets(%dma_start3A_32 : memref<8xi32, #tpu.memory_space<vmem>>) semaphore(%arg16 : memref<!tpu.dma_semaphore, #tpu.memory_space<semaphore_mem>>)
    %dma_start3A_36 = arith.constant 3 : i32
    %dma_start3A_37 = arith.constant 0 : i32
    %dma_start3A_38 = arith.constant 0 : i32
    %dma_start3A_39 = tpu.memref_slice %arg12[%dma_start3A_36, %dma_start3A_37, %dma_start3A_38] : memref<5x8x1024xf32, #tpu.memory_space<vmem>> -> memref<1x8x1024xf32, #tpu.memory_space<vmem>>
    %dma_start3A_40 = tpu.memref_squeeze %dma_start3A_39 : memref<1x8x1024xf32, #tpu.memory_space<vmem>> -> memref<8x1024xf32, #tpu.memory_space<vmem>>
    %dma_start3A_41 = arith.constant 0 : i32
    %dma_start3A_42 = tpu.memref_slice %arg9[%dma_start3A_41] : memref<512xi32, #tpu.memory_space<vmem>> -> memref<8xi32, #tpu.memory_space<vmem>>
    %dma_start3A_43 = arith.constant 0 : i32
    %dma_start3A_44 = arith.constant 0 : i32
    %dma_start3A_45 = tpu.memref_slice %arg2[%dma_start3A_43, %dma_start3A_44] : memref<2048x1024xf32, #tpu.memory_space<hbm>> -> memref<2048x1024xf32, #tpu.memory_space<hbm>>
    tpu.enqueue_indirect_dma source(%dma_start3A_45 : memref<2048x1024xf32, #tpu.memory_space<hbm>>) target(%dma_start3A_40 : memref<8x1024xf32, #tpu.memory_space<vmem>>) offsets(%dma_start3A_42 : memref<8xi32, #tpu.memory_space<vmem>>) semaphore(%arg17 : memref<!tpu.dma_semaphore, #tpu.memory_space<semaphore_mem>>)
    %dma_start3A_46 = arith.constant 4 : i32
    %dma_start3A_47 = arith.constant 0 : i32
    %dma_start3A_48 = arith.constant 0 : i32
    %dma_start3A_49 = tpu.memref_slice %arg12[%dma_start3A_46, %dma_start3A_47, %dma_start3A_48] : memref<5x8x1024xf32, #tpu.memory_space<vmem>> -> memref<1x8x1024xf32, #tpu.memory_space<vmem>>
    %dma_start3A_50 = tpu.memref_squeeze %dma_start3A_49 : memref<1x8x1024xf32, #tpu.memory_space<vmem>> -> memref<8x1024xf32, #tpu.memory_space<vmem>>
    %dma_start3A_51 = arith.constant 0 : i32
    %dma_start3A_52 = tpu.memref_slice %arg10[%dma_start3A_51] : memref<512xi32, #tpu.memory_space<vmem>> -> memref<8xi32, #tpu.memory_space<vmem>>
    %dma_start3A_53 = arith.constant 0 : i32
    %dma_start3A_54 = arith.constant 0 : i32
    %dma_start3A_55 = tpu.memref_slice %arg2[%dma_start3A_53, %dma_start3A_54] : memref<2048x1024xf32, #tpu.memory_space<hbm>> -> memref<2048x1024xf32, #tpu.memory_space<hbm>>
    tpu.enqueue_indirect_dma source(%dma_start3A_55 : memref<2048x1024xf32, #tpu.memory_space<hbm>>) target(%dma_start3A_50 : memref<8x1024xf32, #tpu.memory_space<vmem>>) offsets(%dma_start3A_52 : memref<8xi32, #tpu.memory_space<vmem>>) semaphore(%arg18 : memref<!tpu.dma_semaphore, #tpu.memory_space<semaphore_mem>>)
    %scan3A = arith.constant 0 : i32
    %scan3A_56 = arith.constant 0 : i32
    %scan3A_57 = arith.constant 64 : i32
    %scan3A_58 = arith.addi %scan3A_56, %scan3A_57 : i32
    %scan3A_59 = arith.constant 1 : i32
    %scan3A_60 = scf.for %scan3A_67 = %scan3A_56 to %scan3A_58 step %scan3A_59 iter_args(%scan3A_68 = %scan3A) -> (i32)  : i32 {
      %mul3A_69 = arith.constant 8 : i32
      %mul3A_70 = arith.muli %scan3A_67, %mul3A_69 : i32
      %dma_wait3A_71 = arith.constant 0 : i32
      %dma_wait3A_72 = arith.constant 0 : i32
      %dma_wait3A_73 = arith.constant 0 : i32
      %dma_wait3A_74 = tpu.memref_slice %arg12[%dma_wait3A_71, %dma_wait3A_72, %dma_wait3A_73] : memref<5x8x1024xf32, #tpu.memory_space<vmem>> -> memref<1x8x1024xf32, #tpu.memory_space<vmem>>
      %dma_wait3A_75 = tpu.memref_squeeze %dma_wait3A_74 : memref<1x8x1024xf32, #tpu.memory_space<vmem>> -> memref<8x1024xf32, #tpu.memory_space<vmem>>
      %dma_wait3A_76 = tpu.memref_slice %arg6[%mul3A_70] : memref<512xi32, #tpu.memory_space<vmem>> -> memref<8xi32, #tpu.memory_space<vmem>>
      %dma_wait3A_77 = arith.constant 0 : i32
      %dma_wait3A_78 = arith.constant 0 : i32
      %dma_wait3A_79 = tpu.memref_slice %arg2[%dma_wait3A_77, %dma_wait3A_78] : memref<2048x1024xf32, #tpu.memory_space<hbm>> -> memref<2048x1024xf32, #tpu.memory_space<hbm>>
      tpu.wait_indirect_dma semaphore(%arg14 : memref<!tpu.dma_semaphore, #tpu.memory_space<semaphore_mem>>) src(%dma_wait3A_79 : memref<2048x1024xf32, #tpu.memory_space<hbm>>) dst(%dma_wait3A_75 : memref<8x1024xf32, #tpu.memory_space<vmem>>)
      %mul3A_80 = arith.constant 8 : i32
      %mul3A_81 = arith.muli %scan3A_67, %mul3A_80 : i32
      %dma_wait3A_82 = arith.constant 1 : i32
      %dma_wait3A_83 = arith.constant 0 : i32
      %dma_wait3A_84 = arith.constant 0 : i32
      %dma_wait3A_85 = tpu.memref_slice %arg12[%dma_wait3A_82, %dma_wait3A_83, %dma_wait3A_84] : memref<5x8x1024xf32, #tpu.memory_space<vmem>> -> memref<1x8x1024xf32, #tpu.memory_space<vmem>>
      %dma_wait3A_86 = tpu.memref_squeeze %dma_wait3A_85 : memref<1x8x1024xf32, #tpu.memory_space<vmem>> -> memref<8x1024xf32, #tpu.memory_space<vmem>>
      %dma_wait3A_87 = tpu.memref_slice %arg7[%mul3A_81] : memref<512xi32, #tpu.memory_space<vmem>> -> memref<8xi32, #tpu.memory_space<vmem>>
      %dma_wait3A_88 = arith.constant 0 : i32
      %dma_wait3A_89 = arith.constant 0 : i32
      %dma_wait3A_90 = tpu.memref_slice %arg2[%dma_wait3A_88, %dma_wait3A_89] : memref<2048x1024xf32, #tpu.memory_space<hbm>> -> memref<2048x1024xf32, #tpu.memory_space<hbm>>
      tpu.wait_indirect_dma semaphore(%arg15 : memref<!tpu.dma_semaphore, #tpu.memory_space<semaphore_mem>>) src(%dma_wait3A_90 : memref<2048x1024xf32, #tpu.memory_space<hbm>>) dst(%dma_wait3A_86 : memref<8x1024xf32, #tpu.memory_space<vmem>>)
      %mul3A_91 = arith.constant 8 : i32
      %mul3A_92 = arith.muli %scan3A_67, %mul3A_91 : i32
      %dma_wait3A_93 = arith.constant 2 : i32
      %dma_wait3A_94 = arith.constant 0 : i32
      %dma_wait3A_95 = arith.constant 0 : i32
      %dma_wait3A_96 = tpu.memref_slice %arg12[%dma_wait3A_93, %dma_wait3A_94, %dma_wait3A_95] : memref<5x8x1024xf32, #tpu.memory_space<vmem>> -> memref<1x8x1024xf32, #tpu.memory_space<vmem>>
      %dma_wait3A_97 = tpu.memref_squeeze %dma_wait3A_96 : memref<1x8x1024xf32, #tpu.memory_space<vmem>> -> memref<8x1024xf32, #tpu.memory_space<vmem>>
      %dma_wait3A_98 = tpu.memref_slice %arg8[%mul3A_92] : memref<512xi32, #tpu.memory_space<vmem>> -> memref<8xi32, #tpu.memory_space<vmem>>
      %dma_wait3A_99 = arith.constant 0 : i32
      %dma_wait3A_100 = arith.constant 0 : i32
      %dma_wait3A_101 = tpu.memref_slice %arg2[%dma_wait3A_99, %dma_wait3A_100] : memref<2048x1024xf32, #tpu.memory_space<hbm>> -> memref<2048x1024xf32, #tpu.memory_space<hbm>>
      tpu.wait_indirect_dma semaphore(%arg16 : memref<!tpu.dma_semaphore, #tpu.memory_space<semaphore_mem>>) src(%dma_wait3A_101 : memref<2048x1024xf32, #tpu.memory_space<hbm>>) dst(%dma_wait3A_97 : memref<8x1024xf32, #tpu.memory_space<vmem>>)
      %mul3A_102 = arith.constant 8 : i32
      %mul3A_103 = arith.muli %scan3A_67, %mul3A_102 : i32
      %dma_wait3A_104 = arith.constant 3 : i32
      %dma_wait3A_105 = arith.constant 0 : i32
      %dma_wait3A_106 = arith.constant 0 : i32
      %dma_wait3A_107 = tpu.memref_slice %arg12[%dma_wait3A_104, %dma_wait3A_105, %dma_wait3A_106] : memref<5x8x1024xf32, #tpu.memory_space<vmem>> -> memref<1x8x1024xf32, #tpu.memory_space<vmem>>
      %dma_wait3A_108 = tpu.memref_squeeze %dma_wait3A_107 : memref<1x8x1024xf32, #tpu.memory_space<vmem>> -> memref<8x1024xf32, #tpu.memory_space<vmem>>
      %dma_wait3A_109 = tpu.memref_slice %arg9[%mul3A_103] : memref<512xi32, #tpu.memory_space<vmem>> -> memref<8xi32, #tpu.memory_space<vmem>>
      %dma_wait3A_110 = arith.constant 0 : i32
      %dma_wait3A_111 = arith.constant 0 : i32
      %dma_wait3A_112 = tpu.memref_slice %arg2[%dma_wait3A_110, %dma_wait3A_111] : memref<2048x1024xf32, #tpu.memory_space<hbm>> -> memref<2048x1024xf32, #tpu.memory_space<hbm>>
      tpu.wait_indirect_dma semaphore(%arg17 : memref<!tpu.dma_semaphore, #tpu.memory_space<semaphore_mem>>) src(%dma_wait3A_112 : memref<2048x1024xf32, #tpu.memory_space<hbm>>) dst(%dma_wait3A_108 : memref<8x1024xf32, #tpu.memory_space<vmem>>)
      %mul3A_113 = arith.constant 8 : i32
      %mul3A_114 = arith.muli %scan3A_67, %mul3A_113 : i32
      %dma_wait3A_115 = arith.constant 4 : i32
      %dma_wait3A_116 = arith.constant 0 : i32
      %dma_wait3A_117 = arith.constant 0 : i32
      %dma_wait3A_118 = tpu.memref_slice %arg12[%dma_wait3A_115, %dma_wait3A_116, %dma_wait3A_117] : memref<5x8x1024xf32, #tpu.memory_space<vmem>> -> memref<1x8x1024xf32, #tpu.memory_space<vmem>>
      %dma_wait3A_119 = tpu.memref_squeeze %dma_wait3A_118 : memref<1x8x1024xf32, #tpu.memory_space<vmem>> -> memref<8x1024xf32, #tpu.memory_space<vmem>>
      %dma_wait3A_120 = tpu.memref_slice %arg10[%mul3A_114] : memref<512xi32, #tpu.memory_space<vmem>> -> memref<8xi32, #tpu.memory_space<vmem>>
      %dma_wait3A_121 = arith.constant 0 : i32
      %dma_wait3A_122 = arith.constant 0 : i32
      %dma_wait3A_123 = tpu.memref_slice %arg2[%dma_wait3A_121, %dma_wait3A_122] : memref<2048x1024xf32, #tpu.memory_space<hbm>> -> memref<2048x1024xf32, #tpu.memory_space<hbm>>
      tpu.wait_indirect_dma semaphore(%arg18 : memref<!tpu.dma_semaphore, #tpu.memory_space<semaphore_mem>>) src(%dma_wait3A_123 : memref<2048x1024xf32, #tpu.memory_space<hbm>>) dst(%dma_wait3A_119 : memref<8x1024xf32, #tpu.memory_space<vmem>>)
      %gt3A = arith.constant 0 : i32
      %gt3A_124 = arith.cmpi sgt, %scan3A_67, %gt3A : i32
      %convert_element_type3A = arith.extui %gt3A_124 : i1 to i32
      %cond3A = arith.constant 0 : i32
      %cond3A_125 = arith.cmpi ne, %convert_element_type3A, %cond3A : i32
      scf.if %cond3A_125 {
        %sub3A = arith.constant 1 : i32
        %sub3A_351 = arith.subi %scan3A_67, %sub3A : i32
        %mul3A_352 = arith.constant 8 : i32
        %mul3A_353 = arith.muli %sub3A_351, %mul3A_352 : i32
        %add3A_354 = arith.addi %mul3A_2, %mul3A_353 : i32
        %dma_wait3A_355 = arith.constant 0 : i32
        %dma_wait3A_356 = tpu.memref_slice %arg5[%add3A_354, %dma_wait3A_355] : memref<16384x1024xf32, #tpu.memory_space<hbm>> -> memref<8x1024xf32, #tpu.memory_space<hbm>>
        %dma_wait3A_357 = arith.constant 0 : i32
        %dma_wait3A_358 = tpu.memref_slice %arg5[%add3A_354, %dma_wait3A_357] : memref<16384x1024xf32, #tpu.memory_space<hbm>> -> memref<8x1024xf32, #tpu.memory_space<hbm>>
        tpu.wait_dma2 semaphore(%arg19 : memref<!tpu.dma_semaphore, #tpu.memory_space<semaphore_mem>>) src(%arg13 : memref<8x1024xf32, #tpu.memory_space<vmem>>) dst(%dma_wait3A_358 : memref<8x1024xf32, #tpu.memory_space<hbm>>)
      } else {
      }
      %mul3A_126 = arith.constant 8 : i32
      %mul3A_127 = arith.muli %scan3A_67, %mul3A_126 : i32
      %add3A_128 = arith.constant 0 : i32
      %add3A_129 = arith.addi %mul3A_127, %add3A_128 : i32
      %get3A = arith.index_cast %add3A_129 : i32 to index
      %get3A_130 = arith.constant 0 : index
      %get3A_131 = tpu.vector_load %arg11[%get3A, %get3A_130] {strides = array<i32>} : memref<512x16xf32, #tpu.memory_space<vmem>>, vector<1x16xf32>,
      %get3A_132 = vector.shape_cast %get3A_131 : vector<1x16xf32> to vector<16xf32>
      %slice3A = vector.extract_strided_slice %get3A_132 {offsets = [0], sizes = [1], strides = [1]} : vector<16xf32> to vector<1xf32>
      %squeeze3A = vector.extract %slice3A[0] : f32 from vector<1xf32>
      %slice3A_133 = vector.extract_strided_slice %get3A_132 {offsets = [1], sizes = [1], strides = [1]} : vector<16xf32> to vector<1xf32>
      %squeeze3A_134 = vector.extract %slice3A_133[0] : f32 from vector<1xf32>
      %slice3A_135 = vector.extract_strided_slice %get3A_132 {offsets = [2], sizes = [1], strides = [1]} : vector<16xf32> to vector<1xf32>
      %squeeze3A_136 = vector.extract %slice3A_135[0] : f32 from vector<1xf32>
      %slice3A_137 = vector.extract_strided_slice %get3A_132 {offsets = [3], sizes = [1], strides = [1]} : vector<16xf32> to vector<1xf32>
      %squeeze3A_138 = vector.extract %slice3A_137[0] : f32 from vector<1xf32>
      %slice3A_139 = vector.extract_strided_slice %get3A_132 {offsets = [4], sizes = [1], strides = [1]} : vector<16xf32> to vector<1xf32>
      %squeeze3A_140 = vector.extract %slice3A_139[0] : f32 from vector<1xf32>
      %scan3A_141 = arith.constant 0 : i32
      %scan3A_142 = arith.constant 0 : i32
      %scan3A_143 = arith.constant 64 : i32
      %scan3A_144 = arith.addi %scan3A_142, %scan3A_143 : i32
      %scan3A_145 = arith.constant 8 : i32
      %scan3A_146 = scf.for %scan3A_351 = %scan3A_142 to %scan3A_144 step %scan3A_145 iter_args(%scan3A_352 = %scan3A_141) -> (i32)  : i32 {
        %mul3A_353 = arith.constant 16 : i32
        %mul3A_354 = arith.muli %scan3A_351, %mul3A_353 : i32
        %get3A_355 = arith.constant 0 : i32
        %get3A_356 = arith.constant 0 : i32
        %get3A_357 = arith.index_cast %get3A_355 : i32 to index
        %get3A_358 = arith.index_cast %get3A_356 : i32 to index
        %get3A_359 = arith.index_cast %mul3A_354 : i32 to index
        %get3A_360 = tpu.vector_load %arg12[%get3A_357, %get3A_358, %get3A_359] {strides = array<i32>} : memref<5x8x1024xf32, #tpu.memory_space<vmem>>, vector<1x1x16xf32>,
        %get3A_361 = vector.shape_cast %get3A_360 : vector<1x1x16xf32> to vector<16xf32>
        %mul3A_362 = vector.broadcast %squeeze3A : f32 to vector<16xf32>
        %mul3A_363 = arith.mulf %mul3A_362, %get3A_361 : vector<16xf32>
        %get3A_364 = arith.constant 1 : i32
        %get3A_365 = arith.constant 0 : i32
        %get3A_366 = arith.index_cast %get3A_364 : i32 to index
        %get3A_367 = arith.index_cast %get3A_365 : i32 to index
        %get3A_368 = arith.index_cast %mul3A_354 : i32 to index
        %get3A_369 = tpu.vector_load %arg12[%get3A_366, %get3A_367, %get3A_368] {strides = array<i32>} : memref<5x8x1024xf32, #tpu.memory_space<vmem>>, vector<1x1x16xf32>,
        %get3A_370 = vector.shape_cast %get3A_369 : vector<1x1x16xf32> to vector<16xf32>
        %mul3A_371 = vector.broadcast %squeeze3A_134 : f32 to vector<16xf32>
        %mul3A_372 = arith.mulf %mul3A_371, %get3A_370 : vector<16xf32>
        %add3A_373 = arith.addf %mul3A_363, %mul3A_372 : vector<16xf32>
        %get3A_374 = arith.constant 2 : i32
        %get3A_375 = arith.constant 0 : i32
        %get3A_376 = arith.index_cast %get3A_374 : i32 to index
        %get3A_377 = arith.index_cast %get3A_375 : i32 to index
        %get3A_378 = arith.index_cast %mul3A_354 : i32 to index
        %get3A_379 = tpu.vector_load %arg12[%get3A_376, %get3A_377, %get3A_378] {strides = array<i32>} : memref<5x8x1024xf32, #tpu.memory_space<vmem>>, vector<1x1x16xf32>,
        %get3A_380 = vector.shape_cast %get3A_379 : vector<1x1x16xf32> to vector<16xf32>
        %mul3A_381 = vector.broadcast %squeeze3A_136 : f32 to vector<16xf32>
        %mul3A_382 = arith.mulf %mul3A_381, %get3A_380 : vector<16xf32>
        %add3A_383 = arith.addf %add3A_373, %mul3A_382 : vector<16xf32>
        %get3A_384 = arith.constant 3 : i32
        %get3A_385 = arith.constant 0 : i32
        %get3A_386 = arith.index_cast %get3A_384 : i32 to index
        %get3A_387 = arith.index_cast %get3A_385 : i32 to index
        %get3A_388 = arith.index_cast %mul3A_354 : i32 to index
        %get3A_389 = tpu.vector_load %arg12[%get3A_386, %get3A_387, %get3A_388] {strides = array<i32>} : memref<5x8x1024xf32, #tpu.memory_space<vmem>>, vector<1x1x16xf32>,
        %get3A_390 = vector.shape_cast %get3A_389 : vector<1x1x16xf32> to vector<16xf32>
        %mul3A_391 = vector.broadcast %squeeze3A_138 : f32 to vector<16xf32>
        %mul3A_392 = arith.mulf %mul3A_391, %get3A_390 : vector<16xf32>
        %add3A_393 = arith.addf %add3A_383, %mul3A_392 : vector<16xf32>
        %get3A_394 = arith.constant 4 : i32
        %get3A_395 = arith.constant 0 : i32
        %get3A_396 = arith.index_cast %get3A_394 : i32 to index
        %get3A_397 = arith.index_cast %get3A_395 : i32 to index
        %get3A_398 = arith.index_cast %mul3A_354 : i32 to index
        %get3A_399 = tpu.vector_load %arg12[%get3A_396, %get3A_397, %get3A_398] {strides = array<i32>} : memref<5x8x1024xf32, #tpu.memory_space<vmem>>, vector<1x1x16xf32>,
        %get3A_400 = vector.shape_cast %get3A_399 : vector<1x1x16xf32> to vector<16xf32>
        %mul3A_401 = vector.broadcast %squeeze3A_140 : f32 to vector<16xf32>
        %mul3A_402 = arith.mulf %mul3A_401, %get3A_400 : vector<16xf32>
        %add3A_403 = arith.addf %add3A_393, %mul3A_402 : vector<16xf32>
        %swap3A = arith.constant 0 : i32
        %swap3A_404 = arith.index_cast %swap3A : i32 to index
        %swap3A_405 = arith.index_cast %mul3A_354 : i32 to index
        %swap3A_406 = tpu.vector_load %arg13[%swap3A_404, %swap3A_405] {strides = array<i32>} : memref<8x1024xf32, #tpu.memory_space<vmem>>, vector<1x16xf32>,
        %swap3A_407 = vector.shape_cast %swap3A_406 : vector<1x16xf32> to vector<16xf32>
        %swap3A_408 = vector.shape_cast %add3A_403 : vector<16xf32> to vector<1x16xf32>
        tpu.vector_store %arg13[%swap3A_404, %swap3A_405], %swap3A_408 {strides = array<i32>} : memref<8x1024xf32, #tpu.memory_space<vmem>>, vector<1x16xf32>,
        %scan3A_409 = arith.constant 0 : i32
        %scan3A_410 = arith.constant 1 : i32
        %scan3A_411 = arith.addi %scan3A_351, %scan3A_410 : i32
        %mul3A_412 = arith.constant 16 : i32
        %mul3A_413 = arith.muli %scan3A_411, %mul3A_412 : i32
        %get3A_414 = arith.constant 0 : i32
        %get3A_415 = arith.constant 0 : i32
        %get3A_416 = arith.index_cast %get3A_414 : i32 to index
        %get3A_417 = arith.index_cast %get3A_415 : i32 to index
        %get3A_418 = arith.index_cast %mul3A_413 : i32 to index
        %get3A_419 = tpu.vector_load %arg12[%get3A_416, %get3A_417, %get3A_418] {strides = array<i32>} : memref<5x8x1024xf32, #tpu.memory_space<vmem>>, vector<1x1x16xf32>,
        %get3A_420 = vector.shape_cast %get3A_419 : vector<1x1x16xf32> to vector<16xf32>
        %mul3A_421 = vector.broadcast %squeeze3A : f32 to vector<16xf32>
        %mul3A_422 = arith.mulf %mul3A_421, %get3A_420 : vector<16xf32>
        %get3A_423 = arith.constant 1 : i32
        %get3A_424 = arith.constant 0 : i32
        %get3A_425 = arith.index_cast %get3A_423 : i32 to index
        %get3A_426 = arith.index_cast %get3A_424 : i32 to index
        %get3A_427 = arith.index_cast %mul3A_413 : i32 to index
        %get3A_428 = tpu.vector_load %arg12[%get3A_425, %get3A_426, %get3A_427] {strides = array<i32>} : memref<5x8x1024xf32, #tpu.memory_space<vmem>>, vector<1x1x16xf32>,
        %get3A_429 = vector.shape_cast %get3A_428 : vector<1x1x16xf32> to vector<16xf32>
        %mul3A_430 = vector.broadcast %squeeze3A_134 : f32 to vector<16xf32>
        %mul3A_431 = arith.mulf %mul3A_430, %get3A_429 : vector<16xf32>
        %add3A_432 = arith.addf %mul3A_422, %mul3A_431 : vector<16xf32>
        %get3A_433 = arith.constant 2 : i32
        %get3A_434 = arith.constant 0 : i32
        %get3A_435 = arith.index_cast %get3A_433 : i32 to index
        %get3A_436 = arith.index_cast %get3A_434 : i32 to index
        %get3A_437 = arith.index_cast %mul3A_413 : i32 to index
        %get3A_438 = tpu.vector_load %arg12[%get3A_435, %get3A_436, %get3A_437] {strides = array<i32>} : memref<5x8x1024xf32, #tpu.memory_space<vmem>>, vector<1x1x16xf32>,
        %get3A_439 = vector.shape_cast %get3A_438 : vector<1x1x16xf32> to vector<16xf32>
        %mul3A_440 = vector.broadcast %squeeze3A_136 : f32 to vector<16xf32>
        %mul3A_441 = arith.mulf %mul3A_440, %get3A_439 : vector<16xf32>
        %add3A_442 = arith.addf %add3A_432, %mul3A_441 : vector<16xf32>
        %get3A_443 = arith.constant 3 : i32
        %get3A_444 = arith.constant 0 : i32
        %get3A_445 = arith.index_cast %get3A_443 : i32 to index
        %get3A_446 = arith.index_cast %get3A_444 : i32 to index
        %get3A_447 = arith.index_cast %mul3A_413 : i32 to index
        %get3A_448 = tpu.vector_load %arg12[%get3A_445, %get3A_446, %get3A_447] {strides = array<i32>} : memref<5x8x1024xf32, #tpu.memory_space<vmem>>, vector<1x1x16xf32>,
        %get3A_449 = vector.shape_cast %get3A_448 : vector<1x1x16xf32> to vector<16xf32>
        %mul3A_450 = vector.broadcast %squeeze3A_138 : f32 to vector<16xf32>
        %mul3A_451 = arith.mulf %mul3A_450, %get3A_449 : vector<16xf32>
        %add3A_452 = arith.addf %add3A_442, %mul3A_451 : vector<16xf32>
        %get3A_453 = arith.constant 4 : i32
        %get3A_454 = arith.constant 0 : i32
        %get3A_455 = arith.index_cast %get3A_453 : i32 to index
        %get3A_456 = arith.index_cast %get3A_454 : i32 to index
        %get3A_457 = arith.index_cast %mul3A_413 : i32 to index
        %get3A_458 = tpu.vector_load %arg12[%get3A_455, %get3A_456, %get3A_457] {strides = array<i32>} : memref<5x8x1024xf32, #tpu.memory_space<vmem>>, vector<1x1x16xf32>,
        %get3A_459 = vector.shape_cast %get3A_458 : vector<1x1x16xf32> to vector<16xf32>
        %mul3A_460 = vector.broadcast %squeeze3A_140 : f32 to vector<16xf32>
        %mul3A_461 = arith.mulf %mul3A_460, %get3A_459 : vector<16xf32>
        %add3A_462 = arith.addf %add3A_452, %mul3A_461 : vector<16xf32>
        %swap3A_463 = arith.constant 0 : i32
        %swap3A_464 = arith.index_cast %swap3A_463 : i32 to index
        %swap3A_465 = arith.index_cast %mul3A_413 : i32 to index
        %swap3A_466 = tpu.vector_load %arg13[%swap3A_464, %swap3A_465] {strides = array<i32>} : memref<8x1024xf32, #tpu.memory_space<vmem>>, vector<1x16xf32>,
        %swap3A_467 = vector.shape_cast %swap3A_466 : vector<1x16xf32> to vector<16xf32>
        %swap3A_468 = vector.shape_cast %add3A_462 : vector<16xf32> to vector<1x16xf32>
        tpu.vector_store %arg13[%swap3A_464, %swap3A_465], %swap3A_468 {strides = array<i32>} : memref<8x1024xf32, #tpu.memory_space<vmem>>, vector<1x16xf32>,
        %scan3A_469 = arith.constant 0 : i32
        %scan3A_470 = arith.constant 2 : i32
        %scan3A_471 = arith.addi %scan3A_351, %scan3A_470 : i32
        %mul3A_472 = arith.constant 16 : i32
        %mul3A_473 = arith.muli %scan3A_471, %mul3A_472 : i32
        %get3A_474 = arith.constant 0 : i32
        %get3A_475 = arith.constant 0 : i32
        %get3A_476 = arith.index_cast %get3A_474 : i32 to index
        %get3A_477 = arith.index_cast %get3A_475 : i32 to index
        %get3A_478 = arith.index_cast %mul3A_473 : i32 to index
        %get3A_479 = tpu.vector_load %arg12[%get3A_476, %get3A_477, %get3A_478] {strides = array<i32>} : memref<5x8x1024xf32, #tpu.memory_space<vmem>>, vector<1x1x16xf32>,
        %get3A_480 = vector.shape_cast %get3A_479 : vector<1x1x16xf32> to vector<16xf32>
        %mul3A_481 = vector.broadcast %squeeze3A : f32 to vector<16xf32>
        %mul3A_482 = arith.mulf %mul3A_481, %get3A_480 : vector<16xf32>
        %get3A_483 = arith.constant 1 : i32
        %get3A_484 = arith.constant 0 : i32
        %get3A_485 = arith.index_cast %get3A_483 : i32 to index
        %get3A_486 = arith.index_cast %get3A_484 : i32 to index
        %get3A_487 = arith.index_cast %mul3A_473 : i32 to index
        %get3A_488 = tpu.vector_load %arg12[%get3A_485, %get3A_486, %get3A_487] {strides = array<i32>} : memref<5x8x1024xf32, #tpu.memory_space<vmem>>, vector<1x1x16xf32>,
        %get3A_489 = vector.shape_cast %get3A_488 : vector<1x1x16xf32> to vector<16xf32>
        %mul3A_490 = vector.broadcast %squeeze3A_134 : f32 to vector<16xf32>
        %mul3A_491 = arith.mulf %mul3A_490, %get3A_489 : vector<16xf32>
        %add3A_492 = arith.addf %mul3A_482, %mul3A_491 : vector<16xf32>
        %get3A_493 = arith.constant 2 : i32
        %get3A_494 = arith.constant 0 : i32
        %get3A_495 = arith.index_cast %get3A_493 : i32 to index
        %get3A_496 = arith.index_cast %get3A_494 : i32 to index
        %get3A_497 = arith.index_cast %mul3A_473 : i32 to index
        %get3A_498 = tpu.vector_load %arg12[%get3A_495, %get3A_496, %get3A_497] {strides = array<i32>} : memref<5x8x1024xf32, #tpu.memory_space<vmem>>, vector<1x1x16xf32>,
        %get3A_499 = vector.shape_cast %get3A_498 : vector<1x1x16xf32> to vector<16xf32>
        %mul3A_500 = vector.broadcast %squeeze3A_136 : f32 to vector<16xf32>
        %mul3A_501 = arith.mulf %mul3A_500, %get3A_499 : vector<16xf32>
        %add3A_502 = arith.addf %add3A_492, %mul3A_501 : vector<16xf32>
        %get3A_503 = arith.constant 3 : i32
        %get3A_504 = arith.constant 0 : i32
        %get3A_505 = arith.index_cast %get3A_503 : i32 to index
        %get3A_506 = arith.index_cast %get3A_504 : i32 to index
        %get3A_507 = arith.index_cast %mul3A_473 : i32 to index
        %get3A_508 = tpu.vector_load %arg12[%get3A_505, %get3A_506, %get3A_507] {strides = array<i32>} : memref<5x8x1024xf32, #tpu.memory_space<vmem>>, vector<1x1x16xf32>,
        %get3A_509 = vector.shape_cast %get3A_508 : vector<1x1x16xf32> to vector<16xf32>
        %mul3A_510 = vector.broadcast %squeeze3A_138 : f32 to vector<16xf32>
        %mul3A_511 = arith.mulf %mul3A_510, %get3A_509 : vector<16xf32>
        %add3A_512 = arith.addf %add3A_502, %mul3A_511 : vector<16xf32>
        %get3A_513 = arith.constant 4 : i32
        %get3A_514 = arith.constant 0 : i32
        %get3A_515 = arith.index_cast %get3A_513 : i32 to index
        %get3A_516 = arith.index_cast %get3A_514 : i32 to index
        %get3A_517 = arith.index_cast %mul3A_473 : i32 to index
        %get3A_518 = tpu.vector_load %arg12[%get3A_515, %get3A_516, %get3A_517] {strides = array<i32>} : memref<5x8x1024xf32, #tpu.memory_space<vmem>>, vector<1x1x16xf32>,
        %get3A_519 = vector.shape_cast %get3A_518 : vector<1x1x16xf32> to vector<16xf32>
        %mul3A_520 = vector.broadcast %squeeze3A_140 : f32 to vector<16xf32>
        %mul3A_521 = arith.mulf %mul3A_520, %get3A_519 : vector<16xf32>
        %add3A_522 = arith.addf %add3A_512, %mul3A_521 : vector<16xf32>
        %swap3A_523 = arith.constant 0 : i32
        %swap3A_524 = arith.index_cast %swap3A_523 : i32 to index
        %swap3A_525 = arith.index_cast %mul3A_473 : i32 to index
        %swap3A_526 = tpu.vector_load %arg13[%swap3A_524, %swap3A_525] {strides = array<i32>} : memref<8x1024xf32, #tpu.memory_space<vmem>>, vector<1x16xf32>,
        %swap3A_527 = vector.shape_cast %swap3A_526 : vector<1x16xf32> to vector<16xf32>
        %swap3A_528 = vector.shape_cast %add3A_522 : vector<16xf32> to vector<1x16xf32>
        tpu.vector_store %arg13[%swap3A_524, %swap3A_525], %swap3A_528 {strides = array<i32>} : memref<8x1024xf32, #tpu.memory_space<vmem>>, vector<1x16xf32>,
        %scan3A_529 = arith.constant 0 : i32
        %scan3A_530 = arith.constant 3 : i32
        %scan3A_531 = arith.addi %scan3A_351, %scan3A_530 : i32
        %mul3A_532 = arith.constant 16 : i32
        %mul3A_533 = arith.muli %scan3A_531, %mul3A_532 : i32
        %get3A_534 = arith.constant 0 : i32
        %get3A_535 = arith.constant 0 : i32
        %get3A_536 = arith.index_cast %get3A_534 : i32 to index
        %get3A_537 = arith.index_cast %get3A_535 : i32 to index
        %get3A_538 = arith.index_cast %mul3A_533 : i32 to index
        %get3A_539 = tpu.vector_load %arg12[%get3A_536, %get3A_537, %get3A_538] {strides = array<i32>} : memref<5x8x1024xf32, #tpu.memory_space<vmem>>, vector<1x1x16xf32>,
        %get3A_540 = vector.shape_cast %get3A_539 : vector<1x1x16xf32> to vector<16xf32>
        %mul3A_541 = vector.broadcast %squeeze3A : f32 to vector<16xf32>
        %mul3A_542 = arith.mulf %mul3A_541, %get3A_540 : vector<16xf32>
        %get3A_543 = arith.constant 1 : i32
        %get3A_544 = arith.constant 0 : i32
        %get3A_545 = arith.index_cast %get3A_543 : i32 to index
        %get3A_546 = arith.index_cast %get3A_544 : i32 to index
        %get3A_547 = arith.index_cast %mul3A_533 : i32 to index
        %get3A_548 = tpu.vector_load %arg12[%get3A_545, %get3A_546, %get3A_547] {strides = array<i32>} : memref<5x8x1024xf32, #tpu.memory_space<vmem>>, vector<1x1x16xf32>,
        %get3A_549 = vector.shape_cast %get3A_548 : vector<1x1x16xf32> to vector<16xf32>
        %mul3A_550 = vector.broadcast %squeeze3A_134 : f32 to vector<16xf32>
        %mul3A_551 = arith.mulf %mul3A_550, %get3A_549 : vector<16xf32>
        %add3A_552 = arith.addf %mul3A_542, %mul3A_551 : vector<16xf32>
        %get3A_553 = arith.constant 2 : i32
        %get3A_554 = arith.constant 0 : i32
        %get3A_555 = arith.index_cast %get3A_553 : i32 to index
        %get3A_556 = arith.index_cast %get3A_554 : i32 to index
        %get3A_557 = arith.index_cast %mul3A_533 : i32 to index
        %get3A_558 = tpu.vector_load %arg12[%get3A_555, %get3A_556, %get3A_557] {strides = array<i32>} : memref<5x8x1024xf32, #tpu.memory_space<vmem>>, vector<1x1x16xf32>,
        %get3A_559 = vector.shape_cast %get3A_558 : vector<1x1x16xf32> to vector<16xf32>
        %mul3A_560 = vector.broadcast %squeeze3A_136 : f32 to vector<16xf32>
        %mul3A_561 = arith.mulf %mul3A_560, %get3A_559 : vector<16xf32>
        %add3A_562 = arith.addf %add3A_552, %mul3A_561 : vector<16xf32>
        %get3A_563 = arith.constant 3 : i32
        %get3A_564 = arith.constant 0 : i32
        %get3A_565 = arith.index_cast %get3A_563 : i32 to index
        %get3A_566 = arith.index_cast %get3A_564 : i32 to index
        %get3A_567 = arith.index_cast %mul3A_533 : i32 to index
        %get3A_568 = tpu.vector_load %arg12[%get3A_565, %get3A_566, %get3A_567] {strides = array<i32>} : memref<5x8x1024xf32, #tpu.memory_space<vmem>>, vector<1x1x16xf32>,
        %get3A_569 = vector.shape_cast %get3A_568 : vector<1x1x16xf32> to vector<16xf32>
        %mul3A_570 = vector.broadcast %squeeze3A_138 : f32 to vector<16xf32>
        %mul3A_571 = arith.mulf %mul3A_570, %get3A_569 : vector<16xf32>
        %add3A_572 = arith.addf %add3A_562, %mul3A_571 : vector<16xf32>
        %get3A_573 = arith.constant 4 : i32
        %get3A_574 = arith.constant 0 : i32
        %get3A_575 = arith.index_cast %get3A_573 : i32 to index
        %get3A_576 = arith.index_cast %get3A_574 : i32 to index
        %get3A_577 = arith.index_cast %mul3A_533 : i32 to index
        %get3A_578 = tpu.vector_load %arg12[%get3A_575, %get3A_576, %get3A_577] {strides = array<i32>} : memref<5x8x1024xf32, #tpu.memory_space<vmem>>, vector<1x1x16xf32>,
        %get3A_579 = vector.shape_cast %get3A_578 : vector<1x1x16xf32> to vector<16xf32>
        %mul3A_580 = vector.broadcast %squeeze3A_140 : f32 to vector<16xf32>
        %mul3A_581 = arith.mulf %mul3A_580, %get3A_579 : vector<16xf32>
        %add3A_582 = arith.addf %add3A_572, %mul3A_581 : vector<16xf32>
        %swap3A_583 = arith.constant 0 : i32
        %swap3A_584 = arith.index_cast %swap3A_583 : i32 to index
        %swap3A_585 = arith.index_cast %mul3A_533 : i32 to index
        %swap3A_586 = tpu.vector_load %arg13[%swap3A_584, %swap3A_585] {strides = array<i32>} : memref<8x1024xf32, #tpu.memory_space<vmem>>, vector<1x16xf32>,
        %swap3A_587 = vector.shape_cast %swap3A_586 : vector<1x16xf32> to vector<16xf32>
        %swap3A_588 = vector.shape_cast %add3A_582 : vector<16xf32> to vector<1x16xf32>
        tpu.vector_store %arg13[%swap3A_584, %swap3A_585], %swap3A_588 {strides = array<i32>} : memref<8x1024xf32, #tpu.memory_space<vmem>>, vector<1x16xf32>,
        %scan3A_589 = arith.constant 0 : i32
        %scan3A_590 = arith.constant 4 : i32
        %scan3A_591 = arith.addi %scan3A_351, %scan3A_590 : i32
        %mul3A_592 = arith.constant 16 : i32
        %mul3A_593 = arith.muli %scan3A_591, %mul3A_592 : i32
        %get3A_594 = arith.constant 0 : i32
        %get3A_595 = arith.constant 0 : i32
        %get3A_596 = arith.index_cast %get3A_594 : i32 to index
        %get3A_597 = arith.index_cast %get3A_595 : i32 to index
        %get3A_598 = arith.index_cast %mul3A_593 : i32 to index
        %get3A_599 = tpu.vector_load %arg12[%get3A_596, %get3A_597, %get3A_598] {strides = array<i32>} : memref<5x8x1024xf32, #tpu.memory_space<vmem>>, vector<1x1x16xf32>,
        %get3A_600 = vector.shape_cast %get3A_599 : vector<1x1x16xf32> to vector<16xf32>
        %mul3A_601 = vector.broadcast %squeeze3A : f32 to vector<16xf32>
        %mul3A_602 = arith.mulf %mul3A_601, %get3A_600 : vector<16xf32>
        %get3A_603 = arith.constant 1 : i32
        %get3A_604 = arith.constant 0 : i32
        %get3A_605 = arith.index_cast %get3A_603 : i32 to index
        %get3A_606 = arith.index_cast %get3A_604 : i32 to index
        %get3A_607 = arith.index_cast %mul3A_593 : i32 to index
        %get3A_608 = tpu.vector_load %arg12[%get3A_605, %get3A_606, %get3A_607] {strides = array<i32>} : memref<5x8x1024xf32, #tpu.memory_space<vmem>>, vector<1x1x16xf32>,
        %get3A_609 = vector.shape_cast %get3A_608 : vector<1x1x16xf32> to vector<16xf32>
        %mul3A_610 = vector.broadcast %squeeze3A_134 : f32 to vector<16xf32>
        %mul3A_611 = arith.mulf %mul3A_610, %get3A_609 : vector<16xf32>
        %add3A_612 = arith.addf %mul3A_602, %mul3A_611 : vector<16xf32>
        %get3A_613 = arith.constant 2 : i32
        %get3A_614 = arith.constant 0 : i32
        %get3A_615 = arith.index_cast %get3A_613 : i32 to index
        %get3A_616 = arith.index_cast %get3A_614 : i32 to index
        %get3A_617 = arith.index_cast %mul3A_593 : i32 to index
        %get3A_618 = tpu.vector_load %arg12[%get3A_615, %get3A_616, %get3A_617] {strides = array<i32>} : memref<5x8x1024xf32, #tpu.memory_space<vmem>>, vector<1x1x16xf32>,
        %get3A_619 = vector.shape_cast %get3A_618 : vector<1x1x16xf32> to vector<16xf32>
        %mul3A_620 = vector.broadcast %squeeze3A_136 : f32 to vector<16xf32>
        %mul3A_621 = arith.mulf %mul3A_620, %get3A_619 : vector<16xf32>
        %add3A_622 = arith.addf %add3A_612, %mul3A_621 : vector<16xf32>
        %get3A_623 = arith.constant 3 : i32
        %get3A_624 = arith.constant 0 : i32
        %get3A_625 = arith.index_cast %get3A_623 : i32 to index
        %get3A_626 = arith.index_cast %get3A_624 : i32 to index
        %get3A_627 = arith.index_cast %mul3A_593 : i32 to index
        %get3A_628 = tpu.vector_load %arg12[%get3A_625, %get3A_626, %get3A_627] {strides = array<i32>} : memref<5x8x1024xf32, #tpu.memory_space<vmem>>, vector<1x1x16xf32>,
        %get3A_629 = vector.shape_cast %get3A_628 : vector<1x1x16xf32> to vector<16xf32>
        %mul3A_630 = vector.broadcast %squeeze3A_138 : f32 to vector<16xf32>
        %mul3A_631 = arith.mulf %mul3A_630, %get3A_629 : vector<16xf32>
        %add3A_632 = arith.addf %add3A_622, %mul3A_631 : vector<16xf32>
        %get3A_633 = arith.constant 4 : i32
        %get3A_634 = arith.constant 0 : i32
        %get3A_635 = arith.index_cast %get3A_633 : i32 to index
        %get3A_636 = arith.index_cast %get3A_634 : i32 to index
        %get3A_637 = arith.index_cast %mul3A_593 : i32 to index
        %get3A_638 = tpu.vector_load %arg12[%get3A_635, %get3A_636, %get3A_637] {strides = array<i32>} : memref<5x8x1024xf32, #tpu.memory_space<vmem>>, vector<1x1x16xf32>,
        %get3A_639 = vector.shape_cast %get3A_638 : vector<1x1x16xf32> to vector<16xf32>
        %mul3A_640 = vector.broadcast %squeeze3A_140 : f32 to vector<16xf32>
        %mul3A_641 = arith.mulf %mul3A_640, %get3A_639 : vector<16xf32>
        %add3A_642 = arith.addf %add3A_632, %mul3A_641 : vector<16xf32>
        %swap3A_643 = arith.constant 0 : i32
        %swap3A_644 = arith.index_cast %swap3A_643 : i32 to index
        %swap3A_645 = arith.index_cast %mul3A_593 : i32 to index
        %swap3A_646 = tpu.vector_load %arg13[%swap3A_644, %swap3A_645] {strides = array<i32>} : memref<8x1024xf32, #tpu.memory_space<vmem>>, vector<1x16xf32>,
        %swap3A_647 = vector.shape_cast %swap3A_646 : vector<1x16xf32> to vector<16xf32>
        %swap3A_648 = vector.shape_cast %add3A_642 : vector<16xf32> to vector<1x16xf32>
        tpu.vector_store %arg13[%swap3A_644, %swap3A_645], %swap3A_648 {strides = array<i32>} : memref<8x1024xf32, #tpu.memory_space<vmem>>, vector<1x16xf32>,
        %scan3A_649 = arith.constant 0 : i32
        %scan3A_650 = arith.constant 5 : i32
        %scan3A_651 = arith.addi %scan3A_351, %scan3A_650 : i32
        %mul3A_652 = arith.constant 16 : i32
        %mul3A_653 = arith.muli %scan3A_651, %mul3A_652 : i32
        %get3A_654 = arith.constant 0 : i32
        %get3A_655 = arith.constant 0 : i32
        %get3A_656 = arith.index_cast %get3A_654 : i32 to index
        %get3A_657 = arith.index_cast %get3A_655 : i32 to index
        %get3A_658 = arith.index_cast %mul3A_653 : i32 to index
        %get3A_659 = tpu.vector_load %arg12[%get3A_656, %get3A_657, %get3A_658] {strides = array<i32>} : memref<5x8x1024xf32, #tpu.memory_space<vmem>>, vector<1x1x16xf32>,
        %get3A_660 = vector.shape_cast %get3A_659 : vector<1x1x16xf32> to vector<16xf32>
        %mul3A_661 = vector.broadcast %squeeze3A : f32 to vector<16xf32>
        %mul3A_662 = arith.mulf %mul3A_661, %get3A_660 : vector<16xf32>
        %get3A_663 = arith.constant 1 : i32
        %get3A_664 = arith.constant 0 : i32
        %get3A_665 = arith.index_cast %get3A_663 : i32 to index
        %get3A_666 = arith.index_cast %get3A_664 : i32 to index
        %get3A_667 = arith.index_cast %mul3A_653 : i32 to index
        %get3A_668 = tpu.vector_load %arg12[%get3A_665, %get3A_666, %get3A_667] {strides = array<i32>} : memref<5x8x1024xf32, #tpu.memory_space<vmem>>, vector<1x1x16xf32>,
        %get3A_669 = vector.shape_cast %get3A_668 : vector<1x1x16xf32> to vector<16xf32>
        %mul3A_670 = vector.broadcast %squeeze3A_134 : f32 to vector<16xf32>
        %mul3A_671 = arith.mulf %mul3A_670, %get3A_669 : vector<16xf32>
        %add3A_672 = arith.addf %mul3A_662, %mul3A_671 : vector<16xf32>
        %get3A_673 = arith.constant 2 : i32
        %get3A_674 = arith.constant 0 : i32
        %get3A_675 = arith.index_cast %get3A_673 : i32 to index
        %get3A_676 = arith.index_cast %get3A_674 : i32 to index
        %get3A_677 = arith.index_cast %mul3A_653 : i32 to index
        %get3A_678 = tpu.vector_load %arg12[%get3A_675, %get3A_676, %get3A_677] {strides = array<i32>} : memref<5x8x1024xf32, #tpu.memory_space<vmem>>, vector<1x1x16xf32>,
        %get3A_679 = vector.shape_cast %get3A_678 : vector<1x1x16xf32> to vector<16xf32>
        %mul3A_680 = vector.broadcast %squeeze3A_136 : f32 to vector<16xf32>
        %mul3A_681 = arith.mulf %mul3A_680, %get3A_679 : vector<16xf32>
        %add3A_682 = arith.addf %add3A_672, %mul3A_681 : vector<16xf32>
        %get3A_683 = arith.constant 3 : i32
        %get3A_684 = arith.constant 0 : i32
        %get3A_685 = arith.index_cast %get3A_683 : i32 to index
        %get3A_686 = arith.index_cast %get3A_684 : i32 to index
        %get3A_687 = arith.index_cast %mul3A_653 : i32 to index
        %get3A_688 = tpu.vector_load %arg12[%get3A_685, %get3A_686, %get3A_687] {strides = array<i32>} : memref<5x8x1024xf32, #tpu.memory_space<vmem>>, vector<1x1x16xf32>,
        %get3A_689 = vector.shape_cast %get3A_688 : vector<1x1x16xf32> to vector<16xf32>
        %mul3A_690 = vector.broadcast %squeeze3A_138 : f32 to vector<16xf32>
        %mul3A_691 = arith.mulf %mul3A_690, %get3A_689 : vector<16xf32>
        %add3A_692 = arith.addf %add3A_682, %mul3A_691 : vector<16xf32>
        %get3A_693 = arith.constant 4 : i32
        %get3A_694 = arith.constant 0 : i32
        %get3A_695 = arith.index_cast %get3A_693 : i32 to index
        %get3A_696 = arith.index_cast %get3A_694 : i32 to index
        %get3A_697 = arith.index_cast %mul3A_653 : i32 to index
        %get3A_698 = tpu.vector_load %arg12[%get3A_695, %get3A_696, %get3A_697] {strides = array<i32>} : memref<5x8x1024xf32, #tpu.memory_space<vmem>>, vector<1x1x16xf32>,
        %get3A_699 = vector.shape_cast %get3A_698 : vector<1x1x16xf32> to vector<16xf32>
        %mul3A_700 = vector.broadcast %squeeze3A_140 : f32 to vector<16xf32>
        %mul3A_701 = arith.mulf %mul3A_700, %get3A_699 : vector<16xf32>
        %add3A_702 = arith.addf %add3A_692, %mul3A_701 : vector<16xf32>
        %swap3A_703 = arith.constant 0 : i32
        %swap3A_704 = arith.index_cast %swap3A_703 : i32 to index
        %swap3A_705 = arith.index_cast %mul3A_653 : i32 to index
        %swap3A_706 = tpu.vector_load %arg13[%swap3A_704, %swap3A_705] {strides = array<i32>} : memref<8x1024xf32, #tpu.memory_space<vmem>>, vector<1x16xf32>,
        %swap3A_707 = vector.shape_cast %swap3A_706 : vector<1x16xf32> to vector<16xf32>
        %swap3A_708 = vector.shape_cast %add3A_702 : vector<16xf32> to vector<1x16xf32>
        tpu.vector_store %arg13[%swap3A_704, %swap3A_705], %swap3A_708 {strides = array<i32>} : memref<8x1024xf32, #tpu.memory_space<vmem>>, vector<1x16xf32>,
        %scan3A_709 = arith.constant 0 : i32
        %scan3A_710 = arith.constant 6 : i32
        %scan3A_711 = arith.addi %scan3A_351, %scan3A_710 : i32
        %mul3A_712 = arith.constant 16 : i32
        %mul3A_713 = arith.muli %scan3A_711, %mul3A_712 : i32
        %get3A_714 = arith.constant 0 : i32
        %get3A_715 = arith.constant 0 : i32
        %get3A_716 = arith.index_cast %get3A_714 : i32 to index
        %get3A_717 = arith.index_cast %get3A_715 : i32 to index
        %get3A_718 = arith.index_cast %mul3A_713 : i32 to index
        %get3A_719 = tpu.vector_load %arg12[%get3A_716, %get3A_717, %get3A_718] {strides = array<i32>} : memref<5x8x1024xf32, #tpu.memory_space<vmem>>, vector<1x1x16xf32>,
        %get3A_720 = vector.shape_cast %get3A_719 : vector<1x1x16xf32> to vector<16xf32>
        %mul3A_721 = vector.broadcast %squeeze3A : f32 to vector<16xf32>
        %mul3A_722 = arith.mulf %mul3A_721, %get3A_720 : vector<16xf32>
        %get3A_723 = arith.constant 1 : i32
        %get3A_724 = arith.constant 0 : i32
        %get3A_725 = arith.index_cast %get3A_723 : i32 to index
        %get3A_726 = arith.index_cast %get3A_724 : i32 to index
        %get3A_727 = arith.index_cast %mul3A_713 : i32 to index
        %get3A_728 = tpu.vector_load %arg12[%get3A_725, %get3A_726, %get3A_727] {strides = array<i32>} : memref<5x8x1024xf32, #tpu.memory_space<vmem>>, vector<1x1x16xf32>,
        %get3A_729 = vector.shape_cast %get3A_728 : vector<1x1x16xf32> to vector<16xf32>
        %mul3A_730 = vector.broadcast %squeeze3A_134 : f32 to vector<16xf32>
        %mul3A_731 = arith.mulf %mul3A_730, %get3A_729 : vector<16xf32>
        %add3A_732 = arith.addf %mul3A_722, %mul3A_731 : vector<16xf32>
        %get3A_733 = arith.constant 2 : i32
        %get3A_734 = arith.constant 0 : i32
        %get3A_735 = arith.index_cast %get3A_733 : i32 to index
        %get3A_736 = arith.index_cast %get3A_734 : i32 to index
        %get3A_737 = arith.index_cast %mul3A_713 : i32 to index
        %get3A_738 = tpu.vector_load %arg12[%get3A_735, %get3A_736, %get3A_737] {strides = array<i32>} : memref<5x8x1024xf32, #tpu.memory_space<vmem>>, vector<1x1x16xf32>,
        %get3A_739 = vector.shape_cast %get3A_738 : vector<1x1x16xf32> to vector<16xf32>
        %mul3A_740 = vector.broadcast %squeeze3A_136 : f32 to vector<16xf32>
        %mul3A_741 = arith.mulf %mul3A_740, %get3A_739 : vector<16xf32>
        %add3A_742 = arith.addf %add3A_732, %mul3A_741 : vector<16xf32>
        %get3A_743 = arith.constant 3 : i32
        %get3A_744 = arith.constant 0 : i32
        %get3A_745 = arith.index_cast %get3A_743 : i32 to index
        %get3A_746 = arith.index_cast %get3A_744 : i32 to index
        %get3A_747 = arith.index_cast %mul3A_713 : i32 to index
        %get3A_748 = tpu.vector_load %arg12[%get3A_745, %get3A_746, %get3A_747] {strides = array<i32>} : memref<5x8x1024xf32, #tpu.memory_space<vmem>>, vector<1x1x16xf32>,
        %get3A_749 = vector.shape_cast %get3A_748 : vector<1x1x16xf32> to vector<16xf32>
        %mul3A_750 = vector.broadcast %squeeze3A_138 : f32 to vector<16xf32>
        %mul3A_751 = arith.mulf %mul3A_750, %get3A_749 : vector<16xf32>
        %add3A_752 = arith.addf %add3A_742, %mul3A_751 : vector<16xf32>
        %get3A_753 = arith.constant 4 : i32
        %get3A_754 = arith.constant 0 : i32
        %get3A_755 = arith.index_cast %get3A_753 : i32 to index
        %get3A_756 = arith.index_cast %get3A_754 : i32 to index
        %get3A_757 = arith.index_cast %mul3A_713 : i32 to index
        %get3A_758 = tpu.vector_load %arg12[%get3A_755, %get3A_756, %get3A_757] {strides = array<i32>} : memref<5x8x1024xf32, #tpu.memory_space<vmem>>, vector<1x1x16xf32>,
        %get3A_759 = vector.shape_cast %get3A_758 : vector<1x1x16xf32> to vector<16xf32>
        %mul3A_760 = vector.broadcast %squeeze3A_140 : f32 to vector<16xf32>
        %mul3A_761 = arith.mulf %mul3A_760, %get3A_759 : vector<16xf32>
        %add3A_762 = arith.addf %add3A_752, %mul3A_761 : vector<16xf32>
        %swap3A_763 = arith.constant 0 : i32
        %swap3A_764 = arith.index_cast %swap3A_763 : i32 to index
        %swap3A_765 = arith.index_cast %mul3A_713 : i32 to index
        %swap3A_766 = tpu.vector_load %arg13[%swap3A_764, %swap3A_765] {strides = array<i32>} : memref<8x1024xf32, #tpu.memory_space<vmem>>, vector<1x16xf32>,
        %swap3A_767 = vector.shape_cast %swap3A_766 : vector<1x16xf32> to vector<16xf32>
        %swap3A_768 = vector.shape_cast %add3A_762 : vector<16xf32> to vector<1x16xf32>
        tpu.vector_store %arg13[%swap3A_764, %swap3A_765], %swap3A_768 {strides = array<i32>} : memref<8x1024xf32, #tpu.memory_space<vmem>>, vector<1x16xf32>,
        %scan3A_769 = arith.constant 0 : i32
        %scan3A_770 = arith.constant 7 : i32
        %scan3A_771 = arith.addi %scan3A_351, %scan3A_770 : i32
        %mul3A_772 = arith.constant 16 : i32
        %mul3A_773 = arith.muli %scan3A_771, %mul3A_772 : i32
        %get3A_774 = arith.constant 0 : i32
        %get3A_775 = arith.constant 0 : i32
        %get3A_776 = arith.index_cast %get3A_774 : i32 to index
        %get3A_777 = arith.index_cast %get3A_775 : i32 to index
        %get3A_778 = arith.index_cast %mul3A_773 : i32 to index
        %get3A_779 = tpu.vector_load %arg12[%get3A_776, %get3A_777, %get3A_778] {strides = array<i32>} : memref<5x8x1024xf32, #tpu.memory_space<vmem>>, vector<1x1x16xf32>,
        %get3A_780 = vector.shape_cast %get3A_779 : vector<1x1x16xf32> to vector<16xf32>
        %mul3A_781 = vector.broadcast %squeeze3A : f32 to vector<16xf32>
        %mul3A_782 = arith.mulf %mul3A_781, %get3A_780 : vector<16xf32>
        %get3A_783 = arith.constant 1 : i32
        %get3A_784 = arith.constant 0 : i32
        %get3A_785 = arith.index_cast %get3A_783 : i32 to index
        %get3A_786 = arith.index_cast %get3A_784 : i32 to index
        %get3A_787 = arith.index_cast %mul3A_773 : i32 to index
        %get3A_788 = tpu.vector_load %arg12[%get3A_785, %get3A_786, %get3A_787] {strides = array<i32>} : memref<5x8x1024xf32, #tpu.memory_space<vmem>>, vector<1x1x16xf32>,
        %get3A_789 = vector.shape_cast %get3A_788 : vector<1x1x16xf32> to vector<16xf32>
        %mul3A_790 = vector.broadcast %squeeze3A_134 : f32 to vector<16xf32>
        %mul3A_791 = arith.mulf %mul3A_790, %get3A_789 : vector<16xf32>
        %add3A_792 = arith.addf %mul3A_782, %mul3A_791 : vector<16xf32>
        %get3A_793 = arith.constant 2 : i32
        %get3A_794 = arith.constant 0 : i32
        %get3A_795 = arith.index_cast %get3A_793 : i32 to index
        %get3A_796 = arith.index_cast %get3A_794 : i32 to index
        %get3A_797 = arith.index_cast %mul3A_773 : i32 to index
        %get3A_798 = tpu.vector_load %arg12[%get3A_795, %get3A_796, %get3A_797] {strides = array<i32>} : memref<5x8x1024xf32, #tpu.memory_space<vmem>>, vector<1x1x16xf32>,
        %get3A_799 = vector.shape_cast %get3A_798 : vector<1x1x16xf32> to vector<16xf32>
        %mul3A_800 = vector.broadcast %squeeze3A_136 : f32 to vector<16xf32>
        %mul3A_801 = arith.mulf %mul3A_800, %get3A_799 : vector<16xf32>
        %add3A_802 = arith.addf %add3A_792, %mul3A_801 : vector<16xf32>
        %get3A_803 = arith.constant 3 : i32
        %get3A_804 = arith.constant 0 : i32
        %get3A_805 = arith.index_cast %get3A_803 : i32 to index
        %get3A_806 = arith.index_cast %get3A_804 : i32 to index
        %get3A_807 = arith.index_cast %mul3A_773 : i32 to index
        %get3A_808 = tpu.vector_load %arg12[%get3A_805, %get3A_806, %get3A_807] {strides = array<i32>} : memref<5x8x1024xf32, #tpu.memory_space<vmem>>, vector<1x1x16xf32>,
        %get3A_809 = vector.shape_cast %get3A_808 : vector<1x1x16xf32> to vector<16xf32>
        %mul3A_810 = vector.broadcast %squeeze3A_138 : f32 to vector<16xf32>
        %mul3A_811 = arith.mulf %mul3A_810, %get3A_809 : vector<16xf32>
        %add3A_812 = arith.addf %add3A_802, %mul3A_811 : vector<16xf32>
        %get3A_813 = arith.constant 4 : i32
        %get3A_814 = arith.constant 0 : i32
        %get3A_815 = arith.index_cast %get3A_813 : i32 to index
        %get3A_816 = arith.index_cast %get3A_814 : i32 to index
        %get3A_817 = arith.index_cast %mul3A_773 : i32 to index
        %get3A_818 = tpu.vector_load %arg12[%get3A_815, %get3A_816, %get3A_817] {strides = array<i32>} : memref<5x8x1024xf32, #tpu.memory_space<vmem>>, vector<1x1x16xf32>,
        %get3A_819 = vector.shape_cast %get3A_818 : vector<1x1x16xf32> to vector<16xf32>
        %mul3A_820 = vector.broadcast %squeeze3A_140 : f32 to vector<16xf32>
        %mul3A_821 = arith.mulf %mul3A_820, %get3A_819 : vector<16xf32>
        %add3A_822 = arith.addf %add3A_812, %mul3A_821 : vector<16xf32>
        %swap3A_823 = arith.constant 0 : i32
        %swap3A_824 = arith.index_cast %swap3A_823 : i32 to index
        %swap3A_825 = arith.index_cast %mul3A_773 : i32 to index
        %swap3A_826 = tpu.vector_load %arg13[%swap3A_824, %swap3A_825] {strides = array<i32>} : memref<8x1024xf32, #tpu.memory_space<vmem>>, vector<1x16xf32>,
        %swap3A_827 = vector.shape_cast %swap3A_826 : vector<1x16xf32> to vector<16xf32>
        %swap3A_828 = vector.shape_cast %add3A_822 : vector<16xf32> to vector<1x16xf32>
        tpu.vector_store %arg13[%swap3A_824, %swap3A_825], %swap3A_828 {strides = array<i32>} : memref<8x1024xf32, #tpu.memory_space<vmem>>, vector<1x16xf32>,
        %scan3A_829 = arith.constant 0 : i32
        scf.yield %scan3A_829 : i32
      }
      %scan3A_147 = arith.constant 64 : i32
      %add3A_148 = arith.constant 1 : i32
      %add3A_149 = arith.addi %mul3A_127, %add3A_148 : i32
      %get3A_150 = arith.index_cast %add3A_149 : i32 to index
      %get3A_151 = arith.constant 0 : index
      %get3A_152 = tpu.vector_load %arg11[%get3A_150, %get3A_151] {strides = array<i32>} : memref<512x16xf32, #tpu.memory_space<vmem>>, vector<1x16xf32>,
      %get3A_153 = vector.shape_cast %get3A_152 : vector<1x16xf32> to vector<16xf32>
      %slice3A_154 = vector.extract_strided_slice %get3A_153 {offsets = [0], sizes = [1], strides = [1]} : vector<16xf32> to vector<1xf32>
      %squeeze3A_155 = vector.extract %slice3A_154[0] : f32 from vector<1xf32>
      %slice3A_156 = vector.extract_strided_slice %get3A_153 {offsets = [1], sizes = [1], strides = [1]} : vector<16xf32> to vector<1xf32>
      %squeeze3A_157 = vector.extract %slice3A_156[0] : f32 from vector<1xf32>
      %slice3A_158 = vector.extract_strided_slice %get3A_153 {offsets = [2], sizes = [1], strides = [1]} : vector<16xf32> to vector<1xf32>
      %squeeze3A_159 = vector.extract %slice3A_158[0] : f32 from vector<1xf32>
      %slice3A_160 = vector.extract_strided_slice %get3A_153 {offsets = [3], sizes = [1], strides = [1]} : vector<16xf32> to vector<1xf32>
      %squeeze3A_161 = vector.extract %slice3A_160[0] : f32 from vector<1xf32>
      %slice3A_162 = vector.extract_strided_slice %get3A_153 {offsets = [4], sizes = [1], strides = [1]} : vector<16xf32> to vector<1xf32>
      %squeeze3A_163 = vector.extract %slice3A_162[0] : f32 from vector<1xf32>
      %scan3A_164 = arith.constant 0 : i32
      %scan3A_165 = arith.constant 0 : i32
      %scan3A_166 = arith.constant 64 : i32
      %scan3A_167 = arith.addi %scan3A_165, %scan3A_166 : i32
      %scan3A_168 = arith.constant 8 : i32
      %scan3A_169 = scf.for %scan3A_351 = %scan3A_165 to %scan3A_167 step %scan3A_168 iter_args(%scan3A_352 = %scan3A_164) -> (i32)  : i32 {
        %mul3A_353 = arith.constant 16 : i32
        %mul3A_354 = arith.muli %scan3A_351, %mul3A_353 : i32
        %get3A_355 = arith.constant 0 : i32
        %get3A_356 = arith.constant 1 : i32
        %get3A_357 = arith.index_cast %get3A_355 : i32 to index
        %get3A_358 = arith.index_cast %get3A_356 : i32 to index
        %get3A_359 = arith.index_cast %mul3A_354 : i32 to index
        %get3A_360 = tpu.vector_load %arg12[%get3A_357, %get3A_358, %get3A_359] {strides = array<i32>} : memref<5x8x1024xf32, #tpu.memory_space<vmem>>, vector<1x1x16xf32>,
        %get3A_361 = vector.shape_cast %get3A_360 : vector<1x1x16xf32> to vector<16xf32>
        %mul3A_362 = vector.broadcast %squeeze3A_155 : f32 to vector<16xf32>
        %mul3A_363 = arith.mulf %mul3A_362, %get3A_361 : vector<16xf32>
        %get3A_364 = arith.constant 1 : i32
        %get3A_365 = arith.constant 1 : i32
        %get3A_366 = arith.index_cast %get3A_364 : i32 to index
        %get3A_367 = arith.index_cast %get3A_365 : i32 to index
        %get3A_368 = arith.index_cast %mul3A_354 : i32 to index
        %get3A_369 = tpu.vector_load %arg12[%get3A_366, %get3A_367, %get3A_368] {strides = array<i32>} : memref<5x8x1024xf32, #tpu.memory_space<vmem>>, vector<1x1x16xf32>,
        %get3A_370 = vector.shape_cast %get3A_369 : vector<1x1x16xf32> to vector<16xf32>
        %mul3A_371 = vector.broadcast %squeeze3A_157 : f32 to vector<16xf32>
        %mul3A_372 = arith.mulf %mul3A_371, %get3A_370 : vector<16xf32>
        %add3A_373 = arith.addf %mul3A_363, %mul3A_372 : vector<16xf32>
        %get3A_374 = arith.constant 2 : i32
        %get3A_375 = arith.constant 1 : i32
        %get3A_376 = arith.index_cast %get3A_374 : i32 to index
        %get3A_377 = arith.index_cast %get3A_375 : i32 to index
        %get3A_378 = arith.index_cast %mul3A_354 : i32 to index
        %get3A_379 = tpu.vector_load %arg12[%get3A_376, %get3A_377, %get3A_378] {strides = array<i32>} : memref<5x8x1024xf32, #tpu.memory_space<vmem>>, vector<1x1x16xf32>,
        %get3A_380 = vector.shape_cast %get3A_379 : vector<1x1x16xf32> to vector<16xf32>
        %mul3A_381 = vector.broadcast %squeeze3A_159 : f32 to vector<16xf32>
        %mul3A_382 = arith.mulf %mul3A_381, %get3A_380 : vector<16xf32>
        %add3A_383 = arith.addf %add3A_373, %mul3A_382 : vector<16xf32>
        %get3A_384 = arith.constant 3 : i32
        %get3A_385 = arith.constant 1 : i32
        %get3A_386 = arith.index_cast %get3A_384 : i32 to index
        %get3A_387 = arith.index_cast %get3A_385 : i32 to index
        %get3A_388 = arith.index_cast %mul3A_354 : i32 to index
        %get3A_389 = tpu.vector_load %arg12[%get3A_386, %get3A_387, %get3A_388] {strides = array<i32>} : memref<5x8x1024xf32, #tpu.memory_space<vmem>>, vector<1x1x16xf32>,
        %get3A_390 = vector.shape_cast %get3A_389 : vector<1x1x16xf32> to vector<16xf32>
        %mul3A_391 = vector.broadcast %squeeze3A_161 : f32 to vector<16xf32>
        %mul3A_392 = arith.mulf %mul3A_391, %get3A_390 : vector<16xf32>
        %add3A_393 = arith.addf %add3A_383, %mul3A_392 : vector<16xf32>
        %get3A_394 = arith.constant 4 : i32
        %get3A_395 = arith.constant 1 : i32
        %get3A_396 = arith.index_cast %get3A_394 : i32 to index
        %get3A_397 = arith.index_cast %get3A_395 : i32 to index
        %get3A_398 = arith.index_cast %mul3A_354 : i32 to index
        %get3A_399 = tpu.vector_load %arg12[%get3A_396, %get3A_397, %get3A_398] {strides = array<i32>} : memref<5x8x1024xf32, #tpu.memory_space<vmem>>, vector<1x1x16xf32>,
        %get3A_400 = vector.shape_cast %get3A_399 : vector<1x1x16xf32> to vector<16xf32>
        %mul3A_401 = vector.broadcast %squeeze3A_163 : f32 to vector<16xf32>
        %mul3A_402 = arith.mulf %mul3A_401, %get3A_400 : vector<16xf32>
        %add3A_403 = arith.addf %add3A_393, %mul3A_402 : vector<16xf32>
        %swap3A = arith.constant 1 : i32
        %swap3A_404 = arith.index_cast %swap3A : i32 to index
        %swap3A_405 = arith.index_cast %mul3A_354 : i32 to index
        %swap3A_406 = tpu.vector_load %arg13[%swap3A_404, %swap3A_405] {strides = array<i32>} : memref<8x1024xf32, #tpu.memory_space<vmem>>, vector<1x16xf32>,
        %swap3A_407 = vector.shape_cast %swap3A_406 : vector<1x16xf32> to vector<16xf32>
        %swap3A_408 = vector.shape_cast %add3A_403 : vector<16xf32> to vector<1x16xf32>
        tpu.vector_store %arg13[%swap3A_404, %swap3A_405], %swap3A_408 {strides = array<i32>} : memref<8x1024xf32, #tpu.memory_space<vmem>>, vector<1x16xf32>,
        %scan3A_409 = arith.constant 0 : i32
        %scan3A_410 = arith.constant 1 : i32
        %scan3A_411 = arith.addi %scan3A_351, %scan3A_410 : i32
        %mul3A_412 = arith.constant 16 : i32
        %mul3A_413 = arith.muli %scan3A_411, %mul3A_412 : i32
        %get3A_414 = arith.constant 0 : i32
        %get3A_415 = arith.constant 1 : i32
        %get3A_416 = arith.index_cast %get3A_414 : i32 to index
        %get3A_417 = arith.index_cast %get3A_415 : i32 to index
        %get3A_418 = arith.index_cast %mul3A_413 : i32 to index
        %get3A_419 = tpu.vector_load %arg12[%get3A_416, %get3A_417, %get3A_418] {strides = array<i32>} : memref<5x8x1024xf32, #tpu.memory_space<vmem>>, vector<1x1x16xf32>,
        %get3A_420 = vector.shape_cast %get3A_419 : vector<1x1x16xf32> to vector<16xf32>
        %mul3A_421 = vector.broadcast %squeeze3A_155 : f32 to vector<16xf32>
        %mul3A_422 = arith.mulf %mul3A_421, %get3A_420 : vector<16xf32>
        %get3A_423 = arith.constant 1 : i32
        %get3A_424 = arith.constant 1 : i32
        %get3A_425 = arith.index_cast %get3A_423 : i32 to index
        %get3A_426 = arith.index_cast %get3A_424 : i32 to index
        %get3A_427 = arith.index_cast %mul3A_413 : i32 to index
        %get3A_428 = tpu.vector_load %arg12[%get3A_425, %get3A_426, %get3A_427] {strides = array<i32>} : memref<5x8x1024xf32, #tpu.memory_space<vmem>>, vector<1x1x16xf32>,
        %get3A_429 = vector.shape_cast %get3A_428 : vector<1x1x16xf32> to vector<16xf32>
        %mul3A_430 = vector.broadcast %squeeze3A_157 : f32 to vector<16xf32>
        %mul3A_431 = arith.mulf %mul3A_430, %get3A_429 : vector<16xf32>
        %add3A_432 = arith.addf %mul3A_422, %mul3A_431 : vector<16xf32>
        %get3A_433 = arith.constant 2 : i32
        %get3A_434 = arith.constant 1 : i32
        %get3A_435 = arith.index_cast %get3A_433 : i32 to index
        %get3A_436 = arith.index_cast %get3A_434 : i32 to index
        %get3A_437 = arith.index_cast %mul3A_413 : i32 to index
        %get3A_438 = tpu.vector_load %arg12[%get3A_435, %get3A_436, %get3A_437] {strides = array<i32>} : memref<5x8x1024xf32, #tpu.memory_space<vmem>>, vector<1x1x16xf32>,
        %get3A_439 = vector.shape_cast %get3A_438 : vector<1x1x16xf32> to vector<16xf32>
        %mul3A_440 = vector.broadcast %squeeze3A_159 : f32 to vector<16xf32>
        %mul3A_441 = arith.mulf %mul3A_440, %get3A_439 : vector<16xf32>
        %add3A_442 = arith.addf %add3A_432, %mul3A_441 : vector<16xf32>
        %get3A_443 = arith.constant 3 : i32
        %get3A_444 = arith.constant 1 : i32
        %get3A_445 = arith.index_cast %get3A_443 : i32 to index
        %get3A_446 = arith.index_cast %get3A_444 : i32 to index
        %get3A_447 = arith.index_cast %mul3A_413 : i32 to index
        %get3A_448 = tpu.vector_load %arg12[%get3A_445, %get3A_446, %get3A_447] {strides = array<i32>} : memref<5x8x1024xf32, #tpu.memory_space<vmem>>, vector<1x1x16xf32>,
        %get3A_449 = vector.shape_cast %get3A_448 : vector<1x1x16xf32> to vector<16xf32>
        %mul3A_450 = vector.broadcast %squeeze3A_161 : f32 to vector<16xf32>
        %mul3A_451 = arith.mulf %mul3A_450, %get3A_449 : vector<16xf32>
        %add3A_452 = arith.addf %add3A_442, %mul3A_451 : vector<16xf32>
        %get3A_453 = arith.constant 4 : i32
        %get3A_454 = arith.constant 1 : i32
        %get3A_455 = arith.index_cast %get3A_453 : i32 to index
        %get3A_456 = arith.index_cast %get3A_454 : i32 to index
        %get3A_457 = arith.index_cast %mul3A_413 : i32 to index
        %get3A_458 = tpu.vector_load %arg12[%get3A_455, %get3A_456, %get3A_457] {strides = array<i32>} : memref<5x8x1024xf32, #tpu.memory_space<vmem>>, vector<1x1x16xf32>,
        %get3A_459 = vector.shape_cast %get3A_458 : vector<1x1x16xf32> to vector<16xf32>
        %mul3A_460 = vector.broadcast %squeeze3A_163 : f32 to vector<16xf32>
        %mul3A_461 = arith.mulf %mul3A_460, %get3A_459 : vector<16xf32>
        %add3A_462 = arith.addf %add3A_452, %mul3A_461 : vector<16xf32>
        %swap3A_463 = arith.constant 1 : i32
        %swap3A_464 = arith.index_cast %swap3A_463 : i32 to index
        %swap3A_465 = arith.index_cast %mul3A_413 : i32 to index
        %swap3A_466 = tpu.vector_load %arg13[%swap3A_464, %swap3A_465] {strides = array<i32>} : memref<8x1024xf32, #tpu.memory_space<vmem>>, vector<1x16xf32>,
        %swap3A_467 = vector.shape_cast %swap3A_466 : vector<1x16xf32> to vector<16xf32>
        %swap3A_468 = vector.shape_cast %add3A_462 : vector<16xf32> to vector<1x16xf32>
        tpu.vector_store %arg13[%swap3A_464, %swap3A_465], %swap3A_468 {strides = array<i32>} : memref<8x1024xf32, #tpu.memory_space<vmem>>, vector<1x16xf32>,
        %scan3A_469 = arith.constant 0 : i32
        %scan3A_470 = arith.constant 2 : i32
        %scan3A_471 = arith.addi %scan3A_351, %scan3A_470 : i32
        %mul3A_472 = arith.constant 16 : i32
        %mul3A_473 = arith.muli %scan3A_471, %mul3A_472 : i32
        %get3A_474 = arith.constant 0 : i32
        %get3A_475 = arith.constant 1 : i32
        %get3A_476 = arith.index_cast %get3A_474 : i32 to index
        %get3A_477 = arith.index_cast %get3A_475 : i32 to index
        %get3A_478 = arith.index_cast %mul3A_473 : i32 to index
        %get3A_479 = tpu.vector_load %arg12[%get3A_476, %get3A_477, %get3A_478] {strides = array<i32>} : memref<5x8x1024xf32, #tpu.memory_space<vmem>>, vector<1x1x16xf32>,
        %get3A_480 = vector.shape_cast %get3A_479 : vector<1x1x16xf32> to vector<16xf32>
        %mul3A_481 = vector.broadcast %squeeze3A_155 : f32 to vector<16xf32>
        %mul3A_482 = arith.mulf %mul3A_481, %get3A_480 : vector<16xf32>
        %get3A_483 = arith.constant 1 : i32
        %get3A_484 = arith.constant 1 : i32
        %get3A_485 = arith.index_cast %get3A_483 : i32 to index
        %get3A_486 = arith.index_cast %get3A_484 : i32 to index
        %get3A_487 = arith.index_cast %mul3A_473 : i32 to index
        %get3A_488 = tpu.vector_load %arg12[%get3A_485, %get3A_486, %get3A_487] {strides = array<i32>} : memref<5x8x1024xf32, #tpu.memory_space<vmem>>, vector<1x1x16xf32>,
        %get3A_489 = vector.shape_cast %get3A_488 : vector<1x1x16xf32> to vector<16xf32>
        %mul3A_490 = vector.broadcast %squeeze3A_157 : f32 to vector<16xf32>
        %mul3A_491 = arith.mulf %mul3A_490, %get3A_489 : vector<16xf32>
        %add3A_492 = arith.addf %mul3A_482, %mul3A_491 : vector<16xf32>
        %get3A_493 = arith.constant 2 : i32
        %get3A_494 = arith.constant 1 : i32
        %get3A_495 = arith.index_cast %get3A_493 : i32 to index
        %get3A_496 = arith.index_cast %get3A_494 : i32 to index
        %get3A_497 = arith.index_cast %mul3A_473 : i32 to index
        %get3A_498 = tpu.vector_load %arg12[%get3A_495, %get3A_496, %get3A_497] {strides = array<i32>} : memref<5x8x1024xf32, #tpu.memory_space<vmem>>, vector<1x1x16xf32>,
        %get3A_499 = vector.shape_cast %get3A_498 : vector<1x1x16xf32> to vector<16xf32>
        %mul3A_500 = vector.broadcast %squeeze3A_159 : f32 to vector<16xf32>
        %mul3A_501 = arith.mulf %mul3A_500, %get3A_499 : vector<16xf32>
        %add3A_502 = arith.addf %add3A_492, %mul3A_501 : vector<16xf32>
        %get3A_503 = arith.constant 3 : i32
        %get3A_504 = arith.constant 1 : i32
        %get3A_505 = arith.index_cast %get3A_503 : i32 to index
        %get3A_506 = arith.index_cast %get3A_504 : i32 to index
        %get3A_507 = arith.index_cast %mul3A_473 : i32 to index
        %get3A_508 = tpu.vector_load %arg12[%get3A_505, %get3A_506, %get3A_507] {strides = array<i32>} : memref<5x8x1024xf32, #tpu.memory_space<vmem>>, vector<1x1x16xf32>,
        %get3A_509 = vector.shape_cast %get3A_508 : vector<1x1x16xf32> to vector<16xf32>
        %mul3A_510 = vector.broadcast %squeeze3A_161 : f32 to vector<16xf32>
        %mul3A_511 = arith.mulf %mul3A_510, %get3A_509 : vector<16xf32>
        %add3A_512 = arith.addf %add3A_502, %mul3A_511 : vector<16xf32>
        %get3A_513 = arith.constant 4 : i32
        %get3A_514 = arith.constant 1 : i32
        %get3A_515 = arith.index_cast %get3A_513 : i32 to index
        %get3A_516 = arith.index_cast %get3A_514 : i32 to index
        %get3A_517 = arith.index_cast %mul3A_473 : i32 to index
        %get3A_518 = tpu.vector_load %arg12[%get3A_515, %get3A_516, %get3A_517] {strides = array<i32>} : memref<5x8x1024xf32, #tpu.memory_space<vmem>>, vector<1x1x16xf32>,
        %get3A_519 = vector.shape_cast %get3A_518 : vector<1x1x16xf32> to vector<16xf32>
        %mul3A_520 = vector.broadcast %squeeze3A_163 : f32 to vector<16xf32>
        %mul3A_521 = arith.mulf %mul3A_520, %get3A_519 : vector<16xf32>
        %add3A_522 = arith.addf %add3A_512, %mul3A_521 : vector<16xf32>
        %swap3A_523 = arith.constant 1 : i32
        %swap3A_524 = arith.index_cast %swap3A_523 : i32 to index
        %swap3A_525 = arith.index_cast %mul3A_473 : i32 to index
        %swap3A_526 = tpu.vector_load %arg13[%swap3A_524, %swap3A_525] {strides = array<i32>} : memref<8x1024xf32, #tpu.memory_space<vmem>>, vector<1x16xf32>,
        %swap3A_527 = vector.shape_cast %swap3A_526 : vector<1x16xf32> to vector<16xf32>
        %swap3A_528 = vector.shape_cast %add3A_522 : vector<16xf32> to vector<1x16xf32>
        tpu.vector_store %arg13[%swap3A_524, %swap3A_525], %swap3A_528 {strides = array<i32>} : memref<8x1024xf32, #tpu.memory_space<vmem>>, vector<1x16xf32>,
        %scan3A_529 = arith.constant 0 : i32
        %scan3A_530 = arith.constant 3 : i32
        %scan3A_531 = arith.addi %scan3A_351, %scan3A_530 : i32
        %mul3A_532 = arith.constant 16 : i32
        %mul3A_533 = arith.muli %scan3A_531, %mul3A_532 : i32
        %get3A_534 = arith.constant 0 : i32
        %get3A_535 = arith.constant 1 : i32
        %get3A_536 = arith.index_cast %get3A_534 : i32 to index
        %get3A_537 = arith.index_cast %get3A_535 : i32 to index
        %get3A_538 = arith.index_cast %mul3A_533 : i32 to index
        %get3A_539 = tpu.vector_load %arg12[%get3A_536, %get3A_537, %get3A_538] {strides = array<i32>} : memref<5x8x1024xf32, #tpu.memory_space<vmem>>, vector<1x1x16xf32>,
        %get3A_540 = vector.shape_cast %get3A_539 : vector<1x1x16xf32> to vector<16xf32>
        %mul3A_541 = vector.broadcast %squeeze3A_155 : f32 to vector<16xf32>
        %mul3A_542 = arith.mulf %mul3A_541, %get3A_540 : vector<16xf32>
        %get3A_543 = arith.constant 1 : i32
        %get3A_544 = arith.constant 1 : i32
        %get3A_545 = arith.index_cast %get3A_543 : i32 to index
        %get3A_546 = arith.index_cast %get3A_544 : i32 to index
        %get3A_547 = arith.index_cast %mul3A_533 : i32 to index
        %get3A_548 = tpu.vector_load %arg12[%get3A_545, %get3A_546, %get3A_547] {strides = array<i32>} : memref<5x8x1024xf32, #tpu.memory_space<vmem>>, vector<1x1x16xf32>,
        %get3A_549 = vector.shape_cast %get3A_548 : vector<1x1x16xf32> to vector<16xf32>
        %mul3A_550 = vector.broadcast %squeeze3A_157 : f32 to vector<16xf32>
        %mul3A_551 = arith.mulf %mul3A_550, %get3A_549 : vector<16xf32>
        %add3A_552 = arith.addf %mul3A_542, %mul3A_551 : vector<16xf32>
        %get3A_553 = arith.constant 2 : i32
        %get3A_554 = arith.constant 1 : i32
        %get3A_555 = arith.index_cast %get3A_553 : i32 to index
        %get3A_556 = arith.index_cast %get3A_554 : i32 to index
        %get3A_557 = arith.index_cast %mul3A_533 : i32 to index
        %get3A_558 = tpu.vector_load %arg12[%get3A_555, %get3A_556, %get3A_557] {strides = array<i32>} : memref<5x8x1024xf32, #tpu.memory_space<vmem>>, vector<1x1x16xf32>,
        %get3A_559 = vector.shape_cast %get3A_558 : vector<1x1x16xf32> to vector<16xf32>
        %mul3A_560 = vector.broadcast %squeeze3A_159 : f32 to vector<16xf32>
        %mul3A_561 = arith.mulf %mul3A_560, %get3A_559 : vector<16xf32>
        %add3A_562 = arith.addf %add3A_552, %mul3A_561 : vector<16xf32>
        %get3A_563 = arith.constant 3 : i32
        %get3A_564 = arith.constant 1 : i32
        %get3A_565 = arith.index_cast %get3A_563 : i32 to index
        %get3A_566 = arith.index_cast %get3A_564 : i32 to index
        %get3A_567 = arith.index_cast %mul3A_533 : i32 to index
        %get3A_568 = tpu.vector_load %arg12[%get3A_565, %get3A_566, %get3A_567] {strides = array<i32>} : memref<5x8x1024xf32, #tpu.memory_space<vmem>>, vector<1x1x16xf32>,
        %get3A_569 = vector.shape_cast %get3A_568 : vector<1x1x16xf32> to vector<16xf32>
        %mul3A_570 = vector.broadcast %squeeze3A_161 : f32 to vector<16xf32>
        %mul3A_571 = arith.mulf %mul3A_570, %get3A_569 : vector<16xf32>
        %add3A_572 = arith.addf %add3A_562, %mul3A_571 : vector<16xf32>
        %get3A_573 = arith.constant 4 : i32
        %get3A_574 = arith.constant 1 : i32
        %get3A_575 = arith.index_cast %get3A_573 : i32 to index
        %get3A_576 = arith.index_cast %get3A_574 : i32 to index
        %get3A_577 = arith.index_cast %mul3A_533 : i32 to index
        %get3A_578 = tpu.vector_load %arg12[%get3A_575, %get3A_576, %get3A_577] {strides = array<i32>} : memref<5x8x1024xf32, #tpu.memory_space<vmem>>, vector<1x1x16xf32>,
        %get3A_579 = vector.shape_cast %get3A_578 : vector<1x1x16xf32> to vector<16xf32>
        %mul3A_580 = vector.broadcast %squeeze3A_163 : f32 to vector<16xf32>
        %mul3A_581 = arith.mulf %mul3A_580, %get3A_579 : vector<16xf32>
        %add3A_582 = arith.addf %add3A_572, %mul3A_581 : vector<16xf32>
        %swap3A_583 = arith.constant 1 : i32
        %swap3A_584 = arith.index_cast %swap3A_583 : i32 to index
        %swap3A_585 = arith.index_cast %mul3A_533 : i32 to index
        %swap3A_586 = tpu.vector_load %arg13[%swap3A_584, %swap3A_585] {strides = array<i32>} : memref<8x1024xf32, #tpu.memory_space<vmem>>, vector<1x16xf32>,
        %swap3A_587 = vector.shape_cast %swap3A_586 : vector<1x16xf32> to vector<16xf32>
        %swap3A_588 = vector.shape_cast %add3A_582 : vector<16xf32> to vector<1x16xf32>
        tpu.vector_store %arg13[%swap3A_584, %swap3A_585], %swap3A_588 {strides = array<i32>} : memref<8x1024xf32, #tpu.memory_space<vmem>>, vector<1x16xf32>,
        %scan3A_589 = arith.constant 0 : i32
        %scan3A_590 = arith.constant 4 : i32
        %scan3A_591 = arith.addi %scan3A_351, %scan3A_590 : i32
        %mul3A_592 = arith.constant 16 : i32
        %mul3A_593 = arith.muli %scan3A_591, %mul3A_592 : i32
        %get3A_594 = arith.constant 0 : i32
        %get3A_595 = arith.constant 1 : i32
        %get3A_596 = arith.index_cast %get3A_594 : i32 to index
        %get3A_597 = arith.index_cast %get3A_595 : i32 to index
        %get3A_598 = arith.index_cast %mul3A_593 : i32 to index
        %get3A_599 = tpu.vector_load %arg12[%get3A_596, %get3A_597, %get3A_598] {strides = array<i32>} : memref<5x8x1024xf32, #tpu.memory_space<vmem>>, vector<1x1x16xf32>,
        %get3A_600 = vector.shape_cast %get3A_599 : vector<1x1x16xf32> to vector<16xf32>
        %mul3A_601 = vector.broadcast %squeeze3A_155 : f32 to vector<16xf32>
        %mul3A_602 = arith.mulf %mul3A_601, %get3A_600 : vector<16xf32>
        %get3A_603 = arith.constant 1 : i32
        %get3A_604 = arith.constant 1 : i32
        %get3A_605 = arith.index_cast %get3A_603 : i32 to index
        %get3A_606 = arith.index_cast %get3A_604 : i32 to index
        %get3A_607 = arith.index_cast %mul3A_593 : i32 to index
        %get3A_608 = tpu.vector_load %arg12[%get3A_605, %get3A_606, %get3A_607] {strides = array<i32>} : memref<5x8x1024xf32, #tpu.memory_space<vmem>>, vector<1x1x16xf32>,
        %get3A_609 = vector.shape_cast %get3A_608 : vector<1x1x16xf32> to vector<16xf32>
        %mul3A_610 = vector.broadcast %squeeze3A_157 : f32 to vector<16xf32>
        %mul3A_611 = arith.mulf %mul3A_610, %get3A_609 : vector<16xf32>
        %add3A_612 = arith.addf %mul3A_602, %mul3A_611 : vector<16xf32>
        %get3A_613 = arith.constant 2 : i32
        %get3A_614 = arith.constant 1 : i32
        %get3A_615 = arith.index_cast %get3A_613 : i32 to index
        %get3A_616 = arith.index_cast %get3A_614 : i32 to index
        %get3A_617 = arith.index_cast %mul3A_593 : i32 to index
        %get3A_618 = tpu.vector_load %arg12[%get3A_615, %get3A_616, %get3A_617] {strides = array<i32>} : memref<5x8x1024xf32, #tpu.memory_space<vmem>>, vector<1x1x16xf32>,
        %get3A_619 = vector.shape_cast %get3A_618 : vector<1x1x16xf32> to vector<16xf32>
        %mul3A_620 = vector.broadcast %squeeze3A_159 : f32 to vector<16xf32>
        %mul3A_621 = arith.mulf %mul3A_620, %get3A_619 : vector<16xf32>
        %add3A_622 = arith.addf %add3A_612, %mul3A_621 : vector<16xf32>
        %get3A_623 = arith.constant 3 : i32
        %get3A_624 = arith.constant 1 : i32
        %get3A_625 = arith.index_cast %get3A_623 : i32 to index
        %get3A_626 = arith.index_cast %get3A_624 : i32 to index
        %get3A_627 = arith.index_cast %mul3A_593 : i32 to index
        %get3A_628 = tpu.vector_load %arg12[%get3A_625, %get3A_626, %get3A_627] {strides = array<i32>} : memref<5x8x1024xf32, #tpu.memory_space<vmem>>, vector<1x1x16xf32>,
        %get3A_629 = vector.shape_cast %get3A_628 : vector<1x1x16xf32> to vector<16xf32>
        %mul3A_630 = vector.broadcast %squeeze3A_161 : f32 to vector<16xf32>
        %mul3A_631 = arith.mulf %mul3A_630, %get3A_629 : vector<16xf32>
        %add3A_632 = arith.addf %add3A_622, %mul3A_631 : vector<16xf32>
        %get3A_633 = arith.constant 4 : i32
        %get3A_634 = arith.constant 1 : i32
        %get3A_635 = arith.index_cast %get3A_633 : i32 to index
        %get3A_636 = arith.index_cast %get3A_634 : i32 to index
        %get3A_637 = arith.index_cast %mul3A_593 : i32 to index
        %get3A_638 = tpu.vector_load %arg12[%get3A_635, %get3A_636, %get3A_637] {strides = array<i32>} : memref<5x8x1024xf32, #tpu.memory_space<vmem>>, vector<1x1x16xf32>,
        %get3A_639 = vector.shape_cast %get3A_638 : vector<1x1x16xf32> to vector<16xf32>
        %mul3A_640 = vector.broadcast %squeeze3A_163 : f32 to vector<16xf32>
        %mul3A_641 = arith.mulf %mul3A_640, %get3A_639 : vector<16xf32>
        %add3A_642 = arith.addf %add3A_632, %mul3A_641 : vector<16xf32>
        %swap3A_643 = arith.constant 1 : i32
        %swap3A_644 = arith.index_cast %swap3A_643 : i32 to index
        %swap3A_645 = arith.index_cast %mul3A_593 : i32 to index
        %swap3A_646 = tpu.vector_load %arg13[%swap3A_644, %swap3A_645] {strides = array<i32>} : memref<8x1024xf32, #tpu.memory_space<vmem>>, vector<1x16xf32>,
        %swap3A_647 = vector.shape_cast %swap3A_646 : vector<1x16xf32> to vector<16xf32>
        %swap3A_648 = vector.shape_cast %add3A_642 : vector<16xf32> to vector<1x16xf32>
        tpu.vector_store %arg13[%swap3A_644, %swap3A_645], %swap3A_648 {strides = array<i32>} : memref<8x1024xf32, #tpu.memory_space<vmem>>, vector<1x16xf32>,
        %scan3A_649 = arith.constant 0 : i32
        %scan3A_650 = arith.constant 5 : i32
        %scan3A_651 = arith.addi %scan3A_351, %scan3A_650 : i32
        %mul3A_652 = arith.constant 16 : i32
        %mul3A_653 = arith.muli %scan3A_651, %mul3A_652 : i32
        %get3A_654 = arith.constant 0 : i32
        %get3A_655 = arith.constant 1 : i32
        %get3A_656 = arith.index_cast %get3A_654 : i32 to index
        %get3A_657 = arith.index_cast %get3A_655 : i32 to index
        %get3A_658 = arith.index_cast %mul3A_653 : i32 to index
        %get3A_659 = tpu.vector_load %arg12[%get3A_656, %get3A_657, %get3A_658] {strides = array<i32>} : memref<5x8x1024xf32, #tpu.memory_space<vmem>>, vector<1x1x16xf32>,
        %get3A_660 = vector.shape_cast %get3A_659 : vector<1x1x16xf32> to vector<16xf32>
        %mul3A_661 = vector.broadcast %squeeze3A_155 : f32 to vector<16xf32>
        %mul3A_662 = arith.mulf %mul3A_661, %get3A_660 : vector<16xf32>
        %get3A_663 = arith.constant 1 : i32
        %get3A_664 = arith.constant 1 : i32
        %get3A_665 = arith.index_cast %get3A_663 : i32 to index
        %get3A_666 = arith.index_cast %get3A_664 : i32 to index
        %get3A_667 = arith.index_cast %mul3A_653 : i32 to index
        %get3A_668 = tpu.vector_load %arg12[%get3A_665, %get3A_666, %get3A_667] {strides = array<i32>} : memref<5x8x1024xf32, #tpu.memory_space<vmem>>, vector<1x1x16xf32>,
        %get3A_669 = vector.shape_cast %get3A_668 : vector<1x1x16xf32> to vector<16xf32>
        %mul3A_670 = vector.broadcast %squeeze3A_157 : f32 to vector<16xf32>
        %mul3A_671 = arith.mulf %mul3A_670, %get3A_669 : vector<16xf32>
        %add3A_672 = arith.addf %mul3A_662, %mul3A_671 : vector<16xf32>
        %get3A_673 = arith.constant 2 : i32
        %get3A_674 = arith.constant 1 : i32
        %get3A_675 = arith.index_cast %get3A_673 : i32 to index
        %get3A_676 = arith.index_cast %get3A_674 : i32 to index
        %get3A_677 = arith.index_cast %mul3A_653 : i32 to index
        %get3A_678 = tpu.vector_load %arg12[%get3A_675, %get3A_676, %get3A_677] {strides = array<i32>} : memref<5x8x1024xf32, #tpu.memory_space<vmem>>, vector<1x1x16xf32>,
        %get3A_679 = vector.shape_cast %get3A_678 : vector<1x1x16xf32> to vector<16xf32>
        %mul3A_680 = vector.broadcast %squeeze3A_159 : f32 to vector<16xf32>
        %mul3A_681 = arith.mulf %mul3A_680, %get3A_679 : vector<16xf32>
        %add3A_682 = arith.addf %add3A_672, %mul3A_681 : vector<16xf32>
        %get3A_683 = arith.constant 3 : i32
        %get3A_684 = arith.constant 1 : i32
        %get3A_685 = arith.index_cast %get3A_683 : i32 to index
        %get3A_686 = arith.index_cast %get3A_684 : i32 to index
        %get3A_687 = arith.index_cast %mul3A_653 : i32 to index
        %get3A_688 = tpu.vector_load %arg12[%get3A_685, %get3A_686, %get3A_687] {strides = array<i32>} : memref<5x8x1024xf32, #tpu.memory_space<vmem>>, vector<1x1x16xf32>,
        %get3A_689 = vector.shape_cast %get3A_688 : vector<1x1x16xf32> to vector<16xf32>
        %mul3A_690 = vector.broadcast %squeeze3A_161 : f32 to vector<16xf32>
        %mul3A_691 = arith.mulf %mul3A_690, %get3A_689 : vector<16xf32>
        %add3A_692 = arith.addf %add3A_682, %mul3A_691 : vector<16xf32>
        %get3A_693 = arith.constant 4 : i32
        %get3A_694 = arith.constant 1 : i32
        %get3A_695 = arith.index_cast %get3A_693 : i32 to index
        %get3A_696 = arith.index_cast %get3A_694 : i32 to index
        %get3A_697 = arith.index_cast %mul3A_653 : i32 to index
        %get3A_698 = tpu.vector_load %arg12[%get3A_695, %get3A_696, %get3A_697] {strides = array<i32>} : memref<5x8x1024xf32, #tpu.memory_space<vmem>>, vector<1x1x16xf32>,
        %get3A_699 = vector.shape_cast %get3A_698 : vector<1x1x16xf32> to vector<16xf32>
        %mul3A_700 = vector.broadcast %squeeze3A_163 : f32 to vector<16xf32>
        %mul3A_701 = arith.mulf %mul3A_700, %get3A_699 : vector<16xf32>
        %add3A_702 = arith.addf %add3A_692, %mul3A_701 : vector<16xf32>
        %swap3A_703 = arith.constant 1 : i32
        %swap3A_704 = arith.index_cast %swap3A_703 : i32 to index
        %swap3A_705 = arith.index_cast %mul3A_653 : i32 to index
        %swap3A_706 = tpu.vector_load %arg13[%swap3A_704, %swap3A_705] {strides = array<i32>} : memref<8x1024xf32, #tpu.memory_space<vmem>>, vector<1x16xf32>,
        %swap3A_707 = vector.shape_cast %swap3A_706 : vector<1x16xf32> to vector<16xf32>
        %swap3A_708 = vector.shape_cast %add3A_702 : vector<16xf32> to vector<1x16xf32>
        tpu.vector_store %arg13[%swap3A_704, %swap3A_705], %swap3A_708 {strides = array<i32>} : memref<8x1024xf32, #tpu.memory_space<vmem>>, vector<1x16xf32>,
        %scan3A_709 = arith.constant 0 : i32
        %scan3A_710 = arith.constant 6 : i32
        %scan3A_711 = arith.addi %scan3A_351, %scan3A_710 : i32
        %mul3A_712 = arith.constant 16 : i32
        %mul3A_713 = arith.muli %scan3A_711, %mul3A_712 : i32
        %get3A_714 = arith.constant 0 : i32
        %get3A_715 = arith.constant 1 : i32
        %get3A_716 = arith.index_cast %get3A_714 : i32 to index
        %get3A_717 = arith.index_cast %get3A_715 : i32 to index
        %get3A_718 = arith.index_cast %mul3A_713 : i32 to index
        %get3A_719 = tpu.vector_load %arg12[%get3A_716, %get3A_717, %get3A_718] {strides = array<i32>} : memref<5x8x1024xf32, #tpu.memory_space<vmem>>, vector<1x1x16xf32>,
        %get3A_720 = vector.shape_cast %get3A_719 : vector<1x1x16xf32> to vector<16xf32>
        %mul3A_721 = vector.broadcast %squeeze3A_155 : f32 to vector<16xf32>
        %mul3A_722 = arith.mulf %mul3A_721, %get3A_720 : vector<16xf32>
        %get3A_723 = arith.constant 1 : i32
        %get3A_724 = arith.constant 1 : i32
        %get3A_725 = arith.index_cast %get3A_723 : i32 to index
        %get3A_726 = arith.index_cast %get3A_724 : i32 to index
        %get3A_727 = arith.index_cast %mul3A_713 : i32 to index
        %get3A_728 = tpu.vector_load %arg12[%get3A_725, %get3A_726, %get3A_727] {strides = array<i32>} : memref<5x8x1024xf32, #tpu.memory_space<vmem>>, vector<1x1x16xf32>,
        %get3A_729 = vector.shape_cast %get3A_728 : vector<1x1x16xf32> to vector<16xf32>
        %mul3A_730 = vector.broadcast %squeeze3A_157 : f32 to vector<16xf32>
        %mul3A_731 = arith.mulf %mul3A_730, %get3A_729 : vector<16xf32>
        %add3A_732 = arith.addf %mul3A_722, %mul3A_731 : vector<16xf32>
        %get3A_733 = arith.constant 2 : i32
        %get3A_734 = arith.constant 1 : i32
        %get3A_735 = arith.index_cast %get3A_733 : i32 to index
        %get3A_736 = arith.index_cast %get3A_734 : i32 to index
        %get3A_737 = arith.index_cast %mul3A_713 : i32 to index
        %get3A_738 = tpu.vector_load %arg12[%get3A_735, %get3A_736, %get3A_737] {strides = array<i32>} : memref<5x8x1024xf32, #tpu.memory_space<vmem>>, vector<1x1x16xf32>,
        %get3A_739 = vector.shape_cast %get3A_738 : vector<1x1x16xf32> to vector<16xf32>
        %mul3A_740 = vector.broadcast %squeeze3A_159 : f32 to vector<16xf32>
        %mul3A_741 = arith.mulf %mul3A_740, %get3A_739 : vector<16xf32>
        %add3A_742 = arith.addf %add3A_732, %mul3A_741 : vector<16xf32>
        %get3A_743 = arith.constant 3 : i32
        %get3A_744 = arith.constant 1 : i32
        %get3A_745 = arith.index_cast %get3A_743 : i32 to index
        %get3A_746 = arith.index_cast %get3A_744 : i32 to index
        %get3A_747 = arith.index_cast %mul3A_713 : i32 to index
        %get3A_748 = tpu.vector_load %arg12[%get3A_745, %get3A_746, %get3A_747] {strides = array<i32>} : memref<5x8x1024xf32, #tpu.memory_space<vmem>>, vector<1x1x16xf32>,
        %get3A_749 = vector.shape_cast %get3A_748 : vector<1x1x16xf32> to vector<16xf32>
        %mul3A_750 = vector.broadcast %squeeze3A_161 : f32 to vector<16xf32>
        %mul3A_751 = arith.mulf %mul3A_750, %get3A_749 : vector<16xf32>
        %add3A_752 = arith.addf %add3A_742, %mul3A_751 : vector<16xf32>
        %get3A_753 = arith.constant 4 : i32
        %get3A_754 = arith.constant 1 : i32
        %get3A_755 = arith.index_cast %get3A_753 : i32 to index
        %get3A_756 = arith.index_cast %get3A_754 : i32 to index
        %get3A_757 = arith.index_cast %mul3A_713 : i32 to index
        %get3A_758 = tpu.vector_load %arg12[%get3A_755, %get3A_756, %get3A_757] {strides = array<i32>} : memref<5x8x1024xf32, #tpu.memory_space<vmem>>, vector<1x1x16xf32>,
        %get3A_759 = vector.shape_cast %get3A_758 : vector<1x1x16xf32> to vector<16xf32>
        %mul3A_760 = vector.broadcast %squeeze3A_163 : f32 to vector<16xf32>
        %mul3A_761 = arith.mulf %mul3A_760, %get3A_759 : vector<16xf32>
        %add3A_762 = arith.addf %add3A_752, %mul3A_761 : vector<16xf32>
        %swap3A_763 = arith.constant 1 : i32
        %swap3A_764 = arith.index_cast %swap3A_763 : i32 to index
        %swap3A_765 = arith.index_cast %mul3A_713 : i32 to index
        %swap3A_766 = tpu.vector_load %arg13[%swap3A_764, %swap3A_765] {strides = array<i32>} : memref<8x1024xf32, #tpu.memory_space<vmem>>, vector<1x16xf32>,
        %swap3A_767 = vector.shape_cast %swap3A_766 : vector<1x16xf32> to vector<16xf32>
        %swap3A_768 = vector.shape_cast %add3A_762 : vector<16xf32> to vector<1x16xf32>
        tpu.vector_store %arg13[%swap3A_764, %swap3A_765], %swap3A_768 {strides = array<i32>} : memref<8x1024xf32, #tpu.memory_space<vmem>>, vector<1x16xf32>,
        %scan3A_769 = arith.constant 0 : i32
        %scan3A_770 = arith.constant 7 : i32
        %scan3A_771 = arith.addi %scan3A_351, %scan3A_770 : i32
        %mul3A_772 = arith.constant 16 : i32
        %mul3A_773 = arith.muli %scan3A_771, %mul3A_772 : i32
        %get3A_774 = arith.constant 0 : i32
        %get3A_775 = arith.constant 1 : i32
        %get3A_776 = arith.index_cast %get3A_774 : i32 to index
        %get3A_777 = arith.index_cast %get3A_775 : i32 to index
        %get3A_778 = arith.index_cast %mul3A_773 : i32 to index
        %get3A_779 = tpu.vector_load %arg12[%get3A_776, %get3A_777, %get3A_778] {strides = array<i32>} : memref<5x8x1024xf32, #tpu.memory_space<vmem>>, vector<1x1x16xf32>,
        %get3A_780 = vector.shape_cast %get3A_779 : vector<1x1x16xf32> to vector<16xf32>
        %mul3A_781 = vector.broadcast %squeeze3A_155 : f32 to vector<16xf32>
        %mul3A_782 = arith.mulf %mul3A_781, %get3A_780 : vector<16xf32>
        %get3A_783 = arith.constant 1 : i32
        %get3A_784 = arith.constant 1 : i32
        %get3A_785 = arith.index_cast %get3A_783 : i32 to index
        %get3A_786 = arith.index_cast %get3A_784 : i32 to index
        %get3A_787 = arith.index_cast %mul3A_773 : i32 to index
        %get3A_788 = tpu.vector_load %arg12[%get3A_785, %get3A_786, %get3A_787] {strides = array<i32>} : memref<5x8x1024xf32, #tpu.memory_space<vmem>>, vector<1x1x16xf32>,
        %get3A_789 = vector.shape_cast %get3A_788 : vector<1x1x16xf32> to vector<16xf32>
        %mul3A_790 = vector.broadcast %squeeze3A_157 : f32 to vector<16xf32>
        %mul3A_791 = arith.mulf %mul3A_790, %get3A_789 : vector<16xf32>
        %add3A_792 = arith.addf %mul3A_782, %mul3A_791 : vector<16xf32>
        %get3A_793 = arith.constant 2 : i32
        %get3A_794 = arith.constant 1 : i32
        %get3A_795 = arith.index_cast %get3A_793 : i32 to index
        %get3A_796 = arith.index_cast %get3A_794 : i32 to index
        %get3A_797 = arith.index_cast %mul3A_773 : i32 to index
        %get3A_798 = tpu.vector_load %arg12[%get3A_795, %get3A_796, %get3A_797] {strides = array<i32>} : memref<5x8x1024xf32, #tpu.memory_space<vmem>>, vector<1x1x16xf32>,
        %get3A_799 = vector.shape_cast %get3A_798 : vector<1x1x16xf32> to vector<16xf32>
        %mul3A_800 = vector.broadcast %squeeze3A_159 : f32 to vector<16xf32>
        %mul3A_801 = arith.mulf %mul3A_800, %get3A_799 : vector<16xf32>
        %add3A_802 = arith.addf %add3A_792, %mul3A_801 : vector<16xf32>
        %get3A_803 = arith.constant 3 : i32
        %get3A_804 = arith.constant 1 : i32
        %get3A_805 = arith.index_cast %get3A_803 : i32 to index
        %get3A_806 = arith.index_cast %get3A_804 : i32 to index
        %get3A_807 = arith.index_cast %mul3A_773 : i32 to index
        %get3A_808 = tpu.vector_load %arg12[%get3A_805, %get3A_806, %get3A_807] {strides = array<i32>} : memref<5x8x1024xf32, #tpu.memory_space<vmem>>, vector<1x1x16xf32>,
        %get3A_809 = vector.shape_cast %get3A_808 : vector<1x1x16xf32> to vector<16xf32>
        %mul3A_810 = vector.broadcast %squeeze3A_161 : f32 to vector<16xf32>
        %mul3A_811 = arith.mulf %mul3A_810, %get3A_809 : vector<16xf32>
        %add3A_812 = arith.addf %add3A_802, %mul3A_811 : vector<16xf32>
        %get3A_813 = arith.constant 4 : i32
        %get3A_814 = arith.constant 1 : i32
        %get3A_815 = arith.index_cast %get3A_813 : i32 to index
        %get3A_816 = arith.index_cast %get3A_814 : i32 to index
        %get3A_817 = arith.index_cast %mul3A_773 : i32 to index
        %get3A_818 = tpu.vector_load %arg12[%get3A_815, %get3A_816, %get3A_817] {strides = array<i32>} : memref<5x8x1024xf32, #tpu.memory_space<vmem>>, vector<1x1x16xf32>,
        %get3A_819 = vector.shape_cast %get3A_818 : vector<1x1x16xf32> to vector<16xf32>
        %mul3A_820 = vector.broadcast %squeeze3A_163 : f32 to vector<16xf32>
        %mul3A_821 = arith.mulf %mul3A_820, %get3A_819 : vector<16xf32>
        %add3A_822 = arith.addf %add3A_812, %mul3A_821 : vector<16xf32>
        %swap3A_823 = arith.constant 1 : i32
        %swap3A_824 = arith.index_cast %swap3A_823 : i32 to index
        %swap3A_825 = arith.index_cast %mul3A_773 : i32 to index
        %swap3A_826 = tpu.vector_load %arg13[%swap3A_824, %swap3A_825] {strides = array<i32>} : memref<8x1024xf32, #tpu.memory_space<vmem>>, vector<1x16xf32>,
        %swap3A_827 = vector.shape_cast %swap3A_826 : vector<1x16xf32> to vector<16xf32>
        %swap3A_828 = vector.shape_cast %add3A_822 : vector<16xf32> to vector<1x16xf32>
        tpu.vector_store %arg13[%swap3A_824, %swap3A_825], %swap3A_828 {strides = array<i32>} : memref<8x1024xf32, #tpu.memory_space<vmem>>, vector<1x16xf32>,
        %scan3A_829 = arith.constant 0 : i32
        scf.yield %scan3A_829 : i32
      }
      %scan3A_170 = arith.constant 64 : i32
      %add3A_171 = arith.constant 2 : i32
      %add3A_172 = arith.addi %mul3A_127, %add3A_171 : i32
      %get3A_173 = arith.index_cast %add3A_172 : i32 to index
      %get3A_174 = arith.constant 0 : index
      %get3A_175 = tpu.vector_load %arg11[%get3A_173, %get3A_174] {strides = array<i32>} : memref<512x16xf32, #tpu.memory_space<vmem>>, vector<1x16xf32>,
      %get3A_176 = vector.shape_cast %get3A_175 : vector<1x16xf32> to vector<16xf32>
      %slice3A_177 = vector.extract_strided_slice %get3A_176 {offsets = [0], sizes = [1], strides = [1]} : vector<16xf32> to vector<1xf32>
      %squeeze3A_178 = vector.extract %slice3A_177[0] : f32 from vector<1xf32>
      %slice3A_179 = vector.extract_strided_slice %get3A_176 {offsets = [1], sizes = [1], strides = [1]} : vector<16xf32> to vector<1xf32>
      %squeeze3A_180 = vector.extract %slice3A_179[0] : f32 from vector<1xf32>
      %slice3A_181 = vector.extract_strided_slice %get3A_176 {offsets = [2], sizes = [1], strides = [1]} : vector<16xf32> to vector<1xf32>
      %squeeze3A_182 = vector.extract %slice3A_181[0] : f32 from vector<1xf32>
      %slice3A_183 = vector.extract_strided_slice %get3A_176 {offsets = [3], sizes = [1], strides = [1]} : vector<16xf32> to vector<1xf32>
      %squeeze3A_184 = vector.extract %slice3A_183[0] : f32 from vector<1xf32>
      %slice3A_185 = vector.extract_strided_slice %get3A_176 {offsets = [4], sizes = [1], strides = [1]} : vector<16xf32> to vector<1xf32>
      %squeeze3A_186 = vector.extract %slice3A_185[0] : f32 from vector<1xf32>
      %scan3A_187 = arith.constant 0 : i32
      %scan3A_188 = arith.constant 0 : i32
      %scan3A_189 = arith.constant 64 : i32
      %scan3A_190 = arith.addi %scan3A_188, %scan3A_189 : i32
      %scan3A_191 = arith.constant 8 : i32
      %scan3A_192 = scf.for %scan3A_351 = %scan3A_188 to %scan3A_190 step %scan3A_191 iter_args(%scan3A_352 = %scan3A_187) -> (i32)  : i32 {
        %mul3A_353 = arith.constant 16 : i32
        %mul3A_354 = arith.muli %scan3A_351, %mul3A_353 : i32
        %get3A_355 = arith.constant 0 : i32
        %get3A_356 = arith.constant 2 : i32
        %get3A_357 = arith.index_cast %get3A_355 : i32 to index
        %get3A_358 = arith.index_cast %get3A_356 : i32 to index
        %get3A_359 = arith.index_cast %mul3A_354 : i32 to index
        %get3A_360 = tpu.vector_load %arg12[%get3A_357, %get3A_358, %get3A_359] {strides = array<i32>} : memref<5x8x1024xf32, #tpu.memory_space<vmem>>, vector<1x1x16xf32>,
        %get3A_361 = vector.shape_cast %get3A_360 : vector<1x1x16xf32> to vector<16xf32>
        %mul3A_362 = vector.broadcast %squeeze3A_178 : f32 to vector<16xf32>
        %mul3A_363 = arith.mulf %mul3A_362, %get3A_361 : vector<16xf32>
        %get3A_364 = arith.constant 1 : i32
        %get3A_365 = arith.constant 2 : i32
        %get3A_366 = arith.index_cast %get3A_364 : i32 to index
        %get3A_367 = arith.index_cast %get3A_365 : i32 to index
        %get3A_368 = arith.index_cast %mul3A_354 : i32 to index
        %get3A_369 = tpu.vector_load %arg12[%get3A_366, %get3A_367, %get3A_368] {strides = array<i32>} : memref<5x8x1024xf32, #tpu.memory_space<vmem>>, vector<1x1x16xf32>,
        %get3A_370 = vector.shape_cast %get3A_369 : vector<1x1x16xf32> to vector<16xf32>
        %mul3A_371 = vector.broadcast %squeeze3A_180 : f32 to vector<16xf32>
        %mul3A_372 = arith.mulf %mul3A_371, %get3A_370 : vector<16xf32>
        %add3A_373 = arith.addf %mul3A_363, %mul3A_372 : vector<16xf32>
        %get3A_374 = arith.constant 2 : i32
        %get3A_375 = arith.constant 2 : i32
        %get3A_376 = arith.index_cast %get3A_374 : i32 to index
        %get3A_377 = arith.index_cast %get3A_375 : i32 to index
        %get3A_378 = arith.index_cast %mul3A_354 : i32 to index
        %get3A_379 = tpu.vector_load %arg12[%get3A_376, %get3A_377, %get3A_378] {strides = array<i32>} : memref<5x8x1024xf32, #tpu.memory_space<vmem>>, vector<1x1x16xf32>,
        %get3A_380 = vector.shape_cast %get3A_379 : vector<1x1x16xf32> to vector<16xf32>
        %mul3A_381 = vector.broadcast %squeeze3A_182 : f32 to vector<16xf32>
        %mul3A_382 = arith.mulf %mul3A_381, %get3A_380 : vector<16xf32>
        %add3A_383 = arith.addf %add3A_373, %mul3A_382 : vector<16xf32>
        %get3A_384 = arith.constant 3 : i32
        %get3A_385 = arith.constant 2 : i32
        %get3A_386 = arith.index_cast %get3A_384 : i32 to index
        %get3A_387 = arith.index_cast %get3A_385 : i32 to index
        %get3A_388 = arith.index_cast %mul3A_354 : i32 to index
        %get3A_389 = tpu.vector_load %arg12[%get3A_386, %get3A_387, %get3A_388] {strides = array<i32>} : memref<5x8x1024xf32, #tpu.memory_space<vmem>>, vector<1x1x16xf32>,
        %get3A_390 = vector.shape_cast %get3A_389 : vector<1x1x16xf32> to vector<16xf32>
        %mul3A_391 = vector.broadcast %squeeze3A_184 : f32 to vector<16xf32>
        %mul3A_392 = arith.mulf %mul3A_391, %get3A_390 : vector<16xf32>
        %add3A_393 = arith.addf %add3A_383, %mul3A_392 : vector<16xf32>
        %get3A_394 = arith.constant 4 : i32
        %get3A_395 = arith.constant 2 : i32
        %get3A_396 = arith.index_cast %get3A_394 : i32 to index
        %get3A_397 = arith.index_cast %get3A_395 : i32 to index
        %get3A_398 = arith.index_cast %mul3A_354 : i32 to index
        %get3A_399 = tpu.vector_load %arg12[%get3A_396, %get3A_397, %get3A_398] {strides = array<i32>} : memref<5x8x1024xf32, #tpu.memory_space<vmem>>, vector<1x1x16xf32>,
        %get3A_400 = vector.shape_cast %get3A_399 : vector<1x1x16xf32> to vector<16xf32>
        %mul3A_401 = vector.broadcast %squeeze3A_186 : f32 to vector<16xf32>
        %mul3A_402 = arith.mulf %mul3A_401, %get3A_400 : vector<16xf32>
        %add3A_403 = arith.addf %add3A_393, %mul3A_402 : vector<16xf32>
        %swap3A = arith.constant 2 : i32
        %swap3A_404 = arith.index_cast %swap3A : i32 to index
        %swap3A_405 = arith.index_cast %mul3A_354 : i32 to index
        %swap3A_406 = tpu.vector_load %arg13[%swap3A_404, %swap3A_405] {strides = array<i32>} : memref<8x1024xf32, #tpu.memory_space<vmem>>, vector<1x16xf32>,
        %swap3A_407 = vector.shape_cast %swap3A_406 : vector<1x16xf32> to vector<16xf32>
        %swap3A_408 = vector.shape_cast %add3A_403 : vector<16xf32> to vector<1x16xf32>
        tpu.vector_store %arg13[%swap3A_404, %swap3A_405], %swap3A_408 {strides = array<i32>} : memref<8x1024xf32, #tpu.memory_space<vmem>>, vector<1x16xf32>,
        %scan3A_409 = arith.constant 0 : i32
        %scan3A_410 = arith.constant 1 : i32
        %scan3A_411 = arith.addi %scan3A_351, %scan3A_410 : i32
        %mul3A_412 = arith.constant 16 : i32
        %mul3A_413 = arith.muli %scan3A_411, %mul3A_412 : i32
        %get3A_414 = arith.constant 0 : i32
        %get3A_415 = arith.constant 2 : i32
        %get3A_416 = arith.index_cast %get3A_414 : i32 to index
        %get3A_417 = arith.index_cast %get3A_415 : i32 to index
        %get3A_418 = arith.index_cast %mul3A_413 : i32 to index
        %get3A_419 = tpu.vector_load %arg12[%get3A_416, %get3A_417, %get3A_418] {strides = array<i32>} : memref<5x8x1024xf32, #tpu.memory_space<vmem>>, vector<1x1x16xf32>,
        %get3A_420 = vector.shape_cast %get3A_419 : vector<1x1x16xf32> to vector<16xf32>
        %mul3A_421 = vector.broadcast %squeeze3A_178 : f32 to vector<16xf32>
        %mul3A_422 = arith.mulf %mul3A_421, %get3A_420 : vector<16xf32>
        %get3A_423 = arith.constant 1 : i32
        %get3A_424 = arith.constant 2 : i32
        %get3A_425 = arith.index_cast %get3A_423 : i32 to index
        %get3A_426 = arith.index_cast %get3A_424 : i32 to index
        %get3A_427 = arith.index_cast %mul3A_413 : i32 to index
        %get3A_428 = tpu.vector_load %arg12[%get3A_425, %get3A_426, %get3A_427] {strides = array<i32>} : memref<5x8x1024xf32, #tpu.memory_space<vmem>>, vector<1x1x16xf32>,
        %get3A_429 = vector.shape_cast %get3A_428 : vector<1x1x16xf32> to vector<16xf32>
        %mul3A_430 = vector.broadcast %squeeze3A_180 : f32 to vector<16xf32>
        %mul3A_431 = arith.mulf %mul3A_430, %get3A_429 : vector<16xf32>
        %add3A_432 = arith.addf %mul3A_422, %mul3A_431 : vector<16xf32>
        %get3A_433 = arith.constant 2 : i32
        %get3A_434 = arith.constant 2 : i32
        %get3A_435 = arith.index_cast %get3A_433 : i32 to index
        %get3A_436 = arith.index_cast %get3A_434 : i32 to index
        %get3A_437 = arith.index_cast %mul3A_413 : i32 to index
        %get3A_438 = tpu.vector_load %arg12[%get3A_435, %get3A_436, %get3A_437] {strides = array<i32>} : memref<5x8x1024xf32, #tpu.memory_space<vmem>>, vector<1x1x16xf32>,
        %get3A_439 = vector.shape_cast %get3A_438 : vector<1x1x16xf32> to vector<16xf32>
        %mul3A_440 = vector.broadcast %squeeze3A_182 : f32 to vector<16xf32>
        %mul3A_441 = arith.mulf %mul3A_440, %get3A_439 : vector<16xf32>
        %add3A_442 = arith.addf %add3A_432, %mul3A_441 : vector<16xf32>
        %get3A_443 = arith.constant 3 : i32
        %get3A_444 = arith.constant 2 : i32
        %get3A_445 = arith.index_cast %get3A_443 : i32 to index
        %get3A_446 = arith.index_cast %get3A_444 : i32 to index
        %get3A_447 = arith.index_cast %mul3A_413 : i32 to index
        %get3A_448 = tpu.vector_load %arg12[%get3A_445, %get3A_446, %get3A_447] {strides = array<i32>} : memref<5x8x1024xf32, #tpu.memory_space<vmem>>, vector<1x1x16xf32>,
        %get3A_449 = vector.shape_cast %get3A_448 : vector<1x1x16xf32> to vector<16xf32>
        %mul3A_450 = vector.broadcast %squeeze3A_184 : f32 to vector<16xf32>
        %mul3A_451 = arith.mulf %mul3A_450, %get3A_449 : vector<16xf32>
        %add3A_452 = arith.addf %add3A_442, %mul3A_451 : vector<16xf32>
        %get3A_453 = arith.constant 4 : i32
        %get3A_454 = arith.constant 2 : i32
        %get3A_455 = arith.index_cast %get3A_453 : i32 to index
        %get3A_456 = arith.index_cast %get3A_454 : i32 to index
        %get3A_457 = arith.index_cast %mul3A_413 : i32 to index
        %get3A_458 = tpu.vector_load %arg12[%get3A_455, %get3A_456, %get3A_457] {strides = array<i32>} : memref<5x8x1024xf32, #tpu.memory_space<vmem>>, vector<1x1x16xf32>,
        %get3A_459 = vector.shape_cast %get3A_458 : vector<1x1x16xf32> to vector<16xf32>
        %mul3A_460 = vector.broadcast %squeeze3A_186 : f32 to vector<16xf32>
        %mul3A_461 = arith.mulf %mul3A_460, %get3A_459 : vector<16xf32>
        %add3A_462 = arith.addf %add3A_452, %mul3A_461 : vector<16xf32>
        %swap3A_463 = arith.constant 2 : i32
        %swap3A_464 = arith.index_cast %swap3A_463 : i32 to index
        %swap3A_465 = arith.index_cast %mul3A_413 : i32 to index
        %swap3A_466 = tpu.vector_load %arg13[%swap3A_464, %swap3A_465] {strides = array<i32>} : memref<8x1024xf32, #tpu.memory_space<vmem>>, vector<1x16xf32>,
        %swap3A_467 = vector.shape_cast %swap3A_466 : vector<1x16xf32> to vector<16xf32>
        %swap3A_468 = vector.shape_cast %add3A_462 : vector<16xf32> to vector<1x16xf32>
        tpu.vector_store %arg13[%swap3A_464, %swap3A_465], %swap3A_468 {strides = array<i32>} : memref<8x1024xf32, #tpu.memory_space<vmem>>, vector<1x16xf32>,
        %scan3A_469 = arith.constant 0 : i32
        %scan3A_470 = arith.constant 2 : i32
        %scan3A_471 = arith.addi %scan3A_351, %scan3A_470 : i32
        %mul3A_472 = arith.constant 16 : i32
        %mul3A_473 = arith.muli %scan3A_471, %mul3A_472 : i32
        %get3A_474 = arith.constant 0 : i32
        %get3A_475 = arith.constant 2 : i32
        %get3A_476 = arith.index_cast %get3A_474 : i32 to index
        %get3A_477 = arith.index_cast %get3A_475 : i32 to index
        %get3A_478 = arith.index_cast %mul3A_473 : i32 to index
        %get3A_479 = tpu.vector_load %arg12[%get3A_476, %get3A_477, %get3A_478] {strides = array<i32>} : memref<5x8x1024xf32, #tpu.memory_space<vmem>>, vector<1x1x16xf32>,
        %get3A_480 = vector.shape_cast %get3A_479 : vector<1x1x16xf32> to vector<16xf32>
        %mul3A_481 = vector.broadcast %squeeze3A_178 : f32 to vector<16xf32>
        %mul3A_482 = arith.mulf %mul3A_481, %get3A_480 : vector<16xf32>
        %get3A_483 = arith.constant 1 : i32
        %get3A_484 = arith.constant 2 : i32
        %get3A_485 = arith.index_cast %get3A_483 : i32 to index
        %get3A_486 = arith.index_cast %get3A_484 : i32 to index
        %get3A_487 = arith.index_cast %mul3A_473 : i32 to index
        %get3A_488 = tpu.vector_load %arg12[%get3A_485, %get3A_486, %get3A_487] {strides = array<i32>} : memref<5x8x1024xf32, #tpu.memory_space<vmem>>, vector<1x1x16xf32>,
        %get3A_489 = vector.shape_cast %get3A_488 : vector<1x1x16xf32> to vector<16xf32>
        %mul3A_490 = vector.broadcast %squeeze3A_180 : f32 to vector<16xf32>
        %mul3A_491 = arith.mulf %mul3A_490, %get3A_489 : vector<16xf32>
        %add3A_492 = arith.addf %mul3A_482, %mul3A_491 : vector<16xf32>
        %get3A_493 = arith.constant 2 : i32
        %get3A_494 = arith.constant 2 : i32
        %get3A_495 = arith.index_cast %get3A_493 : i32 to index
        %get3A_496 = arith.index_cast %get3A_494 : i32 to index
        %get3A_497 = arith.index_cast %mul3A_473 : i32 to index
        %get3A_498 = tpu.vector_load %arg12[%get3A_495, %get3A_496, %get3A_497] {strides = array<i32>} : memref<5x8x1024xf32, #tpu.memory_space<vmem>>, vector<1x1x16xf32>,
        %get3A_499 = vector.shape_cast %get3A_498 : vector<1x1x16xf32> to vector<16xf32>
        %mul3A_500 = vector.broadcast %squeeze3A_182 : f32 to vector<16xf32>
        %mul3A_501 = arith.mulf %mul3A_500, %get3A_499 : vector<16xf32>
        %add3A_502 = arith.addf %add3A_492, %mul3A_501 : vector<16xf32>
        %get3A_503 = arith.constant 3 : i32
        %get3A_504 = arith.constant 2 : i32
        %get3A_505 = arith.index_cast %get3A_503 : i32 to index
        %get3A_506 = arith.index_cast %get3A_504 : i32 to index
        %get3A_507 = arith.index_cast %mul3A_473 : i32 to index
        %get3A_508 = tpu.vector_load %arg12[%get3A_505, %get3A_506, %get3A_507] {strides = array<i32>} : memref<5x8x1024xf32, #tpu.memory_space<vmem>>, vector<1x1x16xf32>,
        %get3A_509 = vector.shape_cast %get3A_508 : vector<1x1x16xf32> to vector<16xf32>
        %mul3A_510 = vector.broadcast %squeeze3A_184 : f32 to vector<16xf32>
        %mul3A_511 = arith.mulf %mul3A_510, %get3A_509 : vector<16xf32>
        %add3A_512 = arith.addf %add3A_502, %mul3A_511 : vector<16xf32>
        %get3A_513 = arith.constant 4 : i32
        %get3A_514 = arith.constant 2 : i32
        %get3A_515 = arith.index_cast %get3A_513 : i32 to index
        %get3A_516 = arith.index_cast %get3A_514 : i32 to index
        %get3A_517 = arith.index_cast %mul3A_473 : i32 to index
        %get3A_518 = tpu.vector_load %arg12[%get3A_515, %get3A_516, %get3A_517] {strides = array<i32>} : memref<5x8x1024xf32, #tpu.memory_space<vmem>>, vector<1x1x16xf32>,
        %get3A_519 = vector.shape_cast %get3A_518 : vector<1x1x16xf32> to vector<16xf32>
        %mul3A_520 = vector.broadcast %squeeze3A_186 : f32 to vector<16xf32>
        %mul3A_521 = arith.mulf %mul3A_520, %get3A_519 : vector<16xf32>
        %add3A_522 = arith.addf %add3A_512, %mul3A_521 : vector<16xf32>
        %swap3A_523 = arith.constant 2 : i32
        %swap3A_524 = arith.index_cast %swap3A_523 : i32 to index
        %swap3A_525 = arith.index_cast %mul3A_473 : i32 to index
        %swap3A_526 = tpu.vector_load %arg13[%swap3A_524, %swap3A_525] {strides = array<i32>} : memref<8x1024xf32, #tpu.memory_space<vmem>>, vector<1x16xf32>,
        %swap3A_527 = vector.shape_cast %swap3A_526 : vector<1x16xf32> to vector<16xf32>
        %swap3A_528 = vector.shape_cast %add3A_522 : vector<16xf32> to vector<1x16xf32>
        tpu.vector_store %arg13[%swap3A_524, %swap3A_525], %swap3A_528 {strides = array<i32>} : memref<8x1024xf32, #tpu.memory_space<vmem>>, vector<1x16xf32>,
        %scan3A_529 = arith.constant 0 : i32
        %scan3A_530 = arith.constant 3 : i32
        %scan3A_531 = arith.addi %scan3A_351, %scan3A_530 : i32
        %mul3A_532 = arith.constant 16 : i32
        %mul3A_533 = arith.muli %scan3A_531, %mul3A_532 : i32
        %get3A_534 = arith.constant 0 : i32
        %get3A_535 = arith.constant 2 : i32
        %get3A_536 = arith.index_cast %get3A_534 : i32 to index
        %get3A_537 = arith.index_cast %get3A_535 : i32 to index
        %get3A_538 = arith.index_cast %mul3A_533 : i32 to index
        %get3A_539 = tpu.vector_load %arg12[%get3A_536, %get3A_537, %get3A_538] {strides = array<i32>} : memref<5x8x1024xf32, #tpu.memory_space<vmem>>, vector<1x1x16xf32>,
        %get3A_540 = vector.shape_cast %get3A_539 : vector<1x1x16xf32> to vector<16xf32>
        %mul3A_541 = vector.broadcast %squeeze3A_178 : f32 to vector<16xf32>
        %mul3A_542 = arith.mulf %mul3A_541, %get3A_540 : vector<16xf32>
        %get3A_543 = arith.constant 1 : i32
        %get3A_544 = arith.constant 2 : i32
        %get3A_545 = arith.index_cast %get3A_543 : i32 to index
        %get3A_546 = arith.index_cast %get3A_544 : i32 to index
        %get3A_547 = arith.index_cast %mul3A_533 : i32 to index
        %get3A_548 = tpu.vector_load %arg12[%get3A_545, %get3A_546, %get3A_547] {strides = array<i32>} : memref<5x8x1024xf32, #tpu.memory_space<vmem>>, vector<1x1x16xf32>,
        %get3A_549 = vector.shape_cast %get3A_548 : vector<1x1x16xf32> to vector<16xf32>
        %mul3A_550 = vector.broadcast %squeeze3A_180 : f32 to vector<16xf32>
        %mul3A_551 = arith.mulf %mul3A_550, %get3A_549 : vector<16xf32>
        %add3A_552 = arith.addf %mul3A_542, %mul3A_551 : vector<16xf32>
        %get3A_553 = arith.constant 2 : i32
        %get3A_554 = arith.constant 2 : i32
        %get3A_555 = arith.index_cast %get3A_553 : i32 to index
        %get3A_556 = arith.index_cast %get3A_554 : i32 to index
        %get3A_557 = arith.index_cast %mul3A_533 : i32 to index
        %get3A_558 = tpu.vector_load %arg12[%get3A_555, %get3A_556, %get3A_557] {strides = array<i32>} : memref<5x8x1024xf32, #tpu.memory_space<vmem>>, vector<1x1x16xf32>,
        %get3A_559 = vector.shape_cast %get3A_558 : vector<1x1x16xf32> to vector<16xf32>
        %mul3A_560 = vector.broadcast %squeeze3A_182 : f32 to vector<16xf32>
        %mul3A_561 = arith.mulf %mul3A_560, %get3A_559 : vector<16xf32>
        %add3A_562 = arith.addf %add3A_552, %mul3A_561 : vector<16xf32>
        %get3A_563 = arith.constant 3 : i32
        %get3A_564 = arith.constant 2 : i32
        %get3A_565 = arith.index_cast %get3A_563 : i32 to index
        %get3A_566 = arith.index_cast %get3A_564 : i32 to index
        %get3A_567 = arith.index_cast %mul3A_533 : i32 to index
        %get3A_568 = tpu.vector_load %arg12[%get3A_565, %get3A_566, %get3A_567] {strides = array<i32>} : memref<5x8x1024xf32, #tpu.memory_space<vmem>>, vector<1x1x16xf32>,
        %get3A_569 = vector.shape_cast %get3A_568 : vector<1x1x16xf32> to vector<16xf32>
        %mul3A_570 = vector.broadcast %squeeze3A_184 : f32 to vector<16xf32>
        %mul3A_571 = arith.mulf %mul3A_570, %get3A_569 : vector<16xf32>
        %add3A_572 = arith.addf %add3A_562, %mul3A_571 : vector<16xf32>
        %get3A_573 = arith.constant 4 : i32
        %get3A_574 = arith.constant 2 : i32
        %get3A_575 = arith.index_cast %get3A_573 : i32 to index
        %get3A_576 = arith.index_cast %get3A_574 : i32 to index
        %get3A_577 = arith.index_cast %mul3A_533 : i32 to index
        %get3A_578 = tpu.vector_load %arg12[%get3A_575, %get3A_576, %get3A_577] {strides = array<i32>} : memref<5x8x1024xf32, #tpu.memory_space<vmem>>, vector<1x1x16xf32>,
        %get3A_579 = vector.shape_cast %get3A_578 : vector<1x1x16xf32> to vector<16xf32>
        %mul3A_580 = vector.broadcast %squeeze3A_186 : f32 to vector<16xf32>
        %mul3A_581 = arith.mulf %mul3A_580, %get3A_579 : vector<16xf32>
        %add3A_582 = arith.addf %add3A_572, %mul3A_581 : vector<16xf32>
        %swap3A_583 = arith.constant 2 : i32
        %swap3A_584 = arith.index_cast %swap3A_583 : i32 to index
        %swap3A_585 = arith.index_cast %mul3A_533 : i32 to index
        %swap3A_586 = tpu.vector_load %arg13[%swap3A_584, %swap3A_585] {strides = array<i32>} : memref<8x1024xf32, #tpu.memory_space<vmem>>, vector<1x16xf32>,
        %swap3A_587 = vector.shape_cast %swap3A_586 : vector<1x16xf32> to vector<16xf32>
        %swap3A_588 = vector.shape_cast %add3A_582 : vector<16xf32> to vector<1x16xf32>
        tpu.vector_store %arg13[%swap3A_584, %swap3A_585], %swap3A_588 {strides = array<i32>} : memref<8x1024xf32, #tpu.memory_space<vmem>>, vector<1x16xf32>,
        %scan3A_589 = arith.constant 0 : i32
        %scan3A_590 = arith.constant 4 : i32
        %scan3A_591 = arith.addi %scan3A_351, %scan3A_590 : i32
        %mul3A_592 = arith.constant 16 : i32
        %mul3A_593 = arith.muli %scan3A_591, %mul3A_592 : i32
        %get3A_594 = arith.constant 0 : i32
        %get3A_595 = arith.constant 2 : i32
        %get3A_596 = arith.index_cast %get3A_594 : i32 to index
        %get3A_597 = arith.index_cast %get3A_595 : i32 to index
        %get3A_598 = arith.index_cast %mul3A_593 : i32 to index
        %get3A_599 = tpu.vector_load %arg12[%get3A_596, %get3A_597, %get3A_598] {strides = array<i32>} : memref<5x8x1024xf32, #tpu.memory_space<vmem>>, vector<1x1x16xf32>,
        %get3A_600 = vector.shape_cast %get3A_599 : vector<1x1x16xf32> to vector<16xf32>
        %mul3A_601 = vector.broadcast %squeeze3A_178 : f32 to vector<16xf32>
        %mul3A_602 = arith.mulf %mul3A_601, %get3A_600 : vector<16xf32>
        %get3A_603 = arith.constant 1 : i32
        %get3A_604 = arith.constant 2 : i32
        %get3A_605 = arith.index_cast %get3A_603 : i32 to index
        %get3A_606 = arith.index_cast %get3A_604 : i32 to index
        %get3A_607 = arith.index_cast %mul3A_593 : i32 to index
        %get3A_608 = tpu.vector_load %arg12[%get3A_605, %get3A_606, %get3A_607] {strides = array<i32>} : memref<5x8x1024xf32, #tpu.memory_space<vmem>>, vector<1x1x16xf32>,
        %get3A_609 = vector.shape_cast %get3A_608 : vector<1x1x16xf32> to vector<16xf32>
        %mul3A_610 = vector.broadcast %squeeze3A_180 : f32 to vector<16xf32>
        %mul3A_611 = arith.mulf %mul3A_610, %get3A_609 : vector<16xf32>
        %add3A_612 = arith.addf %mul3A_602, %mul3A_611 : vector<16xf32>
        %get3A_613 = arith.constant 2 : i32
        %get3A_614 = arith.constant 2 : i32
        %get3A_615 = arith.index_cast %get3A_613 : i32 to index
        %get3A_616 = arith.index_cast %get3A_614 : i32 to index
        %get3A_617 = arith.index_cast %mul3A_593 : i32 to index
        %get3A_618 = tpu.vector_load %arg12[%get3A_615, %get3A_616, %get3A_617] {strides = array<i32>} : memref<5x8x1024xf32, #tpu.memory_space<vmem>>, vector<1x1x16xf32>,
        %get3A_619 = vector.shape_cast %get3A_618 : vector<1x1x16xf32> to vector<16xf32>
        %mul3A_620 = vector.broadcast %squeeze3A_182 : f32 to vector<16xf32>
        %mul3A_621 = arith.mulf %mul3A_620, %get3A_619 : vector<16xf32>
        %add3A_622 = arith.addf %add3A_612, %mul3A_621 : vector<16xf32>
        %get3A_623 = arith.constant 3 : i32
        %get3A_624 = arith.constant 2 : i32
        %get3A_625 = arith.index_cast %get3A_623 : i32 to index
        %get3A_626 = arith.index_cast %get3A_624 : i32 to index
        %get3A_627 = arith.index_cast %mul3A_593 : i32 to index
        %get3A_628 = tpu.vector_load %arg12[%get3A_625, %get3A_626, %get3A_627] {strides = array<i32>} : memref<5x8x1024xf32, #tpu.memory_space<vmem>>, vector<1x1x16xf32>,
        %get3A_629 = vector.shape_cast %get3A_628 : vector<1x1x16xf32> to vector<16xf32>
        %mul3A_630 = vector.broadcast %squeeze3A_184 : f32 to vector<16xf32>
        %mul3A_631 = arith.mulf %mul3A_630, %get3A_629 : vector<16xf32>
        %add3A_632 = arith.addf %add3A_622, %mul3A_631 : vector<16xf32>
        %get3A_633 = arith.constant 4 : i32
        %get3A_634 = arith.constant 2 : i32
        %get3A_635 = arith.index_cast %get3A_633 : i32 to index
        %get3A_636 = arith.index_cast %get3A_634 : i32 to index
        %get3A_637 = arith.index_cast %mul3A_593 : i32 to index
        %get3A_638 = tpu.vector_load %arg12[%get3A_635, %get3A_636, %get3A_637] {strides = array<i32>} : memref<5x8x1024xf32, #tpu.memory_space<vmem>>, vector<1x1x16xf32>,
        %get3A_639 = vector.shape_cast %get3A_638 : vector<1x1x16xf32> to vector<16xf32>
        %mul3A_640 = vector.broadcast %squeeze3A_186 : f32 to vector<16xf32>
        %mul3A_641 = arith.mulf %mul3A_640, %get3A_639 : vector<16xf32>
        %add3A_642 = arith.addf %add3A_632, %mul3A_641 : vector<16xf32>
        %swap3A_643 = arith.constant 2 : i32
        %swap3A_644 = arith.index_cast %swap3A_643 : i32 to index
        %swap3A_645 = arith.index_cast %mul3A_593 : i32 to index
        %swap3A_646 = tpu.vector_load %arg13[%swap3A_644, %swap3A_645] {strides = array<i32>} : memref<8x1024xf32, #tpu.memory_space<vmem>>, vector<1x16xf32>,
        %swap3A_647 = vector.shape_cast %swap3A_646 : vector<1x16xf32> to vector<16xf32>
        %swap3A_648 = vector.shape_cast %add3A_642 : vector<16xf32> to vector<1x16xf32>
        tpu.vector_store %arg13[%swap3A_644, %swap3A_645], %swap3A_648 {strides = array<i32>} : memref<8x1024xf32, #tpu.memory_space<vmem>>, vector<1x16xf32>,
        %scan3A_649 = arith.constant 0 : i32
        %scan3A_650 = arith.constant 5 : i32
        %scan3A_651 = arith.addi %scan3A_351, %scan3A_650 : i32
        %mul3A_652 = arith.constant 16 : i32
        %mul3A_653 = arith.muli %scan3A_651, %mul3A_652 : i32
        %get3A_654 = arith.constant 0 : i32
        %get3A_655 = arith.constant 2 : i32
        %get3A_656 = arith.index_cast %get3A_654 : i32 to index
        %get3A_657 = arith.index_cast %get3A_655 : i32 to index
        %get3A_658 = arith.index_cast %mul3A_653 : i32 to index
        %get3A_659 = tpu.vector_load %arg12[%get3A_656, %get3A_657, %get3A_658] {strides = array<i32>} : memref<5x8x1024xf32, #tpu.memory_space<vmem>>, vector<1x1x16xf32>,
        %get3A_660 = vector.shape_cast %get3A_659 : vector<1x1x16xf32> to vector<16xf32>
        %mul3A_661 = vector.broadcast %squeeze3A_178 : f32 to vector<16xf32>
        %mul3A_662 = arith.mulf %mul3A_661, %get3A_660 : vector<16xf32>
        %get3A_663 = arith.constant 1 : i32
        %get3A_664 = arith.constant 2 : i32
        %get3A_665 = arith.index_cast %get3A_663 : i32 to index
        %get3A_666 = arith.index_cast %get3A_664 : i32 to index
        %get3A_667 = arith.index_cast %mul3A_653 : i32 to index
        %get3A_668 = tpu.vector_load %arg12[%get3A_665, %get3A_666, %get3A_667] {strides = array<i32>} : memref<5x8x1024xf32, #tpu.memory_space<vmem>>, vector<1x1x16xf32>,
        %get3A_669 = vector.shape_cast %get3A_668 : vector<1x1x16xf32> to vector<16xf32>
        %mul3A_670 = vector.broadcast %squeeze3A_180 : f32 to vector<16xf32>
        %mul3A_671 = arith.mulf %mul3A_670, %get3A_669 : vector<16xf32>
        %add3A_672 = arith.addf %mul3A_662, %mul3A_671 : vector<16xf32>
        %get3A_673 = arith.constant 2 : i32
        %get3A_674 = arith.constant 2 : i32
        %get3A_675 = arith.index_cast %get3A_673 : i32 to index
        %get3A_676 = arith.index_cast %get3A_674 : i32 to index
        %get3A_677 = arith.index_cast %mul3A_653 : i32 to index
        %get3A_678 = tpu.vector_load %arg12[%get3A_675, %get3A_676, %get3A_677] {strides = array<i32>} : memref<5x8x1024xf32, #tpu.memory_space<vmem>>, vector<1x1x16xf32>,
        %get3A_679 = vector.shape_cast %get3A_678 : vector<1x1x16xf32> to vector<16xf32>
        %mul3A_680 = vector.broadcast %squeeze3A_182 : f32 to vector<16xf32>
        %mul3A_681 = arith.mulf %mul3A_680, %get3A_679 : vector<16xf32>
        %add3A_682 = arith.addf %add3A_672, %mul3A_681 : vector<16xf32>
        %get3A_683 = arith.constant 3 : i32
        %get3A_684 = arith.constant 2 : i32
        %get3A_685 = arith.index_cast %get3A_683 : i32 to index
        %get3A_686 = arith.index_cast %get3A_684 : i32 to index
        %get3A_687 = arith.index_cast %mul3A_653 : i32 to index
        %get3A_688 = tpu.vector_load %arg12[%get3A_685, %get3A_686, %get3A_687] {strides = array<i32>} : memref<5x8x1024xf32, #tpu.memory_space<vmem>>, vector<1x1x16xf32>,
        %get3A_689 = vector.shape_cast %get3A_688 : vector<1x1x16xf32> to vector<16xf32>
        %mul3A_690 = vector.broadcast %squeeze3A_184 : f32 to vector<16xf32>
        %mul3A_691 = arith.mulf %mul3A_690, %get3A_689 : vector<16xf32>
        %add3A_692 = arith.addf %add3A_682, %mul3A_691 : vector<16xf32>
        %get3A_693 = arith.constant 4 : i32
        %get3A_694 = arith.constant 2 : i32
        %get3A_695 = arith.index_cast %get3A_693 : i32 to index
        %get3A_696 = arith.index_cast %get3A_694 : i32 to index
        %get3A_697 = arith.index_cast %mul3A_653 : i32 to index
        %get3A_698 = tpu.vector_load %arg12[%get3A_695, %get3A_696, %get3A_697] {strides = array<i32>} : memref<5x8x1024xf32, #tpu.memory_space<vmem>>, vector<1x1x16xf32>,
        %get3A_699 = vector.shape_cast %get3A_698 : vector<1x1x16xf32> to vector<16xf32>
        %mul3A_700 = vector.broadcast %squeeze3A_186 : f32 to vector<16xf32>
        %mul3A_701 = arith.mulf %mul3A_700, %get3A_699 : vector<16xf32>
        %add3A_702 = arith.addf %add3A_692, %mul3A_701 : vector<16xf32>
        %swap3A_703 = arith.constant 2 : i32
        %swap3A_704 = arith.index_cast %swap3A_703 : i32 to index
        %swap3A_705 = arith.index_cast %mul3A_653 : i32 to index
        %swap3A_706 = tpu.vector_load %arg13[%swap3A_704, %swap3A_705] {strides = array<i32>} : memref<8x1024xf32, #tpu.memory_space<vmem>>, vector<1x16xf32>,
        %swap3A_707 = vector.shape_cast %swap3A_706 : vector<1x16xf32> to vector<16xf32>
        %swap3A_708 = vector.shape_cast %add3A_702 : vector<16xf32> to vector<1x16xf32>
        tpu.vector_store %arg13[%swap3A_704, %swap3A_705], %swap3A_708 {strides = array<i32>} : memref<8x1024xf32, #tpu.memory_space<vmem>>, vector<1x16xf32>,
        %scan3A_709 = arith.constant 0 : i32
        %scan3A_710 = arith.constant 6 : i32
        %scan3A_711 = arith.addi %scan3A_351, %scan3A_710 : i32
        %mul3A_712 = arith.constant 16 : i32
        %mul3A_713 = arith.muli %scan3A_711, %mul3A_712 : i32
        %get3A_714 = arith.constant 0 : i32
        %get3A_715 = arith.constant 2 : i32
        %get3A_716 = arith.index_cast %get3A_714 : i32 to index
        %get3A_717 = arith.index_cast %get3A_715 : i32 to index
        %get3A_718 = arith.index_cast %mul3A_713 : i32 to index
        %get3A_719 = tpu.vector_load %arg12[%get3A_716, %get3A_717, %get3A_718] {strides = array<i32>} : memref<5x8x1024xf32, #tpu.memory_space<vmem>>, vector<1x1x16xf32>,
        %get3A_720 = vector.shape_cast %get3A_719 : vector<1x1x16xf32> to vector<16xf32>
        %mul3A_721 = vector.broadcast %squeeze3A_178 : f32 to vector<16xf32>
        %mul3A_722 = arith.mulf %mul3A_721, %get3A_720 : vector<16xf32>
        %get3A_723 = arith.constant 1 : i32
        %get3A_724 = arith.constant 2 : i32
        %get3A_725 = arith.index_cast %get3A_723 : i32 to index
        %get3A_726 = arith.index_cast %get3A_724 : i32 to index
        %get3A_727 = arith.index_cast %mul3A_713 : i32 to index
        %get3A_728 = tpu.vector_load %arg12[%get3A_725, %get3A_726, %get3A_727] {strides = array<i32>} : memref<5x8x1024xf32, #tpu.memory_space<vmem>>, vector<1x1x16xf32>,
        %get3A_729 = vector.shape_cast %get3A_728 : vector<1x1x16xf32> to vector<16xf32>
        %mul3A_730 = vector.broadcast %squeeze3A_180 : f32 to vector<16xf32>
        %mul3A_731 = arith.mulf %mul3A_730, %get3A_729 : vector<16xf32>
        %add3A_732 = arith.addf %mul3A_722, %mul3A_731 : vector<16xf32>
        %get3A_733 = arith.constant 2 : i32
        %get3A_734 = arith.constant 2 : i32
        %get3A_735 = arith.index_cast %get3A_733 : i32 to index
        %get3A_736 = arith.index_cast %get3A_734 : i32 to index
        %get3A_737 = arith.index_cast %mul3A_713 : i32 to index
        %get3A_738 = tpu.vector_load %arg12[%get3A_735, %get3A_736, %get3A_737] {strides = array<i32>} : memref<5x8x1024xf32, #tpu.memory_space<vmem>>, vector<1x1x16xf32>,
        %get3A_739 = vector.shape_cast %get3A_738 : vector<1x1x16xf32> to vector<16xf32>
        %mul3A_740 = vector.broadcast %squeeze3A_182 : f32 to vector<16xf32>
        %mul3A_741 = arith.mulf %mul3A_740, %get3A_739 : vector<16xf32>
        %add3A_742 = arith.addf %add3A_732, %mul3A_741 : vector<16xf32>
        %get3A_743 = arith.constant 3 : i32
        %get3A_744 = arith.constant 2 : i32
        %get3A_745 = arith.index_cast %get3A_743 : i32 to index
        %get3A_746 = arith.index_cast %get3A_744 : i32 to index
        %get3A_747 = arith.index_cast %mul3A_713 : i32 to index
        %get3A_748 = tpu.vector_load %arg12[%get3A_745, %get3A_746, %get3A_747] {strides = array<i32>} : memref<5x8x1024xf32, #tpu.memory_space<vmem>>, vector<1x1x16xf32>,
        %get3A_749 = vector.shape_cast %get3A_748 : vector<1x1x16xf32> to vector<16xf32>
        %mul3A_750 = vector.broadcast %squeeze3A_184 : f32 to vector<16xf32>
        %mul3A_751 = arith.mulf %mul3A_750, %get3A_749 : vector<16xf32>
        %add3A_752 = arith.addf %add3A_742, %mul3A_751 : vector<16xf32>
        %get3A_753 = arith.constant 4 : i32
        %get3A_754 = arith.constant 2 : i32
        %get3A_755 = arith.index_cast %get3A_753 : i32 to index
        %get3A_756 = arith.index_cast %get3A_754 : i32 to index
        %get3A_757 = arith.index_cast %mul3A_713 : i32 to index
        %get3A_758 = tpu.vector_load %arg12[%get3A_755, %get3A_756, %get3A_757] {strides = array<i32>} : memref<5x8x1024xf32, #tpu.memory_space<vmem>>, vector<1x1x16xf32>,
        %get3A_759 = vector.shape_cast %get3A_758 : vector<1x1x16xf32> to vector<16xf32>
        %mul3A_760 = vector.broadcast %squeeze3A_186 : f32 to vector<16xf32>
        %mul3A_761 = arith.mulf %mul3A_760, %get3A_759 : vector<16xf32>
        %add3A_762 = arith.addf %add3A_752, %mul3A_761 : vector<16xf32>
        %swap3A_763 = arith.constant 2 : i32
        %swap3A_764 = arith.index_cast %swap3A_763 : i32 to index
        %swap3A_765 = arith.index_cast %mul3A_713 : i32 to index
        %swap3A_766 = tpu.vector_load %arg13[%swap3A_764, %swap3A_765] {strides = array<i32>} : memref<8x1024xf32, #tpu.memory_space<vmem>>, vector<1x16xf32>,
        %swap3A_767 = vector.shape_cast %swap3A_766 : vector<1x16xf32> to vector<16xf32>
        %swap3A_768 = vector.shape_cast %add3A_762 : vector<16xf32> to vector<1x16xf32>
        tpu.vector_store %arg13[%swap3A_764, %swap3A_765], %swap3A_768 {strides = array<i32>} : memref<8x1024xf32, #tpu.memory_space<vmem>>, vector<1x16xf32>,
        %scan3A_769 = arith.constant 0 : i32
        %scan3A_770 = arith.constant 7 : i32
        %scan3A_771 = arith.addi %scan3A_351, %scan3A_770 : i32
        %mul3A_772 = arith.constant 16 : i32
        %mul3A_773 = arith.muli %scan3A_771, %mul3A_772 : i32
        %get3A_774 = arith.constant 0 : i32
        %get3A_775 = arith.constant 2 : i32
        %get3A_776 = arith.index_cast %get3A_774 : i32 to index
        %get3A_777 = arith.index_cast %get3A_775 : i32 to index
        %get3A_778 = arith.index_cast %mul3A_773 : i32 to index
        %get3A_779 = tpu.vector_load %arg12[%get3A_776, %get3A_777, %get3A_778] {strides = array<i32>} : memref<5x8x1024xf32, #tpu.memory_space<vmem>>, vector<1x1x16xf32>,
        %get3A_780 = vector.shape_cast %get3A_779 : vector<1x1x16xf32> to vector<16xf32>
        %mul3A_781 = vector.broadcast %squeeze3A_178 : f32 to vector<16xf32>
        %mul3A_782 = arith.mulf %mul3A_781, %get3A_780 : vector<16xf32>
        %get3A_783 = arith.constant 1 : i32
        %get3A_784 = arith.constant 2 : i32
        %get3A_785 = arith.index_cast %get3A_783 : i32 to index
        %get3A_786 = arith.index_cast %get3A_784 : i32 to index
        %get3A_787 = arith.index_cast %mul3A_773 : i32 to index
        %get3A_788 = tpu.vector_load %arg12[%get3A_785, %get3A_786, %get3A_787] {strides = array<i32>} : memref<5x8x1024xf32, #tpu.memory_space<vmem>>, vector<1x1x16xf32>,
        %get3A_789 = vector.shape_cast %get3A_788 : vector<1x1x16xf32> to vector<16xf32>
        %mul3A_790 = vector.broadcast %squeeze3A_180 : f32 to vector<16xf32>
        %mul3A_791 = arith.mulf %mul3A_790, %get3A_789 : vector<16xf32>
        %add3A_792 = arith.addf %mul3A_782, %mul3A_791 : vector<16xf32>
        %get3A_793 = arith.constant 2 : i32
        %get3A_794 = arith.constant 2 : i32
        %get3A_795 = arith.index_cast %get3A_793 : i32 to index
        %get3A_796 = arith.index_cast %get3A_794 : i32 to index
        %get3A_797 = arith.index_cast %mul3A_773 : i32 to index
        %get3A_798 = tpu.vector_load %arg12[%get3A_795, %get3A_796, %get3A_797] {strides = array<i32>} : memref<5x8x1024xf32, #tpu.memory_space<vmem>>, vector<1x1x16xf32>,
        %get3A_799 = vector.shape_cast %get3A_798 : vector<1x1x16xf32> to vector<16xf32>
        %mul3A_800 = vector.broadcast %squeeze3A_182 : f32 to vector<16xf32>
        %mul3A_801 = arith.mulf %mul3A_800, %get3A_799 : vector<16xf32>
        %add3A_802 = arith.addf %add3A_792, %mul3A_801 : vector<16xf32>
        %get3A_803 = arith.constant 3 : i32
        %get3A_804 = arith.constant 2 : i32
        %get3A_805 = arith.index_cast %get3A_803 : i32 to index
        %get3A_806 = arith.index_cast %get3A_804 : i32 to index
        %get3A_807 = arith.index_cast %mul3A_773 : i32 to index
        %get3A_808 = tpu.vector_load %arg12[%get3A_805, %get3A_806, %get3A_807] {strides = array<i32>} : memref<5x8x1024xf32, #tpu.memory_space<vmem>>, vector<1x1x16xf32>,
        %get3A_809 = vector.shape_cast %get3A_808 : vector<1x1x16xf32> to vector<16xf32>
        %mul3A_810 = vector.broadcast %squeeze3A_184 : f32 to vector<16xf32>
        %mul3A_811 = arith.mulf %mul3A_810, %get3A_809 : vector<16xf32>
        %add3A_812 = arith.addf %add3A_802, %mul3A_811 : vector<16xf32>
        %get3A_813 = arith.constant 4 : i32
        %get3A_814 = arith.constant 2 : i32
        %get3A_815 = arith.index_cast %get3A_813 : i32 to index
        %get3A_816 = arith.index_cast %get3A_814 : i32 to index
        %get3A_817 = arith.index_cast %mul3A_773 : i32 to index
        %get3A_818 = tpu.vector_load %arg12[%get3A_815, %get3A_816, %get3A_817] {strides = array<i32>} : memref<5x8x1024xf32, #tpu.memory_space<vmem>>, vector<1x1x16xf32>,
        %get3A_819 = vector.shape_cast %get3A_818 : vector<1x1x16xf32> to vector<16xf32>
        %mul3A_820 = vector.broadcast %squeeze3A_186 : f32 to vector<16xf32>
        %mul3A_821 = arith.mulf %mul3A_820, %get3A_819 : vector<16xf32>
        %add3A_822 = arith.addf %add3A_812, %mul3A_821 : vector<16xf32>
        %swap3A_823 = arith.constant 2 : i32
        %swap3A_824 = arith.index_cast %swap3A_823 : i32 to index
        %swap3A_825 = arith.index_cast %mul3A_773 : i32 to index
        %swap3A_826 = tpu.vector_load %arg13[%swap3A_824, %swap3A_825] {strides = array<i32>} : memref<8x1024xf32, #tpu.memory_space<vmem>>, vector<1x16xf32>,
        %swap3A_827 = vector.shape_cast %swap3A_826 : vector<1x16xf32> to vector<16xf32>
        %swap3A_828 = vector.shape_cast %add3A_822 : vector<16xf32> to vector<1x16xf32>
        tpu.vector_store %arg13[%swap3A_824, %swap3A_825], %swap3A_828 {strides = array<i32>} : memref<8x1024xf32, #tpu.memory_space<vmem>>, vector<1x16xf32>,
        %scan3A_829 = arith.constant 0 : i32
        scf.yield %scan3A_829 : i32
      }
      %scan3A_193 = arith.constant 64 : i32
      %add3A_194 = arith.constant 3 : i32
      %add3A_195 = arith.addi %mul3A_127, %add3A_194 : i32
      %get3A_196 = arith.index_cast %add3A_195 : i32 to index
      %get3A_197 = arith.constant 0 : index
      %get3A_198 = tpu.vector_load %arg11[%get3A_196, %get3A_197] {strides = array<i32>} : memref<512x16xf32, #tpu.memory_space<vmem>>, vector<1x16xf32>,
      %get3A_199 = vector.shape_cast %get3A_198 : vector<1x16xf32> to vector<16xf32>
      %slice3A_200 = vector.extract_strided_slice %get3A_199 {offsets = [0], sizes = [1], strides = [1]} : vector<16xf32> to vector<1xf32>
      %squeeze3A_201 = vector.extract %slice3A_200[0] : f32 from vector<1xf32>
      %slice3A_202 = vector.extract_strided_slice %get3A_199 {offsets = [1], sizes = [1], strides = [1]} : vector<16xf32> to vector<1xf32>
      %squeeze3A_203 = vector.extract %slice3A_202[0] : f32 from vector<1xf32>
      %slice3A_204 = vector.extract_strided_slice %get3A_199 {offsets = [2], sizes = [1], strides = [1]} : vector<16xf32> to vector<1xf32>
      %squeeze3A_205 = vector.extract %slice3A_204[0] : f32 from vector<1xf32>
      %slice3A_206 = vector.extract_strided_slice %get3A_199 {offsets = [3], sizes = [1], strides = [1]} : vector<16xf32> to vector<1xf32>
      %squeeze3A_207 = vector.extract %slice3A_206[0] : f32 from vector<1xf32>
      %slice3A_208 = vector.extract_strided_slice %get3A_199 {offsets = [4], sizes = [1], strides = [1]} : vector<16xf32> to vector<1xf32>
      %squeeze3A_209 = vector.extract %slice3A_208[0] : f32 from vector<1xf32>
      %scan3A_210 = arith.constant 0 : i32
      %scan3A_211 = arith.constant 0 : i32
      %scan3A_212 = arith.constant 64 : i32
      %scan3A_213 = arith.addi %scan3A_211, %scan3A_212 : i32
      %scan3A_214 = arith.constant 8 : i32
      %scan3A_215 = scf.for %scan3A_351 = %scan3A_211 to %scan3A_213 step %scan3A_214 iter_args(%scan3A_352 = %scan3A_210) -> (i32)  : i32 {
        %mul3A_353 = arith.constant 16 : i32
        %mul3A_354 = arith.muli %scan3A_351, %mul3A_353 : i32
        %get3A_355 = arith.constant 0 : i32
        %get3A_356 = arith.constant 3 : i32
        %get3A_357 = arith.index_cast %get3A_355 : i32 to index
        %get3A_358 = arith.index_cast %get3A_356 : i32 to index
        %get3A_359 = arith.index_cast %mul3A_354 : i32 to index
        %get3A_360 = tpu.vector_load %arg12[%get3A_357, %get3A_358, %get3A_359] {strides = array<i32>} : memref<5x8x1024xf32, #tpu.memory_space<vmem>>, vector<1x1x16xf32>,
        %get3A_361 = vector.shape_cast %get3A_360 : vector<1x1x16xf32> to vector<16xf32>
        %mul3A_362 = vector.broadcast %squeeze3A_201 : f32 to vector<16xf32>
        %mul3A_363 = arith.mulf %mul3A_362, %get3A_361 : vector<16xf32>
        %get3A_364 = arith.constant 1 : i32
        %get3A_365 = arith.constant 3 : i32
        %get3A_366 = arith.index_cast %get3A_364 : i32 to index
        %get3A_367 = arith.index_cast %get3A_365 : i32 to index
        %get3A_368 = arith.index_cast %mul3A_354 : i32 to index
        %get3A_369 = tpu.vector_load %arg12[%get3A_366, %get3A_367, %get3A_368] {strides = array<i32>} : memref<5x8x1024xf32, #tpu.memory_space<vmem>>, vector<1x1x16xf32>,
        %get3A_370 = vector.shape_cast %get3A_369 : vector<1x1x16xf32> to vector<16xf32>
        %mul3A_371 = vector.broadcast %squeeze3A_203 : f32 to vector<16xf32>
        %mul3A_372 = arith.mulf %mul3A_371, %get3A_370 : vector<16xf32>
        %add3A_373 = arith.addf %mul3A_363, %mul3A_372 : vector<16xf32>
        %get3A_374 = arith.constant 2 : i32
        %get3A_375 = arith.constant 3 : i32
        %get3A_376 = arith.index_cast %get3A_374 : i32 to index
        %get3A_377 = arith.index_cast %get3A_375 : i32 to index
        %get3A_378 = arith.index_cast %mul3A_354 : i32 to index
        %get3A_379 = tpu.vector_load %arg12[%get3A_376, %get3A_377, %get3A_378] {strides = array<i32>} : memref<5x8x1024xf32, #tpu.memory_space<vmem>>, vector<1x1x16xf32>,
        %get3A_380 = vector.shape_cast %get3A_379 : vector<1x1x16xf32> to vector<16xf32>
        %mul3A_381 = vector.broadcast %squeeze3A_205 : f32 to vector<16xf32>
        %mul3A_382 = arith.mulf %mul3A_381, %get3A_380 : vector<16xf32>
        %add3A_383 = arith.addf %add3A_373, %mul3A_382 : vector<16xf32>
        %get3A_384 = arith.constant 3 : i32
        %get3A_385 = arith.constant 3 : i32
        %get3A_386 = arith.index_cast %get3A_384 : i32 to index
        %get3A_387 = arith.index_cast %get3A_385 : i32 to index
        %get3A_388 = arith.index_cast %mul3A_354 : i32 to index
        %get3A_389 = tpu.vector_load %arg12[%get3A_386, %get3A_387, %get3A_388] {strides = array<i32>} : memref<5x8x1024xf32, #tpu.memory_space<vmem>>, vector<1x1x16xf32>,
        %get3A_390 = vector.shape_cast %get3A_389 : vector<1x1x16xf32> to vector<16xf32>
        %mul3A_391 = vector.broadcast %squeeze3A_207 : f32 to vector<16xf32>
        %mul3A_392 = arith.mulf %mul3A_391, %get3A_390 : vector<16xf32>
        %add3A_393 = arith.addf %add3A_383, %mul3A_392 : vector<16xf32>
        %get3A_394 = arith.constant 4 : i32
        %get3A_395 = arith.constant 3 : i32
        %get3A_396 = arith.index_cast %get3A_394 : i32 to index
        %get3A_397 = arith.index_cast %get3A_395 : i32 to index
        %get3A_398 = arith.index_cast %mul3A_354 : i32 to index
        %get3A_399 = tpu.vector_load %arg12[%get3A_396, %get3A_397, %get3A_398] {strides = array<i32>} : memref<5x8x1024xf32, #tpu.memory_space<vmem>>, vector<1x1x16xf32>,
        %get3A_400 = vector.shape_cast %get3A_399 : vector<1x1x16xf32> to vector<16xf32>
        %mul3A_401 = vector.broadcast %squeeze3A_209 : f32 to vector<16xf32>
        %mul3A_402 = arith.mulf %mul3A_401, %get3A_400 : vector<16xf32>
        %add3A_403 = arith.addf %add3A_393, %mul3A_402 : vector<16xf32>
        %swap3A = arith.constant 3 : i32
        %swap3A_404 = arith.index_cast %swap3A : i32 to index
        %swap3A_405 = arith.index_cast %mul3A_354 : i32 to index
        %swap3A_406 = tpu.vector_load %arg13[%swap3A_404, %swap3A_405] {strides = array<i32>} : memref<8x1024xf32, #tpu.memory_space<vmem>>, vector<1x16xf32>,
        %swap3A_407 = vector.shape_cast %swap3A_406 : vector<1x16xf32> to vector<16xf32>
        %swap3A_408 = vector.shape_cast %add3A_403 : vector<16xf32> to vector<1x16xf32>
        tpu.vector_store %arg13[%swap3A_404, %swap3A_405], %swap3A_408 {strides = array<i32>} : memref<8x1024xf32, #tpu.memory_space<vmem>>, vector<1x16xf32>,
        %scan3A_409 = arith.constant 0 : i32
        %scan3A_410 = arith.constant 1 : i32
        %scan3A_411 = arith.addi %scan3A_351, %scan3A_410 : i32
        %mul3A_412 = arith.constant 16 : i32
        %mul3A_413 = arith.muli %scan3A_411, %mul3A_412 : i32
        %get3A_414 = arith.constant 0 : i32
        %get3A_415 = arith.constant 3 : i32
        %get3A_416 = arith.index_cast %get3A_414 : i32 to index
        %get3A_417 = arith.index_cast %get3A_415 : i32 to index
        %get3A_418 = arith.index_cast %mul3A_413 : i32 to index
        %get3A_419 = tpu.vector_load %arg12[%get3A_416, %get3A_417, %get3A_418] {strides = array<i32>} : memref<5x8x1024xf32, #tpu.memory_space<vmem>>, vector<1x1x16xf32>,
        %get3A_420 = vector.shape_cast %get3A_419 : vector<1x1x16xf32> to vector<16xf32>
        %mul3A_421 = vector.broadcast %squeeze3A_201 : f32 to vector<16xf32>
        %mul3A_422 = arith.mulf %mul3A_421, %get3A_420 : vector<16xf32>
        %get3A_423 = arith.constant 1 : i32
        %get3A_424 = arith.constant 3 : i32
        %get3A_425 = arith.index_cast %get3A_423 : i32 to index
        %get3A_426 = arith.index_cast %get3A_424 : i32 to index
        %get3A_427 = arith.index_cast %mul3A_413 : i32 to index
        %get3A_428 = tpu.vector_load %arg12[%get3A_425, %get3A_426, %get3A_427] {strides = array<i32>} : memref<5x8x1024xf32, #tpu.memory_space<vmem>>, vector<1x1x16xf32>,
        %get3A_429 = vector.shape_cast %get3A_428 : vector<1x1x16xf32> to vector<16xf32>
        %mul3A_430 = vector.broadcast %squeeze3A_203 : f32 to vector<16xf32>
        %mul3A_431 = arith.mulf %mul3A_430, %get3A_429 : vector<16xf32>
        %add3A_432 = arith.addf %mul3A_422, %mul3A_431 : vector<16xf32>
        %get3A_433 = arith.constant 2 : i32
        %get3A_434 = arith.constant 3 : i32
        %get3A_435 = arith.index_cast %get3A_433 : i32 to index
        %get3A_436 = arith.index_cast %get3A_434 : i32 to index
        %get3A_437 = arith.index_cast %mul3A_413 : i32 to index
        %get3A_438 = tpu.vector_load %arg12[%get3A_435, %get3A_436, %get3A_437] {strides = array<i32>} : memref<5x8x1024xf32, #tpu.memory_space<vmem>>, vector<1x1x16xf32>,
        %get3A_439 = vector.shape_cast %get3A_438 : vector<1x1x16xf32> to vector<16xf32>
        %mul3A_440 = vector.broadcast %squeeze3A_205 : f32 to vector<16xf32>
        %mul3A_441 = arith.mulf %mul3A_440, %get3A_439 : vector<16xf32>
        %add3A_442 = arith.addf %add3A_432, %mul3A_441 : vector<16xf32>
        %get3A_443 = arith.constant 3 : i32
        %get3A_444 = arith.constant 3 : i32
        %get3A_445 = arith.index_cast %get3A_443 : i32 to index
        %get3A_446 = arith.index_cast %get3A_444 : i32 to index
        %get3A_447 = arith.index_cast %mul3A_413 : i32 to index
        %get3A_448 = tpu.vector_load %arg12[%get3A_445, %get3A_446, %get3A_447] {strides = array<i32>} : memref<5x8x1024xf32, #tpu.memory_space<vmem>>, vector<1x1x16xf32>,
        %get3A_449 = vector.shape_cast %get3A_448 : vector<1x1x16xf32> to vector<16xf32>
        %mul3A_450 = vector.broadcast %squeeze3A_207 : f32 to vector<16xf32>
        %mul3A_451 = arith.mulf %mul3A_450, %get3A_449 : vector<16xf32>
        %add3A_452 = arith.addf %add3A_442, %mul3A_451 : vector<16xf32>
        %get3A_453 = arith.constant 4 : i32
        %get3A_454 = arith.constant 3 : i32
        %get3A_455 = arith.index_cast %get3A_453 : i32 to index
        %get3A_456 = arith.index_cast %get3A_454 : i32 to index
        %get3A_457 = arith.index_cast %mul3A_413 : i32 to index
        %get3A_458 = tpu.vector_load %arg12[%get3A_455, %get3A_456, %get3A_457] {strides = array<i32>} : memref<5x8x1024xf32, #tpu.memory_space<vmem>>, vector<1x1x16xf32>,
        %get3A_459 = vector.shape_cast %get3A_458 : vector<1x1x16xf32> to vector<16xf32>
        %mul3A_460 = vector.broadcast %squeeze3A_209 : f32 to vector<16xf32>
        %mul3A_461 = arith.mulf %mul3A_460, %get3A_459 : vector<16xf32>
        %add3A_462 = arith.addf %add3A_452, %mul3A_461 : vector<16xf32>
        %swap3A_463 = arith.constant 3 : i32
        %swap3A_464 = arith.index_cast %swap3A_463 : i32 to index
        %swap3A_465 = arith.index_cast %mul3A_413 : i32 to index
        %swap3A_466 = tpu.vector_load %arg13[%swap3A_464, %swap3A_465] {strides = array<i32>} : memref<8x1024xf32, #tpu.memory_space<vmem>>, vector<1x16xf32>,
        %swap3A_467 = vector.shape_cast %swap3A_466 : vector<1x16xf32> to vector<16xf32>
        %swap3A_468 = vector.shape_cast %add3A_462 : vector<16xf32> to vector<1x16xf32>
        tpu.vector_store %arg13[%swap3A_464, %swap3A_465], %swap3A_468 {strides = array<i32>} : memref<8x1024xf32, #tpu.memory_space<vmem>>, vector<1x16xf32>,
        %scan3A_469 = arith.constant 0 : i32
        %scan3A_470 = arith.constant 2 : i32
        %scan3A_471 = arith.addi %scan3A_351, %scan3A_470 : i32
        %mul3A_472 = arith.constant 16 : i32
        %mul3A_473 = arith.muli %scan3A_471, %mul3A_472 : i32
        %get3A_474 = arith.constant 0 : i32
        %get3A_475 = arith.constant 3 : i32
        %get3A_476 = arith.index_cast %get3A_474 : i32 to index
        %get3A_477 = arith.index_cast %get3A_475 : i32 to index
        %get3A_478 = arith.index_cast %mul3A_473 : i32 to index
        %get3A_479 = tpu.vector_load %arg12[%get3A_476, %get3A_477, %get3A_478] {strides = array<i32>} : memref<5x8x1024xf32, #tpu.memory_space<vmem>>, vector<1x1x16xf32>,
        %get3A_480 = vector.shape_cast %get3A_479 : vector<1x1x16xf32> to vector<16xf32>
        %mul3A_481 = vector.broadcast %squeeze3A_201 : f32 to vector<16xf32>
        %mul3A_482 = arith.mulf %mul3A_481, %get3A_480 : vector<16xf32>
        %get3A_483 = arith.constant 1 : i32
        %get3A_484 = arith.constant 3 : i32
        %get3A_485 = arith.index_cast %get3A_483 : i32 to index
        %get3A_486 = arith.index_cast %get3A_484 : i32 to index
        %get3A_487 = arith.index_cast %mul3A_473 : i32 to index
        %get3A_488 = tpu.vector_load %arg12[%get3A_485, %get3A_486, %get3A_487] {strides = array<i32>} : memref<5x8x1024xf32, #tpu.memory_space<vmem>>, vector<1x1x16xf32>,
        %get3A_489 = vector.shape_cast %get3A_488 : vector<1x1x16xf32> to vector<16xf32>
        %mul3A_490 = vector.broadcast %squeeze3A_203 : f32 to vector<16xf32>
        %mul3A_491 = arith.mulf %mul3A_490, %get3A_489 : vector<16xf32>
        %add3A_492 = arith.addf %mul3A_482, %mul3A_491 : vector<16xf32>
        %get3A_493 = arith.constant 2 : i32
        %get3A_494 = arith.constant 3 : i32
        %get3A_495 = arith.index_cast %get3A_493 : i32 to index
        %get3A_496 = arith.index_cast %get3A_494 : i32 to index
        %get3A_497 = arith.index_cast %mul3A_473 : i32 to index
        %get3A_498 = tpu.vector_load %arg12[%get3A_495, %get3A_496, %get3A_497] {strides = array<i32>} : memref<5x8x1024xf32, #tpu.memory_space<vmem>>, vector<1x1x16xf32>,
        %get3A_499 = vector.shape_cast %get3A_498 : vector<1x1x16xf32> to vector<16xf32>
        %mul3A_500 = vector.broadcast %squeeze3A_205 : f32 to vector<16xf32>
        %mul3A_501 = arith.mulf %mul3A_500, %get3A_499 : vector<16xf32>
        %add3A_502 = arith.addf %add3A_492, %mul3A_501 : vector<16xf32>
        %get3A_503 = arith.constant 3 : i32
        %get3A_504 = arith.constant 3 : i32
        %get3A_505 = arith.index_cast %get3A_503 : i32 to index
        %get3A_506 = arith.index_cast %get3A_504 : i32 to index
        %get3A_507 = arith.index_cast %mul3A_473 : i32 to index
        %get3A_508 = tpu.vector_load %arg12[%get3A_505, %get3A_506, %get3A_507] {strides = array<i32>} : memref<5x8x1024xf32, #tpu.memory_space<vmem>>, vector<1x1x16xf32>,
        %get3A_509 = vector.shape_cast %get3A_508 : vector<1x1x16xf32> to vector<16xf32>
        %mul3A_510 = vector.broadcast %squeeze3A_207 : f32 to vector<16xf32>
        %mul3A_511 = arith.mulf %mul3A_510, %get3A_509 : vector<16xf32>
        %add3A_512 = arith.addf %add3A_502, %mul3A_511 : vector<16xf32>
        %get3A_513 = arith.constant 4 : i32
        %get3A_514 = arith.constant 3 : i32
        %get3A_515 = arith.index_cast %get3A_513 : i32 to index
        %get3A_516 = arith.index_cast %get3A_514 : i32 to index
        %get3A_517 = arith.index_cast %mul3A_473 : i32 to index
        %get3A_518 = tpu.vector_load %arg12[%get3A_515, %get3A_516, %get3A_517] {strides = array<i32>} : memref<5x8x1024xf32, #tpu.memory_space<vmem>>, vector<1x1x16xf32>,
        %get3A_519 = vector.shape_cast %get3A_518 : vector<1x1x16xf32> to vector<16xf32>
        %mul3A_520 = vector.broadcast %squeeze3A_209 : f32 to vector<16xf32>
        %mul3A_521 = arith.mulf %mul3A_520, %get3A_519 : vector<16xf32>
        %add3A_522 = arith.addf %add3A_512, %mul3A_521 : vector<16xf32>
        %swap3A_523 = arith.constant 3 : i32
        %swap3A_524 = arith.index_cast %swap3A_523 : i32 to index
        %swap3A_525 = arith.index_cast %mul3A_473 : i32 to index
        %swap3A_526 = tpu.vector_load %arg13[%swap3A_524, %swap3A_525] {strides = array<i32>} : memref<8x1024xf32, #tpu.memory_space<vmem>>, vector<1x16xf32>,
        %swap3A_527 = vector.shape_cast %swap3A_526 : vector<1x16xf32> to vector<16xf32>
        %swap3A_528 = vector.shape_cast %add3A_522 : vector<16xf32> to vector<1x16xf32>
        tpu.vector_store %arg13[%swap3A_524, %swap3A_525], %swap3A_528 {strides = array<i32>} : memref<8x1024xf32, #tpu.memory_space<vmem>>, vector<1x16xf32>,
        %scan3A_529 = arith.constant 0 : i32
        %scan3A_530 = arith.constant 3 : i32
        %scan3A_531 = arith.addi %scan3A_351, %scan3A_530 : i32
        %mul3A_532 = arith.constant 16 : i32
        %mul3A_533 = arith.muli %scan3A_531, %mul3A_532 : i32
        %get3A_534 = arith.constant 0 : i32
        %get3A_535 = arith.constant 3 : i32
        %get3A_536 = arith.index_cast %get3A_534 : i32 to index
        %get3A_537 = arith.index_cast %get3A_535 : i32 to index
        %get3A_538 = arith.index_cast %mul3A_533 : i32 to index
        %get3A_539 = tpu.vector_load %arg12[%get3A_536, %get3A_537, %get3A_538] {strides = array<i32>} : memref<5x8x1024xf32, #tpu.memory_space<vmem>>, vector<1x1x16xf32>,
        %get3A_540 = vector.shape_cast %get3A_539 : vector<1x1x16xf32> to vector<16xf32>
        %mul3A_541 = vector.broadcast %squeeze3A_201 : f32 to vector<16xf32>
        %mul3A_542 = arith.mulf %mul3A_541, %get3A_540 : vector<16xf32>
        %get3A_543 = arith.constant 1 : i32
        %get3A_544 = arith.constant 3 : i32
        %get3A_545 = arith.index_cast %get3A_543 : i32 to index
        %get3A_546 = arith.index_cast %get3A_544 : i32 to index
        %get3A_547 = arith.index_cast %mul3A_533 : i32 to index
        %get3A_548 = tpu.vector_load %arg12[%get3A_545, %get3A_546, %get3A_547] {strides = array<i32>} : memref<5x8x1024xf32, #tpu.memory_space<vmem>>, vector<1x1x16xf32>,
        %get3A_549 = vector.shape_cast %get3A_548 : vector<1x1x16xf32> to vector<16xf32>
        %mul3A_550 = vector.broadcast %squeeze3A_203 : f32 to vector<16xf32>
        %mul3A_551 = arith.mulf %mul3A_550, %get3A_549 : vector<16xf32>
        %add3A_552 = arith.addf %mul3A_542, %mul3A_551 : vector<16xf32>
        %get3A_553 = arith.constant 2 : i32
        %get3A_554 = arith.constant 3 : i32
        %get3A_555 = arith.index_cast %get3A_553 : i32 to index
        %get3A_556 = arith.index_cast %get3A_554 : i32 to index
        %get3A_557 = arith.index_cast %mul3A_533 : i32 to index
        %get3A_558 = tpu.vector_load %arg12[%get3A_555, %get3A_556, %get3A_557] {strides = array<i32>} : memref<5x8x1024xf32, #tpu.memory_space<vmem>>, vector<1x1x16xf32>,
        %get3A_559 = vector.shape_cast %get3A_558 : vector<1x1x16xf32> to vector<16xf32>
        %mul3A_560 = vector.broadcast %squeeze3A_205 : f32 to vector<16xf32>
        %mul3A_561 = arith.mulf %mul3A_560, %get3A_559 : vector<16xf32>
        %add3A_562 = arith.addf %add3A_552, %mul3A_561 : vector<16xf32>
        %get3A_563 = arith.constant 3 : i32
        %get3A_564 = arith.constant 3 : i32
        %get3A_565 = arith.index_cast %get3A_563 : i32 to index
        %get3A_566 = arith.index_cast %get3A_564 : i32 to index
        %get3A_567 = arith.index_cast %mul3A_533 : i32 to index
        %get3A_568 = tpu.vector_load %arg12[%get3A_565, %get3A_566, %get3A_567] {strides = array<i32>} : memref<5x8x1024xf32, #tpu.memory_space<vmem>>, vector<1x1x16xf32>,
        %get3A_569 = vector.shape_cast %get3A_568 : vector<1x1x16xf32> to vector<16xf32>
        %mul3A_570 = vector.broadcast %squeeze3A_207 : f32 to vector<16xf32>
        %mul3A_571 = arith.mulf %mul3A_570, %get3A_569 : vector<16xf32>
        %add3A_572 = arith.addf %add3A_562, %mul3A_571 : vector<16xf32>
        %get3A_573 = arith.constant 4 : i32
        %get3A_574 = arith.constant 3 : i32
        %get3A_575 = arith.index_cast %get3A_573 : i32 to index
        %get3A_576 = arith.index_cast %get3A_574 : i32 to index
        %get3A_577 = arith.index_cast %mul3A_533 : i32 to index
        %get3A_578 = tpu.vector_load %arg12[%get3A_575, %get3A_576, %get3A_577] {strides = array<i32>} : memref<5x8x1024xf32, #tpu.memory_space<vmem>>, vector<1x1x16xf32>,
        %get3A_579 = vector.shape_cast %get3A_578 : vector<1x1x16xf32> to vector<16xf32>
        %mul3A_580 = vector.broadcast %squeeze3A_209 : f32 to vector<16xf32>
        %mul3A_581 = arith.mulf %mul3A_580, %get3A_579 : vector<16xf32>
        %add3A_582 = arith.addf %add3A_572, %mul3A_581 : vector<16xf32>
        %swap3A_583 = arith.constant 3 : i32
        %swap3A_584 = arith.index_cast %swap3A_583 : i32 to index
        %swap3A_585 = arith.index_cast %mul3A_533 : i32 to index
        %swap3A_586 = tpu.vector_load %arg13[%swap3A_584, %swap3A_585] {strides = array<i32>} : memref<8x1024xf32, #tpu.memory_space<vmem>>, vector<1x16xf32>,
        %swap3A_587 = vector.shape_cast %swap3A_586 : vector<1x16xf32> to vector<16xf32>
        %swap3A_588 = vector.shape_cast %add3A_582 : vector<16xf32> to vector<1x16xf32>
        tpu.vector_store %arg13[%swap3A_584, %swap3A_585], %swap3A_588 {strides = array<i32>} : memref<8x1024xf32, #tpu.memory_space<vmem>>, vector<1x16xf32>,
        %scan3A_589 = arith.constant 0 : i32
        %scan3A_590 = arith.constant 4 : i32
        %scan3A_591 = arith.addi %scan3A_351, %scan3A_590 : i32
        %mul3A_592 = arith.constant 16 : i32
        %mul3A_593 = arith.muli %scan3A_591, %mul3A_592 : i32
        %get3A_594 = arith.constant 0 : i32
        %get3A_595 = arith.constant 3 : i32
        %get3A_596 = arith.index_cast %get3A_594 : i32 to index
        %get3A_597 = arith.index_cast %get3A_595 : i32 to index
        %get3A_598 = arith.index_cast %mul3A_593 : i32 to index
        %get3A_599 = tpu.vector_load %arg12[%get3A_596, %get3A_597, %get3A_598] {strides = array<i32>} : memref<5x8x1024xf32, #tpu.memory_space<vmem>>, vector<1x1x16xf32>,
        %get3A_600 = vector.shape_cast %get3A_599 : vector<1x1x16xf32> to vector<16xf32>
        %mul3A_601 = vector.broadcast %squeeze3A_201 : f32 to vector<16xf32>
        %mul3A_602 = arith.mulf %mul3A_601, %get3A_600 : vector<16xf32>
        %get3A_603 = arith.constant 1 : i32
        %get3A_604 = arith.constant 3 : i32
        %get3A_605 = arith.index_cast %get3A_603 : i32 to index
        %get3A_606 = arith.index_cast %get3A_604 : i32 to index
        %get3A_607 = arith.index_cast %mul3A_593 : i32 to index
        %get3A_608 = tpu.vector_load %arg12[%get3A_605, %get3A_606, %get3A_607] {strides = array<i32>} : memref<5x8x1024xf32, #tpu.memory_space<vmem>>, vector<1x1x16xf32>,
        %get3A_609 = vector.shape_cast %get3A_608 : vector<1x1x16xf32> to vector<16xf32>
        %mul3A_610 = vector.broadcast %squeeze3A_203 : f32 to vector<16xf32>
        %mul3A_611 = arith.mulf %mul3A_610, %get3A_609 : vector<16xf32>
        %add3A_612 = arith.addf %mul3A_602, %mul3A_611 : vector<16xf32>
        %get3A_613 = arith.constant 2 : i32
        %get3A_614 = arith.constant 3 : i32
        %get3A_615 = arith.index_cast %get3A_613 : i32 to index
        %get3A_616 = arith.index_cast %get3A_614 : i32 to index
        %get3A_617 = arith.index_cast %mul3A_593 : i32 to index
        %get3A_618 = tpu.vector_load %arg12[%get3A_615, %get3A_616, %get3A_617] {strides = array<i32>} : memref<5x8x1024xf32, #tpu.memory_space<vmem>>, vector<1x1x16xf32>,
        %get3A_619 = vector.shape_cast %get3A_618 : vector<1x1x16xf32> to vector<16xf32>
        %mul3A_620 = vector.broadcast %squeeze3A_205 : f32 to vector<16xf32>
        %mul3A_621 = arith.mulf %mul3A_620, %get3A_619 : vector<16xf32>
        %add3A_622 = arith.addf %add3A_612, %mul3A_621 : vector<16xf32>
        %get3A_623 = arith.constant 3 : i32
        %get3A_624 = arith.constant 3 : i32
        %get3A_625 = arith.index_cast %get3A_623 : i32 to index
        %get3A_626 = arith.index_cast %get3A_624 : i32 to index
        %get3A_627 = arith.index_cast %mul3A_593 : i32 to index
        %get3A_628 = tpu.vector_load %arg12[%get3A_625, %get3A_626, %get3A_627] {strides = array<i32>} : memref<5x8x1024xf32, #tpu.memory_space<vmem>>, vector<1x1x16xf32>,
        %get3A_629 = vector.shape_cast %get3A_628 : vector<1x1x16xf32> to vector<16xf32>
        %mul3A_630 = vector.broadcast %squeeze3A_207 : f32 to vector<16xf32>
        %mul3A_631 = arith.mulf %mul3A_630, %get3A_629 : vector<16xf32>
        %add3A_632 = arith.addf %add3A_622, %mul3A_631 : vector<16xf32>
        %get3A_633 = arith.constant 4 : i32
        %get3A_634 = arith.constant 3 : i32
        %get3A_635 = arith.index_cast %get3A_633 : i32 to index
        %get3A_636 = arith.index_cast %get3A_634 : i32 to index
        %get3A_637 = arith.index_cast %mul3A_593 : i32 to index
        %get3A_638 = tpu.vector_load %arg12[%get3A_635, %get3A_636, %get3A_637] {strides = array<i32>} : memref<5x8x1024xf32, #tpu.memory_space<vmem>>, vector<1x1x16xf32>,
        %get3A_639 = vector.shape_cast %get3A_638 : vector<1x1x16xf32> to vector<16xf32>
        %mul3A_640 = vector.broadcast %squeeze3A_209 : f32 to vector<16xf32>
        %mul3A_641 = arith.mulf %mul3A_640, %get3A_639 : vector<16xf32>
        %add3A_642 = arith.addf %add3A_632, %mul3A_641 : vector<16xf32>
        %swap3A_643 = arith.constant 3 : i32
        %swap3A_644 = arith.index_cast %swap3A_643 : i32 to index
        %swap3A_645 = arith.index_cast %mul3A_593 : i32 to index
        %swap3A_646 = tpu.vector_load %arg13[%swap3A_644, %swap3A_645] {strides = array<i32>} : memref<8x1024xf32, #tpu.memory_space<vmem>>, vector<1x16xf32>,
        %swap3A_647 = vector.shape_cast %swap3A_646 : vector<1x16xf32> to vector<16xf32>
        %swap3A_648 = vector.shape_cast %add3A_642 : vector<16xf32> to vector<1x16xf32>
        tpu.vector_store %arg13[%swap3A_644, %swap3A_645], %swap3A_648 {strides = array<i32>} : memref<8x1024xf32, #tpu.memory_space<vmem>>, vector<1x16xf32>,
        %scan3A_649 = arith.constant 0 : i32
        %scan3A_650 = arith.constant 5 : i32
        %scan3A_651 = arith.addi %scan3A_351, %scan3A_650 : i32
        %mul3A_652 = arith.constant 16 : i32
        %mul3A_653 = arith.muli %scan3A_651, %mul3A_652 : i32
        %get3A_654 = arith.constant 0 : i32
        %get3A_655 = arith.constant 3 : i32
        %get3A_656 = arith.index_cast %get3A_654 : i32 to index
        %get3A_657 = arith.index_cast %get3A_655 : i32 to index
        %get3A_658 = arith.index_cast %mul3A_653 : i32 to index
        %get3A_659 = tpu.vector_load %arg12[%get3A_656, %get3A_657, %get3A_658] {strides = array<i32>} : memref<5x8x1024xf32, #tpu.memory_space<vmem>>, vector<1x1x16xf32>,
        %get3A_660 = vector.shape_cast %get3A_659 : vector<1x1x16xf32> to vector<16xf32>
        %mul3A_661 = vector.broadcast %squeeze3A_201 : f32 to vector<16xf32>
        %mul3A_662 = arith.mulf %mul3A_661, %get3A_660 : vector<16xf32>
        %get3A_663 = arith.constant 1 : i32
        %get3A_664 = arith.constant 3 : i32
        %get3A_665 = arith.index_cast %get3A_663 : i32 to index
        %get3A_666 = arith.index_cast %get3A_664 : i32 to index
        %get3A_667 = arith.index_cast %mul3A_653 : i32 to index
        %get3A_668 = tpu.vector_load %arg12[%get3A_665, %get3A_666, %get3A_667] {strides = array<i32>} : memref<5x8x1024xf32, #tpu.memory_space<vmem>>, vector<1x1x16xf32>,
        %get3A_669 = vector.shape_cast %get3A_668 : vector<1x1x16xf32> to vector<16xf32>
        %mul3A_670 = vector.broadcast %squeeze3A_203 : f32 to vector<16xf32>
        %mul3A_671 = arith.mulf %mul3A_670, %get3A_669 : vector<16xf32>
        %add3A_672 = arith.addf %mul3A_662, %mul3A_671 : vector<16xf32>
        %get3A_673 = arith.constant 2 : i32
        %get3A_674 = arith.constant 3 : i32
        %get3A_675 = arith.index_cast %get3A_673 : i32 to index
        %get3A_676 = arith.index_cast %get3A_674 : i32 to index
        %get3A_677 = arith.index_cast %mul3A_653 : i32 to index
        %get3A_678 = tpu.vector_load %arg12[%get3A_675, %get3A_676, %get3A_677] {strides = array<i32>} : memref<5x8x1024xf32, #tpu.memory_space<vmem>>, vector<1x1x16xf32>,
        %get3A_679 = vector.shape_cast %get3A_678 : vector<1x1x16xf32> to vector<16xf32>
        %mul3A_680 = vector.broadcast %squeeze3A_205 : f32 to vector<16xf32>
        %mul3A_681 = arith.mulf %mul3A_680, %get3A_679 : vector<16xf32>
        %add3A_682 = arith.addf %add3A_672, %mul3A_681 : vector<16xf32>
        %get3A_683 = arith.constant 3 : i32
        %get3A_684 = arith.constant 3 : i32
        %get3A_685 = arith.index_cast %get3A_683 : i32 to index
        %get3A_686 = arith.index_cast %get3A_684 : i32 to index
        %get3A_687 = arith.index_cast %mul3A_653 : i32 to index
        %get3A_688 = tpu.vector_load %arg12[%get3A_685, %get3A_686, %get3A_687] {strides = array<i32>} : memref<5x8x1024xf32, #tpu.memory_space<vmem>>, vector<1x1x16xf32>,
        %get3A_689 = vector.shape_cast %get3A_688 : vector<1x1x16xf32> to vector<16xf32>
        %mul3A_690 = vector.broadcast %squeeze3A_207 : f32 to vector<16xf32>
        %mul3A_691 = arith.mulf %mul3A_690, %get3A_689 : vector<16xf32>
        %add3A_692 = arith.addf %add3A_682, %mul3A_691 : vector<16xf32>
        %get3A_693 = arith.constant 4 : i32
        %get3A_694 = arith.constant 3 : i32
        %get3A_695 = arith.index_cast %get3A_693 : i32 to index
        %get3A_696 = arith.index_cast %get3A_694 : i32 to index
        %get3A_697 = arith.index_cast %mul3A_653 : i32 to index
        %get3A_698 = tpu.vector_load %arg12[%get3A_695, %get3A_696, %get3A_697] {strides = array<i32>} : memref<5x8x1024xf32, #tpu.memory_space<vmem>>, vector<1x1x16xf32>,
        %get3A_699 = vector.shape_cast %get3A_698 : vector<1x1x16xf32> to vector<16xf32>
        %mul3A_700 = vector.broadcast %squeeze3A_209 : f32 to vector<16xf32>
        %mul3A_701 = arith.mulf %mul3A_700, %get3A_699 : vector<16xf32>
        %add3A_702 = arith.addf %add3A_692, %mul3A_701 : vector<16xf32>
        %swap3A_703 = arith.constant 3 : i32
        %swap3A_704 = arith.index_cast %swap3A_703 : i32 to index
        %swap3A_705 = arith.index_cast %mul3A_653 : i32 to index
        %swap3A_706 = tpu.vector_load %arg13[%swap3A_704, %swap3A_705] {strides = array<i32>} : memref<8x1024xf32, #tpu.memory_space<vmem>>, vector<1x16xf32>,
        %swap3A_707 = vector.shape_cast %swap3A_706 : vector<1x16xf32> to vector<16xf32>
        %swap3A_708 = vector.shape_cast %add3A_702 : vector<16xf32> to vector<1x16xf32>
        tpu.vector_store %arg13[%swap3A_704, %swap3A_705], %swap3A_708 {strides = array<i32>} : memref<8x1024xf32, #tpu.memory_space<vmem>>, vector<1x16xf32>,
        %scan3A_709 = arith.constant 0 : i32
        %scan3A_710 = arith.constant 6 : i32
        %scan3A_711 = arith.addi %scan3A_351, %scan3A_710 : i32
        %mul3A_712 = arith.constant 16 : i32
        %mul3A_713 = arith.muli %scan3A_711, %mul3A_712 : i32
        %get3A_714 = arith.constant 0 : i32
        %get3A_715 = arith.constant 3 : i32
        %get3A_716 = arith.index_cast %get3A_714 : i32 to index
        %get3A_717 = arith.index_cast %get3A_715 : i32 to index
        %get3A_718 = arith.index_cast %mul3A_713 : i32 to index
        %get3A_719 = tpu.vector_load %arg12[%get3A_716, %get3A_717, %get3A_718] {strides = array<i32>} : memref<5x8x1024xf32, #tpu.memory_space<vmem>>, vector<1x1x16xf32>,
        %get3A_720 = vector.shape_cast %get3A_719 : vector<1x1x16xf32> to vector<16xf32>
        %mul3A_721 = vector.broadcast %squeeze3A_201 : f32 to vector<16xf32>
        %mul3A_722 = arith.mulf %mul3A_721, %get3A_720 : vector<16xf32>
        %get3A_723 = arith.constant 1 : i32
        %get3A_724 = arith.constant 3 : i32
        %get3A_725 = arith.index_cast %get3A_723 : i32 to index
        %get3A_726 = arith.index_cast %get3A_724 : i32 to index
        %get3A_727 = arith.index_cast %mul3A_713 : i32 to index
        %get3A_728 = tpu.vector_load %arg12[%get3A_725, %get3A_726, %get3A_727] {strides = array<i32>} : memref<5x8x1024xf32, #tpu.memory_space<vmem>>, vector<1x1x16xf32>,
        %get3A_729 = vector.shape_cast %get3A_728 : vector<1x1x16xf32> to vector<16xf32>
        %mul3A_730 = vector.broadcast %squeeze3A_203 : f32 to vector<16xf32>
        %mul3A_731 = arith.mulf %mul3A_730, %get3A_729 : vector<16xf32>
        %add3A_732 = arith.addf %mul3A_722, %mul3A_731 : vector<16xf32>
        %get3A_733 = arith.constant 2 : i32
        %get3A_734 = arith.constant 3 : i32
        %get3A_735 = arith.index_cast %get3A_733 : i32 to index
        %get3A_736 = arith.index_cast %get3A_734 : i32 to index
        %get3A_737 = arith.index_cast %mul3A_713 : i32 to index
        %get3A_738 = tpu.vector_load %arg12[%get3A_735, %get3A_736, %get3A_737] {strides = array<i32>} : memref<5x8x1024xf32, #tpu.memory_space<vmem>>, vector<1x1x16xf32>,
        %get3A_739 = vector.shape_cast %get3A_738 : vector<1x1x16xf32> to vector<16xf32>
        %mul3A_740 = vector.broadcast %squeeze3A_205 : f32 to vector<16xf32>
        %mul3A_741 = arith.mulf %mul3A_740, %get3A_739 : vector<16xf32>
        %add3A_742 = arith.addf %add3A_732, %mul3A_741 : vector<16xf32>
        %get3A_743 = arith.constant 3 : i32
        %get3A_744 = arith.constant 3 : i32
        %get3A_745 = arith.index_cast %get3A_743 : i32 to index
        %get3A_746 = arith.index_cast %get3A_744 : i32 to index
        %get3A_747 = arith.index_cast %mul3A_713 : i32 to index
        %get3A_748 = tpu.vector_load %arg12[%get3A_745, %get3A_746, %get3A_747] {strides = array<i32>} : memref<5x8x1024xf32, #tpu.memory_space<vmem>>, vector<1x1x16xf32>,
        %get3A_749 = vector.shape_cast %get3A_748 : vector<1x1x16xf32> to vector<16xf32>
        %mul3A_750 = vector.broadcast %squeeze3A_207 : f32 to vector<16xf32>
        %mul3A_751 = arith.mulf %mul3A_750, %get3A_749 : vector<16xf32>
        %add3A_752 = arith.addf %add3A_742, %mul3A_751 : vector<16xf32>
        %get3A_753 = arith.constant 4 : i32
        %get3A_754 = arith.constant 3 : i32
        %get3A_755 = arith.index_cast %get3A_753 : i32 to index
        %get3A_756 = arith.index_cast %get3A_754 : i32 to index
        %get3A_757 = arith.index_cast %mul3A_713 : i32 to index
        %get3A_758 = tpu.vector_load %arg12[%get3A_755, %get3A_756, %get3A_757] {strides = array<i32>} : memref<5x8x1024xf32, #tpu.memory_space<vmem>>, vector<1x1x16xf32>,
        %get3A_759 = vector.shape_cast %get3A_758 : vector<1x1x16xf32> to vector<16xf32>
        %mul3A_760 = vector.broadcast %squeeze3A_209 : f32 to vector<16xf32>
        %mul3A_761 = arith.mulf %mul3A_760, %get3A_759 : vector<16xf32>
        %add3A_762 = arith.addf %add3A_752, %mul3A_761 : vector<16xf32>
        %swap3A_763 = arith.constant 3 : i32
        %swap3A_764 = arith.index_cast %swap3A_763 : i32 to index
        %swap3A_765 = arith.index_cast %mul3A_713 : i32 to index
        %swap3A_766 = tpu.vector_load %arg13[%swap3A_764, %swap3A_765] {strides = array<i32>} : memref<8x1024xf32, #tpu.memory_space<vmem>>, vector<1x16xf32>,
        %swap3A_767 = vector.shape_cast %swap3A_766 : vector<1x16xf32> to vector<16xf32>
        %swap3A_768 = vector.shape_cast %add3A_762 : vector<16xf32> to vector<1x16xf32>
        tpu.vector_store %arg13[%swap3A_764, %swap3A_765], %swap3A_768 {strides = array<i32>} : memref<8x1024xf32, #tpu.memory_space<vmem>>, vector<1x16xf32>,
        %scan3A_769 = arith.constant 0 : i32
        %scan3A_770 = arith.constant 7 : i32
        %scan3A_771 = arith.addi %scan3A_351, %scan3A_770 : i32
        %mul3A_772 = arith.constant 16 : i32
        %mul3A_773 = arith.muli %scan3A_771, %mul3A_772 : i32
        %get3A_774 = arith.constant 0 : i32
        %get3A_775 = arith.constant 3 : i32
        %get3A_776 = arith.index_cast %get3A_774 : i32 to index
        %get3A_777 = arith.index_cast %get3A_775 : i32 to index
        %get3A_778 = arith.index_cast %mul3A_773 : i32 to index
        %get3A_779 = tpu.vector_load %arg12[%get3A_776, %get3A_777, %get3A_778] {strides = array<i32>} : memref<5x8x1024xf32, #tpu.memory_space<vmem>>, vector<1x1x16xf32>,
        %get3A_780 = vector.shape_cast %get3A_779 : vector<1x1x16xf32> to vector<16xf32>
        %mul3A_781 = vector.broadcast %squeeze3A_201 : f32 to vector<16xf32>
        %mul3A_782 = arith.mulf %mul3A_781, %get3A_780 : vector<16xf32>
        %get3A_783 = arith.constant 1 : i32
        %get3A_784 = arith.constant 3 : i32
        %get3A_785 = arith.index_cast %get3A_783 : i32 to index
        %get3A_786 = arith.index_cast %get3A_784 : i32 to index
        %get3A_787 = arith.index_cast %mul3A_773 : i32 to index
        %get3A_788 = tpu.vector_load %arg12[%get3A_785, %get3A_786, %get3A_787] {strides = array<i32>} : memref<5x8x1024xf32, #tpu.memory_space<vmem>>, vector<1x1x16xf32>,
        %get3A_789 = vector.shape_cast %get3A_788 : vector<1x1x16xf32> to vector<16xf32>
        %mul3A_790 = vector.broadcast %squeeze3A_203 : f32 to vector<16xf32>
        %mul3A_791 = arith.mulf %mul3A_790, %get3A_789 : vector<16xf32>
        %add3A_792 = arith.addf %mul3A_782, %mul3A_791 : vector<16xf32>
        %get3A_793 = arith.constant 2 : i32
        %get3A_794 = arith.constant 3 : i32
        %get3A_795 = arith.index_cast %get3A_793 : i32 to index
        %get3A_796 = arith.index_cast %get3A_794 : i32 to index
        %get3A_797 = arith.index_cast %mul3A_773 : i32 to index
        %get3A_798 = tpu.vector_load %arg12[%get3A_795, %get3A_796, %get3A_797] {strides = array<i32>} : memref<5x8x1024xf32, #tpu.memory_space<vmem>>, vector<1x1x16xf32>,
        %get3A_799 = vector.shape_cast %get3A_798 : vector<1x1x16xf32> to vector<16xf32>
        %mul3A_800 = vector.broadcast %squeeze3A_205 : f32 to vector<16xf32>
        %mul3A_801 = arith.mulf %mul3A_800, %get3A_799 : vector<16xf32>
        %add3A_802 = arith.addf %add3A_792, %mul3A_801 : vector<16xf32>
        %get3A_803 = arith.constant 3 : i32
        %get3A_804 = arith.constant 3 : i32
        %get3A_805 = arith.index_cast %get3A_803 : i32 to index
        %get3A_806 = arith.index_cast %get3A_804 : i32 to index
        %get3A_807 = arith.index_cast %mul3A_773 : i32 to index
        %get3A_808 = tpu.vector_load %arg12[%get3A_805, %get3A_806, %get3A_807] {strides = array<i32>} : memref<5x8x1024xf32, #tpu.memory_space<vmem>>, vector<1x1x16xf32>,
        %get3A_809 = vector.shape_cast %get3A_808 : vector<1x1x16xf32> to vector<16xf32>
        %mul3A_810 = vector.broadcast %squeeze3A_207 : f32 to vector<16xf32>
        %mul3A_811 = arith.mulf %mul3A_810, %get3A_809 : vector<16xf32>
        %add3A_812 = arith.addf %add3A_802, %mul3A_811 : vector<16xf32>
        %get3A_813 = arith.constant 4 : i32
        %get3A_814 = arith.constant 3 : i32
        %get3A_815 = arith.index_cast %get3A_813 : i32 to index
        %get3A_816 = arith.index_cast %get3A_814 : i32 to index
        %get3A_817 = arith.index_cast %mul3A_773 : i32 to index
        %get3A_818 = tpu.vector_load %arg12[%get3A_815, %get3A_816, %get3A_817] {strides = array<i32>} : memref<5x8x1024xf32, #tpu.memory_space<vmem>>, vector<1x1x16xf32>,
        %get3A_819 = vector.shape_cast %get3A_818 : vector<1x1x16xf32> to vector<16xf32>
        %mul3A_820 = vector.broadcast %squeeze3A_209 : f32 to vector<16xf32>
        %mul3A_821 = arith.mulf %mul3A_820, %get3A_819 : vector<16xf32>
        %add3A_822 = arith.addf %add3A_812, %mul3A_821 : vector<16xf32>
        %swap3A_823 = arith.constant 3 : i32
        %swap3A_824 = arith.index_cast %swap3A_823 : i32 to index
        %swap3A_825 = arith.index_cast %mul3A_773 : i32 to index
        %swap3A_826 = tpu.vector_load %arg13[%swap3A_824, %swap3A_825] {strides = array<i32>} : memref<8x1024xf32, #tpu.memory_space<vmem>>, vector<1x16xf32>,
        %swap3A_827 = vector.shape_cast %swap3A_826 : vector<1x16xf32> to vector<16xf32>
        %swap3A_828 = vector.shape_cast %add3A_822 : vector<16xf32> to vector<1x16xf32>
        tpu.vector_store %arg13[%swap3A_824, %swap3A_825], %swap3A_828 {strides = array<i32>} : memref<8x1024xf32, #tpu.memory_space<vmem>>, vector<1x16xf32>,
        %scan3A_829 = arith.constant 0 : i32
        scf.yield %scan3A_829 : i32
      }
      %scan3A_216 = arith.constant 64 : i32
      %add3A_217 = arith.constant 4 : i32
      %add3A_218 = arith.addi %mul3A_127, %add3A_217 : i32
      %get3A_219 = arith.index_cast %add3A_218 : i32 to index
      %get3A_220 = arith.constant 0 : index
      %get3A_221 = tpu.vector_load %arg11[%get3A_219, %get3A_220] {strides = array<i32>} : memref<512x16xf32, #tpu.memory_space<vmem>>, vector<1x16xf32>,
      %get3A_222 = vector.shape_cast %get3A_221 : vector<1x16xf32> to vector<16xf32>
      %slice3A_223 = vector.extract_strided_slice %get3A_222 {offsets = [0], sizes = [1], strides = [1]} : vector<16xf32> to vector<1xf32>
      %squeeze3A_224 = vector.extract %slice3A_223[0] : f32 from vector<1xf32>
      %slice3A_225 = vector.extract_strided_slice %get3A_222 {offsets = [1], sizes = [1], strides = [1]} : vector<16xf32> to vector<1xf32>
      %squeeze3A_226 = vector.extract %slice3A_225[0] : f32 from vector<1xf32>
      %slice3A_227 = vector.extract_strided_slice %get3A_222 {offsets = [2], sizes = [1], strides = [1]} : vector<16xf32> to vector<1xf32>
      %squeeze3A_228 = vector.extract %slice3A_227[0] : f32 from vector<1xf32>
      %slice3A_229 = vector.extract_strided_slice %get3A_222 {offsets = [3], sizes = [1], strides = [1]} : vector<16xf32> to vector<1xf32>
      %squeeze3A_230 = vector.extract %slice3A_229[0] : f32 from vector<1xf32>
      %slice3A_231 = vector.extract_strided_slice %get3A_222 {offsets = [4], sizes = [1], strides = [1]} : vector<16xf32> to vector<1xf32>
      %squeeze3A_232 = vector.extract %slice3A_231[0] : f32 from vector<1xf32>
      %scan3A_233 = arith.constant 0 : i32
      %scan3A_234 = arith.constant 0 : i32
      %scan3A_235 = arith.constant 64 : i32
      %scan3A_236 = arith.addi %scan3A_234, %scan3A_235 : i32
      %scan3A_237 = arith.constant 8 : i32
      %scan3A_238 = scf.for %scan3A_351 = %scan3A_234 to %scan3A_236 step %scan3A_237 iter_args(%scan3A_352 = %scan3A_233) -> (i32)  : i32 {
        %mul3A_353 = arith.constant 16 : i32
        %mul3A_354 = arith.muli %scan3A_351, %mul3A_353 : i32
        %get3A_355 = arith.constant 0 : i32
        %get3A_356 = arith.constant 4 : i32
        %get3A_357 = arith.index_cast %get3A_355 : i32 to index
        %get3A_358 = arith.index_cast %get3A_356 : i32 to index
        %get3A_359 = arith.index_cast %mul3A_354 : i32 to index
        %get3A_360 = tpu.vector_load %arg12[%get3A_357, %get3A_358, %get3A_359] {strides = array<i32>} : memref<5x8x1024xf32, #tpu.memory_space<vmem>>, vector<1x1x16xf32>,
        %get3A_361 = vector.shape_cast %get3A_360 : vector<1x1x16xf32> to vector<16xf32>
        %mul3A_362 = vector.broadcast %squeeze3A_224 : f32 to vector<16xf32>
        %mul3A_363 = arith.mulf %mul3A_362, %get3A_361 : vector<16xf32>
        %get3A_364 = arith.constant 1 : i32
        %get3A_365 = arith.constant 4 : i32
        %get3A_366 = arith.index_cast %get3A_364 : i32 to index
        %get3A_367 = arith.index_cast %get3A_365 : i32 to index
        %get3A_368 = arith.index_cast %mul3A_354 : i32 to index
        %get3A_369 = tpu.vector_load %arg12[%get3A_366, %get3A_367, %get3A_368] {strides = array<i32>} : memref<5x8x1024xf32, #tpu.memory_space<vmem>>, vector<1x1x16xf32>,
        %get3A_370 = vector.shape_cast %get3A_369 : vector<1x1x16xf32> to vector<16xf32>
        %mul3A_371 = vector.broadcast %squeeze3A_226 : f32 to vector<16xf32>
        %mul3A_372 = arith.mulf %mul3A_371, %get3A_370 : vector<16xf32>
        %add3A_373 = arith.addf %mul3A_363, %mul3A_372 : vector<16xf32>
        %get3A_374 = arith.constant 2 : i32
        %get3A_375 = arith.constant 4 : i32
        %get3A_376 = arith.index_cast %get3A_374 : i32 to index
        %get3A_377 = arith.index_cast %get3A_375 : i32 to index
        %get3A_378 = arith.index_cast %mul3A_354 : i32 to index
        %get3A_379 = tpu.vector_load %arg12[%get3A_376, %get3A_377, %get3A_378] {strides = array<i32>} : memref<5x8x1024xf32, #tpu.memory_space<vmem>>, vector<1x1x16xf32>,
        %get3A_380 = vector.shape_cast %get3A_379 : vector<1x1x16xf32> to vector<16xf32>
        %mul3A_381 = vector.broadcast %squeeze3A_228 : f32 to vector<16xf32>
        %mul3A_382 = arith.mulf %mul3A_381, %get3A_380 : vector<16xf32>
        %add3A_383 = arith.addf %add3A_373, %mul3A_382 : vector<16xf32>
        %get3A_384 = arith.constant 3 : i32
        %get3A_385 = arith.constant 4 : i32
        %get3A_386 = arith.index_cast %get3A_384 : i32 to index
        %get3A_387 = arith.index_cast %get3A_385 : i32 to index
        %get3A_388 = arith.index_cast %mul3A_354 : i32 to index
        %get3A_389 = tpu.vector_load %arg12[%get3A_386, %get3A_387, %get3A_388] {strides = array<i32>} : memref<5x8x1024xf32, #tpu.memory_space<vmem>>, vector<1x1x16xf32>,
        %get3A_390 = vector.shape_cast %get3A_389 : vector<1x1x16xf32> to vector<16xf32>
        %mul3A_391 = vector.broadcast %squeeze3A_230 : f32 to vector<16xf32>
        %mul3A_392 = arith.mulf %mul3A_391, %get3A_390 : vector<16xf32>
        %add3A_393 = arith.addf %add3A_383, %mul3A_392 : vector<16xf32>
        %get3A_394 = arith.constant 4 : i32
        %get3A_395 = arith.constant 4 : i32
        %get3A_396 = arith.index_cast %get3A_394 : i32 to index
        %get3A_397 = arith.index_cast %get3A_395 : i32 to index
        %get3A_398 = arith.index_cast %mul3A_354 : i32 to index
        %get3A_399 = tpu.vector_load %arg12[%get3A_396, %get3A_397, %get3A_398] {strides = array<i32>} : memref<5x8x1024xf32, #tpu.memory_space<vmem>>, vector<1x1x16xf32>,
        %get3A_400 = vector.shape_cast %get3A_399 : vector<1x1x16xf32> to vector<16xf32>
        %mul3A_401 = vector.broadcast %squeeze3A_232 : f32 to vector<16xf32>
        %mul3A_402 = arith.mulf %mul3A_401, %get3A_400 : vector<16xf32>
        %add3A_403 = arith.addf %add3A_393, %mul3A_402 : vector<16xf32>
        %swap3A = arith.constant 4 : i32
        %swap3A_404 = arith.index_cast %swap3A : i32 to index
        %swap3A_405 = arith.index_cast %mul3A_354 : i32 to index
        %swap3A_406 = tpu.vector_load %arg13[%swap3A_404, %swap3A_405] {strides = array<i32>} : memref<8x1024xf32, #tpu.memory_space<vmem>>, vector<1x16xf32>,
        %swap3A_407 = vector.shape_cast %swap3A_406 : vector<1x16xf32> to vector<16xf32>
        %swap3A_408 = vector.shape_cast %add3A_403 : vector<16xf32> to vector<1x16xf32>
        tpu.vector_store %arg13[%swap3A_404, %swap3A_405], %swap3A_408 {strides = array<i32>} : memref<8x1024xf32, #tpu.memory_space<vmem>>, vector<1x16xf32>,
        %scan3A_409 = arith.constant 0 : i32
        %scan3A_410 = arith.constant 1 : i32
        %scan3A_411 = arith.addi %scan3A_351, %scan3A_410 : i32
        %mul3A_412 = arith.constant 16 : i32
        %mul3A_413 = arith.muli %scan3A_411, %mul3A_412 : i32
        %get3A_414 = arith.constant 0 : i32
        %get3A_415 = arith.constant 4 : i32
        %get3A_416 = arith.index_cast %get3A_414 : i32 to index
        %get3A_417 = arith.index_cast %get3A_415 : i32 to index
        %get3A_418 = arith.index_cast %mul3A_413 : i32 to index
        %get3A_419 = tpu.vector_load %arg12[%get3A_416, %get3A_417, %get3A_418] {strides = array<i32>} : memref<5x8x1024xf32, #tpu.memory_space<vmem>>, vector<1x1x16xf32>,
        %get3A_420 = vector.shape_cast %get3A_419 : vector<1x1x16xf32> to vector<16xf32>
        %mul3A_421 = vector.broadcast %squeeze3A_224 : f32 to vector<16xf32>
        %mul3A_422 = arith.mulf %mul3A_421, %get3A_420 : vector<16xf32>
        %get3A_423 = arith.constant 1 : i32
        %get3A_424 = arith.constant 4 : i32
        %get3A_425 = arith.index_cast %get3A_423 : i32 to index
        %get3A_426 = arith.index_cast %get3A_424 : i32 to index
        %get3A_427 = arith.index_cast %mul3A_413 : i32 to index
        %get3A_428 = tpu.vector_load %arg12[%get3A_425, %get3A_426, %get3A_427] {strides = array<i32>} : memref<5x8x1024xf32, #tpu.memory_space<vmem>>, vector<1x1x16xf32>,
        %get3A_429 = vector.shape_cast %get3A_428 : vector<1x1x16xf32> to vector<16xf32>
        %mul3A_430 = vector.broadcast %squeeze3A_226 : f32 to vector<16xf32>
        %mul3A_431 = arith.mulf %mul3A_430, %get3A_429 : vector<16xf32>
        %add3A_432 = arith.addf %mul3A_422, %mul3A_431 : vector<16xf32>
        %get3A_433 = arith.constant 2 : i32
        %get3A_434 = arith.constant 4 : i32
        %get3A_435 = arith.index_cast %get3A_433 : i32 to index
        %get3A_436 = arith.index_cast %get3A_434 : i32 to index
        %get3A_437 = arith.index_cast %mul3A_413 : i32 to index
        %get3A_438 = tpu.vector_load %arg12[%get3A_435, %get3A_436, %get3A_437] {strides = array<i32>} : memref<5x8x1024xf32, #tpu.memory_space<vmem>>, vector<1x1x16xf32>,
        %get3A_439 = vector.shape_cast %get3A_438 : vector<1x1x16xf32> to vector<16xf32>
        %mul3A_440 = vector.broadcast %squeeze3A_228 : f32 to vector<16xf32>
        %mul3A_441 = arith.mulf %mul3A_440, %get3A_439 : vector<16xf32>
        %add3A_442 = arith.addf %add3A_432, %mul3A_441 : vector<16xf32>
        %get3A_443 = arith.constant 3 : i32
        %get3A_444 = arith.constant 4 : i32
        %get3A_445 = arith.index_cast %get3A_443 : i32 to index
        %get3A_446 = arith.index_cast %get3A_444 : i32 to index
        %get3A_447 = arith.index_cast %mul3A_413 : i32 to index
        %get3A_448 = tpu.vector_load %arg12[%get3A_445, %get3A_446, %get3A_447] {strides = array<i32>} : memref<5x8x1024xf32, #tpu.memory_space<vmem>>, vector<1x1x16xf32>,
        %get3A_449 = vector.shape_cast %get3A_448 : vector<1x1x16xf32> to vector<16xf32>
        %mul3A_450 = vector.broadcast %squeeze3A_230 : f32 to vector<16xf32>
        %mul3A_451 = arith.mulf %mul3A_450, %get3A_449 : vector<16xf32>
        %add3A_452 = arith.addf %add3A_442, %mul3A_451 : vector<16xf32>
        %get3A_453 = arith.constant 4 : i32
        %get3A_454 = arith.constant 4 : i32
        %get3A_455 = arith.index_cast %get3A_453 : i32 to index
        %get3A_456 = arith.index_cast %get3A_454 : i32 to index
        %get3A_457 = arith.index_cast %mul3A_413 : i32 to index
        %get3A_458 = tpu.vector_load %arg12[%get3A_455, %get3A_456, %get3A_457] {strides = array<i32>} : memref<5x8x1024xf32, #tpu.memory_space<vmem>>, vector<1x1x16xf32>,
        %get3A_459 = vector.shape_cast %get3A_458 : vector<1x1x16xf32> to vector<16xf32>
        %mul3A_460 = vector.broadcast %squeeze3A_232 : f32 to vector<16xf32>
        %mul3A_461 = arith.mulf %mul3A_460, %get3A_459 : vector<16xf32>
        %add3A_462 = arith.addf %add3A_452, %mul3A_461 : vector<16xf32>
        %swap3A_463 = arith.constant 4 : i32
        %swap3A_464 = arith.index_cast %swap3A_463 : i32 to index
        %swap3A_465 = arith.index_cast %mul3A_413 : i32 to index
        %swap3A_466 = tpu.vector_load %arg13[%swap3A_464, %swap3A_465] {strides = array<i32>} : memref<8x1024xf32, #tpu.memory_space<vmem>>, vector<1x16xf32>,
        %swap3A_467 = vector.shape_cast %swap3A_466 : vector<1x16xf32> to vector<16xf32>
        %swap3A_468 = vector.shape_cast %add3A_462 : vector<16xf32> to vector<1x16xf32>
        tpu.vector_store %arg13[%swap3A_464, %swap3A_465], %swap3A_468 {strides = array<i32>} : memref<8x1024xf32, #tpu.memory_space<vmem>>, vector<1x16xf32>,
        %scan3A_469 = arith.constant 0 : i32
        %scan3A_470 = arith.constant 2 : i32
        %scan3A_471 = arith.addi %scan3A_351, %scan3A_470 : i32
        %mul3A_472 = arith.constant 16 : i32
        %mul3A_473 = arith.muli %scan3A_471, %mul3A_472 : i32
        %get3A_474 = arith.constant 0 : i32
        %get3A_475 = arith.constant 4 : i32
        %get3A_476 = arith.index_cast %get3A_474 : i32 to index
        %get3A_477 = arith.index_cast %get3A_475 : i32 to index
        %get3A_478 = arith.index_cast %mul3A_473 : i32 to index
        %get3A_479 = tpu.vector_load %arg12[%get3A_476, %get3A_477, %get3A_478] {strides = array<i32>} : memref<5x8x1024xf32, #tpu.memory_space<vmem>>, vector<1x1x16xf32>,
        %get3A_480 = vector.shape_cast %get3A_479 : vector<1x1x16xf32> to vector<16xf32>
        %mul3A_481 = vector.broadcast %squeeze3A_224 : f32 to vector<16xf32>
        %mul3A_482 = arith.mulf %mul3A_481, %get3A_480 : vector<16xf32>
        %get3A_483 = arith.constant 1 : i32
        %get3A_484 = arith.constant 4 : i32
        %get3A_485 = arith.index_cast %get3A_483 : i32 to index
        %get3A_486 = arith.index_cast %get3A_484 : i32 to index
        %get3A_487 = arith.index_cast %mul3A_473 : i32 to index
        %get3A_488 = tpu.vector_load %arg12[%get3A_485, %get3A_486, %get3A_487] {strides = array<i32>} : memref<5x8x1024xf32, #tpu.memory_space<vmem>>, vector<1x1x16xf32>,
        %get3A_489 = vector.shape_cast %get3A_488 : vector<1x1x16xf32> to vector<16xf32>
        %mul3A_490 = vector.broadcast %squeeze3A_226 : f32 to vector<16xf32>
        %mul3A_491 = arith.mulf %mul3A_490, %get3A_489 : vector<16xf32>
        %add3A_492 = arith.addf %mul3A_482, %mul3A_491 : vector<16xf32>
        %get3A_493 = arith.constant 2 : i32
        %get3A_494 = arith.constant 4 : i32
        %get3A_495 = arith.index_cast %get3A_493 : i32 to index
        %get3A_496 = arith.index_cast %get3A_494 : i32 to index
        %get3A_497 = arith.index_cast %mul3A_473 : i32 to index
        %get3A_498 = tpu.vector_load %arg12[%get3A_495, %get3A_496, %get3A_497] {strides = array<i32>} : memref<5x8x1024xf32, #tpu.memory_space<vmem>>, vector<1x1x16xf32>,
        %get3A_499 = vector.shape_cast %get3A_498 : vector<1x1x16xf32> to vector<16xf32>
        %mul3A_500 = vector.broadcast %squeeze3A_228 : f32 to vector<16xf32>
        %mul3A_501 = arith.mulf %mul3A_500, %get3A_499 : vector<16xf32>
        %add3A_502 = arith.addf %add3A_492, %mul3A_501 : vector<16xf32>
        %get3A_503 = arith.constant 3 : i32
        %get3A_504 = arith.constant 4 : i32
        %get3A_505 = arith.index_cast %get3A_503 : i32 to index
        %get3A_506 = arith.index_cast %get3A_504 : i32 to index
        %get3A_507 = arith.index_cast %mul3A_473 : i32 to index
        %get3A_508 = tpu.vector_load %arg12[%get3A_505, %get3A_506, %get3A_507] {strides = array<i32>} : memref<5x8x1024xf32, #tpu.memory_space<vmem>>, vector<1x1x16xf32>,
        %get3A_509 = vector.shape_cast %get3A_508 : vector<1x1x16xf32> to vector<16xf32>
        %mul3A_510 = vector.broadcast %squeeze3A_230 : f32 to vector<16xf32>
        %mul3A_511 = arith.mulf %mul3A_510, %get3A_509 : vector<16xf32>
        %add3A_512 = arith.addf %add3A_502, %mul3A_511 : vector<16xf32>
        %get3A_513 = arith.constant 4 : i32
        %get3A_514 = arith.constant 4 : i32
        %get3A_515 = arith.index_cast %get3A_513 : i32 to index
        %get3A_516 = arith.index_cast %get3A_514 : i32 to index
        %get3A_517 = arith.index_cast %mul3A_473 : i32 to index
        %get3A_518 = tpu.vector_load %arg12[%get3A_515, %get3A_516, %get3A_517] {strides = array<i32>} : memref<5x8x1024xf32, #tpu.memory_space<vmem>>, vector<1x1x16xf32>,
        %get3A_519 = vector.shape_cast %get3A_518 : vector<1x1x16xf32> to vector<16xf32>
        %mul3A_520 = vector.broadcast %squeeze3A_232 : f32 to vector<16xf32>
        %mul3A_521 = arith.mulf %mul3A_520, %get3A_519 : vector<16xf32>
        %add3A_522 = arith.addf %add3A_512, %mul3A_521 : vector<16xf32>
        %swap3A_523 = arith.constant 4 : i32
        %swap3A_524 = arith.index_cast %swap3A_523 : i32 to index
        %swap3A_525 = arith.index_cast %mul3A_473 : i32 to index
        %swap3A_526 = tpu.vector_load %arg13[%swap3A_524, %swap3A_525] {strides = array<i32>} : memref<8x1024xf32, #tpu.memory_space<vmem>>, vector<1x16xf32>,
        %swap3A_527 = vector.shape_cast %swap3A_526 : vector<1x16xf32> to vector<16xf32>
        %swap3A_528 = vector.shape_cast %add3A_522 : vector<16xf32> to vector<1x16xf32>
        tpu.vector_store %arg13[%swap3A_524, %swap3A_525], %swap3A_528 {strides = array<i32>} : memref<8x1024xf32, #tpu.memory_space<vmem>>, vector<1x16xf32>,
        %scan3A_529 = arith.constant 0 : i32
        %scan3A_530 = arith.constant 3 : i32
        %scan3A_531 = arith.addi %scan3A_351, %scan3A_530 : i32
        %mul3A_532 = arith.constant 16 : i32
        %mul3A_533 = arith.muli %scan3A_531, %mul3A_532 : i32
        %get3A_534 = arith.constant 0 : i32
        %get3A_535 = arith.constant 4 : i32
        %get3A_536 = arith.index_cast %get3A_534 : i32 to index
        %get3A_537 = arith.index_cast %get3A_535 : i32 to index
        %get3A_538 = arith.index_cast %mul3A_533 : i32 to index
        %get3A_539 = tpu.vector_load %arg12[%get3A_536, %get3A_537, %get3A_538] {strides = array<i32>} : memref<5x8x1024xf32, #tpu.memory_space<vmem>>, vector<1x1x16xf32>,
        %get3A_540 = vector.shape_cast %get3A_539 : vector<1x1x16xf32> to vector<16xf32>
        %mul3A_541 = vector.broadcast %squeeze3A_224 : f32 to vector<16xf32>
        %mul3A_542 = arith.mulf %mul3A_541, %get3A_540 : vector<16xf32>
        %get3A_543 = arith.constant 1 : i32
        %get3A_544 = arith.constant 4 : i32
        %get3A_545 = arith.index_cast %get3A_543 : i32 to index
        %get3A_546 = arith.index_cast %get3A_544 : i32 to index
        %get3A_547 = arith.index_cast %mul3A_533 : i32 to index
        %get3A_548 = tpu.vector_load %arg12[%get3A_545, %get3A_546, %get3A_547] {strides = array<i32>} : memref<5x8x1024xf32, #tpu.memory_space<vmem>>, vector<1x1x16xf32>,
        %get3A_549 = vector.shape_cast %get3A_548 : vector<1x1x16xf32> to vector<16xf32>
        %mul3A_550 = vector.broadcast %squeeze3A_226 : f32 to vector<16xf32>
        %mul3A_551 = arith.mulf %mul3A_550, %get3A_549 : vector<16xf32>
        %add3A_552 = arith.addf %mul3A_542, %mul3A_551 : vector<16xf32>
        %get3A_553 = arith.constant 2 : i32
        %get3A_554 = arith.constant 4 : i32
        %get3A_555 = arith.index_cast %get3A_553 : i32 to index
        %get3A_556 = arith.index_cast %get3A_554 : i32 to index
        %get3A_557 = arith.index_cast %mul3A_533 : i32 to index
        %get3A_558 = tpu.vector_load %arg12[%get3A_555, %get3A_556, %get3A_557] {strides = array<i32>} : memref<5x8x1024xf32, #tpu.memory_space<vmem>>, vector<1x1x16xf32>,
        %get3A_559 = vector.shape_cast %get3A_558 : vector<1x1x16xf32> to vector<16xf32>
        %mul3A_560 = vector.broadcast %squeeze3A_228 : f32 to vector<16xf32>
        %mul3A_561 = arith.mulf %mul3A_560, %get3A_559 : vector<16xf32>
        %add3A_562 = arith.addf %add3A_552, %mul3A_561 : vector<16xf32>
        %get3A_563 = arith.constant 3 : i32
        %get3A_564 = arith.constant 4 : i32
        %get3A_565 = arith.index_cast %get3A_563 : i32 to index
        %get3A_566 = arith.index_cast %get3A_564 : i32 to index
        %get3A_567 = arith.index_cast %mul3A_533 : i32 to index
        %get3A_568 = tpu.vector_load %arg12[%get3A_565, %get3A_566, %get3A_567] {strides = array<i32>} : memref<5x8x1024xf32, #tpu.memory_space<vmem>>, vector<1x1x16xf32>,
        %get3A_569 = vector.shape_cast %get3A_568 : vector<1x1x16xf32> to vector<16xf32>
        %mul3A_570 = vector.broadcast %squeeze3A_230 : f32 to vector<16xf32>
        %mul3A_571 = arith.mulf %mul3A_570, %get3A_569 : vector<16xf32>
        %add3A_572 = arith.addf %add3A_562, %mul3A_571 : vector<16xf32>
        %get3A_573 = arith.constant 4 : i32
        %get3A_574 = arith.constant 4 : i32
        %get3A_575 = arith.index_cast %get3A_573 : i32 to index
        %get3A_576 = arith.index_cast %get3A_574 : i32 to index
        %get3A_577 = arith.index_cast %mul3A_533 : i32 to index
        %get3A_578 = tpu.vector_load %arg12[%get3A_575, %get3A_576, %get3A_577] {strides = array<i32>} : memref<5x8x1024xf32, #tpu.memory_space<vmem>>, vector<1x1x16xf32>,
        %get3A_579 = vector.shape_cast %get3A_578 : vector<1x1x16xf32> to vector<16xf32>
        %mul3A_580 = vector.broadcast %squeeze3A_232 : f32 to vector<16xf32>
        %mul3A_581 = arith.mulf %mul3A_580, %get3A_579 : vector<16xf32>
        %add3A_582 = arith.addf %add3A_572, %mul3A_581 : vector<16xf32>
        %swap3A_583 = arith.constant 4 : i32
        %swap3A_584 = arith.index_cast %swap3A_583 : i32 to index
        %swap3A_585 = arith.index_cast %mul3A_533 : i32 to index
        %swap3A_586 = tpu.vector_load %arg13[%swap3A_584, %swap3A_585] {strides = array<i32>} : memref<8x1024xf32, #tpu.memory_space<vmem>>, vector<1x16xf32>,
        %swap3A_587 = vector.shape_cast %swap3A_586 : vector<1x16xf32> to vector<16xf32>
        %swap3A_588 = vector.shape_cast %add3A_582 : vector<16xf32> to vector<1x16xf32>
        tpu.vector_store %arg13[%swap3A_584, %swap3A_585], %swap3A_588 {strides = array<i32>} : memref<8x1024xf32, #tpu.memory_space<vmem>>, vector<1x16xf32>,
        %scan3A_589 = arith.constant 0 : i32
        %scan3A_590 = arith.constant 4 : i32
        %scan3A_591 = arith.addi %scan3A_351, %scan3A_590 : i32
        %mul3A_592 = arith.constant 16 : i32
        %mul3A_593 = arith.muli %scan3A_591, %mul3A_592 : i32
        %get3A_594 = arith.constant 0 : i32
        %get3A_595 = arith.constant 4 : i32
        %get3A_596 = arith.index_cast %get3A_594 : i32 to index
        %get3A_597 = arith.index_cast %get3A_595 : i32 to index
        %get3A_598 = arith.index_cast %mul3A_593 : i32 to index
        %get3A_599 = tpu.vector_load %arg12[%get3A_596, %get3A_597, %get3A_598] {strides = array<i32>} : memref<5x8x1024xf32, #tpu.memory_space<vmem>>, vector<1x1x16xf32>,
        %get3A_600 = vector.shape_cast %get3A_599 : vector<1x1x16xf32> to vector<16xf32>
        %mul3A_601 = vector.broadcast %squeeze3A_224 : f32 to vector<16xf32>
        %mul3A_602 = arith.mulf %mul3A_601, %get3A_600 : vector<16xf32>
        %get3A_603 = arith.constant 1 : i32
        %get3A_604 = arith.constant 4 : i32
        %get3A_605 = arith.index_cast %get3A_603 : i32 to index
        %get3A_606 = arith.index_cast %get3A_604 : i32 to index
        %get3A_607 = arith.index_cast %mul3A_593 : i32 to index
        %get3A_608 = tpu.vector_load %arg12[%get3A_605, %get3A_606, %get3A_607] {strides = array<i32>} : memref<5x8x1024xf32, #tpu.memory_space<vmem>>, vector<1x1x16xf32>,
        %get3A_609 = vector.shape_cast %get3A_608 : vector<1x1x16xf32> to vector<16xf32>
        %mul3A_610 = vector.broadcast %squeeze3A_226 : f32 to vector<16xf32>
        %mul3A_611 = arith.mulf %mul3A_610, %get3A_609 : vector<16xf32>
        %add3A_612 = arith.addf %mul3A_602, %mul3A_611 : vector<16xf32>
        %get3A_613 = arith.constant 2 : i32
        %get3A_614 = arith.constant 4 : i32
        %get3A_615 = arith.index_cast %get3A_613 : i32 to index
        %get3A_616 = arith.index_cast %get3A_614 : i32 to index
        %get3A_617 = arith.index_cast %mul3A_593 : i32 to index
        %get3A_618 = tpu.vector_load %arg12[%get3A_615, %get3A_616, %get3A_617] {strides = array<i32>} : memref<5x8x1024xf32, #tpu.memory_space<vmem>>, vector<1x1x16xf32>,
        %get3A_619 = vector.shape_cast %get3A_618 : vector<1x1x16xf32> to vector<16xf32>
        %mul3A_620 = vector.broadcast %squeeze3A_228 : f32 to vector<16xf32>
        %mul3A_621 = arith.mulf %mul3A_620, %get3A_619 : vector<16xf32>
        %add3A_622 = arith.addf %add3A_612, %mul3A_621 : vector<16xf32>
        %get3A_623 = arith.constant 3 : i32
        %get3A_624 = arith.constant 4 : i32
        %get3A_625 = arith.index_cast %get3A_623 : i32 to index
        %get3A_626 = arith.index_cast %get3A_624 : i32 to index
        %get3A_627 = arith.index_cast %mul3A_593 : i32 to index
        %get3A_628 = tpu.vector_load %arg12[%get3A_625, %get3A_626, %get3A_627] {strides = array<i32>} : memref<5x8x1024xf32, #tpu.memory_space<vmem>>, vector<1x1x16xf32>,
        %get3A_629 = vector.shape_cast %get3A_628 : vector<1x1x16xf32> to vector<16xf32>
        %mul3A_630 = vector.broadcast %squeeze3A_230 : f32 to vector<16xf32>
        %mul3A_631 = arith.mulf %mul3A_630, %get3A_629 : vector<16xf32>
        %add3A_632 = arith.addf %add3A_622, %mul3A_631 : vector<16xf32>
        %get3A_633 = arith.constant 4 : i32
        %get3A_634 = arith.constant 4 : i32
        %get3A_635 = arith.index_cast %get3A_633 : i32 to index
        %get3A_636 = arith.index_cast %get3A_634 : i32 to index
        %get3A_637 = arith.index_cast %mul3A_593 : i32 to index
        %get3A_638 = tpu.vector_load %arg12[%get3A_635, %get3A_636, %get3A_637] {strides = array<i32>} : memref<5x8x1024xf32, #tpu.memory_space<vmem>>, vector<1x1x16xf32>,
        %get3A_639 = vector.shape_cast %get3A_638 : vector<1x1x16xf32> to vector<16xf32>
        %mul3A_640 = vector.broadcast %squeeze3A_232 : f32 to vector<16xf32>
        %mul3A_641 = arith.mulf %mul3A_640, %get3A_639 : vector<16xf32>
        %add3A_642 = arith.addf %add3A_632, %mul3A_641 : vector<16xf32>
        %swap3A_643 = arith.constant 4 : i32
        %swap3A_644 = arith.index_cast %swap3A_643 : i32 to index
        %swap3A_645 = arith.index_cast %mul3A_593 : i32 to index
        %swap3A_646 = tpu.vector_load %arg13[%swap3A_644, %swap3A_645] {strides = array<i32>} : memref<8x1024xf32, #tpu.memory_space<vmem>>, vector<1x16xf32>,
        %swap3A_647 = vector.shape_cast %swap3A_646 : vector<1x16xf32> to vector<16xf32>
        %swap3A_648 = vector.shape_cast %add3A_642 : vector<16xf32> to vector<1x16xf32>
        tpu.vector_store %arg13[%swap3A_644, %swap3A_645], %swap3A_648 {strides = array<i32>} : memref<8x1024xf32, #tpu.memory_space<vmem>>, vector<1x16xf32>,
        %scan3A_649 = arith.constant 0 : i32
        %scan3A_650 = arith.constant 5 : i32
        %scan3A_651 = arith.addi %scan3A_351, %scan3A_650 : i32
        %mul3A_652 = arith.constant 16 : i32
        %mul3A_653 = arith.muli %scan3A_651, %mul3A_652 : i32
        %get3A_654 = arith.constant 0 : i32
        %get3A_655 = arith.constant 4 : i32
        %get3A_656 = arith.index_cast %get3A_654 : i32 to index
        %get3A_657 = arith.index_cast %get3A_655 : i32 to index
        %get3A_658 = arith.index_cast %mul3A_653 : i32 to index
        %get3A_659 = tpu.vector_load %arg12[%get3A_656, %get3A_657, %get3A_658] {strides = array<i32>} : memref<5x8x1024xf32, #tpu.memory_space<vmem>>, vector<1x1x16xf32>,
        %get3A_660 = vector.shape_cast %get3A_659 : vector<1x1x16xf32> to vector<16xf32>
        %mul3A_661 = vector.broadcast %squeeze3A_224 : f32 to vector<16xf32>
        %mul3A_662 = arith.mulf %mul3A_661, %get3A_660 : vector<16xf32>
        %get3A_663 = arith.constant 1 : i32
        %get3A_664 = arith.constant 4 : i32
        %get3A_665 = arith.index_cast %get3A_663 : i32 to index
        %get3A_666 = arith.index_cast %get3A_664 : i32 to index
        %get3A_667 = arith.index_cast %mul3A_653 : i32 to index
        %get3A_668 = tpu.vector_load %arg12[%get3A_665, %get3A_666, %get3A_667] {strides = array<i32>} : memref<5x8x1024xf32, #tpu.memory_space<vmem>>, vector<1x1x16xf32>,
        %get3A_669 = vector.shape_cast %get3A_668 : vector<1x1x16xf32> to vector<16xf32>
        %mul3A_670 = vector.broadcast %squeeze3A_226 : f32 to vector<16xf32>
        %mul3A_671 = arith.mulf %mul3A_670, %get3A_669 : vector<16xf32>
        %add3A_672 = arith.addf %mul3A_662, %mul3A_671 : vector<16xf32>
        %get3A_673 = arith.constant 2 : i32
        %get3A_674 = arith.constant 4 : i32
        %get3A_675 = arith.index_cast %get3A_673 : i32 to index
        %get3A_676 = arith.index_cast %get3A_674 : i32 to index
        %get3A_677 = arith.index_cast %mul3A_653 : i32 to index
        %get3A_678 = tpu.vector_load %arg12[%get3A_675, %get3A_676, %get3A_677] {strides = array<i32>} : memref<5x8x1024xf32, #tpu.memory_space<vmem>>, vector<1x1x16xf32>,
        %get3A_679 = vector.shape_cast %get3A_678 : vector<1x1x16xf32> to vector<16xf32>
        %mul3A_680 = vector.broadcast %squeeze3A_228 : f32 to vector<16xf32>
        %mul3A_681 = arith.mulf %mul3A_680, %get3A_679 : vector<16xf32>
        %add3A_682 = arith.addf %add3A_672, %mul3A_681 : vector<16xf32>
        %get3A_683 = arith.constant 3 : i32
        %get3A_684 = arith.constant 4 : i32
        %get3A_685 = arith.index_cast %get3A_683 : i32 to index
        %get3A_686 = arith.index_cast %get3A_684 : i32 to index
        %get3A_687 = arith.index_cast %mul3A_653 : i32 to index
        %get3A_688 = tpu.vector_load %arg12[%get3A_685, %get3A_686, %get3A_687] {strides = array<i32>} : memref<5x8x1024xf32, #tpu.memory_space<vmem>>, vector<1x1x16xf32>,
        %get3A_689 = vector.shape_cast %get3A_688 : vector<1x1x16xf32> to vector<16xf32>
        %mul3A_690 = vector.broadcast %squeeze3A_230 : f32 to vector<16xf32>
        %mul3A_691 = arith.mulf %mul3A_690, %get3A_689 : vector<16xf32>
        %add3A_692 = arith.addf %add3A_682, %mul3A_691 : vector<16xf32>
        %get3A_693 = arith.constant 4 : i32
        %get3A_694 = arith.constant 4 : i32
        %get3A_695 = arith.index_cast %get3A_693 : i32 to index
        %get3A_696 = arith.index_cast %get3A_694 : i32 to index
        %get3A_697 = arith.index_cast %mul3A_653 : i32 to index
        %get3A_698 = tpu.vector_load %arg12[%get3A_695, %get3A_696, %get3A_697] {strides = array<i32>} : memref<5x8x1024xf32, #tpu.memory_space<vmem>>, vector<1x1x16xf32>,
        %get3A_699 = vector.shape_cast %get3A_698 : vector<1x1x16xf32> to vector<16xf32>
        %mul3A_700 = vector.broadcast %squeeze3A_232 : f32 to vector<16xf32>
        %mul3A_701 = arith.mulf %mul3A_700, %get3A_699 : vector<16xf32>
        %add3A_702 = arith.addf %add3A_692, %mul3A_701 : vector<16xf32>
        %swap3A_703 = arith.constant 4 : i32
        %swap3A_704 = arith.index_cast %swap3A_703 : i32 to index
        %swap3A_705 = arith.index_cast %mul3A_653 : i32 to index
        %swap3A_706 = tpu.vector_load %arg13[%swap3A_704, %swap3A_705] {strides = array<i32>} : memref<8x1024xf32, #tpu.memory_space<vmem>>, vector<1x16xf32>,
        %swap3A_707 = vector.shape_cast %swap3A_706 : vector<1x16xf32> to vector<16xf32>
        %swap3A_708 = vector.shape_cast %add3A_702 : vector<16xf32> to vector<1x16xf32>
        tpu.vector_store %arg13[%swap3A_704, %swap3A_705], %swap3A_708 {strides = array<i32>} : memref<8x1024xf32, #tpu.memory_space<vmem>>, vector<1x16xf32>,
        %scan3A_709 = arith.constant 0 : i32
        %scan3A_710 = arith.constant 6 : i32
        %scan3A_711 = arith.addi %scan3A_351, %scan3A_710 : i32
        %mul3A_712 = arith.constant 16 : i32
        %mul3A_713 = arith.muli %scan3A_711, %mul3A_712 : i32
        %get3A_714 = arith.constant 0 : i32
        %get3A_715 = arith.constant 4 : i32
        %get3A_716 = arith.index_cast %get3A_714 : i32 to index
        %get3A_717 = arith.index_cast %get3A_715 : i32 to index
        %get3A_718 = arith.index_cast %mul3A_713 : i32 to index
        %get3A_719 = tpu.vector_load %arg12[%get3A_716, %get3A_717, %get3A_718] {strides = array<i32>} : memref<5x8x1024xf32, #tpu.memory_space<vmem>>, vector<1x1x16xf32>,
        %get3A_720 = vector.shape_cast %get3A_719 : vector<1x1x16xf32> to vector<16xf32>
        %mul3A_721 = vector.broadcast %squeeze3A_224 : f32 to vector<16xf32>
        %mul3A_722 = arith.mulf %mul3A_721, %get3A_720 : vector<16xf32>
        %get3A_723 = arith.constant 1 : i32
        %get3A_724 = arith.constant 4 : i32
        %get3A_725 = arith.index_cast %get3A_723 : i32 to index
        %get3A_726 = arith.index_cast %get3A_724 : i32 to index
        %get3A_727 = arith.index_cast %mul3A_713 : i32 to index
        %get3A_728 = tpu.vector_load %arg12[%get3A_725, %get3A_726, %get3A_727] {strides = array<i32>} : memref<5x8x1024xf32, #tpu.memory_space<vmem>>, vector<1x1x16xf32>,
        %get3A_729 = vector.shape_cast %get3A_728 : vector<1x1x16xf32> to vector<16xf32>
        %mul3A_730 = vector.broadcast %squeeze3A_226 : f32 to vector<16xf32>
        %mul3A_731 = arith.mulf %mul3A_730, %get3A_729 : vector<16xf32>
        %add3A_732 = arith.addf %mul3A_722, %mul3A_731 : vector<16xf32>
        %get3A_733 = arith.constant 2 : i32
        %get3A_734 = arith.constant 4 : i32
        %get3A_735 = arith.index_cast %get3A_733 : i32 to index
        %get3A_736 = arith.index_cast %get3A_734 : i32 to index
        %get3A_737 = arith.index_cast %mul3A_713 : i32 to index
        %get3A_738 = tpu.vector_load %arg12[%get3A_735, %get3A_736, %get3A_737] {strides = array<i32>} : memref<5x8x1024xf32, #tpu.memory_space<vmem>>, vector<1x1x16xf32>,
        %get3A_739 = vector.shape_cast %get3A_738 : vector<1x1x16xf32> to vector<16xf32>
        %mul3A_740 = vector.broadcast %squeeze3A_228 : f32 to vector<16xf32>
        %mul3A_741 = arith.mulf %mul3A_740, %get3A_739 : vector<16xf32>
        %add3A_742 = arith.addf %add3A_732, %mul3A_741 : vector<16xf32>
        %get3A_743 = arith.constant 3 : i32
        %get3A_744 = arith.constant 4 : i32
        %get3A_745 = arith.index_cast %get3A_743 : i32 to index
        %get3A_746 = arith.index_cast %get3A_744 : i32 to index
        %get3A_747 = arith.index_cast %mul3A_713 : i32 to index
        %get3A_748 = tpu.vector_load %arg12[%get3A_745, %get3A_746, %get3A_747] {strides = array<i32>} : memref<5x8x1024xf32, #tpu.memory_space<vmem>>, vector<1x1x16xf32>,
        %get3A_749 = vector.shape_cast %get3A_748 : vector<1x1x16xf32> to vector<16xf32>
        %mul3A_750 = vector.broadcast %squeeze3A_230 : f32 to vector<16xf32>
        %mul3A_751 = arith.mulf %mul3A_750, %get3A_749 : vector<16xf32>
        %add3A_752 = arith.addf %add3A_742, %mul3A_751 : vector<16xf32>
        %get3A_753 = arith.constant 4 : i32
        %get3A_754 = arith.constant 4 : i32
        %get3A_755 = arith.index_cast %get3A_753 : i32 to index
        %get3A_756 = arith.index_cast %get3A_754 : i32 to index
        %get3A_757 = arith.index_cast %mul3A_713 : i32 to index
        %get3A_758 = tpu.vector_load %arg12[%get3A_755, %get3A_756, %get3A_757] {strides = array<i32>} : memref<5x8x1024xf32, #tpu.memory_space<vmem>>, vector<1x1x16xf32>,
        %get3A_759 = vector.shape_cast %get3A_758 : vector<1x1x16xf32> to vector<16xf32>
        %mul3A_760 = vector.broadcast %squeeze3A_232 : f32 to vector<16xf32>
        %mul3A_761 = arith.mulf %mul3A_760, %get3A_759 : vector<16xf32>
        %add3A_762 = arith.addf %add3A_752, %mul3A_761 : vector<16xf32>
        %swap3A_763 = arith.constant 4 : i32
        %swap3A_764 = arith.index_cast %swap3A_763 : i32 to index
        %swap3A_765 = arith.index_cast %mul3A_713 : i32 to index
        %swap3A_766 = tpu.vector_load %arg13[%swap3A_764, %swap3A_765] {strides = array<i32>} : memref<8x1024xf32, #tpu.memory_space<vmem>>, vector<1x16xf32>,
        %swap3A_767 = vector.shape_cast %swap3A_766 : vector<1x16xf32> to vector<16xf32>
        %swap3A_768 = vector.shape_cast %add3A_762 : vector<16xf32> to vector<1x16xf32>
        tpu.vector_store %arg13[%swap3A_764, %swap3A_765], %swap3A_768 {strides = array<i32>} : memref<8x1024xf32, #tpu.memory_space<vmem>>, vector<1x16xf32>,
        %scan3A_769 = arith.constant 0 : i32
        %scan3A_770 = arith.constant 7 : i32
        %scan3A_771 = arith.addi %scan3A_351, %scan3A_770 : i32
        %mul3A_772 = arith.constant 16 : i32
        %mul3A_773 = arith.muli %scan3A_771, %mul3A_772 : i32
        %get3A_774 = arith.constant 0 : i32
        %get3A_775 = arith.constant 4 : i32
        %get3A_776 = arith.index_cast %get3A_774 : i32 to index
        %get3A_777 = arith.index_cast %get3A_775 : i32 to index
        %get3A_778 = arith.index_cast %mul3A_773 : i32 to index
        %get3A_779 = tpu.vector_load %arg12[%get3A_776, %get3A_777, %get3A_778] {strides = array<i32>} : memref<5x8x1024xf32, #tpu.memory_space<vmem>>, vector<1x1x16xf32>,
        %get3A_780 = vector.shape_cast %get3A_779 : vector<1x1x16xf32> to vector<16xf32>
        %mul3A_781 = vector.broadcast %squeeze3A_224 : f32 to vector<16xf32>
        %mul3A_782 = arith.mulf %mul3A_781, %get3A_780 : vector<16xf32>
        %get3A_783 = arith.constant 1 : i32
        %get3A_784 = arith.constant 4 : i32
        %get3A_785 = arith.index_cast %get3A_783 : i32 to index
        %get3A_786 = arith.index_cast %get3A_784 : i32 to index
        %get3A_787 = arith.index_cast %mul3A_773 : i32 to index
        %get3A_788 = tpu.vector_load %arg12[%get3A_785, %get3A_786, %get3A_787] {strides = array<i32>} : memref<5x8x1024xf32, #tpu.memory_space<vmem>>, vector<1x1x16xf32>,
        %get3A_789 = vector.shape_cast %get3A_788 : vector<1x1x16xf32> to vector<16xf32>
        %mul3A_790 = vector.broadcast %squeeze3A_226 : f32 to vector<16xf32>
        %mul3A_791 = arith.mulf %mul3A_790, %get3A_789 : vector<16xf32>
        %add3A_792 = arith.addf %mul3A_782, %mul3A_791 : vector<16xf32>
        %get3A_793 = arith.constant 2 : i32
        %get3A_794 = arith.constant 4 : i32
        %get3A_795 = arith.index_cast %get3A_793 : i32 to index
        %get3A_796 = arith.index_cast %get3A_794 : i32 to index
        %get3A_797 = arith.index_cast %mul3A_773 : i32 to index
        %get3A_798 = tpu.vector_load %arg12[%get3A_795, %get3A_796, %get3A_797] {strides = array<i32>} : memref<5x8x1024xf32, #tpu.memory_space<vmem>>, vector<1x1x16xf32>,
        %get3A_799 = vector.shape_cast %get3A_798 : vector<1x1x16xf32> to vector<16xf32>
        %mul3A_800 = vector.broadcast %squeeze3A_228 : f32 to vector<16xf32>
        %mul3A_801 = arith.mulf %mul3A_800, %get3A_799 : vector<16xf32>
        %add3A_802 = arith.addf %add3A_792, %mul3A_801 : vector<16xf32>
        %get3A_803 = arith.constant 3 : i32
        %get3A_804 = arith.constant 4 : i32
        %get3A_805 = arith.index_cast %get3A_803 : i32 to index
        %get3A_806 = arith.index_cast %get3A_804 : i32 to index
        %get3A_807 = arith.index_cast %mul3A_773 : i32 to index
        %get3A_808 = tpu.vector_load %arg12[%get3A_805, %get3A_806, %get3A_807] {strides = array<i32>} : memref<5x8x1024xf32, #tpu.memory_space<vmem>>, vector<1x1x16xf32>,
        %get3A_809 = vector.shape_cast %get3A_808 : vector<1x1x16xf32> to vector<16xf32>
        %mul3A_810 = vector.broadcast %squeeze3A_230 : f32 to vector<16xf32>
        %mul3A_811 = arith.mulf %mul3A_810, %get3A_809 : vector<16xf32>
        %add3A_812 = arith.addf %add3A_802, %mul3A_811 : vector<16xf32>
        %get3A_813 = arith.constant 4 : i32
        %get3A_814 = arith.constant 4 : i32
        %get3A_815 = arith.index_cast %get3A_813 : i32 to index
        %get3A_816 = arith.index_cast %get3A_814 : i32 to index
        %get3A_817 = arith.index_cast %mul3A_773 : i32 to index
        %get3A_818 = tpu.vector_load %arg12[%get3A_815, %get3A_816, %get3A_817] {strides = array<i32>} : memref<5x8x1024xf32, #tpu.memory_space<vmem>>, vector<1x1x16xf32>,
        %get3A_819 = vector.shape_cast %get3A_818 : vector<1x1x16xf32> to vector<16xf32>
        %mul3A_820 = vector.broadcast %squeeze3A_232 : f32 to vector<16xf32>
        %mul3A_821 = arith.mulf %mul3A_820, %get3A_819 : vector<16xf32>
        %add3A_822 = arith.addf %add3A_812, %mul3A_821 : vector<16xf32>
        %swap3A_823 = arith.constant 4 : i32
        %swap3A_824 = arith.index_cast %swap3A_823 : i32 to index
        %swap3A_825 = arith.index_cast %mul3A_773 : i32 to index
        %swap3A_826 = tpu.vector_load %arg13[%swap3A_824, %swap3A_825] {strides = array<i32>} : memref<8x1024xf32, #tpu.memory_space<vmem>>, vector<1x16xf32>,
        %swap3A_827 = vector.shape_cast %swap3A_826 : vector<1x16xf32> to vector<16xf32>
        %swap3A_828 = vector.shape_cast %add3A_822 : vector<16xf32> to vector<1x16xf32>
        tpu.vector_store %arg13[%swap3A_824, %swap3A_825], %swap3A_828 {strides = array<i32>} : memref<8x1024xf32, #tpu.memory_space<vmem>>, vector<1x16xf32>,
        %scan3A_829 = arith.constant 0 : i32
        scf.yield %scan3A_829 : i32
      }
      %scan3A_239 = arith.constant 64 : i32
      %add3A_240 = arith.constant 5 : i32
      %add3A_241 = arith.addi %mul3A_127, %add3A_240 : i32
      %get3A_242 = arith.index_cast %add3A_241 : i32 to index
      %get3A_243 = arith.constant 0 : index
      %get3A_244 = tpu.vector_load %arg11[%get3A_242, %get3A_243] {strides = array<i32>} : memref<512x16xf32, #tpu.memory_space<vmem>>, vector<1x16xf32>,
      %get3A_245 = vector.shape_cast %get3A_244 : vector<1x16xf32> to vector<16xf32>
      %slice3A_246 = vector.extract_strided_slice %get3A_245 {offsets = [0], sizes = [1], strides = [1]} : vector<16xf32> to vector<1xf32>
      %squeeze3A_247 = vector.extract %slice3A_246[0] : f32 from vector<1xf32>
      %slice3A_248 = vector.extract_strided_slice %get3A_245 {offsets = [1], sizes = [1], strides = [1]} : vector<16xf32> to vector<1xf32>
      %squeeze3A_249 = vector.extract %slice3A_248[0] : f32 from vector<1xf32>
      %slice3A_250 = vector.extract_strided_slice %get3A_245 {offsets = [2], sizes = [1], strides = [1]} : vector<16xf32> to vector<1xf32>
      %squeeze3A_251 = vector.extract %slice3A_250[0] : f32 from vector<1xf32>
      %slice3A_252 = vector.extract_strided_slice %get3A_245 {offsets = [3], sizes = [1], strides = [1]} : vector<16xf32> to vector<1xf32>
      %squeeze3A_253 = vector.extract %slice3A_252[0] : f32 from vector<1xf32>
      %slice3A_254 = vector.extract_strided_slice %get3A_245 {offsets = [4], sizes = [1], strides = [1]} : vector<16xf32> to vector<1xf32>
      %squeeze3A_255 = vector.extract %slice3A_254[0] : f32 from vector<1xf32>
      %scan3A_256 = arith.constant 0 : i32
      %scan3A_257 = arith.constant 0 : i32
      %scan3A_258 = arith.constant 64 : i32
      %scan3A_259 = arith.addi %scan3A_257, %scan3A_258 : i32
      %scan3A_260 = arith.constant 8 : i32
      %scan3A_261 = scf.for %scan3A_351 = %scan3A_257 to %scan3A_259 step %scan3A_260 iter_args(%scan3A_352 = %scan3A_256) -> (i32)  : i32 {
        %mul3A_353 = arith.constant 16 : i32
        %mul3A_354 = arith.muli %scan3A_351, %mul3A_353 : i32
        %get3A_355 = arith.constant 0 : i32
        %get3A_356 = arith.constant 5 : i32
        %get3A_357 = arith.index_cast %get3A_355 : i32 to index
        %get3A_358 = arith.index_cast %get3A_356 : i32 to index
        %get3A_359 = arith.index_cast %mul3A_354 : i32 to index
        %get3A_360 = tpu.vector_load %arg12[%get3A_357, %get3A_358, %get3A_359] {strides = array<i32>} : memref<5x8x1024xf32, #tpu.memory_space<vmem>>, vector<1x1x16xf32>,
        %get3A_361 = vector.shape_cast %get3A_360 : vector<1x1x16xf32> to vector<16xf32>
        %mul3A_362 = vector.broadcast %squeeze3A_247 : f32 to vector<16xf32>
        %mul3A_363 = arith.mulf %mul3A_362, %get3A_361 : vector<16xf32>
        %get3A_364 = arith.constant 1 : i32
        %get3A_365 = arith.constant 5 : i32
        %get3A_366 = arith.index_cast %get3A_364 : i32 to index
        %get3A_367 = arith.index_cast %get3A_365 : i32 to index
        %get3A_368 = arith.index_cast %mul3A_354 : i32 to index
        %get3A_369 = tpu.vector_load %arg12[%get3A_366, %get3A_367, %get3A_368] {strides = array<i32>} : memref<5x8x1024xf32, #tpu.memory_space<vmem>>, vector<1x1x16xf32>,
        %get3A_370 = vector.shape_cast %get3A_369 : vector<1x1x16xf32> to vector<16xf32>
        %mul3A_371 = vector.broadcast %squeeze3A_249 : f32 to vector<16xf32>
        %mul3A_372 = arith.mulf %mul3A_371, %get3A_370 : vector<16xf32>
        %add3A_373 = arith.addf %mul3A_363, %mul3A_372 : vector<16xf32>
        %get3A_374 = arith.constant 2 : i32
        %get3A_375 = arith.constant 5 : i32
        %get3A_376 = arith.index_cast %get3A_374 : i32 to index
        %get3A_377 = arith.index_cast %get3A_375 : i32 to index
        %get3A_378 = arith.index_cast %mul3A_354 : i32 to index
        %get3A_379 = tpu.vector_load %arg12[%get3A_376, %get3A_377, %get3A_378] {strides = array<i32>} : memref<5x8x1024xf32, #tpu.memory_space<vmem>>, vector<1x1x16xf32>,
        %get3A_380 = vector.shape_cast %get3A_379 : vector<1x1x16xf32> to vector<16xf32>
        %mul3A_381 = vector.broadcast %squeeze3A_251 : f32 to vector<16xf32>
        %mul3A_382 = arith.mulf %mul3A_381, %get3A_380 : vector<16xf32>
        %add3A_383 = arith.addf %add3A_373, %mul3A_382 : vector<16xf32>
        %get3A_384 = arith.constant 3 : i32
        %get3A_385 = arith.constant 5 : i32
        %get3A_386 = arith.index_cast %get3A_384 : i32 to index
        %get3A_387 = arith.index_cast %get3A_385 : i32 to index
        %get3A_388 = arith.index_cast %mul3A_354 : i32 to index
        %get3A_389 = tpu.vector_load %arg12[%get3A_386, %get3A_387, %get3A_388] {strides = array<i32>} : memref<5x8x1024xf32, #tpu.memory_space<vmem>>, vector<1x1x16xf32>,
        %get3A_390 = vector.shape_cast %get3A_389 : vector<1x1x16xf32> to vector<16xf32>
        %mul3A_391 = vector.broadcast %squeeze3A_253 : f32 to vector<16xf32>
        %mul3A_392 = arith.mulf %mul3A_391, %get3A_390 : vector<16xf32>
        %add3A_393 = arith.addf %add3A_383, %mul3A_392 : vector<16xf32>
        %get3A_394 = arith.constant 4 : i32
        %get3A_395 = arith.constant 5 : i32
        %get3A_396 = arith.index_cast %get3A_394 : i32 to index
        %get3A_397 = arith.index_cast %get3A_395 : i32 to index
        %get3A_398 = arith.index_cast %mul3A_354 : i32 to index
        %get3A_399 = tpu.vector_load %arg12[%get3A_396, %get3A_397, %get3A_398] {strides = array<i32>} : memref<5x8x1024xf32, #tpu.memory_space<vmem>>, vector<1x1x16xf32>,
        %get3A_400 = vector.shape_cast %get3A_399 : vector<1x1x16xf32> to vector<16xf32>
        %mul3A_401 = vector.broadcast %squeeze3A_255 : f32 to vector<16xf32>
        %mul3A_402 = arith.mulf %mul3A_401, %get3A_400 : vector<16xf32>
        %add3A_403 = arith.addf %add3A_393, %mul3A_402 : vector<16xf32>
        %swap3A = arith.constant 5 : i32
        %swap3A_404 = arith.index_cast %swap3A : i32 to index
        %swap3A_405 = arith.index_cast %mul3A_354 : i32 to index
        %swap3A_406 = tpu.vector_load %arg13[%swap3A_404, %swap3A_405] {strides = array<i32>} : memref<8x1024xf32, #tpu.memory_space<vmem>>, vector<1x16xf32>,
        %swap3A_407 = vector.shape_cast %swap3A_406 : vector<1x16xf32> to vector<16xf32>
        %swap3A_408 = vector.shape_cast %add3A_403 : vector<16xf32> to vector<1x16xf32>
        tpu.vector_store %arg13[%swap3A_404, %swap3A_405], %swap3A_408 {strides = array<i32>} : memref<8x1024xf32, #tpu.memory_space<vmem>>, vector<1x16xf32>,
        %scan3A_409 = arith.constant 0 : i32
        %scan3A_410 = arith.constant 1 : i32
        %scan3A_411 = arith.addi %scan3A_351, %scan3A_410 : i32
        %mul3A_412 = arith.constant 16 : i32
        %mul3A_413 = arith.muli %scan3A_411, %mul3A_412 : i32
        %get3A_414 = arith.constant 0 : i32
        %get3A_415 = arith.constant 5 : i32
        %get3A_416 = arith.index_cast %get3A_414 : i32 to index
        %get3A_417 = arith.index_cast %get3A_415 : i32 to index
        %get3A_418 = arith.index_cast %mul3A_413 : i32 to index
        %get3A_419 = tpu.vector_load %arg12[%get3A_416, %get3A_417, %get3A_418] {strides = array<i32>} : memref<5x8x1024xf32, #tpu.memory_space<vmem>>, vector<1x1x16xf32>,
        %get3A_420 = vector.shape_cast %get3A_419 : vector<1x1x16xf32> to vector<16xf32>
        %mul3A_421 = vector.broadcast %squeeze3A_247 : f32 to vector<16xf32>
        %mul3A_422 = arith.mulf %mul3A_421, %get3A_420 : vector<16xf32>
        %get3A_423 = arith.constant 1 : i32
        %get3A_424 = arith.constant 5 : i32
        %get3A_425 = arith.index_cast %get3A_423 : i32 to index
        %get3A_426 = arith.index_cast %get3A_424 : i32 to index
        %get3A_427 = arith.index_cast %mul3A_413 : i32 to index
        %get3A_428 = tpu.vector_load %arg12[%get3A_425, %get3A_426, %get3A_427] {strides = array<i32>} : memref<5x8x1024xf32, #tpu.memory_space<vmem>>, vector<1x1x16xf32>,
        %get3A_429 = vector.shape_cast %get3A_428 : vector<1x1x16xf32> to vector<16xf32>
        %mul3A_430 = vector.broadcast %squeeze3A_249 : f32 to vector<16xf32>
        %mul3A_431 = arith.mulf %mul3A_430, %get3A_429 : vector<16xf32>
        %add3A_432 = arith.addf %mul3A_422, %mul3A_431 : vector<16xf32>
        %get3A_433 = arith.constant 2 : i32
        %get3A_434 = arith.constant 5 : i32
        %get3A_435 = arith.index_cast %get3A_433 : i32 to index
        %get3A_436 = arith.index_cast %get3A_434 : i32 to index
        %get3A_437 = arith.index_cast %mul3A_413 : i32 to index
        %get3A_438 = tpu.vector_load %arg12[%get3A_435, %get3A_436, %get3A_437] {strides = array<i32>} : memref<5x8x1024xf32, #tpu.memory_space<vmem>>, vector<1x1x16xf32>,
        %get3A_439 = vector.shape_cast %get3A_438 : vector<1x1x16xf32> to vector<16xf32>
        %mul3A_440 = vector.broadcast %squeeze3A_251 : f32 to vector<16xf32>
        %mul3A_441 = arith.mulf %mul3A_440, %get3A_439 : vector<16xf32>
        %add3A_442 = arith.addf %add3A_432, %mul3A_441 : vector<16xf32>
        %get3A_443 = arith.constant 3 : i32
        %get3A_444 = arith.constant 5 : i32
        %get3A_445 = arith.index_cast %get3A_443 : i32 to index
        %get3A_446 = arith.index_cast %get3A_444 : i32 to index
        %get3A_447 = arith.index_cast %mul3A_413 : i32 to index
        %get3A_448 = tpu.vector_load %arg12[%get3A_445, %get3A_446, %get3A_447] {strides = array<i32>} : memref<5x8x1024xf32, #tpu.memory_space<vmem>>, vector<1x1x16xf32>,
        %get3A_449 = vector.shape_cast %get3A_448 : vector<1x1x16xf32> to vector<16xf32>
        %mul3A_450 = vector.broadcast %squeeze3A_253 : f32 to vector<16xf32>
        %mul3A_451 = arith.mulf %mul3A_450, %get3A_449 : vector<16xf32>
        %add3A_452 = arith.addf %add3A_442, %mul3A_451 : vector<16xf32>
        %get3A_453 = arith.constant 4 : i32
        %get3A_454 = arith.constant 5 : i32
        %get3A_455 = arith.index_cast %get3A_453 : i32 to index
        %get3A_456 = arith.index_cast %get3A_454 : i32 to index
        %get3A_457 = arith.index_cast %mul3A_413 : i32 to index
        %get3A_458 = tpu.vector_load %arg12[%get3A_455, %get3A_456, %get3A_457] {strides = array<i32>} : memref<5x8x1024xf32, #tpu.memory_space<vmem>>, vector<1x1x16xf32>,
        %get3A_459 = vector.shape_cast %get3A_458 : vector<1x1x16xf32> to vector<16xf32>
        %mul3A_460 = vector.broadcast %squeeze3A_255 : f32 to vector<16xf32>
        %mul3A_461 = arith.mulf %mul3A_460, %get3A_459 : vector<16xf32>
        %add3A_462 = arith.addf %add3A_452, %mul3A_461 : vector<16xf32>
        %swap3A_463 = arith.constant 5 : i32
        %swap3A_464 = arith.index_cast %swap3A_463 : i32 to index
        %swap3A_465 = arith.index_cast %mul3A_413 : i32 to index
        %swap3A_466 = tpu.vector_load %arg13[%swap3A_464, %swap3A_465] {strides = array<i32>} : memref<8x1024xf32, #tpu.memory_space<vmem>>, vector<1x16xf32>,
        %swap3A_467 = vector.shape_cast %swap3A_466 : vector<1x16xf32> to vector<16xf32>
        %swap3A_468 = vector.shape_cast %add3A_462 : vector<16xf32> to vector<1x16xf32>
        tpu.vector_store %arg13[%swap3A_464, %swap3A_465], %swap3A_468 {strides = array<i32>} : memref<8x1024xf32, #tpu.memory_space<vmem>>, vector<1x16xf32>,
        %scan3A_469 = arith.constant 0 : i32
        %scan3A_470 = arith.constant 2 : i32
        %scan3A_471 = arith.addi %scan3A_351, %scan3A_470 : i32
        %mul3A_472 = arith.constant 16 : i32
        %mul3A_473 = arith.muli %scan3A_471, %mul3A_472 : i32
        %get3A_474 = arith.constant 0 : i32
        %get3A_475 = arith.constant 5 : i32
        %get3A_476 = arith.index_cast %get3A_474 : i32 to index
        %get3A_477 = arith.index_cast %get3A_475 : i32 to index
        %get3A_478 = arith.index_cast %mul3A_473 : i32 to index
        %get3A_479 = tpu.vector_load %arg12[%get3A_476, %get3A_477, %get3A_478] {strides = array<i32>} : memref<5x8x1024xf32, #tpu.memory_space<vmem>>, vector<1x1x16xf32>,
        %get3A_480 = vector.shape_cast %get3A_479 : vector<1x1x16xf32> to vector<16xf32>
        %mul3A_481 = vector.broadcast %squeeze3A_247 : f32 to vector<16xf32>
        %mul3A_482 = arith.mulf %mul3A_481, %get3A_480 : vector<16xf32>
        %get3A_483 = arith.constant 1 : i32
        %get3A_484 = arith.constant 5 : i32
        %get3A_485 = arith.index_cast %get3A_483 : i32 to index
        %get3A_486 = arith.index_cast %get3A_484 : i32 to index
        %get3A_487 = arith.index_cast %mul3A_473 : i32 to index
        %get3A_488 = tpu.vector_load %arg12[%get3A_485, %get3A_486, %get3A_487] {strides = array<i32>} : memref<5x8x1024xf32, #tpu.memory_space<vmem>>, vector<1x1x16xf32>,
        %get3A_489 = vector.shape_cast %get3A_488 : vector<1x1x16xf32> to vector<16xf32>
        %mul3A_490 = vector.broadcast %squeeze3A_249 : f32 to vector<16xf32>
        %mul3A_491 = arith.mulf %mul3A_490, %get3A_489 : vector<16xf32>
        %add3A_492 = arith.addf %mul3A_482, %mul3A_491 : vector<16xf32>
        %get3A_493 = arith.constant 2 : i32
        %get3A_494 = arith.constant 5 : i32
        %get3A_495 = arith.index_cast %get3A_493 : i32 to index
        %get3A_496 = arith.index_cast %get3A_494 : i32 to index
        %get3A_497 = arith.index_cast %mul3A_473 : i32 to index
        %get3A_498 = tpu.vector_load %arg12[%get3A_495, %get3A_496, %get3A_497] {strides = array<i32>} : memref<5x8x1024xf32, #tpu.memory_space<vmem>>, vector<1x1x16xf32>,
        %get3A_499 = vector.shape_cast %get3A_498 : vector<1x1x16xf32> to vector<16xf32>
        %mul3A_500 = vector.broadcast %squeeze3A_251 : f32 to vector<16xf32>
        %mul3A_501 = arith.mulf %mul3A_500, %get3A_499 : vector<16xf32>
        %add3A_502 = arith.addf %add3A_492, %mul3A_501 : vector<16xf32>
        %get3A_503 = arith.constant 3 : i32
        %get3A_504 = arith.constant 5 : i32
        %get3A_505 = arith.index_cast %get3A_503 : i32 to index
        %get3A_506 = arith.index_cast %get3A_504 : i32 to index
        %get3A_507 = arith.index_cast %mul3A_473 : i32 to index
        %get3A_508 = tpu.vector_load %arg12[%get3A_505, %get3A_506, %get3A_507] {strides = array<i32>} : memref<5x8x1024xf32, #tpu.memory_space<vmem>>, vector<1x1x16xf32>,
        %get3A_509 = vector.shape_cast %get3A_508 : vector<1x1x16xf32> to vector<16xf32>
        %mul3A_510 = vector.broadcast %squeeze3A_253 : f32 to vector<16xf32>
        %mul3A_511 = arith.mulf %mul3A_510, %get3A_509 : vector<16xf32>
        %add3A_512 = arith.addf %add3A_502, %mul3A_511 : vector<16xf32>
        %get3A_513 = arith.constant 4 : i32
        %get3A_514 = arith.constant 5 : i32
        %get3A_515 = arith.index_cast %get3A_513 : i32 to index
        %get3A_516 = arith.index_cast %get3A_514 : i32 to index
        %get3A_517 = arith.index_cast %mul3A_473 : i32 to index
        %get3A_518 = tpu.vector_load %arg12[%get3A_515, %get3A_516, %get3A_517] {strides = array<i32>} : memref<5x8x1024xf32, #tpu.memory_space<vmem>>, vector<1x1x16xf32>,
        %get3A_519 = vector.shape_cast %get3A_518 : vector<1x1x16xf32> to vector<16xf32>
        %mul3A_520 = vector.broadcast %squeeze3A_255 : f32 to vector<16xf32>
        %mul3A_521 = arith.mulf %mul3A_520, %get3A_519 : vector<16xf32>
        %add3A_522 = arith.addf %add3A_512, %mul3A_521 : vector<16xf32>
        %swap3A_523 = arith.constant 5 : i32
        %swap3A_524 = arith.index_cast %swap3A_523 : i32 to index
        %swap3A_525 = arith.index_cast %mul3A_473 : i32 to index
        %swap3A_526 = tpu.vector_load %arg13[%swap3A_524, %swap3A_525] {strides = array<i32>} : memref<8x1024xf32, #tpu.memory_space<vmem>>, vector<1x16xf32>,
        %swap3A_527 = vector.shape_cast %swap3A_526 : vector<1x16xf32> to vector<16xf32>
        %swap3A_528 = vector.shape_cast %add3A_522 : vector<16xf32> to vector<1x16xf32>
        tpu.vector_store %arg13[%swap3A_524, %swap3A_525], %swap3A_528 {strides = array<i32>} : memref<8x1024xf32, #tpu.memory_space<vmem>>, vector<1x16xf32>,
        %scan3A_529 = arith.constant 0 : i32
        %scan3A_530 = arith.constant 3 : i32
        %scan3A_531 = arith.addi %scan3A_351, %scan3A_530 : i32
        %mul3A_532 = arith.constant 16 : i32
        %mul3A_533 = arith.muli %scan3A_531, %mul3A_532 : i32
        %get3A_534 = arith.constant 0 : i32
        %get3A_535 = arith.constant 5 : i32
        %get3A_536 = arith.index_cast %get3A_534 : i32 to index
        %get3A_537 = arith.index_cast %get3A_535 : i32 to index
        %get3A_538 = arith.index_cast %mul3A_533 : i32 to index
        %get3A_539 = tpu.vector_load %arg12[%get3A_536, %get3A_537, %get3A_538] {strides = array<i32>} : memref<5x8x1024xf32, #tpu.memory_space<vmem>>, vector<1x1x16xf32>,
        %get3A_540 = vector.shape_cast %get3A_539 : vector<1x1x16xf32> to vector<16xf32>
        %mul3A_541 = vector.broadcast %squeeze3A_247 : f32 to vector<16xf32>
        %mul3A_542 = arith.mulf %mul3A_541, %get3A_540 : vector<16xf32>
        %get3A_543 = arith.constant 1 : i32
        %get3A_544 = arith.constant 5 : i32
        %get3A_545 = arith.index_cast %get3A_543 : i32 to index
        %get3A_546 = arith.index_cast %get3A_544 : i32 to index
        %get3A_547 = arith.index_cast %mul3A_533 : i32 to index
        %get3A_548 = tpu.vector_load %arg12[%get3A_545, %get3A_546, %get3A_547] {strides = array<i32>} : memref<5x8x1024xf32, #tpu.memory_space<vmem>>, vector<1x1x16xf32>,
        %get3A_549 = vector.shape_cast %get3A_548 : vector<1x1x16xf32> to vector<16xf32>
        %mul3A_550 = vector.broadcast %squeeze3A_249 : f32 to vector<16xf32>
        %mul3A_551 = arith.mulf %mul3A_550, %get3A_549 : vector<16xf32>
        %add3A_552 = arith.addf %mul3A_542, %mul3A_551 : vector<16xf32>
        %get3A_553 = arith.constant 2 : i32
        %get3A_554 = arith.constant 5 : i32
        %get3A_555 = arith.index_cast %get3A_553 : i32 to index
        %get3A_556 = arith.index_cast %get3A_554 : i32 to index
        %get3A_557 = arith.index_cast %mul3A_533 : i32 to index
        %get3A_558 = tpu.vector_load %arg12[%get3A_555, %get3A_556, %get3A_557] {strides = array<i32>} : memref<5x8x1024xf32, #tpu.memory_space<vmem>>, vector<1x1x16xf32>,
        %get3A_559 = vector.shape_cast %get3A_558 : vector<1x1x16xf32> to vector<16xf32>
        %mul3A_560 = vector.broadcast %squeeze3A_251 : f32 to vector<16xf32>
        %mul3A_561 = arith.mulf %mul3A_560, %get3A_559 : vector<16xf32>
        %add3A_562 = arith.addf %add3A_552, %mul3A_561 : vector<16xf32>
        %get3A_563 = arith.constant 3 : i32
        %get3A_564 = arith.constant 5 : i32
        %get3A_565 = arith.index_cast %get3A_563 : i32 to index
        %get3A_566 = arith.index_cast %get3A_564 : i32 to index
        %get3A_567 = arith.index_cast %mul3A_533 : i32 to index
        %get3A_568 = tpu.vector_load %arg12[%get3A_565, %get3A_566, %get3A_567] {strides = array<i32>} : memref<5x8x1024xf32, #tpu.memory_space<vmem>>, vector<1x1x16xf32>,
        %get3A_569 = vector.shape_cast %get3A_568 : vector<1x1x16xf32> to vector<16xf32>
        %mul3A_570 = vector.broadcast %squeeze3A_253 : f32 to vector<16xf32>
        %mul3A_571 = arith.mulf %mul3A_570, %get3A_569 : vector<16xf32>
        %add3A_572 = arith.addf %add3A_562, %mul3A_571 : vector<16xf32>
        %get3A_573 = arith.constant 4 : i32
        %get3A_574 = arith.constant 5 : i32
        %get3A_575 = arith.index_cast %get3A_573 : i32 to index
        %get3A_576 = arith.index_cast %get3A_574 : i32 to index
        %get3A_577 = arith.index_cast %mul3A_533 : i32 to index
        %get3A_578 = tpu.vector_load %arg12[%get3A_575, %get3A_576, %get3A_577] {strides = array<i32>} : memref<5x8x1024xf32, #tpu.memory_space<vmem>>, vector<1x1x16xf32>,
        %get3A_579 = vector.shape_cast %get3A_578 : vector<1x1x16xf32> to vector<16xf32>
        %mul3A_580 = vector.broadcast %squeeze3A_255 : f32 to vector<16xf32>
        %mul3A_581 = arith.mulf %mul3A_580, %get3A_579 : vector<16xf32>
        %add3A_582 = arith.addf %add3A_572, %mul3A_581 : vector<16xf32>
        %swap3A_583 = arith.constant 5 : i32
        %swap3A_584 = arith.index_cast %swap3A_583 : i32 to index
        %swap3A_585 = arith.index_cast %mul3A_533 : i32 to index
        %swap3A_586 = tpu.vector_load %arg13[%swap3A_584, %swap3A_585] {strides = array<i32>} : memref<8x1024xf32, #tpu.memory_space<vmem>>, vector<1x16xf32>,
        %swap3A_587 = vector.shape_cast %swap3A_586 : vector<1x16xf32> to vector<16xf32>
        %swap3A_588 = vector.shape_cast %add3A_582 : vector<16xf32> to vector<1x16xf32>
        tpu.vector_store %arg13[%swap3A_584, %swap3A_585], %swap3A_588 {strides = array<i32>} : memref<8x1024xf32, #tpu.memory_space<vmem>>, vector<1x16xf32>,
        %scan3A_589 = arith.constant 0 : i32
        %scan3A_590 = arith.constant 4 : i32
        %scan3A_591 = arith.addi %scan3A_351, %scan3A_590 : i32
        %mul3A_592 = arith.constant 16 : i32
        %mul3A_593 = arith.muli %scan3A_591, %mul3A_592 : i32
        %get3A_594 = arith.constant 0 : i32
        %get3A_595 = arith.constant 5 : i32
        %get3A_596 = arith.index_cast %get3A_594 : i32 to index
        %get3A_597 = arith.index_cast %get3A_595 : i32 to index
        %get3A_598 = arith.index_cast %mul3A_593 : i32 to index
        %get3A_599 = tpu.vector_load %arg12[%get3A_596, %get3A_597, %get3A_598] {strides = array<i32>} : memref<5x8x1024xf32, #tpu.memory_space<vmem>>, vector<1x1x16xf32>,
        %get3A_600 = vector.shape_cast %get3A_599 : vector<1x1x16xf32> to vector<16xf32>
        %mul3A_601 = vector.broadcast %squeeze3A_247 : f32 to vector<16xf32>
        %mul3A_602 = arith.mulf %mul3A_601, %get3A_600 : vector<16xf32>
        %get3A_603 = arith.constant 1 : i32
        %get3A_604 = arith.constant 5 : i32
        %get3A_605 = arith.index_cast %get3A_603 : i32 to index
        %get3A_606 = arith.index_cast %get3A_604 : i32 to index
        %get3A_607 = arith.index_cast %mul3A_593 : i32 to index
        %get3A_608 = tpu.vector_load %arg12[%get3A_605, %get3A_606, %get3A_607] {strides = array<i32>} : memref<5x8x1024xf32, #tpu.memory_space<vmem>>, vector<1x1x16xf32>,
        %get3A_609 = vector.shape_cast %get3A_608 : vector<1x1x16xf32> to vector<16xf32>
        %mul3A_610 = vector.broadcast %squeeze3A_249 : f32 to vector<16xf32>
        %mul3A_611 = arith.mulf %mul3A_610, %get3A_609 : vector<16xf32>
        %add3A_612 = arith.addf %mul3A_602, %mul3A_611 : vector<16xf32>
        %get3A_613 = arith.constant 2 : i32
        %get3A_614 = arith.constant 5 : i32
        %get3A_615 = arith.index_cast %get3A_613 : i32 to index
        %get3A_616 = arith.index_cast %get3A_614 : i32 to index
        %get3A_617 = arith.index_cast %mul3A_593 : i32 to index
        %get3A_618 = tpu.vector_load %arg12[%get3A_615, %get3A_616, %get3A_617] {strides = array<i32>} : memref<5x8x1024xf32, #tpu.memory_space<vmem>>, vector<1x1x16xf32>,
        %get3A_619 = vector.shape_cast %get3A_618 : vector<1x1x16xf32> to vector<16xf32>
        %mul3A_620 = vector.broadcast %squeeze3A_251 : f32 to vector<16xf32>
        %mul3A_621 = arith.mulf %mul3A_620, %get3A_619 : vector<16xf32>
        %add3A_622 = arith.addf %add3A_612, %mul3A_621 : vector<16xf32>
        %get3A_623 = arith.constant 3 : i32
        %get3A_624 = arith.constant 5 : i32
        %get3A_625 = arith.index_cast %get3A_623 : i32 to index
        %get3A_626 = arith.index_cast %get3A_624 : i32 to index
        %get3A_627 = arith.index_cast %mul3A_593 : i32 to index
        %get3A_628 = tpu.vector_load %arg12[%get3A_625, %get3A_626, %get3A_627] {strides = array<i32>} : memref<5x8x1024xf32, #tpu.memory_space<vmem>>, vector<1x1x16xf32>,
        %get3A_629 = vector.shape_cast %get3A_628 : vector<1x1x16xf32> to vector<16xf32>
        %mul3A_630 = vector.broadcast %squeeze3A_253 : f32 to vector<16xf32>
        %mul3A_631 = arith.mulf %mul3A_630, %get3A_629 : vector<16xf32>
        %add3A_632 = arith.addf %add3A_622, %mul3A_631 : vector<16xf32>
        %get3A_633 = arith.constant 4 : i32
        %get3A_634 = arith.constant 5 : i32
        %get3A_635 = arith.index_cast %get3A_633 : i32 to index
        %get3A_636 = arith.index_cast %get3A_634 : i32 to index
        %get3A_637 = arith.index_cast %mul3A_593 : i32 to index
        %get3A_638 = tpu.vector_load %arg12[%get3A_635, %get3A_636, %get3A_637] {strides = array<i32>} : memref<5x8x1024xf32, #tpu.memory_space<vmem>>, vector<1x1x16xf32>,
        %get3A_639 = vector.shape_cast %get3A_638 : vector<1x1x16xf32> to vector<16xf32>
        %mul3A_640 = vector.broadcast %squeeze3A_255 : f32 to vector<16xf32>
        %mul3A_641 = arith.mulf %mul3A_640, %get3A_639 : vector<16xf32>
        %add3A_642 = arith.addf %add3A_632, %mul3A_641 : vector<16xf32>
        %swap3A_643 = arith.constant 5 : i32
        %swap3A_644 = arith.index_cast %swap3A_643 : i32 to index
        %swap3A_645 = arith.index_cast %mul3A_593 : i32 to index
        %swap3A_646 = tpu.vector_load %arg13[%swap3A_644, %swap3A_645] {strides = array<i32>} : memref<8x1024xf32, #tpu.memory_space<vmem>>, vector<1x16xf32>,
        %swap3A_647 = vector.shape_cast %swap3A_646 : vector<1x16xf32> to vector<16xf32>
        %swap3A_648 = vector.shape_cast %add3A_642 : vector<16xf32> to vector<1x16xf32>
        tpu.vector_store %arg13[%swap3A_644, %swap3A_645], %swap3A_648 {strides = array<i32>} : memref<8x1024xf32, #tpu.memory_space<vmem>>, vector<1x16xf32>,
        %scan3A_649 = arith.constant 0 : i32
        %scan3A_650 = arith.constant 5 : i32
        %scan3A_651 = arith.addi %scan3A_351, %scan3A_650 : i32
        %mul3A_652 = arith.constant 16 : i32
        %mul3A_653 = arith.muli %scan3A_651, %mul3A_652 : i32
        %get3A_654 = arith.constant 0 : i32
        %get3A_655 = arith.constant 5 : i32
        %get3A_656 = arith.index_cast %get3A_654 : i32 to index
        %get3A_657 = arith.index_cast %get3A_655 : i32 to index
        %get3A_658 = arith.index_cast %mul3A_653 : i32 to index
        %get3A_659 = tpu.vector_load %arg12[%get3A_656, %get3A_657, %get3A_658] {strides = array<i32>} : memref<5x8x1024xf32, #tpu.memory_space<vmem>>, vector<1x1x16xf32>,
        %get3A_660 = vector.shape_cast %get3A_659 : vector<1x1x16xf32> to vector<16xf32>
        %mul3A_661 = vector.broadcast %squeeze3A_247 : f32 to vector<16xf32>
        %mul3A_662 = arith.mulf %mul3A_661, %get3A_660 : vector<16xf32>
        %get3A_663 = arith.constant 1 : i32
        %get3A_664 = arith.constant 5 : i32
        %get3A_665 = arith.index_cast %get3A_663 : i32 to index
        %get3A_666 = arith.index_cast %get3A_664 : i32 to index
        %get3A_667 = arith.index_cast %mul3A_653 : i32 to index
        %get3A_668 = tpu.vector_load %arg12[%get3A_665, %get3A_666, %get3A_667] {strides = array<i32>} : memref<5x8x1024xf32, #tpu.memory_space<vmem>>, vector<1x1x16xf32>,
        %get3A_669 = vector.shape_cast %get3A_668 : vector<1x1x16xf32> to vector<16xf32>
        %mul3A_670 = vector.broadcast %squeeze3A_249 : f32 to vector<16xf32>
        %mul3A_671 = arith.mulf %mul3A_670, %get3A_669 : vector<16xf32>
        %add3A_672 = arith.addf %mul3A_662, %mul3A_671 : vector<16xf32>
        %get3A_673 = arith.constant 2 : i32
        %get3A_674 = arith.constant 5 : i32
        %get3A_675 = arith.index_cast %get3A_673 : i32 to index
        %get3A_676 = arith.index_cast %get3A_674 : i32 to index
        %get3A_677 = arith.index_cast %mul3A_653 : i32 to index
        %get3A_678 = tpu.vector_load %arg12[%get3A_675, %get3A_676, %get3A_677] {strides = array<i32>} : memref<5x8x1024xf32, #tpu.memory_space<vmem>>, vector<1x1x16xf32>,
        %get3A_679 = vector.shape_cast %get3A_678 : vector<1x1x16xf32> to vector<16xf32>
        %mul3A_680 = vector.broadcast %squeeze3A_251 : f32 to vector<16xf32>
        %mul3A_681 = arith.mulf %mul3A_680, %get3A_679 : vector<16xf32>
        %add3A_682 = arith.addf %add3A_672, %mul3A_681 : vector<16xf32>
        %get3A_683 = arith.constant 3 : i32
        %get3A_684 = arith.constant 5 : i32
        %get3A_685 = arith.index_cast %get3A_683 : i32 to index
        %get3A_686 = arith.index_cast %get3A_684 : i32 to index
        %get3A_687 = arith.index_cast %mul3A_653 : i32 to index
        %get3A_688 = tpu.vector_load %arg12[%get3A_685, %get3A_686, %get3A_687] {strides = array<i32>} : memref<5x8x1024xf32, #tpu.memory_space<vmem>>, vector<1x1x16xf32>,
        %get3A_689 = vector.shape_cast %get3A_688 : vector<1x1x16xf32> to vector<16xf32>
        %mul3A_690 = vector.broadcast %squeeze3A_253 : f32 to vector<16xf32>
        %mul3A_691 = arith.mulf %mul3A_690, %get3A_689 : vector<16xf32>
        %add3A_692 = arith.addf %add3A_682, %mul3A_691 : vector<16xf32>
        %get3A_693 = arith.constant 4 : i32
        %get3A_694 = arith.constant 5 : i32
        %get3A_695 = arith.index_cast %get3A_693 : i32 to index
        %get3A_696 = arith.index_cast %get3A_694 : i32 to index
        %get3A_697 = arith.index_cast %mul3A_653 : i32 to index
        %get3A_698 = tpu.vector_load %arg12[%get3A_695, %get3A_696, %get3A_697] {strides = array<i32>} : memref<5x8x1024xf32, #tpu.memory_space<vmem>>, vector<1x1x16xf32>,
        %get3A_699 = vector.shape_cast %get3A_698 : vector<1x1x16xf32> to vector<16xf32>
        %mul3A_700 = vector.broadcast %squeeze3A_255 : f32 to vector<16xf32>
        %mul3A_701 = arith.mulf %mul3A_700, %get3A_699 : vector<16xf32>
        %add3A_702 = arith.addf %add3A_692, %mul3A_701 : vector<16xf32>
        %swap3A_703 = arith.constant 5 : i32
        %swap3A_704 = arith.index_cast %swap3A_703 : i32 to index
        %swap3A_705 = arith.index_cast %mul3A_653 : i32 to index
        %swap3A_706 = tpu.vector_load %arg13[%swap3A_704, %swap3A_705] {strides = array<i32>} : memref<8x1024xf32, #tpu.memory_space<vmem>>, vector<1x16xf32>,
        %swap3A_707 = vector.shape_cast %swap3A_706 : vector<1x16xf32> to vector<16xf32>
        %swap3A_708 = vector.shape_cast %add3A_702 : vector<16xf32> to vector<1x16xf32>
        tpu.vector_store %arg13[%swap3A_704, %swap3A_705], %swap3A_708 {strides = array<i32>} : memref<8x1024xf32, #tpu.memory_space<vmem>>, vector<1x16xf32>,
        %scan3A_709 = arith.constant 0 : i32
        %scan3A_710 = arith.constant 6 : i32
        %scan3A_711 = arith.addi %scan3A_351, %scan3A_710 : i32
        %mul3A_712 = arith.constant 16 : i32
        %mul3A_713 = arith.muli %scan3A_711, %mul3A_712 : i32
        %get3A_714 = arith.constant 0 : i32
        %get3A_715 = arith.constant 5 : i32
        %get3A_716 = arith.index_cast %get3A_714 : i32 to index
        %get3A_717 = arith.index_cast %get3A_715 : i32 to index
        %get3A_718 = arith.index_cast %mul3A_713 : i32 to index
        %get3A_719 = tpu.vector_load %arg12[%get3A_716, %get3A_717, %get3A_718] {strides = array<i32>} : memref<5x8x1024xf32, #tpu.memory_space<vmem>>, vector<1x1x16xf32>,
        %get3A_720 = vector.shape_cast %get3A_719 : vector<1x1x16xf32> to vector<16xf32>
        %mul3A_721 = vector.broadcast %squeeze3A_247 : f32 to vector<16xf32>
        %mul3A_722 = arith.mulf %mul3A_721, %get3A_720 : vector<16xf32>
        %get3A_723 = arith.constant 1 : i32
        %get3A_724 = arith.constant 5 : i32
        %get3A_725 = arith.index_cast %get3A_723 : i32 to index
        %get3A_726 = arith.index_cast %get3A_724 : i32 to index
        %get3A_727 = arith.index_cast %mul3A_713 : i32 to index
        %get3A_728 = tpu.vector_load %arg12[%get3A_725, %get3A_726, %get3A_727] {strides = array<i32>} : memref<5x8x1024xf32, #tpu.memory_space<vmem>>, vector<1x1x16xf32>,
        %get3A_729 = vector.shape_cast %get3A_728 : vector<1x1x16xf32> to vector<16xf32>
        %mul3A_730 = vector.broadcast %squeeze3A_249 : f32 to vector<16xf32>
        %mul3A_731 = arith.mulf %mul3A_730, %get3A_729 : vector<16xf32>
        %add3A_732 = arith.addf %mul3A_722, %mul3A_731 : vector<16xf32>
        %get3A_733 = arith.constant 2 : i32
        %get3A_734 = arith.constant 5 : i32
        %get3A_735 = arith.index_cast %get3A_733 : i32 to index
        %get3A_736 = arith.index_cast %get3A_734 : i32 to index
        %get3A_737 = arith.index_cast %mul3A_713 : i32 to index
        %get3A_738 = tpu.vector_load %arg12[%get3A_735, %get3A_736, %get3A_737] {strides = array<i32>} : memref<5x8x1024xf32, #tpu.memory_space<vmem>>, vector<1x1x16xf32>,
        %get3A_739 = vector.shape_cast %get3A_738 : vector<1x1x16xf32> to vector<16xf32>
        %mul3A_740 = vector.broadcast %squeeze3A_251 : f32 to vector<16xf32>
        %mul3A_741 = arith.mulf %mul3A_740, %get3A_739 : vector<16xf32>
        %add3A_742 = arith.addf %add3A_732, %mul3A_741 : vector<16xf32>
        %get3A_743 = arith.constant 3 : i32
        %get3A_744 = arith.constant 5 : i32
        %get3A_745 = arith.index_cast %get3A_743 : i32 to index
        %get3A_746 = arith.index_cast %get3A_744 : i32 to index
        %get3A_747 = arith.index_cast %mul3A_713 : i32 to index
        %get3A_748 = tpu.vector_load %arg12[%get3A_745, %get3A_746, %get3A_747] {strides = array<i32>} : memref<5x8x1024xf32, #tpu.memory_space<vmem>>, vector<1x1x16xf32>,
        %get3A_749 = vector.shape_cast %get3A_748 : vector<1x1x16xf32> to vector<16xf32>
        %mul3A_750 = vector.broadcast %squeeze3A_253 : f32 to vector<16xf32>
        %mul3A_751 = arith.mulf %mul3A_750, %get3A_749 : vector<16xf32>
        %add3A_752 = arith.addf %add3A_742, %mul3A_751 : vector<16xf32>
        %get3A_753 = arith.constant 4 : i32
        %get3A_754 = arith.constant 5 : i32
        %get3A_755 = arith.index_cast %get3A_753 : i32 to index
        %get3A_756 = arith.index_cast %get3A_754 : i32 to index
        %get3A_757 = arith.index_cast %mul3A_713 : i32 to index
        %get3A_758 = tpu.vector_load %arg12[%get3A_755, %get3A_756, %get3A_757] {strides = array<i32>} : memref<5x8x1024xf32, #tpu.memory_space<vmem>>, vector<1x1x16xf32>,
        %get3A_759 = vector.shape_cast %get3A_758 : vector<1x1x16xf32> to vector<16xf32>
        %mul3A_760 = vector.broadcast %squeeze3A_255 : f32 to vector<16xf32>
        %mul3A_761 = arith.mulf %mul3A_760, %get3A_759 : vector<16xf32>
        %add3A_762 = arith.addf %add3A_752, %mul3A_761 : vector<16xf32>
        %swap3A_763 = arith.constant 5 : i32
        %swap3A_764 = arith.index_cast %swap3A_763 : i32 to index
        %swap3A_765 = arith.index_cast %mul3A_713 : i32 to index
        %swap3A_766 = tpu.vector_load %arg13[%swap3A_764, %swap3A_765] {strides = array<i32>} : memref<8x1024xf32, #tpu.memory_space<vmem>>, vector<1x16xf32>,
        %swap3A_767 = vector.shape_cast %swap3A_766 : vector<1x16xf32> to vector<16xf32>
        %swap3A_768 = vector.shape_cast %add3A_762 : vector<16xf32> to vector<1x16xf32>
        tpu.vector_store %arg13[%swap3A_764, %swap3A_765], %swap3A_768 {strides = array<i32>} : memref<8x1024xf32, #tpu.memory_space<vmem>>, vector<1x16xf32>,
        %scan3A_769 = arith.constant 0 : i32
        %scan3A_770 = arith.constant 7 : i32
        %scan3A_771 = arith.addi %scan3A_351, %scan3A_770 : i32
        %mul3A_772 = arith.constant 16 : i32
        %mul3A_773 = arith.muli %scan3A_771, %mul3A_772 : i32
        %get3A_774 = arith.constant 0 : i32
        %get3A_775 = arith.constant 5 : i32
        %get3A_776 = arith.index_cast %get3A_774 : i32 to index
        %get3A_777 = arith.index_cast %get3A_775 : i32 to index
        %get3A_778 = arith.index_cast %mul3A_773 : i32 to index
        %get3A_779 = tpu.vector_load %arg12[%get3A_776, %get3A_777, %get3A_778] {strides = array<i32>} : memref<5x8x1024xf32, #tpu.memory_space<vmem>>, vector<1x1x16xf32>,
        %get3A_780 = vector.shape_cast %get3A_779 : vector<1x1x16xf32> to vector<16xf32>
        %mul3A_781 = vector.broadcast %squeeze3A_247 : f32 to vector<16xf32>
        %mul3A_782 = arith.mulf %mul3A_781, %get3A_780 : vector<16xf32>
        %get3A_783 = arith.constant 1 : i32
        %get3A_784 = arith.constant 5 : i32
        %get3A_785 = arith.index_cast %get3A_783 : i32 to index
        %get3A_786 = arith.index_cast %get3A_784 : i32 to index
        %get3A_787 = arith.index_cast %mul3A_773 : i32 to index
        %get3A_788 = tpu.vector_load %arg12[%get3A_785, %get3A_786, %get3A_787] {strides = array<i32>} : memref<5x8x1024xf32, #tpu.memory_space<vmem>>, vector<1x1x16xf32>,
        %get3A_789 = vector.shape_cast %get3A_788 : vector<1x1x16xf32> to vector<16xf32>
        %mul3A_790 = vector.broadcast %squeeze3A_249 : f32 to vector<16xf32>
        %mul3A_791 = arith.mulf %mul3A_790, %get3A_789 : vector<16xf32>
        %add3A_792 = arith.addf %mul3A_782, %mul3A_791 : vector<16xf32>
        %get3A_793 = arith.constant 2 : i32
        %get3A_794 = arith.constant 5 : i32
        %get3A_795 = arith.index_cast %get3A_793 : i32 to index
        %get3A_796 = arith.index_cast %get3A_794 : i32 to index
        %get3A_797 = arith.index_cast %mul3A_773 : i32 to index
        %get3A_798 = tpu.vector_load %arg12[%get3A_795, %get3A_796, %get3A_797] {strides = array<i32>} : memref<5x8x1024xf32, #tpu.memory_space<vmem>>, vector<1x1x16xf32>,
        %get3A_799 = vector.shape_cast %get3A_798 : vector<1x1x16xf32> to vector<16xf32>
        %mul3A_800 = vector.broadcast %squeeze3A_251 : f32 to vector<16xf32>
        %mul3A_801 = arith.mulf %mul3A_800, %get3A_799 : vector<16xf32>
        %add3A_802 = arith.addf %add3A_792, %mul3A_801 : vector<16xf32>
        %get3A_803 = arith.constant 3 : i32
        %get3A_804 = arith.constant 5 : i32
        %get3A_805 = arith.index_cast %get3A_803 : i32 to index
        %get3A_806 = arith.index_cast %get3A_804 : i32 to index
        %get3A_807 = arith.index_cast %mul3A_773 : i32 to index
        %get3A_808 = tpu.vector_load %arg12[%get3A_805, %get3A_806, %get3A_807] {strides = array<i32>} : memref<5x8x1024xf32, #tpu.memory_space<vmem>>, vector<1x1x16xf32>,
        %get3A_809 = vector.shape_cast %get3A_808 : vector<1x1x16xf32> to vector<16xf32>
        %mul3A_810 = vector.broadcast %squeeze3A_253 : f32 to vector<16xf32>
        %mul3A_811 = arith.mulf %mul3A_810, %get3A_809 : vector<16xf32>
        %add3A_812 = arith.addf %add3A_802, %mul3A_811 : vector<16xf32>
        %get3A_813 = arith.constant 4 : i32
        %get3A_814 = arith.constant 5 : i32
        %get3A_815 = arith.index_cast %get3A_813 : i32 to index
        %get3A_816 = arith.index_cast %get3A_814 : i32 to index
        %get3A_817 = arith.index_cast %mul3A_773 : i32 to index
        %get3A_818 = tpu.vector_load %arg12[%get3A_815, %get3A_816, %get3A_817] {strides = array<i32>} : memref<5x8x1024xf32, #tpu.memory_space<vmem>>, vector<1x1x16xf32>,
        %get3A_819 = vector.shape_cast %get3A_818 : vector<1x1x16xf32> to vector<16xf32>
        %mul3A_820 = vector.broadcast %squeeze3A_255 : f32 to vector<16xf32>
        %mul3A_821 = arith.mulf %mul3A_820, %get3A_819 : vector<16xf32>
        %add3A_822 = arith.addf %add3A_812, %mul3A_821 : vector<16xf32>
        %swap3A_823 = arith.constant 5 : i32
        %swap3A_824 = arith.index_cast %swap3A_823 : i32 to index
        %swap3A_825 = arith.index_cast %mul3A_773 : i32 to index
        %swap3A_826 = tpu.vector_load %arg13[%swap3A_824, %swap3A_825] {strides = array<i32>} : memref<8x1024xf32, #tpu.memory_space<vmem>>, vector<1x16xf32>,
        %swap3A_827 = vector.shape_cast %swap3A_826 : vector<1x16xf32> to vector<16xf32>
        %swap3A_828 = vector.shape_cast %add3A_822 : vector<16xf32> to vector<1x16xf32>
        tpu.vector_store %arg13[%swap3A_824, %swap3A_825], %swap3A_828 {strides = array<i32>} : memref<8x1024xf32, #tpu.memory_space<vmem>>, vector<1x16xf32>,
        %scan3A_829 = arith.constant 0 : i32
        scf.yield %scan3A_829 : i32
      }
      %scan3A_262 = arith.constant 64 : i32
      %add3A_263 = arith.constant 6 : i32
      %add3A_264 = arith.addi %mul3A_127, %add3A_263 : i32
      %get3A_265 = arith.index_cast %add3A_264 : i32 to index
      %get3A_266 = arith.constant 0 : index
      %get3A_267 = tpu.vector_load %arg11[%get3A_265, %get3A_266] {strides = array<i32>} : memref<512x16xf32, #tpu.memory_space<vmem>>, vector<1x16xf32>,
      %get3A_268 = vector.shape_cast %get3A_267 : vector<1x16xf32> to vector<16xf32>
      %slice3A_269 = vector.extract_strided_slice %get3A_268 {offsets = [0], sizes = [1], strides = [1]} : vector<16xf32> to vector<1xf32>
      %squeeze3A_270 = vector.extract %slice3A_269[0] : f32 from vector<1xf32>
      %slice3A_271 = vector.extract_strided_slice %get3A_268 {offsets = [1], sizes = [1], strides = [1]} : vector<16xf32> to vector<1xf32>
      %squeeze3A_272 = vector.extract %slice3A_271[0] : f32 from vector<1xf32>
      %slice3A_273 = vector.extract_strided_slice %get3A_268 {offsets = [2], sizes = [1], strides = [1]} : vector<16xf32> to vector<1xf32>
      %squeeze3A_274 = vector.extract %slice3A_273[0] : f32 from vector<1xf32>
      %slice3A_275 = vector.extract_strided_slice %get3A_268 {offsets = [3], sizes = [1], strides = [1]} : vector<16xf32> to vector<1xf32>
      %squeeze3A_276 = vector.extract %slice3A_275[0] : f32 from vector<1xf32>
      %slice3A_277 = vector.extract_strided_slice %get3A_268 {offsets = [4], sizes = [1], strides = [1]} : vector<16xf32> to vector<1xf32>
      %squeeze3A_278 = vector.extract %slice3A_277[0] : f32 from vector<1xf32>
      %scan3A_279 = arith.constant 0 : i32
      %scan3A_280 = arith.constant 0 : i32
      %scan3A_281 = arith.constant 64 : i32
      %scan3A_282 = arith.addi %scan3A_280, %scan3A_281 : i32
      %scan3A_283 = arith.constant 8 : i32
      %scan3A_284 = scf.for %scan3A_351 = %scan3A_280 to %scan3A_282 step %scan3A_283 iter_args(%scan3A_352 = %scan3A_279) -> (i32)  : i32 {
        %mul3A_353 = arith.constant 16 : i32
        %mul3A_354 = arith.muli %scan3A_351, %mul3A_353 : i32
        %get3A_355 = arith.constant 0 : i32
        %get3A_356 = arith.constant 6 : i32
        %get3A_357 = arith.index_cast %get3A_355 : i32 to index
        %get3A_358 = arith.index_cast %get3A_356 : i32 to index
        %get3A_359 = arith.index_cast %mul3A_354 : i32 to index
        %get3A_360 = tpu.vector_load %arg12[%get3A_357, %get3A_358, %get3A_359] {strides = array<i32>} : memref<5x8x1024xf32, #tpu.memory_space<vmem>>, vector<1x1x16xf32>,
        %get3A_361 = vector.shape_cast %get3A_360 : vector<1x1x16xf32> to vector<16xf32>
        %mul3A_362 = vector.broadcast %squeeze3A_270 : f32 to vector<16xf32>
        %mul3A_363 = arith.mulf %mul3A_362, %get3A_361 : vector<16xf32>
        %get3A_364 = arith.constant 1 : i32
        %get3A_365 = arith.constant 6 : i32
        %get3A_366 = arith.index_cast %get3A_364 : i32 to index
        %get3A_367 = arith.index_cast %get3A_365 : i32 to index
        %get3A_368 = arith.index_cast %mul3A_354 : i32 to index
        %get3A_369 = tpu.vector_load %arg12[%get3A_366, %get3A_367, %get3A_368] {strides = array<i32>} : memref<5x8x1024xf32, #tpu.memory_space<vmem>>, vector<1x1x16xf32>,
        %get3A_370 = vector.shape_cast %get3A_369 : vector<1x1x16xf32> to vector<16xf32>
        %mul3A_371 = vector.broadcast %squeeze3A_272 : f32 to vector<16xf32>
        %mul3A_372 = arith.mulf %mul3A_371, %get3A_370 : vector<16xf32>
        %add3A_373 = arith.addf %mul3A_363, %mul3A_372 : vector<16xf32>
        %get3A_374 = arith.constant 2 : i32
        %get3A_375 = arith.constant 6 : i32
        %get3A_376 = arith.index_cast %get3A_374 : i32 to index
        %get3A_377 = arith.index_cast %get3A_375 : i32 to index
        %get3A_378 = arith.index_cast %mul3A_354 : i32 to index
        %get3A_379 = tpu.vector_load %arg12[%get3A_376, %get3A_377, %get3A_378] {strides = array<i32>} : memref<5x8x1024xf32, #tpu.memory_space<vmem>>, vector<1x1x16xf32>,
        %get3A_380 = vector.shape_cast %get3A_379 : vector<1x1x16xf32> to vector<16xf32>
        %mul3A_381 = vector.broadcast %squeeze3A_274 : f32 to vector<16xf32>
        %mul3A_382 = arith.mulf %mul3A_381, %get3A_380 : vector<16xf32>
        %add3A_383 = arith.addf %add3A_373, %mul3A_382 : vector<16xf32>
        %get3A_384 = arith.constant 3 : i32
        %get3A_385 = arith.constant 6 : i32
        %get3A_386 = arith.index_cast %get3A_384 : i32 to index
        %get3A_387 = arith.index_cast %get3A_385 : i32 to index
        %get3A_388 = arith.index_cast %mul3A_354 : i32 to index
        %get3A_389 = tpu.vector_load %arg12[%get3A_386, %get3A_387, %get3A_388] {strides = array<i32>} : memref<5x8x1024xf32, #tpu.memory_space<vmem>>, vector<1x1x16xf32>,
        %get3A_390 = vector.shape_cast %get3A_389 : vector<1x1x16xf32> to vector<16xf32>
        %mul3A_391 = vector.broadcast %squeeze3A_276 : f32 to vector<16xf32>
        %mul3A_392 = arith.mulf %mul3A_391, %get3A_390 : vector<16xf32>
        %add3A_393 = arith.addf %add3A_383, %mul3A_392 : vector<16xf32>
        %get3A_394 = arith.constant 4 : i32
        %get3A_395 = arith.constant 6 : i32
        %get3A_396 = arith.index_cast %get3A_394 : i32 to index
        %get3A_397 = arith.index_cast %get3A_395 : i32 to index
        %get3A_398 = arith.index_cast %mul3A_354 : i32 to index
        %get3A_399 = tpu.vector_load %arg12[%get3A_396, %get3A_397, %get3A_398] {strides = array<i32>} : memref<5x8x1024xf32, #tpu.memory_space<vmem>>, vector<1x1x16xf32>,
        %get3A_400 = vector.shape_cast %get3A_399 : vector<1x1x16xf32> to vector<16xf32>
        %mul3A_401 = vector.broadcast %squeeze3A_278 : f32 to vector<16xf32>
        %mul3A_402 = arith.mulf %mul3A_401, %get3A_400 : vector<16xf32>
        %add3A_403 = arith.addf %add3A_393, %mul3A_402 : vector<16xf32>
        %swap3A = arith.constant 6 : i32
        %swap3A_404 = arith.index_cast %swap3A : i32 to index
        %swap3A_405 = arith.index_cast %mul3A_354 : i32 to index
        %swap3A_406 = tpu.vector_load %arg13[%swap3A_404, %swap3A_405] {strides = array<i32>} : memref<8x1024xf32, #tpu.memory_space<vmem>>, vector<1x16xf32>,
        %swap3A_407 = vector.shape_cast %swap3A_406 : vector<1x16xf32> to vector<16xf32>
        %swap3A_408 = vector.shape_cast %add3A_403 : vector<16xf32> to vector<1x16xf32>
        tpu.vector_store %arg13[%swap3A_404, %swap3A_405], %swap3A_408 {strides = array<i32>} : memref<8x1024xf32, #tpu.memory_space<vmem>>, vector<1x16xf32>,
        %scan3A_409 = arith.constant 0 : i32
        %scan3A_410 = arith.constant 1 : i32
        %scan3A_411 = arith.addi %scan3A_351, %scan3A_410 : i32
        %mul3A_412 = arith.constant 16 : i32
        %mul3A_413 = arith.muli %scan3A_411, %mul3A_412 : i32
        %get3A_414 = arith.constant 0 : i32
        %get3A_415 = arith.constant 6 : i32
        %get3A_416 = arith.index_cast %get3A_414 : i32 to index
        %get3A_417 = arith.index_cast %get3A_415 : i32 to index
        %get3A_418 = arith.index_cast %mul3A_413 : i32 to index
        %get3A_419 = tpu.vector_load %arg12[%get3A_416, %get3A_417, %get3A_418] {strides = array<i32>} : memref<5x8x1024xf32, #tpu.memory_space<vmem>>, vector<1x1x16xf32>,
        %get3A_420 = vector.shape_cast %get3A_419 : vector<1x1x16xf32> to vector<16xf32>
        %mul3A_421 = vector.broadcast %squeeze3A_270 : f32 to vector<16xf32>
        %mul3A_422 = arith.mulf %mul3A_421, %get3A_420 : vector<16xf32>
        %get3A_423 = arith.constant 1 : i32
        %get3A_424 = arith.constant 6 : i32
        %get3A_425 = arith.index_cast %get3A_423 : i32 to index
        %get3A_426 = arith.index_cast %get3A_424 : i32 to index
        %get3A_427 = arith.index_cast %mul3A_413 : i32 to index
        %get3A_428 = tpu.vector_load %arg12[%get3A_425, %get3A_426, %get3A_427] {strides = array<i32>} : memref<5x8x1024xf32, #tpu.memory_space<vmem>>, vector<1x1x16xf32>,
        %get3A_429 = vector.shape_cast %get3A_428 : vector<1x1x16xf32> to vector<16xf32>
        %mul3A_430 = vector.broadcast %squeeze3A_272 : f32 to vector<16xf32>
        %mul3A_431 = arith.mulf %mul3A_430, %get3A_429 : vector<16xf32>
        %add3A_432 = arith.addf %mul3A_422, %mul3A_431 : vector<16xf32>
        %get3A_433 = arith.constant 2 : i32
        %get3A_434 = arith.constant 6 : i32
        %get3A_435 = arith.index_cast %get3A_433 : i32 to index
        %get3A_436 = arith.index_cast %get3A_434 : i32 to index
        %get3A_437 = arith.index_cast %mul3A_413 : i32 to index
        %get3A_438 = tpu.vector_load %arg12[%get3A_435, %get3A_436, %get3A_437] {strides = array<i32>} : memref<5x8x1024xf32, #tpu.memory_space<vmem>>, vector<1x1x16xf32>,
        %get3A_439 = vector.shape_cast %get3A_438 : vector<1x1x16xf32> to vector<16xf32>
        %mul3A_440 = vector.broadcast %squeeze3A_274 : f32 to vector<16xf32>
        %mul3A_441 = arith.mulf %mul3A_440, %get3A_439 : vector<16xf32>
        %add3A_442 = arith.addf %add3A_432, %mul3A_441 : vector<16xf32>
        %get3A_443 = arith.constant 3 : i32
        %get3A_444 = arith.constant 6 : i32
        %get3A_445 = arith.index_cast %get3A_443 : i32 to index
        %get3A_446 = arith.index_cast %get3A_444 : i32 to index
        %get3A_447 = arith.index_cast %mul3A_413 : i32 to index
        %get3A_448 = tpu.vector_load %arg12[%get3A_445, %get3A_446, %get3A_447] {strides = array<i32>} : memref<5x8x1024xf32, #tpu.memory_space<vmem>>, vector<1x1x16xf32>,
        %get3A_449 = vector.shape_cast %get3A_448 : vector<1x1x16xf32> to vector<16xf32>
        %mul3A_450 = vector.broadcast %squeeze3A_276 : f32 to vector<16xf32>
        %mul3A_451 = arith.mulf %mul3A_450, %get3A_449 : vector<16xf32>
        %add3A_452 = arith.addf %add3A_442, %mul3A_451 : vector<16xf32>
        %get3A_453 = arith.constant 4 : i32
        %get3A_454 = arith.constant 6 : i32
        %get3A_455 = arith.index_cast %get3A_453 : i32 to index
        %get3A_456 = arith.index_cast %get3A_454 : i32 to index
        %get3A_457 = arith.index_cast %mul3A_413 : i32 to index
        %get3A_458 = tpu.vector_load %arg12[%get3A_455, %get3A_456, %get3A_457] {strides = array<i32>} : memref<5x8x1024xf32, #tpu.memory_space<vmem>>, vector<1x1x16xf32>,
        %get3A_459 = vector.shape_cast %get3A_458 : vector<1x1x16xf32> to vector<16xf32>
        %mul3A_460 = vector.broadcast %squeeze3A_278 : f32 to vector<16xf32>
        %mul3A_461 = arith.mulf %mul3A_460, %get3A_459 : vector<16xf32>
        %add3A_462 = arith.addf %add3A_452, %mul3A_461 : vector<16xf32>
        %swap3A_463 = arith.constant 6 : i32
        %swap3A_464 = arith.index_cast %swap3A_463 : i32 to index
        %swap3A_465 = arith.index_cast %mul3A_413 : i32 to index
        %swap3A_466 = tpu.vector_load %arg13[%swap3A_464, %swap3A_465] {strides = array<i32>} : memref<8x1024xf32, #tpu.memory_space<vmem>>, vector<1x16xf32>,
        %swap3A_467 = vector.shape_cast %swap3A_466 : vector<1x16xf32> to vector<16xf32>
        %swap3A_468 = vector.shape_cast %add3A_462 : vector<16xf32> to vector<1x16xf32>
        tpu.vector_store %arg13[%swap3A_464, %swap3A_465], %swap3A_468 {strides = array<i32>} : memref<8x1024xf32, #tpu.memory_space<vmem>>, vector<1x16xf32>,
        %scan3A_469 = arith.constant 0 : i32
        %scan3A_470 = arith.constant 2 : i32
        %scan3A_471 = arith.addi %scan3A_351, %scan3A_470 : i32
        %mul3A_472 = arith.constant 16 : i32
        %mul3A_473 = arith.muli %scan3A_471, %mul3A_472 : i32
        %get3A_474 = arith.constant 0 : i32
        %get3A_475 = arith.constant 6 : i32
        %get3A_476 = arith.index_cast %get3A_474 : i32 to index
        %get3A_477 = arith.index_cast %get3A_475 : i32 to index
        %get3A_478 = arith.index_cast %mul3A_473 : i32 to index
        %get3A_479 = tpu.vector_load %arg12[%get3A_476, %get3A_477, %get3A_478] {strides = array<i32>} : memref<5x8x1024xf32, #tpu.memory_space<vmem>>, vector<1x1x16xf32>,
        %get3A_480 = vector.shape_cast %get3A_479 : vector<1x1x16xf32> to vector<16xf32>
        %mul3A_481 = vector.broadcast %squeeze3A_270 : f32 to vector<16xf32>
        %mul3A_482 = arith.mulf %mul3A_481, %get3A_480 : vector<16xf32>
        %get3A_483 = arith.constant 1 : i32
        %get3A_484 = arith.constant 6 : i32
        %get3A_485 = arith.index_cast %get3A_483 : i32 to index
        %get3A_486 = arith.index_cast %get3A_484 : i32 to index
        %get3A_487 = arith.index_cast %mul3A_473 : i32 to index
        %get3A_488 = tpu.vector_load %arg12[%get3A_485, %get3A_486, %get3A_487] {strides = array<i32>} : memref<5x8x1024xf32, #tpu.memory_space<vmem>>, vector<1x1x16xf32>,
        %get3A_489 = vector.shape_cast %get3A_488 : vector<1x1x16xf32> to vector<16xf32>
        %mul3A_490 = vector.broadcast %squeeze3A_272 : f32 to vector<16xf32>
        %mul3A_491 = arith.mulf %mul3A_490, %get3A_489 : vector<16xf32>
        %add3A_492 = arith.addf %mul3A_482, %mul3A_491 : vector<16xf32>
        %get3A_493 = arith.constant 2 : i32
        %get3A_494 = arith.constant 6 : i32
        %get3A_495 = arith.index_cast %get3A_493 : i32 to index
        %get3A_496 = arith.index_cast %get3A_494 : i32 to index
        %get3A_497 = arith.index_cast %mul3A_473 : i32 to index
        %get3A_498 = tpu.vector_load %arg12[%get3A_495, %get3A_496, %get3A_497] {strides = array<i32>} : memref<5x8x1024xf32, #tpu.memory_space<vmem>>, vector<1x1x16xf32>,
        %get3A_499 = vector.shape_cast %get3A_498 : vector<1x1x16xf32> to vector<16xf32>
        %mul3A_500 = vector.broadcast %squeeze3A_274 : f32 to vector<16xf32>
        %mul3A_501 = arith.mulf %mul3A_500, %get3A_499 : vector<16xf32>
        %add3A_502 = arith.addf %add3A_492, %mul3A_501 : vector<16xf32>
        %get3A_503 = arith.constant 3 : i32
        %get3A_504 = arith.constant 6 : i32
        %get3A_505 = arith.index_cast %get3A_503 : i32 to index
        %get3A_506 = arith.index_cast %get3A_504 : i32 to index
        %get3A_507 = arith.index_cast %mul3A_473 : i32 to index
        %get3A_508 = tpu.vector_load %arg12[%get3A_505, %get3A_506, %get3A_507] {strides = array<i32>} : memref<5x8x1024xf32, #tpu.memory_space<vmem>>, vector<1x1x16xf32>,
        %get3A_509 = vector.shape_cast %get3A_508 : vector<1x1x16xf32> to vector<16xf32>
        %mul3A_510 = vector.broadcast %squeeze3A_276 : f32 to vector<16xf32>
        %mul3A_511 = arith.mulf %mul3A_510, %get3A_509 : vector<16xf32>
        %add3A_512 = arith.addf %add3A_502, %mul3A_511 : vector<16xf32>
        %get3A_513 = arith.constant 4 : i32
        %get3A_514 = arith.constant 6 : i32
        %get3A_515 = arith.index_cast %get3A_513 : i32 to index
        %get3A_516 = arith.index_cast %get3A_514 : i32 to index
        %get3A_517 = arith.index_cast %mul3A_473 : i32 to index
        %get3A_518 = tpu.vector_load %arg12[%get3A_515, %get3A_516, %get3A_517] {strides = array<i32>} : memref<5x8x1024xf32, #tpu.memory_space<vmem>>, vector<1x1x16xf32>,
        %get3A_519 = vector.shape_cast %get3A_518 : vector<1x1x16xf32> to vector<16xf32>
        %mul3A_520 = vector.broadcast %squeeze3A_278 : f32 to vector<16xf32>
        %mul3A_521 = arith.mulf %mul3A_520, %get3A_519 : vector<16xf32>
        %add3A_522 = arith.addf %add3A_512, %mul3A_521 : vector<16xf32>
        %swap3A_523 = arith.constant 6 : i32
        %swap3A_524 = arith.index_cast %swap3A_523 : i32 to index
        %swap3A_525 = arith.index_cast %mul3A_473 : i32 to index
        %swap3A_526 = tpu.vector_load %arg13[%swap3A_524, %swap3A_525] {strides = array<i32>} : memref<8x1024xf32, #tpu.memory_space<vmem>>, vector<1x16xf32>,
        %swap3A_527 = vector.shape_cast %swap3A_526 : vector<1x16xf32> to vector<16xf32>
        %swap3A_528 = vector.shape_cast %add3A_522 : vector<16xf32> to vector<1x16xf32>
        tpu.vector_store %arg13[%swap3A_524, %swap3A_525], %swap3A_528 {strides = array<i32>} : memref<8x1024xf32, #tpu.memory_space<vmem>>, vector<1x16xf32>,
        %scan3A_529 = arith.constant 0 : i32
        %scan3A_530 = arith.constant 3 : i32
        %scan3A_531 = arith.addi %scan3A_351, %scan3A_530 : i32
        %mul3A_532 = arith.constant 16 : i32
        %mul3A_533 = arith.muli %scan3A_531, %mul3A_532 : i32
        %get3A_534 = arith.constant 0 : i32
        %get3A_535 = arith.constant 6 : i32
        %get3A_536 = arith.index_cast %get3A_534 : i32 to index
        %get3A_537 = arith.index_cast %get3A_535 : i32 to index
        %get3A_538 = arith.index_cast %mul3A_533 : i32 to index
        %get3A_539 = tpu.vector_load %arg12[%get3A_536, %get3A_537, %get3A_538] {strides = array<i32>} : memref<5x8x1024xf32, #tpu.memory_space<vmem>>, vector<1x1x16xf32>,
        %get3A_540 = vector.shape_cast %get3A_539 : vector<1x1x16xf32> to vector<16xf32>
        %mul3A_541 = vector.broadcast %squeeze3A_270 : f32 to vector<16xf32>
        %mul3A_542 = arith.mulf %mul3A_541, %get3A_540 : vector<16xf32>
        %get3A_543 = arith.constant 1 : i32
        %get3A_544 = arith.constant 6 : i32
        %get3A_545 = arith.index_cast %get3A_543 : i32 to index
        %get3A_546 = arith.index_cast %get3A_544 : i32 to index
        %get3A_547 = arith.index_cast %mul3A_533 : i32 to index
        %get3A_548 = tpu.vector_load %arg12[%get3A_545, %get3A_546, %get3A_547] {strides = array<i32>} : memref<5x8x1024xf32, #tpu.memory_space<vmem>>, vector<1x1x16xf32>,
        %get3A_549 = vector.shape_cast %get3A_548 : vector<1x1x16xf32> to vector<16xf32>
        %mul3A_550 = vector.broadcast %squeeze3A_272 : f32 to vector<16xf32>
        %mul3A_551 = arith.mulf %mul3A_550, %get3A_549 : vector<16xf32>
        %add3A_552 = arith.addf %mul3A_542, %mul3A_551 : vector<16xf32>
        %get3A_553 = arith.constant 2 : i32
        %get3A_554 = arith.constant 6 : i32
        %get3A_555 = arith.index_cast %get3A_553 : i32 to index
        %get3A_556 = arith.index_cast %get3A_554 : i32 to index
        %get3A_557 = arith.index_cast %mul3A_533 : i32 to index
        %get3A_558 = tpu.vector_load %arg12[%get3A_555, %get3A_556, %get3A_557] {strides = array<i32>} : memref<5x8x1024xf32, #tpu.memory_space<vmem>>, vector<1x1x16xf32>,
        %get3A_559 = vector.shape_cast %get3A_558 : vector<1x1x16xf32> to vector<16xf32>
        %mul3A_560 = vector.broadcast %squeeze3A_274 : f32 to vector<16xf32>
        %mul3A_561 = arith.mulf %mul3A_560, %get3A_559 : vector<16xf32>
        %add3A_562 = arith.addf %add3A_552, %mul3A_561 : vector<16xf32>
        %get3A_563 = arith.constant 3 : i32
        %get3A_564 = arith.constant 6 : i32
        %get3A_565 = arith.index_cast %get3A_563 : i32 to index
        %get3A_566 = arith.index_cast %get3A_564 : i32 to index
        %get3A_567 = arith.index_cast %mul3A_533 : i32 to index
        %get3A_568 = tpu.vector_load %arg12[%get3A_565, %get3A_566, %get3A_567] {strides = array<i32>} : memref<5x8x1024xf32, #tpu.memory_space<vmem>>, vector<1x1x16xf32>,
        %get3A_569 = vector.shape_cast %get3A_568 : vector<1x1x16xf32> to vector<16xf32>
        %mul3A_570 = vector.broadcast %squeeze3A_276 : f32 to vector<16xf32>
        %mul3A_571 = arith.mulf %mul3A_570, %get3A_569 : vector<16xf32>
        %add3A_572 = arith.addf %add3A_562, %mul3A_571 : vector<16xf32>
        %get3A_573 = arith.constant 4 : i32
        %get3A_574 = arith.constant 6 : i32
        %get3A_575 = arith.index_cast %get3A_573 : i32 to index
        %get3A_576 = arith.index_cast %get3A_574 : i32 to index
        %get3A_577 = arith.index_cast %mul3A_533 : i32 to index
        %get3A_578 = tpu.vector_load %arg12[%get3A_575, %get3A_576, %get3A_577] {strides = array<i32>} : memref<5x8x1024xf32, #tpu.memory_space<vmem>>, vector<1x1x16xf32>,
        %get3A_579 = vector.shape_cast %get3A_578 : vector<1x1x16xf32> to vector<16xf32>
        %mul3A_580 = vector.broadcast %squeeze3A_278 : f32 to vector<16xf32>
        %mul3A_581 = arith.mulf %mul3A_580, %get3A_579 : vector<16xf32>
        %add3A_582 = arith.addf %add3A_572, %mul3A_581 : vector<16xf32>
        %swap3A_583 = arith.constant 6 : i32
        %swap3A_584 = arith.index_cast %swap3A_583 : i32 to index
        %swap3A_585 = arith.index_cast %mul3A_533 : i32 to index
        %swap3A_586 = tpu.vector_load %arg13[%swap3A_584, %swap3A_585] {strides = array<i32>} : memref<8x1024xf32, #tpu.memory_space<vmem>>, vector<1x16xf32>,
        %swap3A_587 = vector.shape_cast %swap3A_586 : vector<1x16xf32> to vector<16xf32>
        %swap3A_588 = vector.shape_cast %add3A_582 : vector<16xf32> to vector<1x16xf32>
        tpu.vector_store %arg13[%swap3A_584, %swap3A_585], %swap3A_588 {strides = array<i32>} : memref<8x1024xf32, #tpu.memory_space<vmem>>, vector<1x16xf32>,
        %scan3A_589 = arith.constant 0 : i32
        %scan3A_590 = arith.constant 4 : i32
        %scan3A_591 = arith.addi %scan3A_351, %scan3A_590 : i32
        %mul3A_592 = arith.constant 16 : i32
        %mul3A_593 = arith.muli %scan3A_591, %mul3A_592 : i32
        %get3A_594 = arith.constant 0 : i32
        %get3A_595 = arith.constant 6 : i32
        %get3A_596 = arith.index_cast %get3A_594 : i32 to index
        %get3A_597 = arith.index_cast %get3A_595 : i32 to index
        %get3A_598 = arith.index_cast %mul3A_593 : i32 to index
        %get3A_599 = tpu.vector_load %arg12[%get3A_596, %get3A_597, %get3A_598] {strides = array<i32>} : memref<5x8x1024xf32, #tpu.memory_space<vmem>>, vector<1x1x16xf32>,
        %get3A_600 = vector.shape_cast %get3A_599 : vector<1x1x16xf32> to vector<16xf32>
        %mul3A_601 = vector.broadcast %squeeze3A_270 : f32 to vector<16xf32>
        %mul3A_602 = arith.mulf %mul3A_601, %get3A_600 : vector<16xf32>
        %get3A_603 = arith.constant 1 : i32
        %get3A_604 = arith.constant 6 : i32
        %get3A_605 = arith.index_cast %get3A_603 : i32 to index
        %get3A_606 = arith.index_cast %get3A_604 : i32 to index
        %get3A_607 = arith.index_cast %mul3A_593 : i32 to index
        %get3A_608 = tpu.vector_load %arg12[%get3A_605, %get3A_606, %get3A_607] {strides = array<i32>} : memref<5x8x1024xf32, #tpu.memory_space<vmem>>, vector<1x1x16xf32>,
        %get3A_609 = vector.shape_cast %get3A_608 : vector<1x1x16xf32> to vector<16xf32>
        %mul3A_610 = vector.broadcast %squeeze3A_272 : f32 to vector<16xf32>
        %mul3A_611 = arith.mulf %mul3A_610, %get3A_609 : vector<16xf32>
        %add3A_612 = arith.addf %mul3A_602, %mul3A_611 : vector<16xf32>
        %get3A_613 = arith.constant 2 : i32
        %get3A_614 = arith.constant 6 : i32
        %get3A_615 = arith.index_cast %get3A_613 : i32 to index
        %get3A_616 = arith.index_cast %get3A_614 : i32 to index
        %get3A_617 = arith.index_cast %mul3A_593 : i32 to index
        %get3A_618 = tpu.vector_load %arg12[%get3A_615, %get3A_616, %get3A_617] {strides = array<i32>} : memref<5x8x1024xf32, #tpu.memory_space<vmem>>, vector<1x1x16xf32>,
        %get3A_619 = vector.shape_cast %get3A_618 : vector<1x1x16xf32> to vector<16xf32>
        %mul3A_620 = vector.broadcast %squeeze3A_274 : f32 to vector<16xf32>
        %mul3A_621 = arith.mulf %mul3A_620, %get3A_619 : vector<16xf32>
        %add3A_622 = arith.addf %add3A_612, %mul3A_621 : vector<16xf32>
        %get3A_623 = arith.constant 3 : i32
        %get3A_624 = arith.constant 6 : i32
        %get3A_625 = arith.index_cast %get3A_623 : i32 to index
        %get3A_626 = arith.index_cast %get3A_624 : i32 to index
        %get3A_627 = arith.index_cast %mul3A_593 : i32 to index
        %get3A_628 = tpu.vector_load %arg12[%get3A_625, %get3A_626, %get3A_627] {strides = array<i32>} : memref<5x8x1024xf32, #tpu.memory_space<vmem>>, vector<1x1x16xf32>,
        %get3A_629 = vector.shape_cast %get3A_628 : vector<1x1x16xf32> to vector<16xf32>
        %mul3A_630 = vector.broadcast %squeeze3A_276 : f32 to vector<16xf32>
        %mul3A_631 = arith.mulf %mul3A_630, %get3A_629 : vector<16xf32>
        %add3A_632 = arith.addf %add3A_622, %mul3A_631 : vector<16xf32>
        %get3A_633 = arith.constant 4 : i32
        %get3A_634 = arith.constant 6 : i32
        %get3A_635 = arith.index_cast %get3A_633 : i32 to index
        %get3A_636 = arith.index_cast %get3A_634 : i32 to index
        %get3A_637 = arith.index_cast %mul3A_593 : i32 to index
        %get3A_638 = tpu.vector_load %arg12[%get3A_635, %get3A_636, %get3A_637] {strides = array<i32>} : memref<5x8x1024xf32, #tpu.memory_space<vmem>>, vector<1x1x16xf32>,
        %get3A_639 = vector.shape_cast %get3A_638 : vector<1x1x16xf32> to vector<16xf32>
        %mul3A_640 = vector.broadcast %squeeze3A_278 : f32 to vector<16xf32>
        %mul3A_641 = arith.mulf %mul3A_640, %get3A_639 : vector<16xf32>
        %add3A_642 = arith.addf %add3A_632, %mul3A_641 : vector<16xf32>
        %swap3A_643 = arith.constant 6 : i32
        %swap3A_644 = arith.index_cast %swap3A_643 : i32 to index
        %swap3A_645 = arith.index_cast %mul3A_593 : i32 to index
        %swap3A_646 = tpu.vector_load %arg13[%swap3A_644, %swap3A_645] {strides = array<i32>} : memref<8x1024xf32, #tpu.memory_space<vmem>>, vector<1x16xf32>,
        %swap3A_647 = vector.shape_cast %swap3A_646 : vector<1x16xf32> to vector<16xf32>
        %swap3A_648 = vector.shape_cast %add3A_642 : vector<16xf32> to vector<1x16xf32>
        tpu.vector_store %arg13[%swap3A_644, %swap3A_645], %swap3A_648 {strides = array<i32>} : memref<8x1024xf32, #tpu.memory_space<vmem>>, vector<1x16xf32>,
        %scan3A_649 = arith.constant 0 : i32
        %scan3A_650 = arith.constant 5 : i32
        %scan3A_651 = arith.addi %scan3A_351, %scan3A_650 : i32
        %mul3A_652 = arith.constant 16 : i32
        %mul3A_653 = arith.muli %scan3A_651, %mul3A_652 : i32
        %get3A_654 = arith.constant 0 : i32
        %get3A_655 = arith.constant 6 : i32
        %get3A_656 = arith.index_cast %get3A_654 : i32 to index
        %get3A_657 = arith.index_cast %get3A_655 : i32 to index
        %get3A_658 = arith.index_cast %mul3A_653 : i32 to index
        %get3A_659 = tpu.vector_load %arg12[%get3A_656, %get3A_657, %get3A_658] {strides = array<i32>} : memref<5x8x1024xf32, #tpu.memory_space<vmem>>, vector<1x1x16xf32>,
        %get3A_660 = vector.shape_cast %get3A_659 : vector<1x1x16xf32> to vector<16xf32>
        %mul3A_661 = vector.broadcast %squeeze3A_270 : f32 to vector<16xf32>
        %mul3A_662 = arith.mulf %mul3A_661, %get3A_660 : vector<16xf32>
        %get3A_663 = arith.constant 1 : i32
        %get3A_664 = arith.constant 6 : i32
        %get3A_665 = arith.index_cast %get3A_663 : i32 to index
        %get3A_666 = arith.index_cast %get3A_664 : i32 to index
        %get3A_667 = arith.index_cast %mul3A_653 : i32 to index
        %get3A_668 = tpu.vector_load %arg12[%get3A_665, %get3A_666, %get3A_667] {strides = array<i32>} : memref<5x8x1024xf32, #tpu.memory_space<vmem>>, vector<1x1x16xf32>,
        %get3A_669 = vector.shape_cast %get3A_668 : vector<1x1x16xf32> to vector<16xf32>
        %mul3A_670 = vector.broadcast %squeeze3A_272 : f32 to vector<16xf32>
        %mul3A_671 = arith.mulf %mul3A_670, %get3A_669 : vector<16xf32>
        %add3A_672 = arith.addf %mul3A_662, %mul3A_671 : vector<16xf32>
        %get3A_673 = arith.constant 2 : i32
        %get3A_674 = arith.constant 6 : i32
        %get3A_675 = arith.index_cast %get3A_673 : i32 to index
        %get3A_676 = arith.index_cast %get3A_674 : i32 to index
        %get3A_677 = arith.index_cast %mul3A_653 : i32 to index
        %get3A_678 = tpu.vector_load %arg12[%get3A_675, %get3A_676, %get3A_677] {strides = array<i32>} : memref<5x8x1024xf32, #tpu.memory_space<vmem>>, vector<1x1x16xf32>,
        %get3A_679 = vector.shape_cast %get3A_678 : vector<1x1x16xf32> to vector<16xf32>
        %mul3A_680 = vector.broadcast %squeeze3A_274 : f32 to vector<16xf32>
        %mul3A_681 = arith.mulf %mul3A_680, %get3A_679 : vector<16xf32>
        %add3A_682 = arith.addf %add3A_672, %mul3A_681 : vector<16xf32>
        %get3A_683 = arith.constant 3 : i32
        %get3A_684 = arith.constant 6 : i32
        %get3A_685 = arith.index_cast %get3A_683 : i32 to index
        %get3A_686 = arith.index_cast %get3A_684 : i32 to index
        %get3A_687 = arith.index_cast %mul3A_653 : i32 to index
        %get3A_688 = tpu.vector_load %arg12[%get3A_685, %get3A_686, %get3A_687] {strides = array<i32>} : memref<5x8x1024xf32, #tpu.memory_space<vmem>>, vector<1x1x16xf32>,
        %get3A_689 = vector.shape_cast %get3A_688 : vector<1x1x16xf32> to vector<16xf32>
        %mul3A_690 = vector.broadcast %squeeze3A_276 : f32 to vector<16xf32>
        %mul3A_691 = arith.mulf %mul3A_690, %get3A_689 : vector<16xf32>
        %add3A_692 = arith.addf %add3A_682, %mul3A_691 : vector<16xf32>
        %get3A_693 = arith.constant 4 : i32
        %get3A_694 = arith.constant 6 : i32
        %get3A_695 = arith.index_cast %get3A_693 : i32 to index
        %get3A_696 = arith.index_cast %get3A_694 : i32 to index
        %get3A_697 = arith.index_cast %mul3A_653 : i32 to index
        %get3A_698 = tpu.vector_load %arg12[%get3A_695, %get3A_696, %get3A_697] {strides = array<i32>} : memref<5x8x1024xf32, #tpu.memory_space<vmem>>, vector<1x1x16xf32>,
        %get3A_699 = vector.shape_cast %get3A_698 : vector<1x1x16xf32> to vector<16xf32>
        %mul3A_700 = vector.broadcast %squeeze3A_278 : f32 to vector<16xf32>
        %mul3A_701 = arith.mulf %mul3A_700, %get3A_699 : vector<16xf32>
        %add3A_702 = arith.addf %add3A_692, %mul3A_701 : vector<16xf32>
        %swap3A_703 = arith.constant 6 : i32
        %swap3A_704 = arith.index_cast %swap3A_703 : i32 to index
        %swap3A_705 = arith.index_cast %mul3A_653 : i32 to index
        %swap3A_706 = tpu.vector_load %arg13[%swap3A_704, %swap3A_705] {strides = array<i32>} : memref<8x1024xf32, #tpu.memory_space<vmem>>, vector<1x16xf32>,
        %swap3A_707 = vector.shape_cast %swap3A_706 : vector<1x16xf32> to vector<16xf32>
        %swap3A_708 = vector.shape_cast %add3A_702 : vector<16xf32> to vector<1x16xf32>
        tpu.vector_store %arg13[%swap3A_704, %swap3A_705], %swap3A_708 {strides = array<i32>} : memref<8x1024xf32, #tpu.memory_space<vmem>>, vector<1x16xf32>,
        %scan3A_709 = arith.constant 0 : i32
        %scan3A_710 = arith.constant 6 : i32
        %scan3A_711 = arith.addi %scan3A_351, %scan3A_710 : i32
        %mul3A_712 = arith.constant 16 : i32
        %mul3A_713 = arith.muli %scan3A_711, %mul3A_712 : i32
        %get3A_714 = arith.constant 0 : i32
        %get3A_715 = arith.constant 6 : i32
        %get3A_716 = arith.index_cast %get3A_714 : i32 to index
        %get3A_717 = arith.index_cast %get3A_715 : i32 to index
        %get3A_718 = arith.index_cast %mul3A_713 : i32 to index
        %get3A_719 = tpu.vector_load %arg12[%get3A_716, %get3A_717, %get3A_718] {strides = array<i32>} : memref<5x8x1024xf32, #tpu.memory_space<vmem>>, vector<1x1x16xf32>,
        %get3A_720 = vector.shape_cast %get3A_719 : vector<1x1x16xf32> to vector<16xf32>
        %mul3A_721 = vector.broadcast %squeeze3A_270 : f32 to vector<16xf32>
        %mul3A_722 = arith.mulf %mul3A_721, %get3A_720 : vector<16xf32>
        %get3A_723 = arith.constant 1 : i32
        %get3A_724 = arith.constant 6 : i32
        %get3A_725 = arith.index_cast %get3A_723 : i32 to index
        %get3A_726 = arith.index_cast %get3A_724 : i32 to index
        %get3A_727 = arith.index_cast %mul3A_713 : i32 to index
        %get3A_728 = tpu.vector_load %arg12[%get3A_725, %get3A_726, %get3A_727] {strides = array<i32>} : memref<5x8x1024xf32, #tpu.memory_space<vmem>>, vector<1x1x16xf32>,
        %get3A_729 = vector.shape_cast %get3A_728 : vector<1x1x16xf32> to vector<16xf32>
        %mul3A_730 = vector.broadcast %squeeze3A_272 : f32 to vector<16xf32>
        %mul3A_731 = arith.mulf %mul3A_730, %get3A_729 : vector<16xf32>
        %add3A_732 = arith.addf %mul3A_722, %mul3A_731 : vector<16xf32>
        %get3A_733 = arith.constant 2 : i32
        %get3A_734 = arith.constant 6 : i32
        %get3A_735 = arith.index_cast %get3A_733 : i32 to index
        %get3A_736 = arith.index_cast %get3A_734 : i32 to index
        %get3A_737 = arith.index_cast %mul3A_713 : i32 to index
        %get3A_738 = tpu.vector_load %arg12[%get3A_735, %get3A_736, %get3A_737] {strides = array<i32>} : memref<5x8x1024xf32, #tpu.memory_space<vmem>>, vector<1x1x16xf32>,
        %get3A_739 = vector.shape_cast %get3A_738 : vector<1x1x16xf32> to vector<16xf32>
        %mul3A_740 = vector.broadcast %squeeze3A_274 : f32 to vector<16xf32>
        %mul3A_741 = arith.mulf %mul3A_740, %get3A_739 : vector<16xf32>
        %add3A_742 = arith.addf %add3A_732, %mul3A_741 : vector<16xf32>
        %get3A_743 = arith.constant 3 : i32
        %get3A_744 = arith.constant 6 : i32
        %get3A_745 = arith.index_cast %get3A_743 : i32 to index
        %get3A_746 = arith.index_cast %get3A_744 : i32 to index
        %get3A_747 = arith.index_cast %mul3A_713 : i32 to index
        %get3A_748 = tpu.vector_load %arg12[%get3A_745, %get3A_746, %get3A_747] {strides = array<i32>} : memref<5x8x1024xf32, #tpu.memory_space<vmem>>, vector<1x1x16xf32>,
        %get3A_749 = vector.shape_cast %get3A_748 : vector<1x1x16xf32> to vector<16xf32>
        %mul3A_750 = vector.broadcast %squeeze3A_276 : f32 to vector<16xf32>
        %mul3A_751 = arith.mulf %mul3A_750, %get3A_749 : vector<16xf32>
        %add3A_752 = arith.addf %add3A_742, %mul3A_751 : vector<16xf32>
        %get3A_753 = arith.constant 4 : i32
        %get3A_754 = arith.constant 6 : i32
        %get3A_755 = arith.index_cast %get3A_753 : i32 to index
        %get3A_756 = arith.index_cast %get3A_754 : i32 to index
        %get3A_757 = arith.index_cast %mul3A_713 : i32 to index
        %get3A_758 = tpu.vector_load %arg12[%get3A_755, %get3A_756, %get3A_757] {strides = array<i32>} : memref<5x8x1024xf32, #tpu.memory_space<vmem>>, vector<1x1x16xf32>,
        %get3A_759 = vector.shape_cast %get3A_758 : vector<1x1x16xf32> to vector<16xf32>
        %mul3A_760 = vector.broadcast %squeeze3A_278 : f32 to vector<16xf32>
        %mul3A_761 = arith.mulf %mul3A_760, %get3A_759 : vector<16xf32>
        %add3A_762 = arith.addf %add3A_752, %mul3A_761 : vector<16xf32>
        %swap3A_763 = arith.constant 6 : i32
        %swap3A_764 = arith.index_cast %swap3A_763 : i32 to index
        %swap3A_765 = arith.index_cast %mul3A_713 : i32 to index
        %swap3A_766 = tpu.vector_load %arg13[%swap3A_764, %swap3A_765] {strides = array<i32>} : memref<8x1024xf32, #tpu.memory_space<vmem>>, vector<1x16xf32>,
        %swap3A_767 = vector.shape_cast %swap3A_766 : vector<1x16xf32> to vector<16xf32>
        %swap3A_768 = vector.shape_cast %add3A_762 : vector<16xf32> to vector<1x16xf32>
        tpu.vector_store %arg13[%swap3A_764, %swap3A_765], %swap3A_768 {strides = array<i32>} : memref<8x1024xf32, #tpu.memory_space<vmem>>, vector<1x16xf32>,
        %scan3A_769 = arith.constant 0 : i32
        %scan3A_770 = arith.constant 7 : i32
        %scan3A_771 = arith.addi %scan3A_351, %scan3A_770 : i32
        %mul3A_772 = arith.constant 16 : i32
        %mul3A_773 = arith.muli %scan3A_771, %mul3A_772 : i32
        %get3A_774 = arith.constant 0 : i32
        %get3A_775 = arith.constant 6 : i32
        %get3A_776 = arith.index_cast %get3A_774 : i32 to index
        %get3A_777 = arith.index_cast %get3A_775 : i32 to index
        %get3A_778 = arith.index_cast %mul3A_773 : i32 to index
        %get3A_779 = tpu.vector_load %arg12[%get3A_776, %get3A_777, %get3A_778] {strides = array<i32>} : memref<5x8x1024xf32, #tpu.memory_space<vmem>>, vector<1x1x16xf32>,
        %get3A_780 = vector.shape_cast %get3A_779 : vector<1x1x16xf32> to vector<16xf32>
        %mul3A_781 = vector.broadcast %squeeze3A_270 : f32 to vector<16xf32>
        %mul3A_782 = arith.mulf %mul3A_781, %get3A_780 : vector<16xf32>
        %get3A_783 = arith.constant 1 : i32
        %get3A_784 = arith.constant 6 : i32
        %get3A_785 = arith.index_cast %get3A_783 : i32 to index
        %get3A_786 = arith.index_cast %get3A_784 : i32 to index
        %get3A_787 = arith.index_cast %mul3A_773 : i32 to index
        %get3A_788 = tpu.vector_load %arg12[%get3A_785, %get3A_786, %get3A_787] {strides = array<i32>} : memref<5x8x1024xf32, #tpu.memory_space<vmem>>, vector<1x1x16xf32>,
        %get3A_789 = vector.shape_cast %get3A_788 : vector<1x1x16xf32> to vector<16xf32>
        %mul3A_790 = vector.broadcast %squeeze3A_272 : f32 to vector<16xf32>
        %mul3A_791 = arith.mulf %mul3A_790, %get3A_789 : vector<16xf32>
        %add3A_792 = arith.addf %mul3A_782, %mul3A_791 : vector<16xf32>
        %get3A_793 = arith.constant 2 : i32
        %get3A_794 = arith.constant 6 : i32
        %get3A_795 = arith.index_cast %get3A_793 : i32 to index
        %get3A_796 = arith.index_cast %get3A_794 : i32 to index
        %get3A_797 = arith.index_cast %mul3A_773 : i32 to index
        %get3A_798 = tpu.vector_load %arg12[%get3A_795, %get3A_796, %get3A_797] {strides = array<i32>} : memref<5x8x1024xf32, #tpu.memory_space<vmem>>, vector<1x1x16xf32>,
        %get3A_799 = vector.shape_cast %get3A_798 : vector<1x1x16xf32> to vector<16xf32>
        %mul3A_800 = vector.broadcast %squeeze3A_274 : f32 to vector<16xf32>
        %mul3A_801 = arith.mulf %mul3A_800, %get3A_799 : vector<16xf32>
        %add3A_802 = arith.addf %add3A_792, %mul3A_801 : vector<16xf32>
        %get3A_803 = arith.constant 3 : i32
        %get3A_804 = arith.constant 6 : i32
        %get3A_805 = arith.index_cast %get3A_803 : i32 to index
        %get3A_806 = arith.index_cast %get3A_804 : i32 to index
        %get3A_807 = arith.index_cast %mul3A_773 : i32 to index
        %get3A_808 = tpu.vector_load %arg12[%get3A_805, %get3A_806, %get3A_807] {strides = array<i32>} : memref<5x8x1024xf32, #tpu.memory_space<vmem>>, vector<1x1x16xf32>,
        %get3A_809 = vector.shape_cast %get3A_808 : vector<1x1x16xf32> to vector<16xf32>
        %mul3A_810 = vector.broadcast %squeeze3A_276 : f32 to vector<16xf32>
        %mul3A_811 = arith.mulf %mul3A_810, %get3A_809 : vector<16xf32>
        %add3A_812 = arith.addf %add3A_802, %mul3A_811 : vector<16xf32>
        %get3A_813 = arith.constant 4 : i32
        %get3A_814 = arith.constant 6 : i32
        %get3A_815 = arith.index_cast %get3A_813 : i32 to index
        %get3A_816 = arith.index_cast %get3A_814 : i32 to index
        %get3A_817 = arith.index_cast %mul3A_773 : i32 to index
        %get3A_818 = tpu.vector_load %arg12[%get3A_815, %get3A_816, %get3A_817] {strides = array<i32>} : memref<5x8x1024xf32, #tpu.memory_space<vmem>>, vector<1x1x16xf32>,
        %get3A_819 = vector.shape_cast %get3A_818 : vector<1x1x16xf32> to vector<16xf32>
        %mul3A_820 = vector.broadcast %squeeze3A_278 : f32 to vector<16xf32>
        %mul3A_821 = arith.mulf %mul3A_820, %get3A_819 : vector<16xf32>
        %add3A_822 = arith.addf %add3A_812, %mul3A_821 : vector<16xf32>
        %swap3A_823 = arith.constant 6 : i32
        %swap3A_824 = arith.index_cast %swap3A_823 : i32 to index
        %swap3A_825 = arith.index_cast %mul3A_773 : i32 to index
        %swap3A_826 = tpu.vector_load %arg13[%swap3A_824, %swap3A_825] {strides = array<i32>} : memref<8x1024xf32, #tpu.memory_space<vmem>>, vector<1x16xf32>,
        %swap3A_827 = vector.shape_cast %swap3A_826 : vector<1x16xf32> to vector<16xf32>
        %swap3A_828 = vector.shape_cast %add3A_822 : vector<16xf32> to vector<1x16xf32>
        tpu.vector_store %arg13[%swap3A_824, %swap3A_825], %swap3A_828 {strides = array<i32>} : memref<8x1024xf32, #tpu.memory_space<vmem>>, vector<1x16xf32>,
        %scan3A_829 = arith.constant 0 : i32
        scf.yield %scan3A_829 : i32
      }
      %scan3A_285 = arith.constant 64 : i32
      %add3A_286 = arith.constant 7 : i32
      %add3A_287 = arith.addi %mul3A_127, %add3A_286 : i32
      %get3A_288 = arith.index_cast %add3A_287 : i32 to index
      %get3A_289 = arith.constant 0 : index
      %get3A_290 = tpu.vector_load %arg11[%get3A_288, %get3A_289] {strides = array<i32>} : memref<512x16xf32, #tpu.memory_space<vmem>>, vector<1x16xf32>,
      %get3A_291 = vector.shape_cast %get3A_290 : vector<1x16xf32> to vector<16xf32>
      %slice3A_292 = vector.extract_strided_slice %get3A_291 {offsets = [0], sizes = [1], strides = [1]} : vector<16xf32> to vector<1xf32>
      %squeeze3A_293 = vector.extract %slice3A_292[0] : f32 from vector<1xf32>
      %slice3A_294 = vector.extract_strided_slice %get3A_291 {offsets = [1], sizes = [1], strides = [1]} : vector<16xf32> to vector<1xf32>
      %squeeze3A_295 = vector.extract %slice3A_294[0] : f32 from vector<1xf32>
      %slice3A_296 = vector.extract_strided_slice %get3A_291 {offsets = [2], sizes = [1], strides = [1]} : vector<16xf32> to vector<1xf32>
      %squeeze3A_297 = vector.extract %slice3A_296[0] : f32 from vector<1xf32>
      %slice3A_298 = vector.extract_strided_slice %get3A_291 {offsets = [3], sizes = [1], strides = [1]} : vector<16xf32> to vector<1xf32>
      %squeeze3A_299 = vector.extract %slice3A_298[0] : f32 from vector<1xf32>
      %slice3A_300 = vector.extract_strided_slice %get3A_291 {offsets = [4], sizes = [1], strides = [1]} : vector<16xf32> to vector<1xf32>
      %squeeze3A_301 = vector.extract %slice3A_300[0] : f32 from vector<1xf32>
      %scan3A_302 = arith.constant 0 : i32
      %scan3A_303 = arith.constant 0 : i32
      %scan3A_304 = arith.constant 64 : i32
      %scan3A_305 = arith.addi %scan3A_303, %scan3A_304 : i32
      %scan3A_306 = arith.constant 8 : i32
      %scan3A_307 = scf.for %scan3A_351 = %scan3A_303 to %scan3A_305 step %scan3A_306 iter_args(%scan3A_352 = %scan3A_302) -> (i32)  : i32 {
        %mul3A_353 = arith.constant 16 : i32
        %mul3A_354 = arith.muli %scan3A_351, %mul3A_353 : i32
        %get3A_355 = arith.constant 0 : i32
        %get3A_356 = arith.constant 7 : i32
        %get3A_357 = arith.index_cast %get3A_355 : i32 to index
        %get3A_358 = arith.index_cast %get3A_356 : i32 to index
        %get3A_359 = arith.index_cast %mul3A_354 : i32 to index
        %get3A_360 = tpu.vector_load %arg12[%get3A_357, %get3A_358, %get3A_359] {strides = array<i32>} : memref<5x8x1024xf32, #tpu.memory_space<vmem>>, vector<1x1x16xf32>,
        %get3A_361 = vector.shape_cast %get3A_360 : vector<1x1x16xf32> to vector<16xf32>
        %mul3A_362 = vector.broadcast %squeeze3A_293 : f32 to vector<16xf32>
        %mul3A_363 = arith.mulf %mul3A_362, %get3A_361 : vector<16xf32>
        %get3A_364 = arith.constant 1 : i32
        %get3A_365 = arith.constant 7 : i32
        %get3A_366 = arith.index_cast %get3A_364 : i32 to index
        %get3A_367 = arith.index_cast %get3A_365 : i32 to index
        %get3A_368 = arith.index_cast %mul3A_354 : i32 to index
        %get3A_369 = tpu.vector_load %arg12[%get3A_366, %get3A_367, %get3A_368] {strides = array<i32>} : memref<5x8x1024xf32, #tpu.memory_space<vmem>>, vector<1x1x16xf32>,
        %get3A_370 = vector.shape_cast %get3A_369 : vector<1x1x16xf32> to vector<16xf32>
        %mul3A_371 = vector.broadcast %squeeze3A_295 : f32 to vector<16xf32>
        %mul3A_372 = arith.mulf %mul3A_371, %get3A_370 : vector<16xf32>
        %add3A_373 = arith.addf %mul3A_363, %mul3A_372 : vector<16xf32>
        %get3A_374 = arith.constant 2 : i32
        %get3A_375 = arith.constant 7 : i32
        %get3A_376 = arith.index_cast %get3A_374 : i32 to index
        %get3A_377 = arith.index_cast %get3A_375 : i32 to index
        %get3A_378 = arith.index_cast %mul3A_354 : i32 to index
        %get3A_379 = tpu.vector_load %arg12[%get3A_376, %get3A_377, %get3A_378] {strides = array<i32>} : memref<5x8x1024xf32, #tpu.memory_space<vmem>>, vector<1x1x16xf32>,
        %get3A_380 = vector.shape_cast %get3A_379 : vector<1x1x16xf32> to vector<16xf32>
        %mul3A_381 = vector.broadcast %squeeze3A_297 : f32 to vector<16xf32>
        %mul3A_382 = arith.mulf %mul3A_381, %get3A_380 : vector<16xf32>
        %add3A_383 = arith.addf %add3A_373, %mul3A_382 : vector<16xf32>
        %get3A_384 = arith.constant 3 : i32
        %get3A_385 = arith.constant 7 : i32
        %get3A_386 = arith.index_cast %get3A_384 : i32 to index
        %get3A_387 = arith.index_cast %get3A_385 : i32 to index
        %get3A_388 = arith.index_cast %mul3A_354 : i32 to index
        %get3A_389 = tpu.vector_load %arg12[%get3A_386, %get3A_387, %get3A_388] {strides = array<i32>} : memref<5x8x1024xf32, #tpu.memory_space<vmem>>, vector<1x1x16xf32>,
        %get3A_390 = vector.shape_cast %get3A_389 : vector<1x1x16xf32> to vector<16xf32>
        %mul3A_391 = vector.broadcast %squeeze3A_299 : f32 to vector<16xf32>
        %mul3A_392 = arith.mulf %mul3A_391, %get3A_390 : vector<16xf32>
        %add3A_393 = arith.addf %add3A_383, %mul3A_392 : vector<16xf32>
        %get3A_394 = arith.constant 4 : i32
        %get3A_395 = arith.constant 7 : i32
        %get3A_396 = arith.index_cast %get3A_394 : i32 to index
        %get3A_397 = arith.index_cast %get3A_395 : i32 to index
        %get3A_398 = arith.index_cast %mul3A_354 : i32 to index
        %get3A_399 = tpu.vector_load %arg12[%get3A_396, %get3A_397, %get3A_398] {strides = array<i32>} : memref<5x8x1024xf32, #tpu.memory_space<vmem>>, vector<1x1x16xf32>,
        %get3A_400 = vector.shape_cast %get3A_399 : vector<1x1x16xf32> to vector<16xf32>
        %mul3A_401 = vector.broadcast %squeeze3A_301 : f32 to vector<16xf32>
        %mul3A_402 = arith.mulf %mul3A_401, %get3A_400 : vector<16xf32>
        %add3A_403 = arith.addf %add3A_393, %mul3A_402 : vector<16xf32>
        %swap3A = arith.constant 7 : i32
        %swap3A_404 = arith.index_cast %swap3A : i32 to index
        %swap3A_405 = arith.index_cast %mul3A_354 : i32 to index
        %swap3A_406 = tpu.vector_load %arg13[%swap3A_404, %swap3A_405] {strides = array<i32>} : memref<8x1024xf32, #tpu.memory_space<vmem>>, vector<1x16xf32>,
        %swap3A_407 = vector.shape_cast %swap3A_406 : vector<1x16xf32> to vector<16xf32>
        %swap3A_408 = vector.shape_cast %add3A_403 : vector<16xf32> to vector<1x16xf32>
        tpu.vector_store %arg13[%swap3A_404, %swap3A_405], %swap3A_408 {strides = array<i32>} : memref<8x1024xf32, #tpu.memory_space<vmem>>, vector<1x16xf32>,
        %scan3A_409 = arith.constant 0 : i32
        %scan3A_410 = arith.constant 1 : i32
        %scan3A_411 = arith.addi %scan3A_351, %scan3A_410 : i32
        %mul3A_412 = arith.constant 16 : i32
        %mul3A_413 = arith.muli %scan3A_411, %mul3A_412 : i32
        %get3A_414 = arith.constant 0 : i32
        %get3A_415 = arith.constant 7 : i32
        %get3A_416 = arith.index_cast %get3A_414 : i32 to index
        %get3A_417 = arith.index_cast %get3A_415 : i32 to index
        %get3A_418 = arith.index_cast %mul3A_413 : i32 to index
        %get3A_419 = tpu.vector_load %arg12[%get3A_416, %get3A_417, %get3A_418] {strides = array<i32>} : memref<5x8x1024xf32, #tpu.memory_space<vmem>>, vector<1x1x16xf32>,
        %get3A_420 = vector.shape_cast %get3A_419 : vector<1x1x16xf32> to vector<16xf32>
        %mul3A_421 = vector.broadcast %squeeze3A_293 : f32 to vector<16xf32>
        %mul3A_422 = arith.mulf %mul3A_421, %get3A_420 : vector<16xf32>
        %get3A_423 = arith.constant 1 : i32
        %get3A_424 = arith.constant 7 : i32
        %get3A_425 = arith.index_cast %get3A_423 : i32 to index
        %get3A_426 = arith.index_cast %get3A_424 : i32 to index
        %get3A_427 = arith.index_cast %mul3A_413 : i32 to index
        %get3A_428 = tpu.vector_load %arg12[%get3A_425, %get3A_426, %get3A_427] {strides = array<i32>} : memref<5x8x1024xf32, #tpu.memory_space<vmem>>, vector<1x1x16xf32>,
        %get3A_429 = vector.shape_cast %get3A_428 : vector<1x1x16xf32> to vector<16xf32>
        %mul3A_430 = vector.broadcast %squeeze3A_295 : f32 to vector<16xf32>
        %mul3A_431 = arith.mulf %mul3A_430, %get3A_429 : vector<16xf32>
        %add3A_432 = arith.addf %mul3A_422, %mul3A_431 : vector<16xf32>
        %get3A_433 = arith.constant 2 : i32
        %get3A_434 = arith.constant 7 : i32
        %get3A_435 = arith.index_cast %get3A_433 : i32 to index
        %get3A_436 = arith.index_cast %get3A_434 : i32 to index
        %get3A_437 = arith.index_cast %mul3A_413 : i32 to index
        %get3A_438 = tpu.vector_load %arg12[%get3A_435, %get3A_436, %get3A_437] {strides = array<i32>} : memref<5x8x1024xf32, #tpu.memory_space<vmem>>, vector<1x1x16xf32>,
        %get3A_439 = vector.shape_cast %get3A_438 : vector<1x1x16xf32> to vector<16xf32>
        %mul3A_440 = vector.broadcast %squeeze3A_297 : f32 to vector<16xf32>
        %mul3A_441 = arith.mulf %mul3A_440, %get3A_439 : vector<16xf32>
        %add3A_442 = arith.addf %add3A_432, %mul3A_441 : vector<16xf32>
        %get3A_443 = arith.constant 3 : i32
        %get3A_444 = arith.constant 7 : i32
        %get3A_445 = arith.index_cast %get3A_443 : i32 to index
        %get3A_446 = arith.index_cast %get3A_444 : i32 to index
        %get3A_447 = arith.index_cast %mul3A_413 : i32 to index
        %get3A_448 = tpu.vector_load %arg12[%get3A_445, %get3A_446, %get3A_447] {strides = array<i32>} : memref<5x8x1024xf32, #tpu.memory_space<vmem>>, vector<1x1x16xf32>,
        %get3A_449 = vector.shape_cast %get3A_448 : vector<1x1x16xf32> to vector<16xf32>
        %mul3A_450 = vector.broadcast %squeeze3A_299 : f32 to vector<16xf32>
        %mul3A_451 = arith.mulf %mul3A_450, %get3A_449 : vector<16xf32>
        %add3A_452 = arith.addf %add3A_442, %mul3A_451 : vector<16xf32>
        %get3A_453 = arith.constant 4 : i32
        %get3A_454 = arith.constant 7 : i32
        %get3A_455 = arith.index_cast %get3A_453 : i32 to index
        %get3A_456 = arith.index_cast %get3A_454 : i32 to index
        %get3A_457 = arith.index_cast %mul3A_413 : i32 to index
        %get3A_458 = tpu.vector_load %arg12[%get3A_455, %get3A_456, %get3A_457] {strides = array<i32>} : memref<5x8x1024xf32, #tpu.memory_space<vmem>>, vector<1x1x16xf32>,
        %get3A_459 = vector.shape_cast %get3A_458 : vector<1x1x16xf32> to vector<16xf32>
        %mul3A_460 = vector.broadcast %squeeze3A_301 : f32 to vector<16xf32>
        %mul3A_461 = arith.mulf %mul3A_460, %get3A_459 : vector<16xf32>
        %add3A_462 = arith.addf %add3A_452, %mul3A_461 : vector<16xf32>
        %swap3A_463 = arith.constant 7 : i32
        %swap3A_464 = arith.index_cast %swap3A_463 : i32 to index
        %swap3A_465 = arith.index_cast %mul3A_413 : i32 to index
        %swap3A_466 = tpu.vector_load %arg13[%swap3A_464, %swap3A_465] {strides = array<i32>} : memref<8x1024xf32, #tpu.memory_space<vmem>>, vector<1x16xf32>,
        %swap3A_467 = vector.shape_cast %swap3A_466 : vector<1x16xf32> to vector<16xf32>
        %swap3A_468 = vector.shape_cast %add3A_462 : vector<16xf32> to vector<1x16xf32>
        tpu.vector_store %arg13[%swap3A_464, %swap3A_465], %swap3A_468 {strides = array<i32>} : memref<8x1024xf32, #tpu.memory_space<vmem>>, vector<1x16xf32>,
        %scan3A_469 = arith.constant 0 : i32
        %scan3A_470 = arith.constant 2 : i32
        %scan3A_471 = arith.addi %scan3A_351, %scan3A_470 : i32
        %mul3A_472 = arith.constant 16 : i32
        %mul3A_473 = arith.muli %scan3A_471, %mul3A_472 : i32
        %get3A_474 = arith.constant 0 : i32
        %get3A_475 = arith.constant 7 : i32
        %get3A_476 = arith.index_cast %get3A_474 : i32 to index
        %get3A_477 = arith.index_cast %get3A_475 : i32 to index
        %get3A_478 = arith.index_cast %mul3A_473 : i32 to index
        %get3A_479 = tpu.vector_load %arg12[%get3A_476, %get3A_477, %get3A_478] {strides = array<i32>} : memref<5x8x1024xf32, #tpu.memory_space<vmem>>, vector<1x1x16xf32>,
        %get3A_480 = vector.shape_cast %get3A_479 : vector<1x1x16xf32> to vector<16xf32>
        %mul3A_481 = vector.broadcast %squeeze3A_293 : f32 to vector<16xf32>
        %mul3A_482 = arith.mulf %mul3A_481, %get3A_480 : vector<16xf32>
        %get3A_483 = arith.constant 1 : i32
        %get3A_484 = arith.constant 7 : i32
        %get3A_485 = arith.index_cast %get3A_483 : i32 to index
        %get3A_486 = arith.index_cast %get3A_484 : i32 to index
        %get3A_487 = arith.index_cast %mul3A_473 : i32 to index
        %get3A_488 = tpu.vector_load %arg12[%get3A_485, %get3A_486, %get3A_487] {strides = array<i32>} : memref<5x8x1024xf32, #tpu.memory_space<vmem>>, vector<1x1x16xf32>,
        %get3A_489 = vector.shape_cast %get3A_488 : vector<1x1x16xf32> to vector<16xf32>
        %mul3A_490 = vector.broadcast %squeeze3A_295 : f32 to vector<16xf32>
        %mul3A_491 = arith.mulf %mul3A_490, %get3A_489 : vector<16xf32>
        %add3A_492 = arith.addf %mul3A_482, %mul3A_491 : vector<16xf32>
        %get3A_493 = arith.constant 2 : i32
        %get3A_494 = arith.constant 7 : i32
        %get3A_495 = arith.index_cast %get3A_493 : i32 to index
        %get3A_496 = arith.index_cast %get3A_494 : i32 to index
        %get3A_497 = arith.index_cast %mul3A_473 : i32 to index
        %get3A_498 = tpu.vector_load %arg12[%get3A_495, %get3A_496, %get3A_497] {strides = array<i32>} : memref<5x8x1024xf32, #tpu.memory_space<vmem>>, vector<1x1x16xf32>,
        %get3A_499 = vector.shape_cast %get3A_498 : vector<1x1x16xf32> to vector<16xf32>
        %mul3A_500 = vector.broadcast %squeeze3A_297 : f32 to vector<16xf32>
        %mul3A_501 = arith.mulf %mul3A_500, %get3A_499 : vector<16xf32>
        %add3A_502 = arith.addf %add3A_492, %mul3A_501 : vector<16xf32>
        %get3A_503 = arith.constant 3 : i32
        %get3A_504 = arith.constant 7 : i32
        %get3A_505 = arith.index_cast %get3A_503 : i32 to index
        %get3A_506 = arith.index_cast %get3A_504 : i32 to index
        %get3A_507 = arith.index_cast %mul3A_473 : i32 to index
        %get3A_508 = tpu.vector_load %arg12[%get3A_505, %get3A_506, %get3A_507] {strides = array<i32>} : memref<5x8x1024xf32, #tpu.memory_space<vmem>>, vector<1x1x16xf32>,
        %get3A_509 = vector.shape_cast %get3A_508 : vector<1x1x16xf32> to vector<16xf32>
        %mul3A_510 = vector.broadcast %squeeze3A_299 : f32 to vector<16xf32>
        %mul3A_511 = arith.mulf %mul3A_510, %get3A_509 : vector<16xf32>
        %add3A_512 = arith.addf %add3A_502, %mul3A_511 : vector<16xf32>
        %get3A_513 = arith.constant 4 : i32
        %get3A_514 = arith.constant 7 : i32
        %get3A_515 = arith.index_cast %get3A_513 : i32 to index
        %get3A_516 = arith.index_cast %get3A_514 : i32 to index
        %get3A_517 = arith.index_cast %mul3A_473 : i32 to index
        %get3A_518 = tpu.vector_load %arg12[%get3A_515, %get3A_516, %get3A_517] {strides = array<i32>} : memref<5x8x1024xf32, #tpu.memory_space<vmem>>, vector<1x1x16xf32>,
        %get3A_519 = vector.shape_cast %get3A_518 : vector<1x1x16xf32> to vector<16xf32>
        %mul3A_520 = vector.broadcast %squeeze3A_301 : f32 to vector<16xf32>
        %mul3A_521 = arith.mulf %mul3A_520, %get3A_519 : vector<16xf32>
        %add3A_522 = arith.addf %add3A_512, %mul3A_521 : vector<16xf32>
        %swap3A_523 = arith.constant 7 : i32
        %swap3A_524 = arith.index_cast %swap3A_523 : i32 to index
        %swap3A_525 = arith.index_cast %mul3A_473 : i32 to index
        %swap3A_526 = tpu.vector_load %arg13[%swap3A_524, %swap3A_525] {strides = array<i32>} : memref<8x1024xf32, #tpu.memory_space<vmem>>, vector<1x16xf32>,
        %swap3A_527 = vector.shape_cast %swap3A_526 : vector<1x16xf32> to vector<16xf32>
        %swap3A_528 = vector.shape_cast %add3A_522 : vector<16xf32> to vector<1x16xf32>
        tpu.vector_store %arg13[%swap3A_524, %swap3A_525], %swap3A_528 {strides = array<i32>} : memref<8x1024xf32, #tpu.memory_space<vmem>>, vector<1x16xf32>,
        %scan3A_529 = arith.constant 0 : i32
        %scan3A_530 = arith.constant 3 : i32
        %scan3A_531 = arith.addi %scan3A_351, %scan3A_530 : i32
        %mul3A_532 = arith.constant 16 : i32
        %mul3A_533 = arith.muli %scan3A_531, %mul3A_532 : i32
        %get3A_534 = arith.constant 0 : i32
        %get3A_535 = arith.constant 7 : i32
        %get3A_536 = arith.index_cast %get3A_534 : i32 to index
        %get3A_537 = arith.index_cast %get3A_535 : i32 to index
        %get3A_538 = arith.index_cast %mul3A_533 : i32 to index
        %get3A_539 = tpu.vector_load %arg12[%get3A_536, %get3A_537, %get3A_538] {strides = array<i32>} : memref<5x8x1024xf32, #tpu.memory_space<vmem>>, vector<1x1x16xf32>,
        %get3A_540 = vector.shape_cast %get3A_539 : vector<1x1x16xf32> to vector<16xf32>
        %mul3A_541 = vector.broadcast %squeeze3A_293 : f32 to vector<16xf32>
        %mul3A_542 = arith.mulf %mul3A_541, %get3A_540 : vector<16xf32>
        %get3A_543 = arith.constant 1 : i32
        %get3A_544 = arith.constant 7 : i32
        %get3A_545 = arith.index_cast %get3A_543 : i32 to index
        %get3A_546 = arith.index_cast %get3A_544 : i32 to index
        %get3A_547 = arith.index_cast %mul3A_533 : i32 to index
        %get3A_548 = tpu.vector_load %arg12[%get3A_545, %get3A_546, %get3A_547] {strides = array<i32>} : memref<5x8x1024xf32, #tpu.memory_space<vmem>>, vector<1x1x16xf32>,
        %get3A_549 = vector.shape_cast %get3A_548 : vector<1x1x16xf32> to vector<16xf32>
        %mul3A_550 = vector.broadcast %squeeze3A_295 : f32 to vector<16xf32>
        %mul3A_551 = arith.mulf %mul3A_550, %get3A_549 : vector<16xf32>
        %add3A_552 = arith.addf %mul3A_542, %mul3A_551 : vector<16xf32>
        %get3A_553 = arith.constant 2 : i32
        %get3A_554 = arith.constant 7 : i32
        %get3A_555 = arith.index_cast %get3A_553 : i32 to index
        %get3A_556 = arith.index_cast %get3A_554 : i32 to index
        %get3A_557 = arith.index_cast %mul3A_533 : i32 to index
        %get3A_558 = tpu.vector_load %arg12[%get3A_555, %get3A_556, %get3A_557] {strides = array<i32>} : memref<5x8x1024xf32, #tpu.memory_space<vmem>>, vector<1x1x16xf32>,
        %get3A_559 = vector.shape_cast %get3A_558 : vector<1x1x16xf32> to vector<16xf32>
        %mul3A_560 = vector.broadcast %squeeze3A_297 : f32 to vector<16xf32>
        %mul3A_561 = arith.mulf %mul3A_560, %get3A_559 : vector<16xf32>
        %add3A_562 = arith.addf %add3A_552, %mul3A_561 : vector<16xf32>
        %get3A_563 = arith.constant 3 : i32
        %get3A_564 = arith.constant 7 : i32
        %get3A_565 = arith.index_cast %get3A_563 : i32 to index
        %get3A_566 = arith.index_cast %get3A_564 : i32 to index
        %get3A_567 = arith.index_cast %mul3A_533 : i32 to index
        %get3A_568 = tpu.vector_load %arg12[%get3A_565, %get3A_566, %get3A_567] {strides = array<i32>} : memref<5x8x1024xf32, #tpu.memory_space<vmem>>, vector<1x1x16xf32>,
        %get3A_569 = vector.shape_cast %get3A_568 : vector<1x1x16xf32> to vector<16xf32>
        %mul3A_570 = vector.broadcast %squeeze3A_299 : f32 to vector<16xf32>
        %mul3A_571 = arith.mulf %mul3A_570, %get3A_569 : vector<16xf32>
        %add3A_572 = arith.addf %add3A_562, %mul3A_571 : vector<16xf32>
        %get3A_573 = arith.constant 4 : i32
        %get3A_574 = arith.constant 7 : i32
        %get3A_575 = arith.index_cast %get3A_573 : i32 to index
        %get3A_576 = arith.index_cast %get3A_574 : i32 to index
        %get3A_577 = arith.index_cast %mul3A_533 : i32 to index
        %get3A_578 = tpu.vector_load %arg12[%get3A_575, %get3A_576, %get3A_577] {strides = array<i32>} : memref<5x8x1024xf32, #tpu.memory_space<vmem>>, vector<1x1x16xf32>,
        %get3A_579 = vector.shape_cast %get3A_578 : vector<1x1x16xf32> to vector<16xf32>
        %mul3A_580 = vector.broadcast %squeeze3A_301 : f32 to vector<16xf32>
        %mul3A_581 = arith.mulf %mul3A_580, %get3A_579 : vector<16xf32>
        %add3A_582 = arith.addf %add3A_572, %mul3A_581 : vector<16xf32>
        %swap3A_583 = arith.constant 7 : i32
        %swap3A_584 = arith.index_cast %swap3A_583 : i32 to index
        %swap3A_585 = arith.index_cast %mul3A_533 : i32 to index
        %swap3A_586 = tpu.vector_load %arg13[%swap3A_584, %swap3A_585] {strides = array<i32>} : memref<8x1024xf32, #tpu.memory_space<vmem>>, vector<1x16xf32>,
        %swap3A_587 = vector.shape_cast %swap3A_586 : vector<1x16xf32> to vector<16xf32>
        %swap3A_588 = vector.shape_cast %add3A_582 : vector<16xf32> to vector<1x16xf32>
        tpu.vector_store %arg13[%swap3A_584, %swap3A_585], %swap3A_588 {strides = array<i32>} : memref<8x1024xf32, #tpu.memory_space<vmem>>, vector<1x16xf32>,
        %scan3A_589 = arith.constant 0 : i32
        %scan3A_590 = arith.constant 4 : i32
        %scan3A_591 = arith.addi %scan3A_351, %scan3A_590 : i32
        %mul3A_592 = arith.constant 16 : i32
        %mul3A_593 = arith.muli %scan3A_591, %mul3A_592 : i32
        %get3A_594 = arith.constant 0 : i32
        %get3A_595 = arith.constant 7 : i32
        %get3A_596 = arith.index_cast %get3A_594 : i32 to index
        %get3A_597 = arith.index_cast %get3A_595 : i32 to index
        %get3A_598 = arith.index_cast %mul3A_593 : i32 to index
        %get3A_599 = tpu.vector_load %arg12[%get3A_596, %get3A_597, %get3A_598] {strides = array<i32>} : memref<5x8x1024xf32, #tpu.memory_space<vmem>>, vector<1x1x16xf32>,
        %get3A_600 = vector.shape_cast %get3A_599 : vector<1x1x16xf32> to vector<16xf32>
        %mul3A_601 = vector.broadcast %squeeze3A_293 : f32 to vector<16xf32>
        %mul3A_602 = arith.mulf %mul3A_601, %get3A_600 : vector<16xf32>
        %get3A_603 = arith.constant 1 : i32
        %get3A_604 = arith.constant 7 : i32
        %get3A_605 = arith.index_cast %get3A_603 : i32 to index
        %get3A_606 = arith.index_cast %get3A_604 : i32 to index
        %get3A_607 = arith.index_cast %mul3A_593 : i32 to index
        %get3A_608 = tpu.vector_load %arg12[%get3A_605, %get3A_606, %get3A_607] {strides = array<i32>} : memref<5x8x1024xf32, #tpu.memory_space<vmem>>, vector<1x1x16xf32>,
        %get3A_609 = vector.shape_cast %get3A_608 : vector<1x1x16xf32> to vector<16xf32>
        %mul3A_610 = vector.broadcast %squeeze3A_295 : f32 to vector<16xf32>
        %mul3A_611 = arith.mulf %mul3A_610, %get3A_609 : vector<16xf32>
        %add3A_612 = arith.addf %mul3A_602, %mul3A_611 : vector<16xf32>
        %get3A_613 = arith.constant 2 : i32
        %get3A_614 = arith.constant 7 : i32
        %get3A_615 = arith.index_cast %get3A_613 : i32 to index
        %get3A_616 = arith.index_cast %get3A_614 : i32 to index
        %get3A_617 = arith.index_cast %mul3A_593 : i32 to index
        %get3A_618 = tpu.vector_load %arg12[%get3A_615, %get3A_616, %get3A_617] {strides = array<i32>} : memref<5x8x1024xf32, #tpu.memory_space<vmem>>, vector<1x1x16xf32>,
        %get3A_619 = vector.shape_cast %get3A_618 : vector<1x1x16xf32> to vector<16xf32>
        %mul3A_620 = vector.broadcast %squeeze3A_297 : f32 to vector<16xf32>
        %mul3A_621 = arith.mulf %mul3A_620, %get3A_619 : vector<16xf32>
        %add3A_622 = arith.addf %add3A_612, %mul3A_621 : vector<16xf32>
        %get3A_623 = arith.constant 3 : i32
        %get3A_624 = arith.constant 7 : i32
        %get3A_625 = arith.index_cast %get3A_623 : i32 to index
        %get3A_626 = arith.index_cast %get3A_624 : i32 to index
        %get3A_627 = arith.index_cast %mul3A_593 : i32 to index
        %get3A_628 = tpu.vector_load %arg12[%get3A_625, %get3A_626, %get3A_627] {strides = array<i32>} : memref<5x8x1024xf32, #tpu.memory_space<vmem>>, vector<1x1x16xf32>,
        %get3A_629 = vector.shape_cast %get3A_628 : vector<1x1x16xf32> to vector<16xf32>
        %mul3A_630 = vector.broadcast %squeeze3A_299 : f32 to vector<16xf32>
        %mul3A_631 = arith.mulf %mul3A_630, %get3A_629 : vector<16xf32>
        %add3A_632 = arith.addf %add3A_622, %mul3A_631 : vector<16xf32>
        %get3A_633 = arith.constant 4 : i32
        %get3A_634 = arith.constant 7 : i32
        %get3A_635 = arith.index_cast %get3A_633 : i32 to index
        %get3A_636 = arith.index_cast %get3A_634 : i32 to index
        %get3A_637 = arith.index_cast %mul3A_593 : i32 to index
        %get3A_638 = tpu.vector_load %arg12[%get3A_635, %get3A_636, %get3A_637] {strides = array<i32>} : memref<5x8x1024xf32, #tpu.memory_space<vmem>>, vector<1x1x16xf32>,
        %get3A_639 = vector.shape_cast %get3A_638 : vector<1x1x16xf32> to vector<16xf32>
        %mul3A_640 = vector.broadcast %squeeze3A_301 : f32 to vector<16xf32>
        %mul3A_641 = arith.mulf %mul3A_640, %get3A_639 : vector<16xf32>
        %add3A_642 = arith.addf %add3A_632, %mul3A_641 : vector<16xf32>
        %swap3A_643 = arith.constant 7 : i32
        %swap3A_644 = arith.index_cast %swap3A_643 : i32 to index
        %swap3A_645 = arith.index_cast %mul3A_593 : i32 to index
        %swap3A_646 = tpu.vector_load %arg13[%swap3A_644, %swap3A_645] {strides = array<i32>} : memref<8x1024xf32, #tpu.memory_space<vmem>>, vector<1x16xf32>,
        %swap3A_647 = vector.shape_cast %swap3A_646 : vector<1x16xf32> to vector<16xf32>
        %swap3A_648 = vector.shape_cast %add3A_642 : vector<16xf32> to vector<1x16xf32>
        tpu.vector_store %arg13[%swap3A_644, %swap3A_645], %swap3A_648 {strides = array<i32>} : memref<8x1024xf32, #tpu.memory_space<vmem>>, vector<1x16xf32>,
        %scan3A_649 = arith.constant 0 : i32
        %scan3A_650 = arith.constant 5 : i32
        %scan3A_651 = arith.addi %scan3A_351, %scan3A_650 : i32
        %mul3A_652 = arith.constant 16 : i32
        %mul3A_653 = arith.muli %scan3A_651, %mul3A_652 : i32
        %get3A_654 = arith.constant 0 : i32
        %get3A_655 = arith.constant 7 : i32
        %get3A_656 = arith.index_cast %get3A_654 : i32 to index
        %get3A_657 = arith.index_cast %get3A_655 : i32 to index
        %get3A_658 = arith.index_cast %mul3A_653 : i32 to index
        %get3A_659 = tpu.vector_load %arg12[%get3A_656, %get3A_657, %get3A_658] {strides = array<i32>} : memref<5x8x1024xf32, #tpu.memory_space<vmem>>, vector<1x1x16xf32>,
        %get3A_660 = vector.shape_cast %get3A_659 : vector<1x1x16xf32> to vector<16xf32>
        %mul3A_661 = vector.broadcast %squeeze3A_293 : f32 to vector<16xf32>
        %mul3A_662 = arith.mulf %mul3A_661, %get3A_660 : vector<16xf32>
        %get3A_663 = arith.constant 1 : i32
        %get3A_664 = arith.constant 7 : i32
        %get3A_665 = arith.index_cast %get3A_663 : i32 to index
        %get3A_666 = arith.index_cast %get3A_664 : i32 to index
        %get3A_667 = arith.index_cast %mul3A_653 : i32 to index
        %get3A_668 = tpu.vector_load %arg12[%get3A_665, %get3A_666, %get3A_667] {strides = array<i32>} : memref<5x8x1024xf32, #tpu.memory_space<vmem>>, vector<1x1x16xf32>,
        %get3A_669 = vector.shape_cast %get3A_668 : vector<1x1x16xf32> to vector<16xf32>
        %mul3A_670 = vector.broadcast %squeeze3A_295 : f32 to vector<16xf32>
        %mul3A_671 = arith.mulf %mul3A_670, %get3A_669 : vector<16xf32>
        %add3A_672 = arith.addf %mul3A_662, %mul3A_671 : vector<16xf32>
        %get3A_673 = arith.constant 2 : i32
        %get3A_674 = arith.constant 7 : i32
        %get3A_675 = arith.index_cast %get3A_673 : i32 to index
        %get3A_676 = arith.index_cast %get3A_674 : i32 to index
        %get3A_677 = arith.index_cast %mul3A_653 : i32 to index
        %get3A_678 = tpu.vector_load %arg12[%get3A_675, %get3A_676, %get3A_677] {strides = array<i32>} : memref<5x8x1024xf32, #tpu.memory_space<vmem>>, vector<1x1x16xf32>,
        %get3A_679 = vector.shape_cast %get3A_678 : vector<1x1x16xf32> to vector<16xf32>
        %mul3A_680 = vector.broadcast %squeeze3A_297 : f32 to vector<16xf32>
        %mul3A_681 = arith.mulf %mul3A_680, %get3A_679 : vector<16xf32>
        %add3A_682 = arith.addf %add3A_672, %mul3A_681 : vector<16xf32>
        %get3A_683 = arith.constant 3 : i32
        %get3A_684 = arith.constant 7 : i32
        %get3A_685 = arith.index_cast %get3A_683 : i32 to index
        %get3A_686 = arith.index_cast %get3A_684 : i32 to index
        %get3A_687 = arith.index_cast %mul3A_653 : i32 to index
        %get3A_688 = tpu.vector_load %arg12[%get3A_685, %get3A_686, %get3A_687] {strides = array<i32>} : memref<5x8x1024xf32, #tpu.memory_space<vmem>>, vector<1x1x16xf32>,
        %get3A_689 = vector.shape_cast %get3A_688 : vector<1x1x16xf32> to vector<16xf32>
        %mul3A_690 = vector.broadcast %squeeze3A_299 : f32 to vector<16xf32>
        %mul3A_691 = arith.mulf %mul3A_690, %get3A_689 : vector<16xf32>
        %add3A_692 = arith.addf %add3A_682, %mul3A_691 : vector<16xf32>
        %get3A_693 = arith.constant 4 : i32
        %get3A_694 = arith.constant 7 : i32
        %get3A_695 = arith.index_cast %get3A_693 : i32 to index
        %get3A_696 = arith.index_cast %get3A_694 : i32 to index
        %get3A_697 = arith.index_cast %mul3A_653 : i32 to index
        %get3A_698 = tpu.vector_load %arg12[%get3A_695, %get3A_696, %get3A_697] {strides = array<i32>} : memref<5x8x1024xf32, #tpu.memory_space<vmem>>, vector<1x1x16xf32>,
        %get3A_699 = vector.shape_cast %get3A_698 : vector<1x1x16xf32> to vector<16xf32>
        %mul3A_700 = vector.broadcast %squeeze3A_301 : f32 to vector<16xf32>
        %mul3A_701 = arith.mulf %mul3A_700, %get3A_699 : vector<16xf32>
        %add3A_702 = arith.addf %add3A_692, %mul3A_701 : vector<16xf32>
        %swap3A_703 = arith.constant 7 : i32
        %swap3A_704 = arith.index_cast %swap3A_703 : i32 to index
        %swap3A_705 = arith.index_cast %mul3A_653 : i32 to index
        %swap3A_706 = tpu.vector_load %arg13[%swap3A_704, %swap3A_705] {strides = array<i32>} : memref<8x1024xf32, #tpu.memory_space<vmem>>, vector<1x16xf32>,
        %swap3A_707 = vector.shape_cast %swap3A_706 : vector<1x16xf32> to vector<16xf32>
        %swap3A_708 = vector.shape_cast %add3A_702 : vector<16xf32> to vector<1x16xf32>
        tpu.vector_store %arg13[%swap3A_704, %swap3A_705], %swap3A_708 {strides = array<i32>} : memref<8x1024xf32, #tpu.memory_space<vmem>>, vector<1x16xf32>,
        %scan3A_709 = arith.constant 0 : i32
        %scan3A_710 = arith.constant 6 : i32
        %scan3A_711 = arith.addi %scan3A_351, %scan3A_710 : i32
        %mul3A_712 = arith.constant 16 : i32
        %mul3A_713 = arith.muli %scan3A_711, %mul3A_712 : i32
        %get3A_714 = arith.constant 0 : i32
        %get3A_715 = arith.constant 7 : i32
        %get3A_716 = arith.index_cast %get3A_714 : i32 to index
        %get3A_717 = arith.index_cast %get3A_715 : i32 to index
        %get3A_718 = arith.index_cast %mul3A_713 : i32 to index
        %get3A_719 = tpu.vector_load %arg12[%get3A_716, %get3A_717, %get3A_718] {strides = array<i32>} : memref<5x8x1024xf32, #tpu.memory_space<vmem>>, vector<1x1x16xf32>,
        %get3A_720 = vector.shape_cast %get3A_719 : vector<1x1x16xf32> to vector<16xf32>
        %mul3A_721 = vector.broadcast %squeeze3A_293 : f32 to vector<16xf32>
        %mul3A_722 = arith.mulf %mul3A_721, %get3A_720 : vector<16xf32>
        %get3A_723 = arith.constant 1 : i32
        %get3A_724 = arith.constant 7 : i32
        %get3A_725 = arith.index_cast %get3A_723 : i32 to index
        %get3A_726 = arith.index_cast %get3A_724 : i32 to index
        %get3A_727 = arith.index_cast %mul3A_713 : i32 to index
        %get3A_728 = tpu.vector_load %arg12[%get3A_725, %get3A_726, %get3A_727] {strides = array<i32>} : memref<5x8x1024xf32, #tpu.memory_space<vmem>>, vector<1x1x16xf32>,
        %get3A_729 = vector.shape_cast %get3A_728 : vector<1x1x16xf32> to vector<16xf32>
        %mul3A_730 = vector.broadcast %squeeze3A_295 : f32 to vector<16xf32>
        %mul3A_731 = arith.mulf %mul3A_730, %get3A_729 : vector<16xf32>
        %add3A_732 = arith.addf %mul3A_722, %mul3A_731 : vector<16xf32>
        %get3A_733 = arith.constant 2 : i32
        %get3A_734 = arith.constant 7 : i32
        %get3A_735 = arith.index_cast %get3A_733 : i32 to index
        %get3A_736 = arith.index_cast %get3A_734 : i32 to index
        %get3A_737 = arith.index_cast %mul3A_713 : i32 to index
        %get3A_738 = tpu.vector_load %arg12[%get3A_735, %get3A_736, %get3A_737] {strides = array<i32>} : memref<5x8x1024xf32, #tpu.memory_space<vmem>>, vector<1x1x16xf32>,
        %get3A_739 = vector.shape_cast %get3A_738 : vector<1x1x16xf32> to vector<16xf32>
        %mul3A_740 = vector.broadcast %squeeze3A_297 : f32 to vector<16xf32>
        %mul3A_741 = arith.mulf %mul3A_740, %get3A_739 : vector<16xf32>
        %add3A_742 = arith.addf %add3A_732, %mul3A_741 : vector<16xf32>
        %get3A_743 = arith.constant 3 : i32
        %get3A_744 = arith.constant 7 : i32
        %get3A_745 = arith.index_cast %get3A_743 : i32 to index
        %get3A_746 = arith.index_cast %get3A_744 : i32 to index
        %get3A_747 = arith.index_cast %mul3A_713 : i32 to index
        %get3A_748 = tpu.vector_load %arg12[%get3A_745, %get3A_746, %get3A_747] {strides = array<i32>} : memref<5x8x1024xf32, #tpu.memory_space<vmem>>, vector<1x1x16xf32>,
        %get3A_749 = vector.shape_cast %get3A_748 : vector<1x1x16xf32> to vector<16xf32>
        %mul3A_750 = vector.broadcast %squeeze3A_299 : f32 to vector<16xf32>
        %mul3A_751 = arith.mulf %mul3A_750, %get3A_749 : vector<16xf32>
        %add3A_752 = arith.addf %add3A_742, %mul3A_751 : vector<16xf32>
        %get3A_753 = arith.constant 4 : i32
        %get3A_754 = arith.constant 7 : i32
        %get3A_755 = arith.index_cast %get3A_753 : i32 to index
        %get3A_756 = arith.index_cast %get3A_754 : i32 to index
        %get3A_757 = arith.index_cast %mul3A_713 : i32 to index
        %get3A_758 = tpu.vector_load %arg12[%get3A_755, %get3A_756, %get3A_757] {strides = array<i32>} : memref<5x8x1024xf32, #tpu.memory_space<vmem>>, vector<1x1x16xf32>,
        %get3A_759 = vector.shape_cast %get3A_758 : vector<1x1x16xf32> to vector<16xf32>
        %mul3A_760 = vector.broadcast %squeeze3A_301 : f32 to vector<16xf32>
        %mul3A_761 = arith.mulf %mul3A_760, %get3A_759 : vector<16xf32>
        %add3A_762 = arith.addf %add3A_752, %mul3A_761 : vector<16xf32>
        %swap3A_763 = arith.constant 7 : i32
        %swap3A_764 = arith.index_cast %swap3A_763 : i32 to index
        %swap3A_765 = arith.index_cast %mul3A_713 : i32 to index
        %swap3A_766 = tpu.vector_load %arg13[%swap3A_764, %swap3A_765] {strides = array<i32>} : memref<8x1024xf32, #tpu.memory_space<vmem>>, vector<1x16xf32>,
        %swap3A_767 = vector.shape_cast %swap3A_766 : vector<1x16xf32> to vector<16xf32>
        %swap3A_768 = vector.shape_cast %add3A_762 : vector<16xf32> to vector<1x16xf32>
        tpu.vector_store %arg13[%swap3A_764, %swap3A_765], %swap3A_768 {strides = array<i32>} : memref<8x1024xf32, #tpu.memory_space<vmem>>, vector<1x16xf32>,
        %scan3A_769 = arith.constant 0 : i32
        %scan3A_770 = arith.constant 7 : i32
        %scan3A_771 = arith.addi %scan3A_351, %scan3A_770 : i32
        %mul3A_772 = arith.constant 16 : i32
        %mul3A_773 = arith.muli %scan3A_771, %mul3A_772 : i32
        %get3A_774 = arith.constant 0 : i32
        %get3A_775 = arith.constant 7 : i32
        %get3A_776 = arith.index_cast %get3A_774 : i32 to index
        %get3A_777 = arith.index_cast %get3A_775 : i32 to index
        %get3A_778 = arith.index_cast %mul3A_773 : i32 to index
        %get3A_779 = tpu.vector_load %arg12[%get3A_776, %get3A_777, %get3A_778] {strides = array<i32>} : memref<5x8x1024xf32, #tpu.memory_space<vmem>>, vector<1x1x16xf32>,
        %get3A_780 = vector.shape_cast %get3A_779 : vector<1x1x16xf32> to vector<16xf32>
        %mul3A_781 = vector.broadcast %squeeze3A_293 : f32 to vector<16xf32>
        %mul3A_782 = arith.mulf %mul3A_781, %get3A_780 : vector<16xf32>
        %get3A_783 = arith.constant 1 : i32
        %get3A_784 = arith.constant 7 : i32
        %get3A_785 = arith.index_cast %get3A_783 : i32 to index
        %get3A_786 = arith.index_cast %get3A_784 : i32 to index
        %get3A_787 = arith.index_cast %mul3A_773 : i32 to index
        %get3A_788 = tpu.vector_load %arg12[%get3A_785, %get3A_786, %get3A_787] {strides = array<i32>} : memref<5x8x1024xf32, #tpu.memory_space<vmem>>, vector<1x1x16xf32>,
        %get3A_789 = vector.shape_cast %get3A_788 : vector<1x1x16xf32> to vector<16xf32>
        %mul3A_790 = vector.broadcast %squeeze3A_295 : f32 to vector<16xf32>
        %mul3A_791 = arith.mulf %mul3A_790, %get3A_789 : vector<16xf32>
        %add3A_792 = arith.addf %mul3A_782, %mul3A_791 : vector<16xf32>
        %get3A_793 = arith.constant 2 : i32
        %get3A_794 = arith.constant 7 : i32
        %get3A_795 = arith.index_cast %get3A_793 : i32 to index
        %get3A_796 = arith.index_cast %get3A_794 : i32 to index
        %get3A_797 = arith.index_cast %mul3A_773 : i32 to index
        %get3A_798 = tpu.vector_load %arg12[%get3A_795, %get3A_796, %get3A_797] {strides = array<i32>} : memref<5x8x1024xf32, #tpu.memory_space<vmem>>, vector<1x1x16xf32>,
        %get3A_799 = vector.shape_cast %get3A_798 : vector<1x1x16xf32> to vector<16xf32>
        %mul3A_800 = vector.broadcast %squeeze3A_297 : f32 to vector<16xf32>
        %mul3A_801 = arith.mulf %mul3A_800, %get3A_799 : vector<16xf32>
        %add3A_802 = arith.addf %add3A_792, %mul3A_801 : vector<16xf32>
        %get3A_803 = arith.constant 3 : i32
        %get3A_804 = arith.constant 7 : i32
        %get3A_805 = arith.index_cast %get3A_803 : i32 to index
        %get3A_806 = arith.index_cast %get3A_804 : i32 to index
        %get3A_807 = arith.index_cast %mul3A_773 : i32 to index
        %get3A_808 = tpu.vector_load %arg12[%get3A_805, %get3A_806, %get3A_807] {strides = array<i32>} : memref<5x8x1024xf32, #tpu.memory_space<vmem>>, vector<1x1x16xf32>,
        %get3A_809 = vector.shape_cast %get3A_808 : vector<1x1x16xf32> to vector<16xf32>
        %mul3A_810 = vector.broadcast %squeeze3A_299 : f32 to vector<16xf32>
        %mul3A_811 = arith.mulf %mul3A_810, %get3A_809 : vector<16xf32>
        %add3A_812 = arith.addf %add3A_802, %mul3A_811 : vector<16xf32>
        %get3A_813 = arith.constant 4 : i32
        %get3A_814 = arith.constant 7 : i32
        %get3A_815 = arith.index_cast %get3A_813 : i32 to index
        %get3A_816 = arith.index_cast %get3A_814 : i32 to index
        %get3A_817 = arith.index_cast %mul3A_773 : i32 to index
        %get3A_818 = tpu.vector_load %arg12[%get3A_815, %get3A_816, %get3A_817] {strides = array<i32>} : memref<5x8x1024xf32, #tpu.memory_space<vmem>>, vector<1x1x16xf32>,
        %get3A_819 = vector.shape_cast %get3A_818 : vector<1x1x16xf32> to vector<16xf32>
        %mul3A_820 = vector.broadcast %squeeze3A_301 : f32 to vector<16xf32>
        %mul3A_821 = arith.mulf %mul3A_820, %get3A_819 : vector<16xf32>
        %add3A_822 = arith.addf %add3A_812, %mul3A_821 : vector<16xf32>
        %swap3A_823 = arith.constant 7 : i32
        %swap3A_824 = arith.index_cast %swap3A_823 : i32 to index
        %swap3A_825 = arith.index_cast %mul3A_773 : i32 to index
        %swap3A_826 = tpu.vector_load %arg13[%swap3A_824, %swap3A_825] {strides = array<i32>} : memref<8x1024xf32, #tpu.memory_space<vmem>>, vector<1x16xf32>,
        %swap3A_827 = vector.shape_cast %swap3A_826 : vector<1x16xf32> to vector<16xf32>
        %swap3A_828 = vector.shape_cast %add3A_822 : vector<16xf32> to vector<1x16xf32>
        tpu.vector_store %arg13[%swap3A_824, %swap3A_825], %swap3A_828 {strides = array<i32>} : memref<8x1024xf32, #tpu.memory_space<vmem>>, vector<1x16xf32>,
        %scan3A_829 = arith.constant 0 : i32
        scf.yield %scan3A_829 : i32
      }
      %scan3A_308 = arith.constant 64 : i32
      %add3A_309 = arith.constant 1 : i32
      %add3A_310 = arith.addi %scan3A_67, %add3A_309 : i32
      %lt3A = arith.constant 64 : i32
      %lt3A_311 = arith.cmpi slt, %add3A_310, %lt3A : i32
      %convert_element_type3A_312 = arith.extui %lt3A_311 : i1 to i32
      %cond3A_313 = arith.constant 0 : i32
      %cond3A_314 = arith.cmpi ne, %convert_element_type3A_312, %cond3A_313 : i32
      scf.if %cond3A_314 {
        %add3A_351 = arith.constant 1 : i32
        %add3A_352 = arith.addi %scan3A_67, %add3A_351 : i32
        %mul3A_353 = arith.constant 8 : i32
        %mul3A_354 = arith.muli %add3A_352, %mul3A_353 : i32
        %dma_start3A_355 = arith.constant 0 : i32
        %dma_start3A_356 = arith.constant 0 : i32
        %dma_start3A_357 = arith.constant 0 : i32
        %dma_start3A_358 = tpu.memref_slice %arg12[%dma_start3A_355, %dma_start3A_356, %dma_start3A_357] : memref<5x8x1024xf32, #tpu.memory_space<vmem>> -> memref<1x8x1024xf32, #tpu.memory_space<vmem>>
        %dma_start3A_359 = tpu.memref_squeeze %dma_start3A_358 : memref<1x8x1024xf32, #tpu.memory_space<vmem>> -> memref<8x1024xf32, #tpu.memory_space<vmem>>
        %dma_start3A_360 = tpu.memref_slice %arg6[%mul3A_354] : memref<512xi32, #tpu.memory_space<vmem>> -> memref<8xi32, #tpu.memory_space<vmem>>
        %dma_start3A_361 = arith.constant 0 : i32
        %dma_start3A_362 = arith.constant 0 : i32
        %dma_start3A_363 = tpu.memref_slice %arg2[%dma_start3A_361, %dma_start3A_362] : memref<2048x1024xf32, #tpu.memory_space<hbm>> -> memref<2048x1024xf32, #tpu.memory_space<hbm>>
        tpu.enqueue_indirect_dma source(%dma_start3A_363 : memref<2048x1024xf32, #tpu.memory_space<hbm>>) target(%dma_start3A_359 : memref<8x1024xf32, #tpu.memory_space<vmem>>) offsets(%dma_start3A_360 : memref<8xi32, #tpu.memory_space<vmem>>) semaphore(%arg14 : memref<!tpu.dma_semaphore, #tpu.memory_space<semaphore_mem>>)
      } else {
      }
      %add3A_315 = arith.constant 1 : i32
      %add3A_316 = arith.addi %scan3A_67, %add3A_315 : i32
      %lt3A_317 = arith.constant 64 : i32
      %lt3A_318 = arith.cmpi slt, %add3A_316, %lt3A_317 : i32
      %convert_element_type3A_319 = arith.extui %lt3A_318 : i1 to i32
      %cond3A_320 = arith.constant 0 : i32
      %cond3A_321 = arith.cmpi ne, %convert_element_type3A_319, %cond3A_320 : i32
      scf.if %cond3A_321 {
        %add3A_351 = arith.constant 1 : i32
        %add3A_352 = arith.addi %scan3A_67, %add3A_351 : i32
        %mul3A_353 = arith.constant 8 : i32
        %mul3A_354 = arith.muli %add3A_352, %mul3A_353 : i32
        %dma_start3A_355 = arith.constant 1 : i32
        %dma_start3A_356 = arith.constant 0 : i32
        %dma_start3A_357 = arith.constant 0 : i32
        %dma_start3A_358 = tpu.memref_slice %arg12[%dma_start3A_355, %dma_start3A_356, %dma_start3A_357] : memref<5x8x1024xf32, #tpu.memory_space<vmem>> -> memref<1x8x1024xf32, #tpu.memory_space<vmem>>
        %dma_start3A_359 = tpu.memref_squeeze %dma_start3A_358 : memref<1x8x1024xf32, #tpu.memory_space<vmem>> -> memref<8x1024xf32, #tpu.memory_space<vmem>>
        %dma_start3A_360 = tpu.memref_slice %arg7[%mul3A_354] : memref<512xi32, #tpu.memory_space<vmem>> -> memref<8xi32, #tpu.memory_space<vmem>>
        %dma_start3A_361 = arith.constant 0 : i32
        %dma_start3A_362 = arith.constant 0 : i32
        %dma_start3A_363 = tpu.memref_slice %arg2[%dma_start3A_361, %dma_start3A_362] : memref<2048x1024xf32, #tpu.memory_space<hbm>> -> memref<2048x1024xf32, #tpu.memory_space<hbm>>
        tpu.enqueue_indirect_dma source(%dma_start3A_363 : memref<2048x1024xf32, #tpu.memory_space<hbm>>) target(%dma_start3A_359 : memref<8x1024xf32, #tpu.memory_space<vmem>>) offsets(%dma_start3A_360 : memref<8xi32, #tpu.memory_space<vmem>>) semaphore(%arg15 : memref<!tpu.dma_semaphore, #tpu.memory_space<semaphore_mem>>)
      } else {
      }
      %add3A_322 = arith.constant 1 : i32
      %add3A_323 = arith.addi %scan3A_67, %add3A_322 : i32
      %lt3A_324 = arith.constant 64 : i32
      %lt3A_325 = arith.cmpi slt, %add3A_323, %lt3A_324 : i32
      %convert_element_type3A_326 = arith.extui %lt3A_325 : i1 to i32
      %cond3A_327 = arith.constant 0 : i32
      %cond3A_328 = arith.cmpi ne, %convert_element_type3A_326, %cond3A_327 : i32
      scf.if %cond3A_328 {
        %add3A_351 = arith.constant 1 : i32
        %add3A_352 = arith.addi %scan3A_67, %add3A_351 : i32
        %mul3A_353 = arith.constant 8 : i32
        %mul3A_354 = arith.muli %add3A_352, %mul3A_353 : i32
        %dma_start3A_355 = arith.constant 2 : i32
        %dma_start3A_356 = arith.constant 0 : i32
        %dma_start3A_357 = arith.constant 0 : i32
        %dma_start3A_358 = tpu.memref_slice %arg12[%dma_start3A_355, %dma_start3A_356, %dma_start3A_357] : memref<5x8x1024xf32, #tpu.memory_space<vmem>> -> memref<1x8x1024xf32, #tpu.memory_space<vmem>>
        %dma_start3A_359 = tpu.memref_squeeze %dma_start3A_358 : memref<1x8x1024xf32, #tpu.memory_space<vmem>> -> memref<8x1024xf32, #tpu.memory_space<vmem>>
        %dma_start3A_360 = tpu.memref_slice %arg8[%mul3A_354] : memref<512xi32, #tpu.memory_space<vmem>> -> memref<8xi32, #tpu.memory_space<vmem>>
        %dma_start3A_361 = arith.constant 0 : i32
        %dma_start3A_362 = arith.constant 0 : i32
        %dma_start3A_363 = tpu.memref_slice %arg2[%dma_start3A_361, %dma_start3A_362] : memref<2048x1024xf32, #tpu.memory_space<hbm>> -> memref<2048x1024xf32, #tpu.memory_space<hbm>>
        tpu.enqueue_indirect_dma source(%dma_start3A_363 : memref<2048x1024xf32, #tpu.memory_space<hbm>>) target(%dma_start3A_359 : memref<8x1024xf32, #tpu.memory_space<vmem>>) offsets(%dma_start3A_360 : memref<8xi32, #tpu.memory_space<vmem>>) semaphore(%arg16 : memref<!tpu.dma_semaphore, #tpu.memory_space<semaphore_mem>>)
      } else {
      }
      %add3A_329 = arith.constant 1 : i32
      %add3A_330 = arith.addi %scan3A_67, %add3A_329 : i32
      %lt3A_331 = arith.constant 64 : i32
      %lt3A_332 = arith.cmpi slt, %add3A_330, %lt3A_331 : i32
      %convert_element_type3A_333 = arith.extui %lt3A_332 : i1 to i32
      %cond3A_334 = arith.constant 0 : i32
      %cond3A_335 = arith.cmpi ne, %convert_element_type3A_333, %cond3A_334 : i32
      scf.if %cond3A_335 {
        %add3A_351 = arith.constant 1 : i32
        %add3A_352 = arith.addi %scan3A_67, %add3A_351 : i32
        %mul3A_353 = arith.constant 8 : i32
        %mul3A_354 = arith.muli %add3A_352, %mul3A_353 : i32
        %dma_start3A_355 = arith.constant 3 : i32
        %dma_start3A_356 = arith.constant 0 : i32
        %dma_start3A_357 = arith.constant 0 : i32
        %dma_start3A_358 = tpu.memref_slice %arg12[%dma_start3A_355, %dma_start3A_356, %dma_start3A_357] : memref<5x8x1024xf32, #tpu.memory_space<vmem>> -> memref<1x8x1024xf32, #tpu.memory_space<vmem>>
        %dma_start3A_359 = tpu.memref_squeeze %dma_start3A_358 : memref<1x8x1024xf32, #tpu.memory_space<vmem>> -> memref<8x1024xf32, #tpu.memory_space<vmem>>
        %dma_start3A_360 = tpu.memref_slice %arg9[%mul3A_354] : memref<512xi32, #tpu.memory_space<vmem>> -> memref<8xi32, #tpu.memory_space<vmem>>
        %dma_start3A_361 = arith.constant 0 : i32
        %dma_start3A_362 = arith.constant 0 : i32
        %dma_start3A_363 = tpu.memref_slice %arg2[%dma_start3A_361, %dma_start3A_362] : memref<2048x1024xf32, #tpu.memory_space<hbm>> -> memref<2048x1024xf32, #tpu.memory_space<hbm>>
        tpu.enqueue_indirect_dma source(%dma_start3A_363 : memref<2048x1024xf32, #tpu.memory_space<hbm>>) target(%dma_start3A_359 : memref<8x1024xf32, #tpu.memory_space<vmem>>) offsets(%dma_start3A_360 : memref<8xi32, #tpu.memory_space<vmem>>) semaphore(%arg17 : memref<!tpu.dma_semaphore, #tpu.memory_space<semaphore_mem>>)
      } else {
      }
      %add3A_336 = arith.constant 1 : i32
      %add3A_337 = arith.addi %scan3A_67, %add3A_336 : i32
      %lt3A_338 = arith.constant 64 : i32
      %lt3A_339 = arith.cmpi slt, %add3A_337, %lt3A_338 : i32
      %convert_element_type3A_340 = arith.extui %lt3A_339 : i1 to i32
      %cond3A_341 = arith.constant 0 : i32
      %cond3A_342 = arith.cmpi ne, %convert_element_type3A_340, %cond3A_341 : i32
      scf.if %cond3A_342 {
        %add3A_351 = arith.constant 1 : i32
        %add3A_352 = arith.addi %scan3A_67, %add3A_351 : i32
        %mul3A_353 = arith.constant 8 : i32
        %mul3A_354 = arith.muli %add3A_352, %mul3A_353 : i32
        %dma_start3A_355 = arith.constant 4 : i32
        %dma_start3A_356 = arith.constant 0 : i32
        %dma_start3A_357 = arith.constant 0 : i32
        %dma_start3A_358 = tpu.memref_slice %arg12[%dma_start3A_355, %dma_start3A_356, %dma_start3A_357] : memref<5x8x1024xf32, #tpu.memory_space<vmem>> -> memref<1x8x1024xf32, #tpu.memory_space<vmem>>
        %dma_start3A_359 = tpu.memref_squeeze %dma_start3A_358 : memref<1x8x1024xf32, #tpu.memory_space<vmem>> -> memref<8x1024xf32, #tpu.memory_space<vmem>>
        %dma_start3A_360 = tpu.memref_slice %arg10[%mul3A_354] : memref<512xi32, #tpu.memory_space<vmem>> -> memref<8xi32, #tpu.memory_space<vmem>>
        %dma_start3A_361 = arith.constant 0 : i32
        %dma_start3A_362 = arith.constant 0 : i32
        %dma_start3A_363 = tpu.memref_slice %arg2[%dma_start3A_361, %dma_start3A_362] : memref<2048x1024xf32, #tpu.memory_space<hbm>> -> memref<2048x1024xf32, #tpu.memory_space<hbm>>
        tpu.enqueue_indirect_dma source(%dma_start3A_363 : memref<2048x1024xf32, #tpu.memory_space<hbm>>) target(%dma_start3A_359 : memref<8x1024xf32, #tpu.memory_space<vmem>>) offsets(%dma_start3A_360 : memref<8xi32, #tpu.memory_space<vmem>>) semaphore(%arg18 : memref<!tpu.dma_semaphore, #tpu.memory_space<semaphore_mem>>)
      } else {
      }
      %mul3A_343 = arith.constant 8 : i32
      %mul3A_344 = arith.muli %scan3A_67, %mul3A_343 : i32
      %add3A_345 = arith.addi %mul3A_2, %mul3A_344 : i32
      %dma_start3A_346 = arith.constant 0 : i32
      %dma_start3A_347 = tpu.memref_slice %arg5[%add3A_345, %dma_start3A_346] : memref<16384x1024xf32, #tpu.memory_space<hbm>> -> memref<8x1024xf32, #tpu.memory_space<hbm>>
      %dma_start3A_348 = arith.constant 0 : i32
      %dma_start3A_349 = tpu.memref_slice %arg5[%add3A_345, %dma_start3A_348] : memref<16384x1024xf32, #tpu.memory_space<hbm>> -> memref<8x1024xf32, #tpu.memory_space<hbm>>
      tpu.enqueue_dma source(%arg13 : memref<8x1024xf32, #tpu.memory_space<vmem>>) target(%dma_start3A_349 : memref<8x1024xf32, #tpu.memory_space<hbm>>) target_semaphore(%arg19 : memref<!tpu.dma_semaphore, #tpu.memory_space<semaphore_mem>>)
      %scan3A_350 = arith.constant 0 : i32
      scf.yield %scan3A_350 : i32
    }
    %scan3A_61 = arith.constant 64 : i32
    %add3A_62 = arith.constant 504 : i32
    %add3A_63 = arith.addi %mul3A_2, %add3A_62 : i32
    %dma_wait3A = arith.constant 0 : i32
    %dma_wait3A_64 = tpu.memref_slice %arg5[%add3A_63, %dma_wait3A] : memref<16384x1024xf32, #tpu.memory_space<hbm>> -> memref<8x1024xf32, #tpu.memory_space<hbm>>
    %dma_wait3A_65 = arith.constant 0 : i32
    %dma_wait3A_66 = tpu.memref_slice %arg5[%add3A_63, %dma_wait3A_65] : memref<16384x1024xf32, #tpu.memory_space<hbm>> -> memref<8x1024xf32, #tpu.memory_space<hbm>>
    tpu.wait_dma2 semaphore(%arg19 : memref<!tpu.dma_semaphore, #tpu.memory_space<semaphore_mem>>) src(%arg13 : memref<8x1024xf32, #tpu.memory_space<vmem>>) dst(%dma_wait3A_66 : memref<8x1024xf32, #tpu.memory_space<hbm>>)
    return
  }
}

module attributes {stable_mosaic.version = 14 : i64} {
  func.func @_norm_kernel(%arg0: memref<2048x1024xf32, #tpu.memory_space<vmem>>, %arg1: memref<2048x1024xf32, #tpu.memory_space<vmem>>) attributes {dimension_semantics = [], scalar_prefetch = 0 : i64, scratch_operands = 0 : i64, tpu.core_type = #tpu.core_type<tc>} {
    %get3A = arith.constant 0 : index
    %get3A_0 = arith.constant 0 : index
    %get3A_1 = vector.load %arg0[%get3A, %get3A_0] : memref<2048x1024xf32, #tpu.memory_space<vmem>>, vector<2048x1024xf32>
    %mul3A = arith.mulf %get3A_1, %get3A_1 : vector<2048x1024xf32>
    %reduce_sum3A = arith.constant dense<0.000000e+00> : vector<2048xf32>
    %reduce_sum3A_2 = vector.multi_reduction <add>, %mul3A, %reduce_sum3A [1] : vector<2048x1024xf32> to vector<2048xf32>
    %broadcast_in_dim3A = vector.shape_cast %reduce_sum3A_2 : vector<2048xf32> to vector<2048x1xf32>
    %sqrt3A = math.sqrt %broadcast_in_dim3A : vector<2048x1xf32>
    %max3A = arith.constant 9.99999996E-13 : f32
    %max3A_3 = vector.broadcast %max3A : f32 to vector<2048x1xf32>
    %max3A_4 = arith.maximumf %sqrt3A, %max3A_3 : vector<2048x1xf32>
    %div3A = vector.broadcast %max3A_4 : vector<2048x1xf32> to vector<2048x1024xf32>
    %div3A_5 = arith.divf %get3A_1, %div3A : vector<2048x1024xf32>
    %swap3A = arith.constant 0 : index
    %swap3A_6 = arith.constant 0 : index
    %swap3A_7 = vector.load %arg1[%swap3A, %swap3A_6] : memref<2048x1024xf32, #tpu.memory_space<vmem>>, vector<2048x1024xf32>
    tpu.vector_store %arg1[%swap3A, %swap3A_6], %div3A_5 {strides = array<i32>} : memref<2048x1024xf32, #tpu.memory_space<vmem>>, vector<2048x1024xf32>,
    return
  }
}

module attributes {stable_mosaic.version = 14 : i64} {
  func.func @_block_kernel(%arg0: i32, %arg1: memref<512x1024xf32, #tpu.memory_space<vmem>>, %arg2: memref<1024x1024xf32, #tpu.memory_space<vmem>>, %arg3: memref<1x1024xf32, #tpu.memory_space<vmem>>, %arg4: memref<1024x1024xf32, #tpu.memory_space<vmem>>, %arg5: memref<1x1024xf32, #tpu.memory_space<vmem>>, %arg6: memref<2048x1024xf32, #tpu.memory_space<vmem>>, %arg7: memref<512x2048xf32, #tpu.memory_space<vmem>>, %arg8: memref<512x16xi32, #tpu.memory_space<vmem>>, %arg9: memref<512x16xf32, #tpu.memory_space<vmem>>) attributes {dimension_semantics = [#tpu.dimension_semantics<arbitrary>], iteration_bounds = array<i64: 32>, scalar_prefetch = 0 : i64, scratch_operands = 0 : i64, tpu.core_type = #tpu.core_type<tc>, window_params = [{transform_indices = @transform_0, window_bounds = array<i64: 512, 1024>}, {pipeline_mode = #tpu.pipeline_mode<synchronous>, transform_indices = @transform_1, window_bounds = array<i64: 1024, 1024>}, {pipeline_mode = #tpu.pipeline_mode<synchronous>, transform_indices = @transform_2, window_bounds = array<i64: 1, 1024>}, {pipeline_mode = #tpu.pipeline_mode<synchronous>, transform_indices = @transform_3, window_bounds = array<i64: 1024, 1024>}, {pipeline_mode = #tpu.pipeline_mode<synchronous>, transform_indices = @transform_4, window_bounds = array<i64: 1, 1024>}, {pipeline_mode = #tpu.pipeline_mode<synchronous>, transform_indices = @transform_5, window_bounds = array<i64: 2048, 1024>}, {transform_indices = @transform_6, window_bounds = array<i64: 512, 2048>}, {transform_indices = @transform_7, window_bounds = array<i64: 512, 16>}, {transform_indices = @transform_8, window_bounds = array<i64: 512, 16>}]} {
    %get3A = arith.constant 0 : index
    %get3A_0 = arith.constant 0 : index
    %get3A_1 = vector.load %arg1[%get3A, %get3A_0] : memref<512x1024xf32, #tpu.memory_space<vmem>>, vector<512x1024xf32>
    %get3A_2 = arith.constant 0 : index
    %get3A_3 = arith.constant 0 : index
    %get3A_4 = vector.load %arg2[%get3A_2, %get3A_3] : memref<1024x1024xf32, #tpu.memory_space<vmem>>, vector<1024x1024xf32>
    %dot_general3A = arith.constant dense<0.000000e+00> : vector<512x1024xf32>
    %dot_general3A_5 = tpu.matmul %get3A_1, %get3A_4, %dot_general3A {dimension_numbers = #tpu.dot_dimension_numbers<[1], [0], [0], [1], [0, 0, 1, 1], [], []>, transpose_lhs_hint = false} : vector<512x1024xf32>, vector<1024x1024xf32>, vector<512x1024xf32> -> vector<512x1024xf32>
    %get3A_6 = arith.constant 0 : index
    %get3A_7 = arith.constant 0 : index
    %get3A_8 = vector.load %arg3[%get3A_6, %get3A_7] : memref<1x1024xf32, #tpu.memory_space<vmem>>, vector<1x1024xf32>
    %add3A = vector.broadcast %get3A_8 : vector<1x1024xf32> to vector<512x1024xf32>
    %add3A_9 = arith.addf %dot_general3A_5, %add3A : vector<512x1024xf32>
    %max3A = arith.constant 0.000000e+00 : f32
    %max3A_10 = vector.broadcast %max3A : f32 to vector<512x1024xf32>
    %max3A_11 = arith.maximumf %add3A_9, %max3A_10 : vector<512x1024xf32>
    %get3A_12 = arith.constant 0 : index
    %get3A_13 = arith.constant 0 : index
    %get3A_14 = vector.load %arg4[%get3A_12, %get3A_13] : memref<1024x1024xf32, #tpu.memory_space<vmem>>, vector<1024x1024xf32>
    %dot_general3A_15 = arith.constant dense<0.000000e+00> : vector<512x1024xf32>
    %dot_general3A_16 = tpu.matmul %max3A_11, %get3A_14, %dot_general3A_15 {dimension_numbers = #tpu.dot_dimension_numbers<[1], [0], [0], [1], [0, 0, 1, 1], [], []>, transpose_lhs_hint = false} : vector<512x1024xf32>, vector<1024x1024xf32>, vector<512x1024xf32> -> vector<512x1024xf32>
    %get3A_17 = arith.constant 0 : index
    %get3A_18 = arith.constant 0 : index
    %get3A_19 = vector.load %arg5[%get3A_17, %get3A_18] : memref<1x1024xf32, #tpu.memory_space<vmem>>, vector<1x1024xf32>
    %add3A_20 = vector.broadcast %get3A_19 : vector<1x1024xf32> to vector<512x1024xf32>
    %add3A_21 = arith.addf %dot_general3A_16, %add3A_20 : vector<512x1024xf32>
    %mul3A = arith.mulf %add3A_21, %add3A_21 : vector<512x1024xf32>
    %reduce_sum3A = arith.constant dense<0.000000e+00> : vector<512xf32>
    %reduce_sum3A_22 = vector.multi_reduction <add>, %mul3A, %reduce_sum3A [1] : vector<512x1024xf32> to vector<512xf32>
    %broadcast_in_dim3A = vector.shape_cast %reduce_sum3A_22 : vector<512xf32> to vector<512x1xf32>
    %sqrt3A = math.sqrt %broadcast_in_dim3A : vector<512x1xf32>
    %max3A_23 = arith.constant 9.99999996E-13 : f32
    %max3A_24 = vector.broadcast %max3A_23 : f32 to vector<512x1xf32>
    %max3A_25 = arith.maximumf %sqrt3A, %max3A_24 : vector<512x1xf32>
    %div3A = vector.broadcast %max3A_25 : vector<512x1xf32> to vector<512x1024xf32>
    %div3A_26 = arith.divf %add3A_21, %div3A : vector<512x1024xf32>
    %get3A_27 = arith.constant 0 : index
    %get3A_28 = arith.constant 0 : index
    %get3A_29 = vector.load %arg6[%get3A_27, %get3A_28] : memref<2048x1024xf32, #tpu.memory_space<vmem>>, vector<2048x1024xf32>
    %dot_general3A_30 = arith.constant dense<0.000000e+00> : vector<512x2048xf32>
    %dot_general3A_31 = tpu.matmul %div3A_26, %get3A_29, %dot_general3A_30 {dimension_numbers = #tpu.dot_dimension_numbers<[1], [1], [0], [0], [0, 0, 1, 0], [], []>, transpose_lhs_hint = false} : vector<512x1024xf32>, vector<2048x1024xf32>, vector<512x2048xf32> -> vector<512x2048xf32>
    %swap3A = arith.constant 0 : index
    %swap3A_32 = arith.constant 0 : index
    %swap3A_33 = vector.load %arg7[%swap3A, %swap3A_32] : memref<512x2048xf32, #tpu.memory_space<vmem>>, vector<512x2048xf32>
    tpu.vector_store %arg7[%swap3A, %swap3A_32], %dot_general3A_31 {strides = array<i32>} : memref<512x2048xf32, #tpu.memory_space<vmem>>, vector<512x2048xf32>,
    %iota3A = tpu.iota {dimensions = array<i32: 1>} : vector<512x2048xi32>
    %reduce_max3A = arith.constant dense<0xFF800000> : vector<512xf32>
    %reduce_max3A_34 = vector.multi_reduction <maximumf>, %dot_general3A_31, %reduce_max3A [1] : vector<512x2048xf32> to vector<512xf32>
    %broadcast_in_dim3A_35 = vector.shape_cast %reduce_max3A_34 : vector<512xf32> to vector<512x1xf32>
    %lt3A = vector.broadcast %broadcast_in_dim3A_35 : vector<512x1xf32> to vector<512x2048xf32>
    %lt3A_36 = arith.cmpf olt, %dot_general3A_31, %lt3A : vector<512x2048xf32>
    %jit3A = arith.constant 0xFF800000 : f32
    %broadcast_in_dim3A_37 = vector.broadcast %jit3A : f32 to vector<512x2048xf32>
    %select_n3A = arith.select %lt3A_36, %dot_general3A_31, %broadcast_in_dim3A_37 : vector<512x2048xi1>, vector<512x2048xf32>
    %reduce_max3A_38 = arith.constant dense<0xFF800000> : vector<512xf32>
    %reduce_max3A_39 = vector.multi_reduction <maximumf>, %select_n3A, %reduce_max3A_38 [1] : vector<512x2048xf32> to vector<512xf32>
    %broadcast_in_dim3A_40 = vector.shape_cast %reduce_max3A_39 : vector<512xf32> to vector<512x1xf32>
    %lt3A_41 = vector.broadcast %broadcast_in_dim3A_40 : vector<512x1xf32> to vector<512x2048xf32>
    %lt3A_42 = arith.cmpf olt, %dot_general3A_31, %lt3A_41 : vector<512x2048xf32>
    %jit3A_43 = arith.constant 0xFF800000 : f32
    %broadcast_in_dim3A_44 = vector.broadcast %jit3A_43 : f32 to vector<512x2048xf32>
    %select_n3A_45 = arith.select %lt3A_42, %dot_general3A_31, %broadcast_in_dim3A_44 : vector<512x2048xi1>, vector<512x2048xf32>
    %reduce_max3A_46 = arith.constant dense<0xFF800000> : vector<512xf32>
    %reduce_max3A_47 = vector.multi_reduction <maximumf>, %select_n3A_45, %reduce_max3A_46 [1] : vector<512x2048xf32> to vector<512xf32>
    %broadcast_in_dim3A_48 = vector.shape_cast %reduce_max3A_47 : vector<512xf32> to vector<512x1xf32>
    %lt3A_49 = vector.broadcast %broadcast_in_dim3A_48 : vector<512x1xf32> to vector<512x2048xf32>
    %lt3A_50 = arith.cmpf olt, %dot_general3A_31, %lt3A_49 : vector<512x2048xf32>
    %jit3A_51 = arith.constant 0xFF800000 : f32
    %broadcast_in_dim3A_52 = vector.broadcast %jit3A_51 : f32 to vector<512x2048xf32>
    %select_n3A_53 = arith.select %lt3A_50, %dot_general3A_31, %broadcast_in_dim3A_52 : vector<512x2048xi1>, vector<512x2048xf32>
    %reduce_max3A_54 = arith.constant dense<0xFF800000> : vector<512xf32>
    %reduce_max3A_55 = vector.multi_reduction <maximumf>, %select_n3A_53, %reduce_max3A_54 [1] : vector<512x2048xf32> to vector<512xf32>
    %broadcast_in_dim3A_56 = vector.shape_cast %reduce_max3A_55 : vector<512xf32> to vector<512x1xf32>
    %lt3A_57 = vector.broadcast %broadcast_in_dim3A_56 : vector<512x1xf32> to vector<512x2048xf32>
    %lt3A_58 = arith.cmpf olt, %dot_general3A_31, %lt3A_57 : vector<512x2048xf32>
    %jit3A_59 = arith.constant 0xFF800000 : f32
    %broadcast_in_dim3A_60 = vector.broadcast %jit3A_59 : f32 to vector<512x2048xf32>
    %select_n3A_61 = arith.select %lt3A_58, %dot_general3A_31, %broadcast_in_dim3A_60 : vector<512x2048xi1>, vector<512x2048xf32>
    %reduce_max3A_62 = arith.constant dense<0xFF800000> : vector<512xf32>
    %reduce_max3A_63 = vector.multi_reduction <maximumf>, %select_n3A_61, %reduce_max3A_62 [1] : vector<512x2048xf32> to vector<512xf32>
    %broadcast_in_dim3A_64 = vector.shape_cast %reduce_max3A_63 : vector<512xf32> to vector<512x1xf32>
    %broadcast_in_dim3A_65 = arith.constant 0.000000e+00 : f32
    %broadcast_in_dim3A_66 = vector.broadcast %broadcast_in_dim3A_65 : f32 to vector<512x1xf32>
    %gt3A = arith.constant 0xFF800000 : f32
    %gt3A_67 = vector.broadcast %gt3A : f32 to vector<512x1xf32>
    %gt3A_68 = arith.cmpf ogt, %broadcast_in_dim3A_35, %gt3A_67 : vector<512x1xf32>
    %eq3A = vector.broadcast %broadcast_in_dim3A_35 : vector<512x1xf32> to vector<512x2048xf32>
    %eq3A_69 = arith.cmpf oeq, %dot_general3A_31, %eq3A : vector<512x2048xf32>
    %jit3A_70 = arith.constant 2048 : i32
    %broadcast_in_dim3A_71 = vector.broadcast %jit3A_70 : i32 to vector<512x2048xi32>
    %select_n3A_72 = arith.select %eq3A_69, %iota3A, %broadcast_in_dim3A_71 : vector<512x2048xi1>, vector<512x2048xi32>
    %reduce_min3A = arith.constant dense<2147483647> : vector<512xi32>
    %reduce_min3A_73 = vector.multi_reduction <minsi>, %select_n3A_72, %reduce_min3A [1] : vector<512x2048xi32> to vector<512xi32>
    %broadcast_in_dim3A_74 = vector.shape_cast %reduce_min3A_73 : vector<512xi32> to vector<512x1xi32>
    %sub3A = arith.subf %broadcast_in_dim3A_35, %broadcast_in_dim3A_35 : vector<512x1xf32>
    %mul3A_75 = arith.constant 6.66666651 : f32
    %mul3A_76 = vector.broadcast %mul3A_75 : f32 to vector<512x1xf32>
    %mul3A_77 = arith.mulf %sub3A, %mul3A_76 : vector<512x1xf32>
    %exp3A = math.exp %mul3A_77 : vector<512x1xf32>
    %jit3A_78 = arith.constant 0.000000e+00 : f32
    %broadcast_in_dim3A_79 = vector.broadcast %jit3A_78 : f32 to vector<512x1xf32>
    %select_n3A_80 = arith.select %gt3A_68, %exp3A, %broadcast_in_dim3A_79 : vector<512x1xi1>, vector<512x1xf32>
    %jit3A_81 = arith.constant 0 : i32
    %broadcast_in_dim3A_82 = vector.broadcast %jit3A_81 : i32 to vector<512x1xi32>
    %select_n3A_83 = arith.select %gt3A_68, %broadcast_in_dim3A_74, %broadcast_in_dim3A_82 : vector<512x1xi1>, vector<512x1xi32>
    %add3A_84 = arith.addf %broadcast_in_dim3A_66, %select_n3A_80 : vector<512x1xf32>
    %gt3A_85 = arith.constant 0xFF800000 : f32
    %gt3A_86 = vector.broadcast %gt3A_85 : f32 to vector<512x1xf32>
    %gt3A_87 = arith.cmpf ogt, %broadcast_in_dim3A_40, %gt3A_86 : vector<512x1xf32>
    %eq3A_88 = vector.broadcast %broadcast_in_dim3A_40 : vector<512x1xf32> to vector<512x2048xf32>
    %eq3A_89 = arith.cmpf oeq, %dot_general3A_31, %eq3A_88 : vector<512x2048xf32>
    %jit3A_90 = arith.constant 2048 : i32
    %broadcast_in_dim3A_91 = vector.broadcast %jit3A_90 : i32 to vector<512x2048xi32>
    %select_n3A_92 = arith.select %eq3A_89, %iota3A, %broadcast_in_dim3A_91 : vector<512x2048xi1>, vector<512x2048xi32>
    %reduce_min3A_93 = arith.constant dense<2147483647> : vector<512xi32>
    %reduce_min3A_94 = vector.multi_reduction <minsi>, %select_n3A_92, %reduce_min3A_93 [1] : vector<512x2048xi32> to vector<512xi32>
    %broadcast_in_dim3A_95 = vector.shape_cast %reduce_min3A_94 : vector<512xi32> to vector<512x1xi32>
    %sub3A_96 = arith.subf %broadcast_in_dim3A_40, %broadcast_in_dim3A_35 : vector<512x1xf32>
    %mul3A_97 = arith.constant 6.66666651 : f32
    %mul3A_98 = vector.broadcast %mul3A_97 : f32 to vector<512x1xf32>
    %mul3A_99 = arith.mulf %sub3A_96, %mul3A_98 : vector<512x1xf32>
    %exp3A_100 = math.exp %mul3A_99 : vector<512x1xf32>
    %jit3A_101 = arith.constant 0.000000e+00 : f32
    %broadcast_in_dim3A_102 = vector.broadcast %jit3A_101 : f32 to vector<512x1xf32>
    %select_n3A_103 = arith.select %gt3A_87, %exp3A_100, %broadcast_in_dim3A_102 : vector<512x1xi1>, vector<512x1xf32>
    %jit3A_104 = arith.constant 0 : i32
    %broadcast_in_dim3A_105 = vector.broadcast %jit3A_104 : i32 to vector<512x1xi32>
    %select_n3A_106 = arith.select %gt3A_87, %broadcast_in_dim3A_95, %broadcast_in_dim3A_105 : vector<512x1xi1>, vector<512x1xi32>
    %add3A_107 = arith.addf %add3A_84, %select_n3A_103 : vector<512x1xf32>
    %gt3A_108 = arith.constant 0xFF800000 : f32
    %gt3A_109 = vector.broadcast %gt3A_108 : f32 to vector<512x1xf32>
    %gt3A_110 = arith.cmpf ogt, %broadcast_in_dim3A_48, %gt3A_109 : vector<512x1xf32>
    %eq3A_111 = vector.broadcast %broadcast_in_dim3A_48 : vector<512x1xf32> to vector<512x2048xf32>
    %eq3A_112 = arith.cmpf oeq, %dot_general3A_31, %eq3A_111 : vector<512x2048xf32>
    %jit3A_113 = arith.constant 2048 : i32
    %broadcast_in_dim3A_114 = vector.broadcast %jit3A_113 : i32 to vector<512x2048xi32>
    %select_n3A_115 = arith.select %eq3A_112, %iota3A, %broadcast_in_dim3A_114 : vector<512x2048xi1>, vector<512x2048xi32>
    %reduce_min3A_116 = arith.constant dense<2147483647> : vector<512xi32>
    %reduce_min3A_117 = vector.multi_reduction <minsi>, %select_n3A_115, %reduce_min3A_116 [1] : vector<512x2048xi32> to vector<512xi32>
    %broadcast_in_dim3A_118 = vector.shape_cast %reduce_min3A_117 : vector<512xi32> to vector<512x1xi32>
    %sub3A_119 = arith.subf %broadcast_in_dim3A_48, %broadcast_in_dim3A_35 : vector<512x1xf32>
    %mul3A_120 = arith.constant 6.66666651 : f32
    %mul3A_121 = vector.broadcast %mul3A_120 : f32 to vector<512x1xf32>
    %mul3A_122 = arith.mulf %sub3A_119, %mul3A_121 : vector<512x1xf32>
    %exp3A_123 = math.exp %mul3A_122 : vector<512x1xf32>
    %jit3A_124 = arith.constant 0.000000e+00 : f32
    %broadcast_in_dim3A_125 = vector.broadcast %jit3A_124 : f32 to vector<512x1xf32>
    %select_n3A_126 = arith.select %gt3A_110, %exp3A_123, %broadcast_in_dim3A_125 : vector<512x1xi1>, vector<512x1xf32>
    %jit3A_127 = arith.constant 0 : i32
    %broadcast_in_dim3A_128 = vector.broadcast %jit3A_127 : i32 to vector<512x1xi32>
    %select_n3A_129 = arith.select %gt3A_110, %broadcast_in_dim3A_118, %broadcast_in_dim3A_128 : vector<512x1xi1>, vector<512x1xi32>
    %add3A_130 = arith.addf %add3A_107, %select_n3A_126 : vector<512x1xf32>
    %gt3A_131 = arith.constant 0xFF800000 : f32
    %gt3A_132 = vector.broadcast %gt3A_131 : f32 to vector<512x1xf32>
    %gt3A_133 = arith.cmpf ogt, %broadcast_in_dim3A_56, %gt3A_132 : vector<512x1xf32>
    %eq3A_134 = vector.broadcast %broadcast_in_dim3A_56 : vector<512x1xf32> to vector<512x2048xf32>
    %eq3A_135 = arith.cmpf oeq, %dot_general3A_31, %eq3A_134 : vector<512x2048xf32>
    %jit3A_136 = arith.constant 2048 : i32
    %broadcast_in_dim3A_137 = vector.broadcast %jit3A_136 : i32 to vector<512x2048xi32>
    %select_n3A_138 = arith.select %eq3A_135, %iota3A, %broadcast_in_dim3A_137 : vector<512x2048xi1>, vector<512x2048xi32>
    %reduce_min3A_139 = arith.constant dense<2147483647> : vector<512xi32>
    %reduce_min3A_140 = vector.multi_reduction <minsi>, %select_n3A_138, %reduce_min3A_139 [1] : vector<512x2048xi32> to vector<512xi32>
    %broadcast_in_dim3A_141 = vector.shape_cast %reduce_min3A_140 : vector<512xi32> to vector<512x1xi32>
    %sub3A_142 = arith.subf %broadcast_in_dim3A_56, %broadcast_in_dim3A_35 : vector<512x1xf32>
    %mul3A_143 = arith.constant 6.66666651 : f32
    %mul3A_144 = vector.broadcast %mul3A_143 : f32 to vector<512x1xf32>
    %mul3A_145 = arith.mulf %sub3A_142, %mul3A_144 : vector<512x1xf32>
    %exp3A_146 = math.exp %mul3A_145 : vector<512x1xf32>
    %jit3A_147 = arith.constant 0.000000e+00 : f32
    %broadcast_in_dim3A_148 = vector.broadcast %jit3A_147 : f32 to vector<512x1xf32>
    %select_n3A_149 = arith.select %gt3A_133, %exp3A_146, %broadcast_in_dim3A_148 : vector<512x1xi1>, vector<512x1xf32>
    %jit3A_150 = arith.constant 0 : i32
    %broadcast_in_dim3A_151 = vector.broadcast %jit3A_150 : i32 to vector<512x1xi32>
    %select_n3A_152 = arith.select %gt3A_133, %broadcast_in_dim3A_141, %broadcast_in_dim3A_151 : vector<512x1xi1>, vector<512x1xi32>
    %add3A_153 = arith.addf %add3A_130, %select_n3A_149 : vector<512x1xf32>
    %gt3A_154 = arith.constant 0xFF800000 : f32
    %gt3A_155 = vector.broadcast %gt3A_154 : f32 to vector<512x1xf32>
    %gt3A_156 = arith.cmpf ogt, %broadcast_in_dim3A_64, %gt3A_155 : vector<512x1xf32>
    %eq3A_157 = vector.broadcast %broadcast_in_dim3A_64 : vector<512x1xf32> to vector<512x2048xf32>
    %eq3A_158 = arith.cmpf oeq, %dot_general3A_31, %eq3A_157 : vector<512x2048xf32>
    %jit3A_159 = arith.constant 2048 : i32
    %broadcast_in_dim3A_160 = vector.broadcast %jit3A_159 : i32 to vector<512x2048xi32>
    %select_n3A_161 = arith.select %eq3A_158, %iota3A, %broadcast_in_dim3A_160 : vector<512x2048xi1>, vector<512x2048xi32>
    %reduce_min3A_162 = arith.constant dense<2147483647> : vector<512xi32>
    %reduce_min3A_163 = vector.multi_reduction <minsi>, %select_n3A_161, %reduce_min3A_162 [1] : vector<512x2048xi32> to vector<512xi32>
    %broadcast_in_dim3A_164 = vector.shape_cast %reduce_min3A_163 : vector<512xi32> to vector<512x1xi32>
    %sub3A_165 = arith.subf %broadcast_in_dim3A_64, %broadcast_in_dim3A_35 : vector<512x1xf32>
    %mul3A_166 = arith.constant 6.66666651 : f32
    %mul3A_167 = vector.broadcast %mul3A_166 : f32 to vector<512x1xf32>
    %mul3A_168 = arith.mulf %sub3A_165, %mul3A_167 : vector<512x1xf32>
    %exp3A_169 = math.exp %mul3A_168 : vector<512x1xf32>
    %jit3A_170 = arith.constant 0.000000e+00 : f32
    %broadcast_in_dim3A_171 = vector.broadcast %jit3A_170 : f32 to vector<512x1xf32>
    %select_n3A_172 = arith.select %gt3A_156, %exp3A_169, %broadcast_in_dim3A_171 : vector<512x1xi1>, vector<512x1xf32>
    %jit3A_173 = arith.constant 0 : i32
    %broadcast_in_dim3A_174 = vector.broadcast %jit3A_173 : i32 to vector<512x1xi32>
    %select_n3A_175 = arith.select %gt3A_156, %broadcast_in_dim3A_164, %broadcast_in_dim3A_174 : vector<512x1xi1>, vector<512x1xi32>
    %add3A_176 = arith.addf %add3A_153, %select_n3A_172 : vector<512x1xf32>
    %div3A_177 = arith.constant 1.000000e+00 : f32
    %div3A_178 = vector.broadcast %div3A_177 : f32 to vector<512x1xf32>
    %div3A_179 = arith.divf %div3A_178, %add3A_176 : vector<512x1xf32>
    %broadcast_in_dim3A_180 = arith.constant 0 : i32
    %broadcast_in_dim3A_181 = vector.broadcast %broadcast_in_dim3A_180 : i32 to vector<512x11xi32>
    %broadcast_in_dim3A_182 = arith.constant 0.000000e+00 : f32
    %broadcast_in_dim3A_183 = vector.broadcast %broadcast_in_dim3A_182 : f32 to vector<512x11xf32>
    %concatenate3A = tpu.concatenate %select_n3A_83, %select_n3A_106, %select_n3A_129, %select_n3A_152, %select_n3A_175, %broadcast_in_dim3A_181 in 1 : vector<512x1xi32>, vector<512x1xi32>, vector<512x1xi32>, vector<512x1xi32>, vector<512x1xi32>, vector<512x11xi32> -> vector<512x16xi32>
    %swap3A_184 = arith.constant 0 : index
    %swap3A_185 = arith.constant 0 : index
    %swap3A_186 = vector.load %arg8[%swap3A_184, %swap3A_185] : memref<512x16xi32, #tpu.memory_space<vmem>>, vector<512x16xi32>
    tpu.vector_store %arg8[%swap3A_184, %swap3A_185], %concatenate3A {strides = array<i32>} : memref<512x16xi32, #tpu.memory_space<vmem>>, vector<512x16xi32>,
    %mul3A_187 = arith.mulf %select_n3A_80, %div3A_179 : vector<512x1xf32>
    %mul3A_188 = arith.mulf %select_n3A_103, %div3A_179 : vector<512x1xf32>
    %mul3A_189 = arith.mulf %select_n3A_126, %div3A_179 : vector<512x1xf32>
    %mul3A_190 = arith.mulf %select_n3A_149, %div3A_179 : vector<512x1xf32>
    %mul3A_191 = arith.mulf %select_n3A_172, %div3A_179 : vector<512x1xf32>
    %concatenate3A_192 = tpu.concatenate %mul3A_187, %mul3A_188, %mul3A_189, %mul3A_190, %mul3A_191, %broadcast_in_dim3A_183 in 1 : vector<512x1xf32>, vector<512x1xf32>, vector<512x1xf32>, vector<512x1xf32>, vector<512x1xf32>, vector<512x11xf32> -> vector<512x16xf32>
    %swap3A_193 = arith.constant 0 : index
    %swap3A_194 = arith.constant 0 : index
    %swap3A_195 = vector.load %arg9[%swap3A_193, %swap3A_194] : memref<512x16xf32, #tpu.memory_space<vmem>>, vector<512x16xf32>
    tpu.vector_store %arg9[%swap3A_193, %swap3A_194], %concatenate3A_192 {strides = array<i32>} : memref<512x16xf32, #tpu.memory_space<vmem>>, vector<512x16xf32>,
    return
  }
  func.func @transform_0(%arg0: i32) -> (i32, i32) {
    %c0_i32 = arith.constant 0 : i32
    %c0_i32_0 = arith.constant 0 : i32
    return %arg0, %c0_i32 : i32, i32
  }
  func.func @transform_1(%arg0: i32) -> (i32, i32) {
    %c0_i32 = arith.constant 0 : i32
    %c0_i32_0 = arith.constant 0 : i32
    %c0_i32_1 = arith.constant 0 : i32
    return %c0_i32, %c0_i32_0 : i32, i32
  }
  func.func @transform_2(%arg0: i32) -> (i32, i32) {
    %c0_i32 = arith.constant 0 : i32
    %c0_i32_0 = arith.constant 0 : i32
    %c0_i32_1 = arith.constant 0 : i32
    return %c0_i32, %c0_i32_0 : i32, i32
  }
  func.func @transform_3(%arg0: i32) -> (i32, i32) {
    %c0_i32 = arith.constant 0 : i32
    %c0_i32_0 = arith.constant 0 : i32
    %c0_i32_1 = arith.constant 0 : i32
    return %c0_i32, %c0_i32_0 : i32, i32
  }
  func.func @transform_4(%arg0: i32) -> (i32, i32) {
    %c0_i32 = arith.constant 0 : i32
    %c0_i32_0 = arith.constant 0 : i32
    %c0_i32_1 = arith.constant 0 : i32
    return %c0_i32, %c0_i32_0 : i32, i32
  }
  func.func @transform_5(%arg0: i32) -> (i32, i32) {
    %c0_i32 = arith.constant 0 : i32
    %c0_i32_0 = arith.constant 0 : i32
    %c0_i32_1 = arith.constant 0 : i32
    return %c0_i32, %c0_i32_0 : i32, i32
  }
  func.func @transform_6(%arg0: i32) -> (i32, i32) {
    %c0_i32 = arith.constant 0 : i32
    %c0_i32_0 = arith.constant 0 : i32
    return %arg0, %c0_i32 : i32, i32
  }
  func.func @transform_7(%arg0: i32) -> (i32, i32) {
    %c0_i32 = arith.constant 0 : i32
    %c0_i32_0 = arith.constant 0 : i32
    return %arg0, %c0_i32 : i32, i32
  }
  func.func @transform_8(%arg0: i32) -> (i32, i32) {
    %c0_i32 = arith.constant 0 : i32
    %c0_i32_0 = arith.constant 0 : i32
    return %arg0, %c0_i32 : i32, i32
  }
}

</mosaic_0001>

<sc_bundles>
// kernel: kernel.5.cloned.1.call-start
scs
__scs_entry_jumppad:
0x0: {  	(pc) =	sbr.rel $0x88, $3  }
0x1: {  	(tag) =	ssettag $0x0;
	lr =	simm.s32 $0x1  }
0x2: {  	[smem:$0x3F9A] =	sst lr;
	_ =	strace $0xD0000000  }
0x3: {  	_ = 	snop  }
0x4: {  	_ = 	snop  }
0x5: {  	_ = 	snop  }
0x6: {  	_ = 	snop  }
0x7: {  	_ = 	snop  }
__scs_overlays_trampoline_lowered:
0x8: {  	[smem:$0x3FA9] =	sst s0  }
0x9: {  	[smem:$0x3FAA] =	sst s1  }
0xa: {  	[smem:$0x3FAB] =	sst s2  }
0xb: {  	[smem:$0x3FAC] =	sst s3  }
0xc: {  	[smem:$0x3FAD] =	sst s4  }
0xd: {  	[smem:$0x3FAE] =	sst s5  }
0xe: {  	[smem:$0x3FAF] =	sst s6  }
0xf: {  	[smem:$0x3FB0] =	sst s7  }
0x10: {  	[smem:$0x3FB1] =	sst s8  }
0x11: {  	[smem:$0x3FB2] =	sst s9;
	s0 =	simm.s32 @!p0 $0x0  }
0x12: {  	s1 =	sld [smem:$0x3F98];
	s0 =	simm.s32 @p0 $0x1  }
0x13: {  	[smem:$0x3FB3] =	sst s0;
	s0 =	simm.s32 @!p1 $0x0  }
0x14: {  	s2 =	sld [smem:$0x3F97];
	s0 =	simm.s32 @p1 $0x1  }
0x15: {  	[smem:$0x3FB4] =	sst s0;
	s0 =	simm.s32 @!p2 $0x0  }
0x16: {  	s3 =	sld [smem:$0x3FDB];
	s0 =	simm.s32 @p2 $0x1  }
0x17: {  	s4 =	simm.s32 $0x1BF5;
	[smem:$0x3FB6] =	sst s0  }
0x18: {  	s0 =	sld [smem:$0x3F99];
	_ =	swait.ge [sflag:s4], $0x0  }
0x19: {  	s7 =	sld [smem:$0x3F9A]  }
0x1a: {  	s8 =	sadd.s32 $0xFFFFE003, lr  }
0x1b: {  	s9 =	sadd.s32 $0xFFFFFEF7, lr;
	s5 =	simm.s32 $0xFFFFFFFF;
	p2 =	slt.u32 s8, $0xFFFFF086  }
0x1c: {  	p1 =	slt.u32 s9, $0xF7A;
	s5 =	simm.s32 @!p2 $0x0  }
0x1d: {  	s5 =	simm.s32 @p1 $0x1;
	p0 =	seq.s32 s7, s2  }
0x1e: {  	s7 =	smul.u32 @!p0 $0xF7A, s2;
	p2 =	seq.s32 @!p0 s5, $0x0  }
0x1f: {  	s9 =	smul.u32 $0xF7A, s1;
	s8 =	simm.s32 @!p0 $0x1BF5;
	p2 =	por !p2, p0  }
0x20: {  	[sflag:s8] =	ssyncset.s32 @!p0 $0xFFFFF086;
	s6 =	sadd.s32 @!p0 s3, s7;
	s7 =	simm.s32 @!p0 $0x108  }
0x21: {  	s3 =	sadd.s32 s3, s9;
	s6 =	sadd.s32 @!p0 $0x88, s6;
	s7 =	simm.s32 @p2 $0x1082  }
0x22: {  	[simem:s7], [sflag:s8] =	dma.local @!p0 [hbm:s6], $0xF7A  }
0x23: {  	s9 =	sor.u32 $0xD0000000, s2;
	s6 =	simm.s32 $0x108;
	_ =	swait.ge @!p0 [sflag:s8], $0x0  }
0x24: {  	s3 =	sadd.s32 $0x88, s3;
	s6 =	simm.s32 @!p1 $0x1082;
	[sflag:s4] =	ssyncset.s32 $0xFFFFF086  }
0x25: {  	[simem:s6], [sflag:s4] =	dma.local [hbm:s3], $0xF7A  }
0x26: {  	[smem:$0x3F9A] =	sst s1;
	(tag) =	ssettag s2;
	_ =	strace s9  }
0x27: {  	s1 =	sld [smem:$0x3FAA]  }
0x28: {  	s2 =	sld [smem:$0x3FAB]  }
0x29: {  	s4 =	sld [smem:$0x3FAD]  }
0x2a: {  	p0 =	seq.s32 s5, $0x0;
	s5 =	sld [smem:$0x3FAE]  }
0x2b: {  	s6 =	sld [smem:$0x3FAF]  }
0x2c: {  	s7 =	sld [smem:$0x3FB0]  }
0x2d: {  	s3 =	simm.s32 $0x108;
	s8 =	sld [smem:$0x3FB1]  }
0x2e: {  	s3 =	simm.s32 @!p0 $0x1082;
	s9 =	sld [smem:$0x3FB2]  }
0x2f: {  	lr =	sadd.s32 s0, s3;
	s0 =	sld [smem:$0x3FA9]  }
0x30: {  	s3 =	sld [smem:$0x3FAC]  }
0x31: {  	[smem:$0x3FB5] =	sst s10  }
0x32: {  	s10 =	sld [smem:$0x3FB3];
	_ =	sdelay $0x3  }
0x33: {  	p0 =	seq.s32 s10, $0x1;
	s10 =	sld [smem:$0x3FB5];
	_ =	sdelay $0x3  }
0x34: {  	[smem:$0x3FB5] =	sst s10  }
0x35: {  	s10 =	sld [smem:$0x3FB4];
	_ =	sdelay $0x3  }
0x36: {  	p1 =	seq.s32 s10, $0x1;
	s10 =	sld [smem:$0x3FB5];
	_ =	sdelay $0x3  }
0x37: {  	[smem:$0x3FB5] =	sst s10  }
0x38: {  	s10 =	sld [smem:$0x3FB6]  }
0x39: {  	_ = 	snop;
	(pc) =	sbr.ind lr, $3  }
0x3a: {  	_ = 	snop  }
0x3b: {  	_ = 	snop  }
0x3c: {  	p2 =	seq.s32 s10, $0x1;
	s10 =	sld [smem:$0x3FB5]  }
0x3d: {  	_ =	shalt  }
0x3e: {  	_ =	shalt  }
0x3f: {  	_ =	shalt  }
0x40: {  	_ =	shalt  }
0x41: {  	_ =	shalt  }
0x42: {  	_ =	shalt  }
0x43: {  	_ =	shalt  }
0x44: {  	_ =	shalt  }
0x45: {  	_ =	shalt  }
0x46: {  	_ =	shalt  }
0x47: {  	_ =	shalt  }
0x48: {  	_ =	shalt  }
0x49: {  	_ =	shalt  }
0x4a: {  	_ =	shalt  }
0x4b: {  	_ =	shalt  }
0x4c: {  	_ =	shalt  }
0x4d: {  	_ =	shalt  }
0x4e: {  	_ =	shalt  }
0x4f: {  	_ =	shalt  }
0x50: {  	_ =	shalt  }
0x51: {  	_ =	shalt  }
0x52: {  	_ =	shalt  }
0x53: {  	_ =	shalt  }
0x54: {  	_ =	shalt  }
0x55: {  	_ =	shalt  }
0x56: {  	_ =	shalt  }
0x57: {  	_ =	shalt  }
0x58: {  	_ =	shalt  }
0x59: {  	_ =	shalt  }
0x5a: {  	_ =	shalt  }
0x5b: {  	_ =	shalt  }
0x5c: {  	_ =	shalt  }
0x5d: {  	_ =	shalt  }
0x5e: {  	_ =	shalt  }
0x5f: {  	_ =	shalt  }
0x60: {  	_ =	shalt  }
0x61: {  	_ =	shalt  }
0x62: {  	_ =	shalt  }
0x63: {  	_ =	shalt  }
0x64: {  	_ =	shalt  }
0x65: {  	_ =	shalt  }
0x66: {  	_ =	shalt  }
0x67: {  	_ =	shalt  }
0x68: {  	_ =	shalt  }
0x69: {  	_ =	shalt  }
0x6a: {  	_ =	shalt  }
0x6b: {  	_ =	shalt  }
0x6c: {  	_ =	shalt  }
0x6d: {  	_ =	shalt  }
0x6e: {  	_ =	shalt  }
0x6f: {  	_ =	shalt  }
0x70: {  	_ =	shalt  }
0x71: {  	_ =	shalt  }
0x72: {  	_ =	shalt  }
0x73: {  	_ =	shalt  }
0x74: {  	_ =	shalt  }
0x75: {  	_ =	shalt  }
0x76: {  	_ =	shalt  }
0x77: {  	_ =	shalt  }
0x78: {  	_ =	shalt  }
0x79: {  	_ =	shalt  }
0x7a: {  	_ =	shalt  }
0x7b: {  	_ =	shalt  }
0x7c: {  	_ =	shalt  }
0x7d: {  	_ =	shalt  }
0x7e: {  	_ =	shalt  }
0x7f: {  	_ =	shalt  }
0x80: {  	_ =	shalt  }
0x81: {  	_ =	shalt  }
0x82: {  	_ =	shalt  }
0x83: {  	_ =	shalt  }
0x84: {  	_ =	shalt  }
0x85: {  	_ =	shalt  }
0x86: {  	_ =	shalt  }
0x87: {  	_ =	shalt  }
.Lfunc_end0:
.L_simem_size_0:
called_computation_lowered:
.L_overlay_start_0:
0x88: {  	s2 =	sld [smem:$0x3FD9]  }
0x89: {  	s3 =	sld [smem:$0x3FFE];
	_ =	sdelay $0x1  }
0x8a: {  	s1 =	srdreg.scid  }
0x8b: {  	s0 =	sand.u32 $0x1, s1  }
0x8c: {  	s14 =	sshll.u32 s0, $0xA;
	s2 =	sadd.s32 s3, s2  }
0x8d: {  	s2 =	sadd.s32 s2, s14  }
0x8e: {  	[smem:$0x3FC1] =	sst s2  }
0x8f: {  	_ = 	snop  }
0x90: {  	s2 =	sld [smem:$0x3FD0];
	_ =	sdelay $0x2  }
0x91: {  	s4 =	simm.s32 $0xA;
	s5 =	simm.s32 $0x10;
	s15 =	sld [smem:$0x3FC3]  }
0x92: {  	[smem:s5], [sflag:s4] =	dma.local [hbm:s2], $0x1  }
0x93: {  	_ =	swait.eq [sflag:s4], $0x1  }
0x94: {  	[sflag:s4] =	ssyncset.done $0x0  }
0x95: {  	[sflag:s4] =	ssyncadd.s32 $0xFFFFFFFF  }
0x96: {  	s16 =	sld [smem:$0x10];
	(tm) =	ssettm $0x1  }
0x97: {  	s17 =	sld [smem:$0x3FFB];
	_ =	sdelay $0x3  }
0x98: {  	_ =	strace s17  }
0x99: {  	s4 =	sld [smem:$0x3FFC];
	_ =	sdelay $0x3  }
0x9a: {  	_ =	strace s4  }
0x9b: {  	s4 =	sld [smem:$0x3FFD];
	_ =	sdelay $0x3  }
0x9c: {  	_ =	strace s4  }
0x9d: {  	_ =	strace $0x8FFFFFFF  }
0x9e: {  	s18 =	sld [smem:$0x3FDB];
	_ =	sdelay $0x1  }
0x9f: {  	s19 =	simm.s32 $_scs_section_size  }
0xa0: {  	s6 =	simm.s32 $_size__tile_overlayer_lowered;
	s7 =	simm.s32 $_tile_overlayer_lowered  }
0xa1: {  	s22 =	simm.s32 $0x1BFF;
	s21 =	sshll.u32 s7, $0x1;
	s4 =	sadd.s32 s19, s18  }
0xa2: {  	s8 =	simm.s32 $0x0;
	s20 =	sshll.u32 s6, $0x1;
	s6 =	sadd.s32 s21, s4  }
0xa3: {  	[timem:s8], [sflag:s22] =	dma.local [hbm:s6], s20  }
0xa4: {  	_ =	swait.ge [sflag:s22], s20  }
0xa5: {  	s5 =	ssub.s32 $0x0, s20;
	[sflag:s22] =	ssyncset.done $0x0  }
0xa6: {  	[sflag:s22] =	ssyncadd.s32 s5;
	_ =	sdelay $0x1  }
0xa7: {  	s23 =	simm.s32 $0x1B8B  }
0xa8: {  	_ =	swait.ge [sflag:s23], $0x1  }
0xa9: {  	[sflag:s23] =	ssyncset.done $0x0  }
0xaa: {  	s25 =	simm.s32 $0x1B8E;
	s24 =	sld [smem:$0x3FFE];
	[sflag:s23] =	ssyncadd.s32 $0xFFFFFFFF  }
0xab: {  	s26 =	simm.s32 $execute0_lowered;
	[smem:$0x3FD2] =	sst s25  }
0xac: {  	s6 =	sshll.u32 s26, $0x1;
	_ =	strace $0x80000046;
	[dreg:$0x1] =	wrdreg $0xFFFFFFFF  }
0xad: {  	s28 =	simm.s32 $_size_execute0_lowered;
	s4 =	sadd.s32 s4, s6;
	[dreg:$0x0] =	wrdreg $0x0  }
0xae: {  	s6 =	sshll.u32 s28, $0x1;
	[dreg:$0x2] =	wrdreg s4  }
0xaf: {  	[dreg:$0x3] =	wrdreg s6  }
0xb0: {  	[dreg:$0x4] =	wrdreg $0xC0  }
0xb1: {  	_ =	task [dreg:s8], $0x5FFFF  }
0xb2: {  	[dreg:$0x1] =	wrdreg $0xFFFFFFFF  }
0xb3: {  	[dreg:$0x0] =	wrdreg $0x60  }
0xb4: {  	[dreg:$0x2] =	wrdreg s15  }
0xb5: {  	[dreg:$0x3] =	wrdreg s24  }
0xb6: {  	[dreg:$0x4] =	wrdreg s16  }
0xb7: {  	[dreg:$0x5] =	wrdreg $0x9  }
0xb8: {  	_ =	task.clear_ibuf [dreg:s8], $0x6FFFF;
	_ =	strace $0x90000046  }
0xb9: {  	s29 =	simm.s32 $0x9;
	_ =	strace $0x80000048  }
0xba: {  	_ =	swait.ge [sflag:s29], $0x1  }
0xbb: {  	[sflag:s29] =	ssyncadd.s32 $0xFFFFFFFF  }
0xbc: {  	_ =	strace $0x90000048  }
0xbd: {  	_ =	sfence  }
0xbe: {  	s30 =	sld [smem:$0x0];
	_ =	sdelay $0x2  }
0xbf: {  	s31 =	sshll.u32 s1, $0xD;
	s1 =	sshrl.u32 s1, $0x2  }
0xc0: {  	s3 =	sand.u32 $0x4000, s31;
	s1 =	sadd.s32 s1, s30  }
0xc1: {  	s0 =	sor.u32 s3, s0;
	s1 =	sshll.u32 s1, $0x11  }
0xc2: {  	s0 =	sor.u32 s1, s0  }
0xc3: {  	s0 =	sadd.s32 $0x8F2B, s0  }
0xc4: {  	[sflag:s0] =	ssyncadd.remote.s32 $0x1  }
0xc5: {  	_ =	sfence.sel $0xFFFF  }
0xc6: {  	[dreg:$0x0] =	wrdreg $0xFFFFFFFF;
	(pc) =	sbr.abs _section_cstart, $3  }
0xc7: {  	[dreg:$0x1] =	wrdreg $0xFFFFFFFF  }
0xc8: {  	_ =	task.clear_ibuf [dreg:s8], $0x2FFFF;
	_ =	strace $0x9FFFFFFF  }
0xc9: {  	(tm) =	ssettm $0x7FFFFFFF  }
tec
execute0_lowered:
.L_overlay_start_1:
0x0: {  	(tag) =	ssettag $0x1  }
0x1: {  	s1 =	rddreg [dreg:$0x0]  }
0x2: {  	s0 =	rddreg [dreg:$0x1]  }
0x3: {  	s3 =	rddreg [dreg:$0x2];
	s2 =	srdreg.scid;
	s4 =	simm.s32 $0x0  }
0x4: {  	s5 =	stileid.u32;
	s18 =	simm.s32 $0x7;
	s19 =	simm.s32 $0x15A00  }
0x5: {  	s20 =	simm.s32 $0x16200;
	s21 =	simm.s32 $0x16A00;
	s22 =	simm.s32 $0x17200  }
0x6: {  	s9 =	simm.s32 $0x19A00;
	s10 =	simm.s32 $0x1A200;
	s15 =	simm.s32 $0x1  }
0x7: {  	s16 =	simm.s32 $0x2;
	s17 =	simm.s32 $0x3;
	s23 =	simm.s32 $0x4  }
0x8: {  	s24 =	simm.s32 $0x5;
	s28 =	simm.s32 $0x0;
	s2 =	sand.u32 $0x1, s2  }
0x9: {  	[smem:$0x7FF] =	sst s4;
	s5 =	sshll.u32 s5, $0xA;
	s11 =	sadd.s32 $0x100, s1  }
0xa: {  	s12 =	sadd.s32 $0x200, s1;
	s13 =	sadd.s32 $0x300, s1;
	s6 =	sshll.u32 s2, $0x9  }
0xb: {  	_ =	strace $0x80000047;
	s2 =	ssub.s32 $0x2, s2;
	s5 =	sor.u32 s6, s5  }
0xc: {  	s8 =	sshrl.u32 s2, $0x1;
	s6 =	sadd.s32 s5, s0;
	s7 =	sshll.u32 s5, $0x4  }
0xd: {  	s2 =	ssub.s32 s2, s8;
	s14 =	sshrl.u32 s5, $0x3;
	s25 =	sadd.s32 $0x41200, s6  }
0xe: {  	s5 =	simm.s32 $0x17A00;
	s26 =	sadd.s32 $0x41210, s6;
	[dreg:$0x4] =	wrdreg s25  }
0xf: {  	s8 =	simm.s32 $0x19200;
	s29 =	sadd.s32 $0x41220, s6;
	[dreg:$0x5] =	wrdreg s26  }
.Ltmp0:
0x10: {  	s30 =	sadd.s32 $0x41230, s6;
	[dreg:$0x6] =	wrdreg s29;
	(pc) =	sbr.rel .LBB2_1-.Ltmp0, $4  }
0x11: {  	s0 =	sadd.s32 s7, s0;
	s6 =	sadd.s32 $0x41240, s6;
	[dreg:$0x7] =	wrdreg s30  }
0x12: {  	v0 =	vlaneseq.u32;
	s31 =	smax.u32 s2, $0x1;
	s2 =	simm.s32 $0x15200;
	[dreg:$0x8] =	wrdreg s6  }
0x13: {  	v1 =	vshrl.u32 v0, $0x3;
	s7 =	simm.s32 $0x18A00;
	s0 =	sadd.s32 $0x1200, s0;
	[dreg:$0xa] =	wrdreg s31  }
0x14: {  	vm0 =	vmmov $0xffff;
	v0 =	vand.u32 $0x7, v0;
	v1 =	vmul.u32 $0x8, v1;
	s6 =	simm.s32 $0x18200;
	s25 =	simm.s32 $0x1AA00;
	[dreg:$0x9] =	wrdreg s0  }
.LBB2_21:
0x15: {  	s26 =	simm.s32 $0x6  }
0x16: {  	_ =	swait.ge [sflag:s26], $0x2000  }
0x17: {  	s28 =	rddreg [dreg:$0xb]  }
0x18: {  	s0 =	rddreg [dreg:$0xa];
	s28 =	sadd.s32 $0x1, s28  }
0x19: {  	p0 =	sne.s32 s28, s0  }
.Ltmp1:
0x1a: {  	_ = 	snop;
	(pc) =	sbr.rel @!p0 .LBB2_22-.Ltmp1, $3  }
0x1b: {  	_ =	sdelay $0x1  }
0x1c: {  	[sflag:s26] =	ssyncset.done $0x0  }
0x1d: {  	[sflag:s26] =	ssyncadd.s32 $0xFFFFE000  }
.LBB2_1:
0x1e: {  	[dreg:$0xb] =	wrdreg s28  }
0x1f: {  	s0 =	rddreg [dreg:$0x4];
	s26 =	simm.s32 $0x80;
	s28 =	simm.s32 $0x400  }
0x20: {  	[tilespmem:s4], [sflag:$0x7] =	stream.strided.gather [hbm4b:s0+s26], $0x200, s28, s26, $0x38;
	[tilespmem:$0x1CA00] =	vst v63  }
0x21: {  	_ =	swait.ge [sflag:s18], $0x200  }
0x22: {  	[sflag:s18] =	ssyncset.done $0x0  }
0x23: {  	s29 =	simm.s32 $0x200;
	s31 =	rddreg [dreg:$0x5];
	[sflag:s18] =	ssyncadd.s32 $0xFFFFFE00  }
0x24: {  	[tilespmem:s29], [sflag:$0x7] =	stream.strided.gather [hbm4b:s31+s26], $0x200, s28, s26, $0x38;
	[tilespmem:$0x1CA00] =	vst v63  }
0x25: {  	_ =	swait.ge [sflag:s18], $0x200  }
0x26: {  	[sflag:s18] =	ssyncset.done $0x0  }
0x27: {  	s29 =	rddreg [dreg:$0x6];
	[sflag:s18] =	ssyncadd.s32 $0xFFFFFE00  }
0x28: {  	[tilespmem:s28], [sflag:$0x7] =	stream.strided.gather [hbm4b:s29+s26], $0x200, s28, s26, $0x38;
	[tilespmem:$0x1CA00] =	vst v63  }
0x29: {  	_ =	swait.ge [sflag:s18], $0x200  }
0x2a: {  	[sflag:s18] =	ssyncset.done $0x0  }
0x2b: {  	s31 =	simm.s32 $0x600;
	s30 =	rddreg [dreg:$0x7];
	[sflag:s18] =	ssyncadd.s32 $0xFFFFFE00  }
0x2c: {  	[tilespmem:s31], [sflag:$0x7] =	stream.strided.gather [hbm4b:s30+s26], $0x200, s28, s26, $0x38;
	[tilespmem:$0x1CA00] =	vst v63  }
0x2d: {  	_ =	swait.ge [sflag:s18], $0x200  }
0x2e: {  	[sflag:s18] =	ssyncset.done $0x0  }
0x2f: {  	s31 =	simm.s32 $0x800;
	s30 =	rddreg [dreg:$0x8];
	[sflag:s18] =	ssyncadd.s32 $0xFFFFFE00  }
0x30: {  	[tilespmem:s31], [sflag:$0x7] =	stream.strided.gather [hbm4b:s30+s26], $0x200, s28, s26, $0x38;
	[tilespmem:$0x1CA00] =	vst v63  }
0x31: {  	_ =	swait.ge [sflag:s18], $0x200  }
0x32: {  	[sflag:s18] =	ssyncset.done $0x0  }
0x33: {  	s30 =	simm.s32 $0xA00;
	s29 =	rddreg [dreg:$0x9];
	[sflag:s18] =	ssyncadd.s32 $0xFFFFFE00  }
0x34: {  	[tilespmem:s30], [sflag:$0x7] =	stream.linear.gather [hbm4b:s29+s4], $0x10000, $0x38;
	[tilespmem:$0x1CA00] =	vst v63  }
0x35: {  	_ =	swait.ge [sflag:s18], $0x10000  }
0x36: {  	[sflag:s18] =	ssyncset.done $0x0  }
0x37: {  	[sflag:s18] =	ssyncadd.s32 $0xFFFF0000  }
0x38: {  	v2 =	vld.msk [tilespmem:$0x0], $0xff;
	_ =	sdelay $0x4  }
0x39: {  	v3 =	vshll.u32 v2, $0x3  }
0x3a: {  	v2 =	vand.u32 $0x7, v2;
	v3 =	vand.u32 $0xFFFFFFC0, v3  }
0x3b: {  	v2 =	vor.u32 v2, v3  }
0x3c: {  	v2 =	vperm.xlane v2, v0;
	_ =	sdelay $0x1  }
0x3d: {  	v2 =	vadd.s32 v1, v2;
	_ =	sdelay $0x3  }
0x3e: {  	s31 =	simm.s32 $0x10A00  }
0x3f: {  	[tilespmem:s31], [sflag:$0x1] =	stream.indirect_vreg.gather [hbm4b:s1+s4], $0x80, v2, vm0, $0xb8;
	[tilespmem:$0x1CA00] =	vst v63  }
0x40: {  	s26 =	simm.s32 $0x11200  }
0x41: {  	[tilespmem:s26], [sflag:$0x1] =	stream.indirect_vreg.gather [hbm4b:s11+s4], $0x80, v2, vm0, $0xb8;
	[tilespmem:$0x1CA00] =	vst v63  }
0x42: {  	s29 =	simm.s32 $0x11A00  }
0x43: {  	[tilespmem:s29], [sflag:$0x1] =	stream.indirect_vreg.gather [hbm4b:s12+s4], $0x80, v2, vm0, $0xb8;
	[tilespmem:$0x1CA00] =	vst v63  }
0x44: {  	s30 =	simm.s32 $0x12200  }
0x45: {  	[tilespmem:s30], [sflag:$0x1] =	stream.indirect_vreg.gather [hbm4b:s13+s4], $0x80, v2, vm0, $0xb8;
	[tilespmem:$0x1CA00] =	vst v63  }
0x46: {  	v2 =	vld.msk [tilespmem:$0x200], $0xff;
	_ =	sdelay $0x4  }
0x47: {  	v3 =	vshll.u32 v2, $0x3  }
0x48: {  	v2 =	vand.u32 $0x7, v2;
	v3 =	vand.u32 $0xFFFFFFC0, v3  }
0x49: {  	v2 =	vor.u32 v2, v3  }
0x4a: {  	v2 =	vperm.xlane v2, v0;
	_ =	sdelay $0x1  }
0x4b: {  	v2 =	vadd.s32 v1, v2;
	_ =	sdelay $0x3  }
0x4c: {  	s31 =	simm.s32 $0x12A00  }
0x4d: {  	[tilespmem:s31], [sflag:$0x2] =	stream.indirect_vreg.gather [hbm4b:s1+s4], $0x80, v2, vm0, $0xb8;
	[tilespmem:$0x1CA00] =	vst v63  }
0x4e: {  	s26 =	simm.s32 $0x13200  }
0x4f: {  	[tilespmem:s26], [sflag:$0x2] =	stream.indirect_vreg.gather [hbm4b:s11+s4], $0x80, v2, vm0, $0xb8;
	[tilespmem:$0x1CA00] =	vst v63  }
0x50: {  	s29 =	simm.s32 $0x13A00  }
0x51: {  	[tilespmem:s29], [sflag:$0x2] =	stream.indirect_vreg.gather [hbm4b:s12+s4], $0x80, v2, vm0, $0xb8;
	[tilespmem:$0x1CA00] =	vst v63  }
0x52: {  	s30 =	simm.s32 $0x14200  }
0x53: {  	[tilespmem:s30], [sflag:$0x2] =	stream.indirect_vreg.gather [hbm4b:s13+s4], $0x80, v2, vm0, $0xb8;
	[tilespmem:$0x1CA00] =	vst v63  }
0x54: {  	v2 =	vld.msk [tilespmem:$0x400], $0xff;
	_ =	sdelay $0x4  }
0x55: {  	v3 =	vshll.u32 v2, $0x3  }
0x56: {  	v2 =	vand.u32 $0x7, v2;
	v3 =	vand.u32 $0xFFFFFFC0, v3  }
0x57: {  	v2 =	vor.u32 v2, v3  }
0x58: {  	v2 =	vperm.xlane v2, v0;
	_ =	sdelay $0x1  }
0x59: {  	v2 =	vadd.s32 v1, v2;
	_ =	sdelay $0x3  }
0x5a: {  	s31 =	simm.s32 $0x14A00  }
0x5b: {  	[tilespmem:s31], [sflag:$0x3] =	stream.indirect_vreg.gather [hbm4b:s1+s4], $0x80, v2, vm0, $0xb8;
	[tilespmem:$0x1CA00] =	vst v63  }
0x5c: {  	_ = 	snop  }
0x5d: {  	[tilespmem:s2], [sflag:$0x3] =	stream.indirect_vreg.gather [hbm4b:s11+s4], $0x80, v2, vm0, $0xb8;
	[tilespmem:$0x1CA00] =	vst v63  }
0x5e: {  	_ = 	snop  }
0x5f: {  	[tilespmem:s19], [sflag:$0x3] =	stream.indirect_vreg.gather [hbm4b:s12+s4], $0x80, v2, vm0, $0xb8;
	[tilespmem:$0x1CA00] =	vst v63  }
0x60: {  	_ = 	snop  }
0x61: {  	[tilespmem:s20], [sflag:$0x3] =	stream.indirect_vreg.gather [hbm4b:s13+s4], $0x80, v2, vm0, $0xb8;
	[tilespmem:$0x1CA00] =	vst v63  }
0x62: {  	v2 =	vld.msk [tilespmem:$0x600], $0xff;
	_ =	sdelay $0x4  }
0x63: {  	v3 =	vshll.u32 v2, $0x3  }
0x64: {  	v2 =	vand.u32 $0x7, v2;
	v3 =	vand.u32 $0xFFFFFFC0, v3  }
0x65: {  	v2 =	vor.u32 v2, v3  }
0x66: {  	v2 =	vperm.xlane v2, v0;
	_ =	sdelay $0x1  }
0x67: {  	v2 =	vadd.s32 v1, v2;
	_ =	sdelay $0x4  }
0x68: {  	[tilespmem:s21], [sflag:$0x4] =	stream.indirect_vreg.gather [hbm4b:s1+s4], $0x80, v2, vm0, $0xb8;
	[tilespmem:$0x1CA00] =	vst v63  }
0x69: {  	_ = 	snop  }
0x6a: {  	[tilespmem:s22], [sflag:$0x4] =	stream.indirect_vreg.gather [hbm4b:s11+s4], $0x80, v2, vm0, $0xb8;
	[tilespmem:$0x1CA00] =	vst v63  }
0x6b: {  	_ = 	snop  }
0x6c: {  	[tilespmem:s5], [sflag:$0x4] =	stream.indirect_vreg.gather [hbm4b:s12+s4], $0x80, v2, vm0, $0xb8;
	[tilespmem:$0x1CA00] =	vst v63  }
0x6d: {  	_ = 	snop  }
0x6e: {  	[tilespmem:s6], [sflag:$0x4] =	stream.indirect_vreg.gather [hbm4b:s13+s4], $0x80, v2, vm0, $0xb8;
	[tilespmem:$0x1CA00] =	vst v63  }
0x6f: {  	v2 =	vld.msk [tilespmem:$0x800], $0xff;
	_ =	sdelay $0x4  }
0x70: {  	v3 =	vshll.u32 v2, $0x3  }
0x71: {  	v2 =	vand.u32 $0x7, v2;
	v3 =	vand.u32 $0xFFFFFFC0, v3  }
0x72: {  	v2 =	vor.u32 v2, v3  }
0x73: {  	v2 =	vperm.xlane v2, v0;
	_ =	sdelay $0x1  }
0x74: {  	v2 =	vadd.s32 v1, v2;
	_ =	sdelay $0x4  }
0x75: {  	[tilespmem:s7], [sflag:$0x5] =	stream.indirect_vreg.gather [hbm4b:s1+s4], $0x80, v2, vm0, $0xb8;
	[tilespmem:$0x1CA00] =	vst v63  }
0x76: {  	_ = 	snop  }
0x77: {  	[tilespmem:s8], [sflag:$0x5] =	stream.indirect_vreg.gather [hbm4b:s11+s4], $0x80, v2, vm0, $0xb8;
	[tilespmem:$0x1CA00] =	vst v63  }
.Ltmp2:
0x78: {  	_ = 	snop;
	(pc) =	sbr.rel .LBB2_2-.Ltmp2, $4  }
0x79: {  	_ = 	snop  }
0x7a: {  	[tilespmem:s9], [sflag:$0x5] =	stream.indirect_vreg.gather [hbm4b:s12+s4], $0x80, v2, vm0, $0xb8;
	[tilespmem:$0x1CA00] =	vst v63  }
0x7b: {  	s28 =	simm.s32 $0x0  }
0x7c: {  	[tilespmem:s10], [sflag:$0x5] =	stream.indirect_vreg.gather [hbm4b:s13+s4], $0x80, v2, vm0, $0xb8;
	[tilespmem:$0x1CA00] =	vst v63  }
.LBB2_20:
0x7d: {  	p0 =	sne.s32 s28, $0x40  }
.Ltmp3:
0x7e: {  	_ = 	snop;
	(pc) =	sbr.rel @!p0 .LBB2_21-.Ltmp3, $4  }
0x7f: {  	s0 =	sadd.s32 s14, s26  }
0x80: {  	s0 =	sshll.u32 s0, $0xA  }
0x81: {  	s0 =	sadd.s32 s3, s0  }
0x82: {  	[hbm4b:s0+s4] =	stream.linear.scatter [tilespmem:s25], [sflag:$0x6], $0x2000, $0x38;
	[tilespmem:$0x1CA00] =	vst v63  }
.LBB2_2:
0x83: {  	_ =	swait.ge [sflag:s15], $0x2000  }
0x84: {  	[sflag:s15] =	ssyncset.done $0x0  }
0x85: {  	[sflag:s15] =	ssyncadd.s32 $0xFFFFE000  }
0x86: {  	_ =	swait.ge [sflag:s16], $0x2000  }
0x87: {  	[sflag:s16] =	ssyncset.done $0x0  }
0x88: {  	[sflag:s16] =	ssyncadd.s32 $0xFFFFE000  }
0x89: {  	_ =	swait.ge [sflag:s17], $0x2000  }
0x8a: {  	[sflag:s17] =	ssyncset.done $0x0  }
0x8b: {  	[sflag:s17] =	ssyncadd.s32 $0xFFFFE000  }
0x8c: {  	_ =	swait.ge [sflag:s23], $0x2000  }
0x8d: {  	[sflag:s23] =	ssyncset.done $0x0  }
0x8e: {  	[sflag:s23] =	ssyncadd.s32 $0xFFFFE000  }
0x8f: {  	_ =	swait.ge [sflag:s24], $0x2000  }
0x90: {  	p0 =	seq.s32 s28, $0x0;
	[sflag:s24] =	ssyncset.done $0x0  }
0x91: {  	s26 =	smov.u32 s28;
	s28 =	simm.s32 @!p0 $0x6;
	[sflag:s24] =	ssyncadd.s32 $0xFFFFE000  }
0x92: {  	_ =	swait.ge @!p0 [sflag:s28], $0x2000  }
0x93: {  	s29 =	sshll.u32 s26, $0xA;
	[sflag:s28] =	ssyncset.done @!p0 $0x0  }
0x94: {  	[sflag:s28] =	ssyncadd.s32 @!p0 $0xFFFFE000;
	s28 =	sand.u32 $0x3FFFFC00, s29  }
0x95: {  	s29 =	simm.s32 $0x0;
	v2 =	vld [tilespmem:s28+$0xA00]  }
0x96: {  	v6 =	vld [tilespmem:s29+$0x10A70]  }
0x97: {  	v7 =	vld [tilespmem:s29+$0x12A70]  }
0x98: {  	v8 =	vld [tilespmem:s29+$0x10A00]  }
0x99: {  	v9 =	vld [tilespmem:s29+$0x14A70]  }
0x9a: {  	v10 =	vld [tilespmem:s29+$0x12A00]  }
0x9b: {  	v11 =	vld [tilespmem:s29+$0x16A70]  }
0x9c: {  	v12 =	vld [tilespmem:s29+$0x10A10]  }
0x9d: {  	v14 =	vld [tilespmem:s29+$0x18A70]  }
0x9e: {  	v15 =	vld [tilespmem:s29+$0x12A10]  }
0x9f: {  	v16 =	vld [tilespmem:s29+$0x12A20]  }
0xa0: {  	v17 =	vld [tilespmem:s29+$0x12A30]  }
0xa1: {  	v18 =	vld [tilespmem:s29+$0x12A40];
	v3 =	vbroadcast v2, $0x0;
	v4 =	vbroadcast v2, $0x1  }
0xa2: {  	v19 =	vld [tilespmem:s29+$0x12A50];
	v5 =	vbroadcast v2, $0x2  }
0xa3: {  	v20 =	vld [tilespmem:s29+$0x12A60];
	v13 =	vmul.f32 v6, v3;
	v7 =	vmul.f32 v7, v4  }
0xa4: {  	v21 =	vld [tilespmem:s29+$0x14A00]  }
0xa5: {  	v22 =	vld [tilespmem:s29+$0x14A10];
	v6 =	vbroadcast v2, $0x3;
	v9 =	vmul.f32 v9, v5;
	v7 =	vadd.f32 v7, v13  }
0xa6: {  	v23 =	vld [tilespmem:s29+$0x14A20]  }
0xa7: {  	v24 =	vld [tilespmem:s29+$0x14A30];
	v2 =	vbroadcast v2, $0x4;
	v7 =	vadd.f32 v9, v7;
	v9 =	vmul.f32 v11, v6  }
0xa8: {  	v13 =	vld [tilespmem:s29+$0x10A20]  }
0xa9: {  	v25 =	vld [tilespmem:s29+$0x14A40];
	v7 =	vadd.f32 v9, v7;
	v9 =	vmul.f32 v14, v2  }
0xaa: {  	v11 =	vld [tilespmem:s29+$0x10A30]  }
0xab: {  	v8 =	vmul.f32 v8, v3;
	v10 =	vmul.f32 v10, v4;
	v14 =	vld [tilespmem:s29+$0x10A40];
	v7 =	vadd.f32 v9, v7  }
0xac: {  	v12 =	vmul.f32 v12, v3;
	v15 =	vmul.f32 v15, v4;
	v9 =	vld [tilespmem:s29+$0x10A50]  }
0xad: {  	v16 =	vmul.f32 v16, v4;
	v13 =	vmul.f32 v13, v3;
	[tilespmem:s29+$0x1AA70] =	vst v7;
	v7 =	vld [tilespmem:s29+$0x10A60]  }
0xae: {  	v26 =	vld [tilespmem:s29+$0x14A50];
	v17 =	vmul.f32 v17, v4;
	v12 =	vadd.f32 v15, v12;
	v15 =	vmul.f32 v19, v4  }
0xaf: {  	v19 =	vld [tilespmem:s29+$0x16A00];
	v11 =	vmul.f32 v11, v3;
	v13 =	vadd.f32 v16, v13;
	v16 =	vmul.f32 v20, v4  }
0xb0: {  	v8 =	vadd.f32 v10, v8;
	v20 =	vld [tilespmem:s29+$0x16A10];
	v10 =	vmul.f32 v14, v3;
	v14 =	vmul.f32 v18, v4  }
0xb1: {  	v18 =	vld [tilespmem:s29+$0x14A60];
	v11 =	vadd.f32 v17, v11;
	v9 =	vmul.f32 v9, v3  }
0xb2: {  	v17 =	vld [tilespmem:s29+$0x16A20];
	v10 =	vadd.f32 v14, v10;
	v14 =	vmul.f32 v21, v5;
	v7 =	vmul.f32 v7, v3  }
0xb3: {  	v21 =	vmul.f32 v24, v5;
	v9 =	vadd.f32 v15, v9;
	v15 =	vmul.f32 v22, v5;
	v22 =	vld [tilespmem:s29+$0x16A40]  }
0xb4: {  	v8 =	vadd.f32 v14, v8;
	v14 =	vmul.f32 v23, v5;
	v7 =	vadd.f32 v16, v7;
	v16 =	vld [tilespmem:s29+$0x16A30]  }
0xb5: {  	v61 =	vld [tilespmem:s29+$0x16A50];
	v23 =	vmul.f32 v26, v5;
	v15 =	vadd.f32 v15, v12;
	v12 =	vmul.f32 v25, v5  }
0xb6: {  	v21 =	vadd.f32 v21, v11;
	v11 =	vmul.f32 v18, v5;
	v18 =	vld [tilespmem:s29+$0x16A60];
	v62 =	vadd.f32 v14, v13  }
0xb7: {  	v9 =	vadd.f32 v23, v9;
	v23 =	vld [tilespmem:s29+$0x18A00];
	v63 =	vadd.f32 v12, v10;
	v10 =	vmul.f32 v19, v6  }
0xb8: {  	v13 =	vmul.f32 v20, v6;
	v7 =	vadd.f32 v11, v7;
	v11 =	vmul.f32 v17, v6;
	v17 =	vld [tilespmem:s29+$0x18A10]  }
0xb9: {  	v14 =	vld [tilespmem:s29+$0x18A20];
	v12 =	vadd.f32 v10, v8;
	v8 =	vmul.f32 v16, v6;
	v16 =	vmul.f32 v22, v6  }
0xba: {  	v13 =	vadd.f32 v13, v15;
	v15 =	vld [tilespmem:s29+$0x18A30];
	v22 =	vmul.f32 v61, v6  }
0xbb: {  	v19 =	vmul.f32 v18, v6;
	v10 =	vadd.f32 v8, v21;
	v8 =	vadd.f32 v16, v63;
	v16 =	vld [tilespmem:s29+$0x18A40]  }
0xbc: {  	s30 =	simm.s32 $0x0;
	s31 =	simm.s32 $0x1000;
	v11 =	vadd.f32 v11, v62;
	v18 =	vld [tilespmem:s29+$0x18A50];
	v20 =	vmul.f32 v23, v2;
	v9 =	vadd.f32 v22, v9  }
.LBB2_3:
0xbd: {  	s0 =	sshra.s32 s31, $0x2;
	v17 =	vmul.f32 v17, v2;
	v7 =	vadd.f32 v19, v7;
	v19 =	vld [tilespmem:s29+$0x18A60]  }
0xbe: {  	s30 =	sadd.s32 $0x8, s30;
	v21 =	vld [tilespmem:s0+$0x10A70];
	v12 =	vadd.f32 v20, v12;
	v14 =	vmul.f32 v14, v2  }
0xbf: {  	p0 =	slt.u32 s30, $0x38;
	v20 =	vld [tilespmem:s0+$0x12A70];
	v13 =	vadd.f32 v17, v13;
	v15 =	vmul.f32 v15, v2  }
0xc0: {  	v17 =	vld [tilespmem:s0+$0x10A00];
	[tilespmem:s29+$0x1AA00] =	vst v12;
	v11 =	vadd.f32 v14, v11;
	v12 =	vmul.f32 v16, v2  }
0xc1: {  	v14 =	vld [tilespmem:s0+$0x14A70];
	[tilespmem:s29+$0x1AA10] =	vst v13;
	v10 =	vadd.f32 v15, v10;
	v13 =	vmul.f32 v18, v2  }
0xc2: {  	v15 =	vld [tilespmem:s0+$0x12A00];
	[tilespmem:s29+$0x1AA20] =	vst v11;
	v8 =	vadd.f32 v12, v8;
	v11 =	vmul.f32 v19, v2  }
0xc3: {  	v12 =	vld [tilespmem:s0+$0x16A70];
	[tilespmem:s29+$0x1AA30] =	vst v10;
	v9 =	vadd.f32 v13, v9  }
0xc4: {  	v13 =	vmul.f32 v21, v3;
	v10 =	vld [tilespmem:s0+$0x10A10];
	v16 =	vmul.f32 v20, v4;
	[tilespmem:s29+$0x1AA40] =	vst v8;
	v7 =	vadd.f32 v11, v7  }
0xc5: {  	v8 =	vmul.f32 v17, v3;
	v11 =	vld [tilespmem:s0+$0x18A70];
	[tilespmem:s29+$0x1AA50] =	vst v9  }
0xc6: {  	v9 =	vld [tilespmem:s0+$0x12A10];
	v13 =	vadd.f32 v16, v13;
	v14 =	vmul.f32 v14, v5;
	[tilespmem:s29+$0x1AA60] =	vst v7;
	s29 =	smov.u32 s0  }
0xc7: {  	v7 =	vmul.f32 v15, v4;
	v15 =	vld [tilespmem:s29+$0x10A20]  }
0xc8: {  	v16 =	vld [tilespmem:s29+$0x12A20];
	v13 =	vadd.f32 v14, v13;
	v12 =	vmul.f32 v12, v6  }
0xc9: {  	v7 =	vadd.f32 v7, v8;
	v8 =	vmul.f32 v10, v3;
	v10 =	vld [tilespmem:s29+$0x10A30]  }
0xca: {  	v14 =	vld [tilespmem:s29+$0x12A30];
	v12 =	vadd.f32 v12, v13;
	v11 =	vmul.f32 v11, v2  }
0xcb: {  	v9 =	vmul.f32 v9, v4;
	v13 =	vld [tilespmem:s29+$0x10A40]  }
0xcc: {  	v15 =	vmul.f32 v15, v3;
	v17 =	vld [tilespmem:s29+$0x12A40];
	v11 =	vadd.f32 v11, v12  }
0xcd: {  	v8 =	vadd.f32 v9, v8;
	v9 =	vmul.f32 v16, v4;
	v12 =	vld [tilespmem:s29+$0x10A50]  }
0xce: {  	v10 =	vmul.f32 v10, v3;
	v16 =	vld [tilespmem:s29+$0x12A50];
	[tilespmem:s29+$0x1AA70] =	vst v11  }
0xcf: {  	v9 =	vadd.f32 v9, v15;
	v11 =	vmul.f32 v14, v4;
	v14 =	vld [tilespmem:s29+$0x10A60]  }
0xd0: {  	v13 =	vmul.f32 v13, v3;
	v15 =	vld [tilespmem:s29+$0x12A60]  }
0xd1: {  	v18 =	vld [tilespmem:s29+$0x14A00];
	v10 =	vadd.f32 v11, v10;
	v11 =	vmul.f32 v17, v4  }
0xd2: {  	v17 =	vld [tilespmem:s29+$0x14A10];
	v12 =	vmul.f32 v12, v3  }
0xd3: {  	v19 =	vld [tilespmem:s29+$0x14A20];
	v11 =	vadd.f32 v11, v13;
	v13 =	vmul.f32 v16, v4  }
0xd4: {  	v16 =	vld [tilespmem:s29+$0x14A30];
	v14 =	vmul.f32 v14, v3  }
0xd5: {  	v20 =	vld [tilespmem:s29+$0x14A40];
	v12 =	vadd.f32 v13, v12;
	v13 =	vmul.f32 v15, v4  }
0xd6: {  	v15 =	vmul.f32 v18, v5;
	v18 =	vld [tilespmem:s29+$0x14A50]  }
0xd7: {  	v17 =	vmul.f32 v17, v5;
	v13 =	vadd.f32 v13, v14;
	v14 =	vld [tilespmem:s29+$0x14A60]  }
0xd8: {  	v15 =	vadd.f32 v15, v7;
	v7 =	vld [tilespmem:s29+$0x16A00];
	v19 =	vmul.f32 v19, v5  }
0xd9: {  	v8 =	vadd.f32 v17, v8;
	v17 =	vld [tilespmem:s29+$0x16A10];
	v16 =	vmul.f32 v16, v5  }
0xda: {  	v9 =	vadd.f32 v19, v9;
	v19 =	vld [tilespmem:s29+$0x16A20];
	v20 =	vmul.f32 v20, v5  }
0xdb: {  	v10 =	vadd.f32 v16, v10;
	v16 =	vld [tilespmem:s29+$0x16A30];
	v18 =	vmul.f32 v18, v5  }
0xdc: {  	v20 =	vadd.f32 v20, v11;
	v21 =	vld [tilespmem:s29+$0x16A40];
	v11 =	vmul.f32 v14, v5  }
0xdd: {  	v14 =	vmul.f32 v7, v6;
	v18 =	vadd.f32 v18, v12;
	v22 =	vld [tilespmem:s29+$0x16A50]  }
0xde: {  	v17 =	vmul.f32 v17, v6;
	v7 =	vadd.f32 v11, v13;
	v23 =	vld [tilespmem:s29+$0x16A60]  }
0xdf: {  	v12 =	vadd.f32 v14, v15;
	v24 =	vld [tilespmem:s29+$0x18A00];
	v11 =	vmul.f32 v19, v6  }
.Ltmp4:
0xe0: {  	v13 =	vadd.f32 v17, v8;
	v17 =	vld [tilespmem:s29+$0x18A10];
	v8 =	vmul.f32 v16, v6;
	(pc) =	sbr.rel @p0 .LBB2_3-.Ltmp4, $4  }
0xe1: {  	v11 =	vadd.f32 v11, v9;
	v14 =	vld [tilespmem:s29+$0x18A20];
	v9 =	vmul.f32 v21, v6  }
0xe2: {  	v10 =	vadd.f32 v8, v10;
	v15 =	vld [tilespmem:s29+$0x18A30];
	v21 =	vmul.f32 v22, v6  }
0xe3: {  	v8 =	vadd.f32 v9, v20;
	v16 =	vld [tilespmem:s29+$0x18A40];
	v19 =	vmul.f32 v23, v6  }
0xe4: {  	s31 =	sadd.s32 $0x1000, s31;
	v20 =	vmul.f32 v24, v2;
	v9 =	vadd.f32 v21, v18;
	v18 =	vld [tilespmem:s29+$0x18A50]  }
0xe5: {  	v3 =	vmul.f32 v17, v2;
	v4 =	vld [tilespmem:s29+$0x18A60]  }
0xe6: {  	v5 =	vadd.f32 v20, v12;
	v6 =	vmul.f32 v14, v2  }
0xe7: {  	v3 =	vadd.f32 v3, v13;
	v12 =	vmul.f32 v15, v2  }
0xe8: {  	[tilespmem:s29+$0x1AA00] =	vst v5;
	v5 =	vadd.f32 v6, v11;
	v6 =	vmul.f32 v16, v2  }
0xe9: {  	[tilespmem:s29+$0x1AA10] =	vst v3;
	v3 =	vadd.f32 v12, v10;
	v10 =	vmul.f32 v18, v2  }
0xea: {  	v7 =	vadd.f32 v19, v7;
	[tilespmem:s29+$0x1AA20] =	vst v5;
	v5 =	vadd.f32 v6, v8;
	v2 =	vmul.f32 v4, v2  }
0xeb: {  	[tilespmem:s29+$0x1AA30] =	vst v3;
	v3 =	vadd.f32 v10, v9  }
0xec: {  	[tilespmem:s29+$0x1AA40] =	vst v5;
	v2 =	vadd.f32 v2, v7  }
0xed: {  	[tilespmem:s29+$0x1AA50] =	vst v3  }
0xee: {  	[tilespmem:s29+$0x1AA60] =	vst v2  }
0xef: {  	s29 =	simm.s32 $0x0;
	v2 =	vld [tilespmem:s28+$0xA80]  }
0xf0: {  	v6 =	vld [tilespmem:s29+$0x10AF0]  }
0xf1: {  	v7 =	vld [tilespmem:s29+$0x12AF0]  }
0xf2: {  	v8 =	vld [tilespmem:s29+$0x10A80]  }
0xf3: {  	v9 =	vld [tilespmem:s29+$0x14AF0]  }
0xf4: {  	v10 =	vld [tilespmem:s29+$0x12A80]  }
0xf5: {  	v11 =	vld [tilespmem:s29+$0x16AF0]  }
0xf6: {  	v12 =	vld [tilespmem:s29+$0x10A90]  }
0xf7: {  	v14 =	vld [tilespmem:s29+$0x18AF0]  }
0xf8: {  	v15 =	vld [tilespmem:s29+$0x12A90]  }
0xf9: {  	v16 =	vld [tilespmem:s29+$0x12AA0]  }
0xfa: {  	v17 =	vld [tilespmem:s29+$0x12AB0]  }
0xfb: {  	v18 =	vld [tilespmem:s29+$0x12AC0];
	v3 =	vbroadcast v2, $0x0;
	v4 =	vbroadcast v2, $0x1  }
0xfc: {  	v19 =	vld [tilespmem:s29+$0x12AD0];
	v5 =	vbroadcast v2, $0x2  }
0xfd: {  	v20 =	vld [tilespmem:s29+$0x12AE0];
	v13 =	vmul.f32 v6, v3;
	v7 =	vmul.f32 v7, v4  }
0xfe: {  	v21 =	vld [tilespmem:s29+$0x14A80]  }
0xff: {  	v22 =	vld [tilespmem:s29+$0x14A90];
	v6 =	vbroadcast v2, $0x3;
	v9 =	vmul.f32 v9, v5;
	v7 =	vadd.f32 v7, v13  }
0x100: {  	v23 =	vld [tilespmem:s29+$0x14AA0]  }
0x101: {  	v24 =	vld [tilespmem:s29+$0x14AB0];
	v2 =	vbroadcast v2, $0x4;
	v7 =	vadd.f32 v9, v7;
	v9 =	vmul.f32 v11, v6  }
0x102: {  	v13 =	vld [tilespmem:s29+$0x10AA0]  }
0x103: {  	v25 =	vld [tilespmem:s29+$0x14AC0];
	v7 =	vadd.f32 v9, v7;
	v9 =	vmul.f32 v14, v2  }
0x104: {  	v11 =	vld [tilespmem:s29+$0x10AB0]  }
0x105: {  	v8 =	vmul.f32 v8, v3;
	v10 =	vmul.f32 v10, v4;
	v14 =	vld [tilespmem:s29+$0x10AC0];
	v7 =	vadd.f32 v9, v7  }
0x106: {  	v12 =	vmul.f32 v12, v3;
	v15 =	vmul.f32 v15, v4;
	v9 =	vld [tilespmem:s29+$0x10AD0]  }
0x107: {  	v16 =	vmul.f32 v16, v4;
	v13 =	vmul.f32 v13, v3;
	[tilespmem:s29+$0x1AAF0] =	vst v7;
	v7 =	vld [tilespmem:s29+$0x10AE0]  }
0x108: {  	v26 =	vld [tilespmem:s29+$0x14AD0];
	v17 =	vmul.f32 v17, v4;
	v12 =	vadd.f32 v15, v12;
	v15 =	vmul.f32 v19, v4  }
0x109: {  	v19 =	vld [tilespmem:s29+$0x16A80];
	v11 =	vmul.f32 v11, v3;
	v13 =	vadd.f32 v16, v13;
	v16 =	vmul.f32 v20, v4  }
0x10a: {  	v8 =	vadd.f32 v10, v8;
	v20 =	vld [tilespmem:s29+$0x16A90];
	v10 =	vmul.f32 v14, v3;
	v14 =	vmul.f32 v18, v4  }
0x10b: {  	v18 =	vld [tilespmem:s29+$0x14AE0];
	v11 =	vadd.f32 v17, v11;
	v9 =	vmul.f32 v9, v3  }
0x10c: {  	v17 =	vld [tilespmem:s29+$0x16AA0];
	v10 =	vadd.f32 v14, v10;
	v14 =	vmul.f32 v21, v5;
	v7 =	vmul.f32 v7, v3  }
0x10d: {  	v21 =	vmul.f32 v24, v5;
	v9 =	vadd.f32 v15, v9;
	v15 =	vmul.f32 v22, v5;
	v22 =	vld [tilespmem:s29+$0x16AC0]  }
0x10e: {  	v8 =	vadd.f32 v14, v8;
	v14 =	vmul.f32 v23, v5;
	v7 =	vadd.f32 v16, v7;
	v16 =	vld [tilespmem:s29+$0x16AB0]  }
0x10f: {  	v61 =	vld [tilespmem:s29+$0x16AD0];
	v23 =	vmul.f32 v26, v5;
	v15 =	vadd.f32 v15, v12;
	v12 =	vmul.f32 v25, v5  }
0x110: {  	v21 =	vadd.f32 v21, v11;
	v11 =	vmul.f32 v18, v5;
	v18 =	vld [tilespmem:s29+$0x16AE0];
	v62 =	vadd.f32 v14, v13  }
0x111: {  	v9 =	vadd.f32 v23, v9;
	v23 =	vld [tilespmem:s29+$0x18A80];
	v63 =	vadd.f32 v12, v10;
	v10 =	vmul.f32 v19, v6  }
0x112: {  	v13 =	vmul.f32 v20, v6;
	v7 =	vadd.f32 v11, v7;
	v11 =	vmul.f32 v17, v6;
	v17 =	vld [tilespmem:s29+$0x18A90]  }
0x113: {  	v14 =	vld [tilespmem:s29+$0x18AA0];
	v12 =	vadd.f32 v10, v8;
	v8 =	vmul.f32 v16, v6;
	v16 =	vmul.f32 v22, v6  }
0x114: {  	v13 =	vadd.f32 v13, v15;
	v15 =	vld [tilespmem:s29+$0x18AB0];
	v22 =	vmul.f32 v61, v6  }
0x115: {  	v19 =	vmul.f32 v18, v6;
	v10 =	vadd.f32 v8, v21;
	v8 =	vadd.f32 v16, v63;
	v16 =	vld [tilespmem:s29+$0x18AC0]  }
0x116: {  	s30 =	simm.s32 $0x0;
	s31 =	simm.s32 $0x1000;
	v11 =	vadd.f32 v11, v62;
	v18 =	vld [tilespmem:s29+$0x18AD0];
	v20 =	vmul.f32 v23, v2;
	v9 =	vadd.f32 v22, v9  }
.LBB2_5:
0x117: {  	s0 =	sshra.s32 s31, $0x2;
	v17 =	vmul.f32 v17, v2;
	v7 =	vadd.f32 v19, v7;
	v19 =	vld [tilespmem:s29+$0x18AE0]  }
0x118: {  	s30 =	sadd.s32 $0x8, s30;
	v21 =	vld [tilespmem:s0+$0x10AF0];
	v12 =	vadd.f32 v20, v12;
	v14 =	vmul.f32 v14, v2  }
0x119: {  	p0 =	slt.u32 s30, $0x38;
	v20 =	vld [tilespmem:s0+$0x12AF0];
	v13 =	vadd.f32 v17, v13;
	v15 =	vmul.f32 v15, v2  }
0x11a: {  	v17 =	vld [tilespmem:s0+$0x10A80];
	[tilespmem:s29+$0x1AA80] =	vst v12;
	v11 =	vadd.f32 v14, v11;
	v12 =	vmul.f32 v16, v2  }
0x11b: {  	v14 =	vld [tilespmem:s0+$0x14AF0];
	[tilespmem:s29+$0x1AA90] =	vst v13;
	v10 =	vadd.f32 v15, v10;
	v13 =	vmul.f32 v18, v2  }
0x11c: {  	v15 =	vld [tilespmem:s0+$0x12A80];
	[tilespmem:s29+$0x1AAA0] =	vst v11;
	v8 =	vadd.f32 v12, v8;
	v11 =	vmul.f32 v19, v2  }
0x11d: {  	v12 =	vld [tilespmem:s0+$0x16AF0];
	[tilespmem:s29+$0x1AAB0] =	vst v10;
	v9 =	vadd.f32 v13, v9  }
0x11e: {  	v13 =	vmul.f32 v21, v3;
	v10 =	vld [tilespmem:s0+$0x10A90];
	v16 =	vmul.f32 v20, v4;
	[tilespmem:s29+$0x1AAC0] =	vst v8;
	v7 =	vadd.f32 v11, v7  }
0x11f: {  	v8 =	vmul.f32 v17, v3;
	v11 =	vld [tilespmem:s0+$0x18AF0];
	[tilespmem:s29+$0x1AAD0] =	vst v9  }
0x120: {  	v9 =	vld [tilespmem:s0+$0x12A90];
	v13 =	vadd.f32 v16, v13;
	v14 =	vmul.f32 v14, v5;
	[tilespmem:s29+$0x1AAE0] =	vst v7;
	s29 =	smov.u32 s0  }
0x121: {  	v7 =	vmul.f32 v15, v4;
	v15 =	vld [tilespmem:s29+$0x10AA0]  }
0x122: {  	v16 =	vld [tilespmem:s29+$0x12AA0];
	v13 =	vadd.f32 v14, v13;
	v12 =	vmul.f32 v12, v6  }
0x123: {  	v7 =	vadd.f32 v7, v8;
	v8 =	vmul.f32 v10, v3;
	v10 =	vld [tilespmem:s29+$0x10AB0]  }
0x124: {  	v14 =	vld [tilespmem:s29+$0x12AB0];
	v12 =	vadd.f32 v12, v13;
	v11 =	vmul.f32 v11, v2  }
0x125: {  	v9 =	vmul.f32 v9, v4;
	v13 =	vld [tilespmem:s29+$0x10AC0]  }
0x126: {  	v15 =	vmul.f32 v15, v3;
	v17 =	vld [tilespmem:s29+$0x12AC0];
	v11 =	vadd.f32 v11, v12  }
0x127: {  	v8 =	vadd.f32 v9, v8;
	v9 =	vmul.f32 v16, v4;
	v12 =	vld [tilespmem:s29+$0x10AD0]  }
0x128: {  	v10 =	vmul.f32 v10, v3;
	v16 =	vld [tilespmem:s29+$0x12AD0];
	[tilespmem:s29+$0x1AAF0] =	vst v11  }
0x129: {  	v9 =	vadd.f32 v9, v15;
	v11 =	vmul.f32 v14, v4;
	v14 =	vld [tilespmem:s29+$0x10AE0]  }
0x12a: {  	v13 =	vmul.f32 v13, v3;
	v15 =	vld [tilespmem:s29+$0x12AE0]  }
0x12b: {  	v18 =	vld [tilespmem:s29+$0x14A80];
	v10 =	vadd.f32 v11, v10;
	v11 =	vmul.f32 v17, v4  }
0x12c: {  	v17 =	vld [tilespmem:s29+$0x14A90];
	v12 =	vmul.f32 v12, v3  }
0x12d: {  	v19 =	vld [tilespmem:s29+$0x14AA0];
	v11 =	vadd.f32 v11, v13;
	v13 =	vmul.f32 v16, v4  }
0x12e: {  	v16 =	vld [tilespmem:s29+$0x14AB0];
	v14 =	vmul.f32 v14, v3  }
0x12f: {  	v20 =	vld [tilespmem:s29+$0x14AC0];
	v12 =	vadd.f32 v13, v12;
	v13 =	vmul.f32 v15, v4  }
0x130: {  	v15 =	vmul.f32 v18, v5;
	v18 =	vld [tilespmem:s29+$0x14AD0]  }
0x131: {  	v17 =	vmul.f32 v17, v5;
	v13 =	vadd.f32 v13, v14;
	v14 =	vld [tilespmem:s29+$0x14AE0]  }
0x132: {  	v15 =	vadd.f32 v15, v7;
	v7 =	vld [tilespmem:s29+$0x16A80];
	v19 =	vmul.f32 v19, v5  }
0x133: {  	v8 =	vadd.f32 v17, v8;
	v17 =	vld [tilespmem:s29+$0x16A90];
	v16 =	vmul.f32 v16, v5  }
0x134: {  	v9 =	vadd.f32 v19, v9;
	v19 =	vld [tilespmem:s29+$0x16AA0];
	v20 =	vmul.f32 v20, v5  }
0x135: {  	v10 =	vadd.f32 v16, v10;
	v16 =	vld [tilespmem:s29+$0x16AB0];
	v18 =	vmul.f32 v18, v5  }
0x136: {  	v20 =	vadd.f32 v20, v11;
	v21 =	vld [tilespmem:s29+$0x16AC0];
	v11 =	vmul.f32 v14, v5  }
0x137: {  	v14 =	vmul.f32 v7, v6;
	v18 =	vadd.f32 v18, v12;
	v22 =	vld [tilespmem:s29+$0x16AD0]  }
0x138: {  	v17 =	vmul.f32 v17, v6;
	v7 =	vadd.f32 v11, v13;
	v23 =	vld [tilespmem:s29+$0x16AE0]  }
0x139: {  	v12 =	vadd.f32 v14, v15;
	v24 =	vld [tilespmem:s29+$0x18A80];
	v11 =	vmul.f32 v19, v6  }
.Ltmp5:
0x13a: {  	v13 =	vadd.f32 v17, v8;
	v17 =	vld [tilespmem:s29+$0x18A90];
	v8 =	vmul.f32 v16, v6;
	(pc) =	sbr.rel @p0 .LBB2_5-.Ltmp5, $4  }
0x13b: {  	v11 =	vadd.f32 v11, v9;
	v14 =	vld [tilespmem:s29+$0x18AA0];
	v9 =	vmul.f32 v21, v6  }
0x13c: {  	v10 =	vadd.f32 v8, v10;
	v15 =	vld [tilespmem:s29+$0x18AB0];
	v21 =	vmul.f32 v22, v6  }
0x13d: {  	v8 =	vadd.f32 v9, v20;
	v16 =	vld [tilespmem:s29+$0x18AC0];
	v19 =	vmul.f32 v23, v6  }
0x13e: {  	s31 =	sadd.s32 $0x1000, s31;
	v20 =	vmul.f32 v24, v2;
	v9 =	vadd.f32 v21, v18;
	v18 =	vld [tilespmem:s29+$0x18AD0]  }
0x13f: {  	v3 =	vmul.f32 v17, v2;
	v4 =	vld [tilespmem:s29+$0x18AE0]  }
0x140: {  	v5 =	vadd.f32 v20, v12;
	v6 =	vmul.f32 v14, v2  }
0x141: {  	v3 =	vadd.f32 v3, v13;
	v12 =	vmul.f32 v15, v2  }
0x142: {  	[tilespmem:s29+$0x1AA80] =	vst v5;
	v5 =	vadd.f32 v6, v11;
	v6 =	vmul.f32 v16, v2  }
0x143: {  	[tilespmem:s29+$0x1AA90] =	vst v3;
	v3 =	vadd.f32 v12, v10;
	v10 =	vmul.f32 v18, v2  }
0x144: {  	v7 =	vadd.f32 v19, v7;
	[tilespmem:s29+$0x1AAA0] =	vst v5;
	v5 =	vadd.f32 v6, v8;
	v2 =	vmul.f32 v4, v2  }
0x145: {  	[tilespmem:s29+$0x1AAB0] =	vst v3;
	v3 =	vadd.f32 v10, v9  }
0x146: {  	[tilespmem:s29+$0x1AAC0] =	vst v5;
	v2 =	vadd.f32 v2, v7  }
0x147: {  	[tilespmem:s29+$0x1AAD0] =	vst v3  }
0x148: {  	[tilespmem:s29+$0x1AAE0] =	vst v2  }
0x149: {  	s29 =	simm.s32 $0x0;
	v2 =	vld [tilespmem:s28+$0xB00]  }
0x14a: {  	v6 =	vld [tilespmem:s29+$0x10B70]  }
0x14b: {  	v7 =	vld [tilespmem:s29+$0x12B70]  }
0x14c: {  	v8 =	vld [tilespmem:s29+$0x10B00]  }
0x14d: {  	v9 =	vld [tilespmem:s29+$0x14B70]  }
0x14e: {  	v10 =	vld [tilespmem:s29+$0x12B00]  }
0x14f: {  	v11 =	vld [tilespmem:s29+$0x16B70]  }
0x150: {  	v12 =	vld [tilespmem:s29+$0x10B10]  }
0x151: {  	v14 =	vld [tilespmem:s29+$0x18B70]  }
0x152: {  	v15 =	vld [tilespmem:s29+$0x12B10]  }
0x153: {  	v16 =	vld [tilespmem:s29+$0x12B20]  }
0x154: {  	v17 =	vld [tilespmem:s29+$0x12B30]  }
0x155: {  	v18 =	vld [tilespmem:s29+$0x12B40];
	v3 =	vbroadcast v2, $0x0;
	v4 =	vbroadcast v2, $0x1  }
0x156: {  	v19 =	vld [tilespmem:s29+$0x12B50];
	v5 =	vbroadcast v2, $0x2  }
0x157: {  	v20 =	vld [tilespmem:s29+$0x12B60];
	v13 =	vmul.f32 v6, v3;
	v7 =	vmul.f32 v7, v4  }
0x158: {  	v21 =	vld [tilespmem:s29+$0x14B00]  }
0x159: {  	v22 =	vld [tilespmem:s29+$0x14B10];
	v6 =	vbroadcast v2, $0x3;
	v9 =	vmul.f32 v9, v5;
	v7 =	vadd.f32 v7, v13  }
0x15a: {  	v23 =	vld [tilespmem:s29+$0x14B20]  }
0x15b: {  	v24 =	vld [tilespmem:s29+$0x14B30];
	v2 =	vbroadcast v2, $0x4;
	v7 =	vadd.f32 v9, v7;
	v9 =	vmul.f32 v11, v6  }
0x15c: {  	v13 =	vld [tilespmem:s29+$0x10B20]  }
0x15d: {  	v25 =	vld [tilespmem:s29+$0x14B40];
	v7 =	vadd.f32 v9, v7;
	v9 =	vmul.f32 v14, v2  }
0x15e: {  	v11 =	vld [tilespmem:s29+$0x10B30]  }
0x15f: {  	v8 =	vmul.f32 v8, v3;
	v10 =	vmul.f32 v10, v4;
	v14 =	vld [tilespmem:s29+$0x10B40];
	v7 =	vadd.f32 v9, v7  }
0x160: {  	v12 =	vmul.f32 v12, v3;
	v15 =	vmul.f32 v15, v4;
	v9 =	vld [tilespmem:s29+$0x10B50]  }
0x161: {  	v16 =	vmul.f32 v16, v4;
	v13 =	vmul.f32 v13, v3;
	[tilespmem:s29+$0x1AB70] =	vst v7;
	v7 =	vld [tilespmem:s29+$0x10B60]  }
0x162: {  	v26 =	vld [tilespmem:s29+$0x14B50];
	v17 =	vmul.f32 v17, v4;
	v12 =	vadd.f32 v15, v12;
	v15 =	vmul.f32 v19, v4  }
0x163: {  	v19 =	vld [tilespmem:s29+$0x16B00];
	v11 =	vmul.f32 v11, v3;
	v13 =	vadd.f32 v16, v13;
	v16 =	vmul.f32 v20, v4  }
0x164: {  	v8 =	vadd.f32 v10, v8;
	v20 =	vld [tilespmem:s29+$0x16B10];
	v10 =	vmul.f32 v14, v3;
	v14 =	vmul.f32 v18, v4  }
0x165: {  	v18 =	vld [tilespmem:s29+$0x14B60];
	v11 =	vadd.f32 v17, v11;
	v9 =	vmul.f32 v9, v3  }
0x166: {  	v17 =	vld [tilespmem:s29+$0x16B20];
	v10 =	vadd.f32 v14, v10;
	v14 =	vmul.f32 v21, v5;
	v7 =	vmul.f32 v7, v3  }
0x167: {  	v21 =	vmul.f32 v24, v5;
	v9 =	vadd.f32 v15, v9;
	v15 =	vmul.f32 v22, v5;
	v22 =	vld [tilespmem:s29+$0x16B40]  }
0x168: {  	v8 =	vadd.f32 v14, v8;
	v14 =	vmul.f32 v23, v5;
	v7 =	vadd.f32 v16, v7;
	v16 =	vld [tilespmem:s29+$0x16B30]  }
0x169: {  	v61 =	vld [tilespmem:s29+$0x16B50];
	v23 =	vmul.f32 v26, v5;
	v15 =	vadd.f32 v15, v12;
	v12 =	vmul.f32 v25, v5  }
0x16a: {  	v21 =	vadd.f32 v21, v11;
	v11 =	vmul.f32 v18, v5;
	v18 =	vld [tilespmem:s29+$0x16B60];
	v62 =	vadd.f32 v14, v13  }
0x16b: {  	v9 =	vadd.f32 v23, v9;
	v23 =	vld [tilespmem:s29+$0x18B00];
	v63 =	vadd.f32 v12, v10;
	v10 =	vmul.f32 v19, v6  }
0x16c: {  	v13 =	vmul.f32 v20, v6;
	v7 =	vadd.f32 v11, v7;
	v11 =	vmul.f32 v17, v6;
	v17 =	vld [tilespmem:s29+$0x18B10]  }
0x16d: {  	v14 =	vld [tilespmem:s29+$0x18B20];
	v12 =	vadd.f32 v10, v8;
	v8 =	vmul.f32 v16, v6;
	v16 =	vmul.f32 v22, v6  }
0x16e: {  	v13 =	vadd.f32 v13, v15;
	v15 =	vld [tilespmem:s29+$0x18B30];
	v22 =	vmul.f32 v61, v6  }
0x16f: {  	v19 =	vmul.f32 v18, v6;
	v10 =	vadd.f32 v8, v21;
	v8 =	vadd.f32 v16, v63;
	v16 =	vld [tilespmem:s29+$0x18B40]  }
0x170: {  	s30 =	simm.s32 $0x0;
	s31 =	simm.s32 $0x1000;
	v11 =	vadd.f32 v11, v62;
	v18 =	vld [tilespmem:s29+$0x18B50];
	v20 =	vmul.f32 v23, v2;
	v9 =	vadd.f32 v22, v9  }
.LBB2_7:
0x171: {  	s0 =	sshra.s32 s31, $0x2;
	v17 =	vmul.f32 v17, v2;
	v7 =	vadd.f32 v19, v7;
	v19 =	vld [tilespmem:s29+$0x18B60]  }
0x172: {  	s30 =	sadd.s32 $0x8, s30;
	v21 =	vld [tilespmem:s0+$0x10B70];
	v12 =	vadd.f32 v20, v12;
	v14 =	vmul.f32 v14, v2  }
0x173: {  	p0 =	slt.u32 s30, $0x38;
	v20 =	vld [tilespmem:s0+$0x12B70];
	v13 =	vadd.f32 v17, v13;
	v15 =	vmul.f32 v15, v2  }
0x174: {  	v17 =	vld [tilespmem:s0+$0x10B00];
	[tilespmem:s29+$0x1AB00] =	vst v12;
	v11 =	vadd.f32 v14, v11;
	v12 =	vmul.f32 v16, v2  }
0x175: {  	v14 =	vld [tilespmem:s0+$0x14B70];
	[tilespmem:s29+$0x1AB10] =	vst v13;
	v10 =	vadd.f32 v15, v10;
	v13 =	vmul.f32 v18, v2  }
0x176: {  	v15 =	vld [tilespmem:s0+$0x12B00];
	[tilespmem:s29+$0x1AB20] =	vst v11;
	v8 =	vadd.f32 v12, v8;
	v11 =	vmul.f32 v19, v2  }
0x177: {  	v12 =	vld [tilespmem:s0+$0x16B70];
	[tilespmem:s29+$0x1AB30] =	vst v10;
	v9 =	vadd.f32 v13, v9  }
0x178: {  	v13 =	vmul.f32 v21, v3;
	v10 =	vld [tilespmem:s0+$0x10B10];
	v16 =	vmul.f32 v20, v4;
	[tilespmem:s29+$0x1AB40] =	vst v8;
	v7 =	vadd.f32 v11, v7  }
0x179: {  	v8 =	vmul.f32 v17, v3;
	v11 =	vld [tilespmem:s0+$0x18B70];
	[tilespmem:s29+$0x1AB50] =	vst v9  }
0x17a: {  	v9 =	vld [tilespmem:s0+$0x12B10];
	v13 =	vadd.f32 v16, v13;
	v14 =	vmul.f32 v14, v5;
	[tilespmem:s29+$0x1AB60] =	vst v7;
	s29 =	smov.u32 s0  }
0x17b: {  	v7 =	vmul.f32 v15, v4;
	v15 =	vld [tilespmem:s29+$0x10B20]  }
0x17c: {  	v16 =	vld [tilespmem:s29+$0x12B20];
	v13 =	vadd.f32 v14, v13;
	v12 =	vmul.f32 v12, v6  }
0x17d: {  	v7 =	vadd.f32 v7, v8;
	v8 =	vmul.f32 v10, v3;
	v10 =	vld [tilespmem:s29+$0x10B30]  }
0x17e: {  	v14 =	vld [tilespmem:s29+$0x12B30];
	v12 =	vadd.f32 v12, v13;
	v11 =	vmul.f32 v11, v2  }
0x17f: {  	v9 =	vmul.f32 v9, v4;
	v13 =	vld [tilespmem:s29+$0x10B40]  }
0x180: {  	v15 =	vmul.f32 v15, v3;
	v17 =	vld [tilespmem:s29+$0x12B40];
	v11 =	vadd.f32 v11, v12  }
0x181: {  	v8 =	vadd.f32 v9, v8;
	v9 =	vmul.f32 v16, v4;
	v12 =	vld [tilespmem:s29+$0x10B50]  }
0x182: {  	v10 =	vmul.f32 v10, v3;
	v16 =	vld [tilespmem:s29+$0x12B50];
	[tilespmem:s29+$0x1AB70] =	vst v11  }
0x183: {  	v9 =	vadd.f32 v9, v15;
	v11 =	vmul.f32 v14, v4;
	v14 =	vld [tilespmem:s29+$0x10B60]  }
0x184: {  	v13 =	vmul.f32 v13, v3;
	v15 =	vld [tilespmem:s29+$0x12B60]  }
0x185: {  	v18 =	vld [tilespmem:s29+$0x14B00];
	v10 =	vadd.f32 v11, v10;
	v11 =	vmul.f32 v17, v4  }
0x186: {  	v17 =	vld [tilespmem:s29+$0x14B10];
	v12 =	vmul.f32 v12, v3  }
0x187: {  	v19 =	vld [tilespmem:s29+$0x14B20];
	v11 =	vadd.f32 v11, v13;
	v13 =	vmul.f32 v16, v4  }
0x188: {  	v16 =	vld [tilespmem:s29+$0x14B30];
	v14 =	vmul.f32 v14, v3  }
0x189: {  	v20 =	vld [tilespmem:s29+$0x14B40];
	v12 =	vadd.f32 v13, v12;
	v13 =	vmul.f32 v15, v4  }
0x18a: {  	v15 =	vmul.f32 v18, v5;
	v18 =	vld [tilespmem:s29+$0x14B50]  }
0x18b: {  	v17 =	vmul.f32 v17, v5;
	v13 =	vadd.f32 v13, v14;
	v14 =	vld [tilespmem:s29+$0x14B60]  }
0x18c: {  	v15 =	vadd.f32 v15, v7;
	v7 =	vld [tilespmem:s29+$0x16B00];
	v19 =	vmul.f32 v19, v5  }
0x18d: {  	v8 =	vadd.f32 v17, v8;
	v17 =	vld [tilespmem:s29+$0x16B10];
	v16 =	vmul.f32 v16, v5  }
0x18e: {  	v9 =	vadd.f32 v19, v9;
	v19 =	vld [tilespmem:s29+$0x16B20];
	v20 =	vmul.f32 v20, v5  }
0x18f: {  	v10 =	vadd.f32 v16, v10;
	v16 =	vld [tilespmem:s29+$0x16B30];
	v18 =	vmul.f32 v18, v5  }
0x190: {  	v20 =	vadd.f32 v20, v11;
	v21 =	vld [tilespmem:s29+$0x16B40];
	v11 =	vmul.f32 v14, v5  }
0x191: {  	v14 =	vmul.f32 v7, v6;
	v18 =	vadd.f32 v18, v12;
	v22 =	vld [tilespmem:s29+$0x16B50]  }
0x192: {  	v17 =	vmul.f32 v17, v6;
	v7 =	vadd.f32 v11, v13;
	v23 =	vld [tilespmem:s29+$0x16B60]  }
0x193: {  	v12 =	vadd.f32 v14, v15;
	v24 =	vld [tilespmem:s29+$0x18B00];
	v11 =	vmul.f32 v19, v6  }
.Ltmp6:
0x194: {  	v13 =	vadd.f32 v17, v8;
	v17 =	vld [tilespmem:s29+$0x18B10];
	v8 =	vmul.f32 v16, v6;
	(pc) =	sbr.rel @p0 .LBB2_7-.Ltmp6, $4  }
0x195: {  	v11 =	vadd.f32 v11, v9;
	v14 =	vld [tilespmem:s29+$0x18B20];
	v9 =	vmul.f32 v21, v6  }
0x196: {  	v10 =	vadd.f32 v8, v10;
	v15 =	vld [tilespmem:s29+$0x18B30];
	v21 =	vmul.f32 v22, v6  }
0x197: {  	v8 =	vadd.f32 v9, v20;
	v16 =	vld [tilespmem:s29+$0x18B40];
	v19 =	vmul.f32 v23, v6  }
0x198: {  	s31 =	sadd.s32 $0x1000, s31;
	v20 =	vmul.f32 v24, v2;
	v9 =	vadd.f32 v21, v18;
	v18 =	vld [tilespmem:s29+$0x18B50]  }
0x199: {  	v3 =	vmul.f32 v17, v2;
	v4 =	vld [tilespmem:s29+$0x18B60]  }
0x19a: {  	v5 =	vadd.f32 v20, v12;
	v6 =	vmul.f32 v14, v2  }
0x19b: {  	v3 =	vadd.f32 v3, v13;
	v12 =	vmul.f32 v15, v2  }
0x19c: {  	[tilespmem:s29+$0x1AB00] =	vst v5;
	v5 =	vadd.f32 v6, v11;
	v6 =	vmul.f32 v16, v2  }
0x19d: {  	[tilespmem:s29+$0x1AB10] =	vst v3;
	v3 =	vadd.f32 v12, v10;
	v10 =	vmul.f32 v18, v2  }
0x19e: {  	v7 =	vadd.f32 v19, v7;
	[tilespmem:s29+$0x1AB20] =	vst v5;
	v5 =	vadd.f32 v6, v8;
	v2 =	vmul.f32 v4, v2  }
0x19f: {  	[tilespmem:s29+$0x1AB30] =	vst v3;
	v3 =	vadd.f32 v10, v9  }
0x1a0: {  	[tilespmem:s29+$0x1AB40] =	vst v5;
	v2 =	vadd.f32 v2, v7  }
0x1a1: {  	[tilespmem:s29+$0x1AB50] =	vst v3  }
0x1a2: {  	[tilespmem:s29+$0x1AB60] =	vst v2  }
0x1a3: {  	s29 =	simm.s32 $0x0;
	v2 =	vld [tilespmem:s28+$0xB80]  }
0x1a4: {  	v6 =	vld [tilespmem:s29+$0x10BF0]  }
0x1a5: {  	v7 =	vld [tilespmem:s29+$0x12BF0]  }
0x1a6: {  	v8 =	vld [tilespmem:s29+$0x10B80]  }
0x1a7: {  	v9 =	vld [tilespmem:s29+$0x14BF0]  }
0x1a8: {  	v10 =	vld [tilespmem:s29+$0x12B80]  }
0x1a9: {  	v11 =	vld [tilespmem:s29+$0x16BF0]  }
0x1aa: {  	v12 =	vld [tilespmem:s29+$0x10B90]  }
0x1ab: {  	v14 =	vld [tilespmem:s29+$0x18BF0]  }
0x1ac: {  	v15 =	vld [tilespmem:s29+$0x12B90]  }
0x1ad: {  	v16 =	vld [tilespmem:s29+$0x12BA0]  }
0x1ae: {  	v17 =	vld [tilespmem:s29+$0x12BB0]  }
0x1af: {  	v18 =	vld [tilespmem:s29+$0x12BC0];
	v3 =	vbroadcast v2, $0x0;
	v4 =	vbroadcast v2, $0x1  }
0x1b0: {  	v19 =	vld [tilespmem:s29+$0x12BD0];
	v5 =	vbroadcast v2, $0x2  }
0x1b1: {  	v20 =	vld [tilespmem:s29+$0x12BE0];
	v13 =	vmul.f32 v6, v3;
	v7 =	vmul.f32 v7, v4  }
0x1b2: {  	v21 =	vld [tilespmem:s29+$0x14B80]  }
0x1b3: {  	v22 =	vld [tilespmem:s29+$0x14B90];
	v6 =	vbroadcast v2, $0x3;
	v9 =	vmul.f32 v9, v5;
	v7 =	vadd.f32 v7, v13  }
0x1b4: {  	v23 =	vld [tilespmem:s29+$0x14BA0]  }
0x1b5: {  	v24 =	vld [tilespmem:s29+$0x14BB0];
	v2 =	vbroadcast v2, $0x4;
	v7 =	vadd.f32 v9, v7;
	v9 =	vmul.f32 v11, v6  }
0x1b6: {  	v13 =	vld [tilespmem:s29+$0x10BA0]  }
0x1b7: {  	v25 =	vld [tilespmem:s29+$0x14BC0];
	v7 =	vadd.f32 v9, v7;
	v9 =	vmul.f32 v14, v2  }
0x1b8: {  	v11 =	vld [tilespmem:s29+$0x10BB0]  }
0x1b9: {  	v8 =	vmul.f32 v8, v3;
	v10 =	vmul.f32 v10, v4;
	v14 =	vld [tilespmem:s29+$0x10BC0];
	v7 =	vadd.f32 v9, v7  }
0x1ba: {  	v12 =	vmul.f32 v12, v3;
	v15 =	vmul.f32 v15, v4;
	v9 =	vld [tilespmem:s29+$0x10BD0]  }
0x1bb: {  	v16 =	vmul.f32 v16, v4;
	v13 =	vmul.f32 v13, v3;
	[tilespmem:s29+$0x1ABF0] =	vst v7;
	v7 =	vld [tilespmem:s29+$0x10BE0]  }
0x1bc: {  	v26 =	vld [tilespmem:s29+$0x14BD0];
	v17 =	vmul.f32 v17, v4;
	v12 =	vadd.f32 v15, v12;
	v15 =	vmul.f32 v19, v4  }
0x1bd: {  	v19 =	vld [tilespmem:s29+$0x16B80];
	v11 =	vmul.f32 v11, v3;
	v13 =	vadd.f32 v16, v13;
	v16 =	vmul.f32 v20, v4  }
0x1be: {  	v8 =	vadd.f32 v10, v8;
	v20 =	vld [tilespmem:s29+$0x16B90];
	v10 =	vmul.f32 v14, v3;
	v14 =	vmul.f32 v18, v4  }
0x1bf: {  	v18 =	vld [tilespmem:s29+$0x14BE0];
	v11 =	vadd.f32 v17, v11;
	v9 =	vmul.f32 v9, v3  }
0x1c0: {  	v17 =	vld [tilespmem:s29+$0x16BA0];
	v10 =	vadd.f32 v14, v10;
	v14 =	vmul.f32 v21, v5;
	v7 =	vmul.f32 v7, v3  }
0x1c1: {  	v21 =	vmul.f32 v24, v5;
	v9 =	vadd.f32 v15, v9;
	v15 =	vmul.f32 v22, v5;
	v22 =	vld [tilespmem:s29+$0x16BC0]  }
0x1c2: {  	v8 =	vadd.f32 v14, v8;
	v14 =	vmul.f32 v23, v5;
	v7 =	vadd.f32 v16, v7;
	v16 =	vld [tilespmem:s29+$0x16BB0]  }
0x1c3: {  	v61 =	vld [tilespmem:s29+$0x16BD0];
	v23 =	vmul.f32 v26, v5;
	v15 =	vadd.f32 v15, v12;
	v12 =	vmul.f32 v25, v5  }
0x1c4: {  	v21 =	vadd.f32 v21, v11;
	v11 =	vmul.f32 v18, v5;
	v18 =	vld [tilespmem:s29+$0x16BE0];
	v62 =	vadd.f32 v14, v13  }
0x1c5: {  	v9 =	vadd.f32 v23, v9;
	v23 =	vld [tilespmem:s29+$0x18B80];
	v63 =	vadd.f32 v12, v10;
	v10 =	vmul.f32 v19, v6  }
0x1c6: {  	v13 =	vmul.f32 v20, v6;
	v7 =	vadd.f32 v11, v7;
	v11 =	vmul.f32 v17, v6;
	v17 =	vld [tilespmem:s29+$0x18B90]  }
0x1c7: {  	v14 =	vld [tilespmem:s29+$0x18BA0];
	v12 =	vadd.f32 v10, v8;
	v8 =	vmul.f32 v16, v6;
	v16 =	vmul.f32 v22, v6  }
0x1c8: {  	v13 =	vadd.f32 v13, v15;
	v15 =	vld [tilespmem:s29+$0x18BB0];
	v22 =	vmul.f32 v61, v6  }
0x1c9: {  	v19 =	vmul.f32 v18, v6;
	v10 =	vadd.f32 v8, v21;
	v8 =	vadd.f32 v16, v63;
	v16 =	vld [tilespmem:s29+$0x18BC0]  }
0x1ca: {  	s30 =	simm.s32 $0x0;
	s31 =	simm.s32 $0x1000;
	v11 =	vadd.f32 v11, v62;
	v18 =	vld [tilespmem:s29+$0x18BD0];
	v20 =	vmul.f32 v23, v2;
	v9 =	vadd.f32 v22, v9  }
.LBB2_9:
0x1cb: {  	s0 =	sshra.s32 s31, $0x2;
	v17 =	vmul.f32 v17, v2;
	v7 =	vadd.f32 v19, v7;
	v19 =	vld [tilespmem:s29+$0x18BE0]  }
0x1cc: {  	s30 =	sadd.s32 $0x8, s30;
	v21 =	vld [tilespmem:s0+$0x10BF0];
	v12 =	vadd.f32 v20, v12;
	v14 =	vmul.f32 v14, v2  }
0x1cd: {  	p0 =	slt.u32 s30, $0x38;
	v20 =	vld [tilespmem:s0+$0x12BF0];
	v13 =	vadd.f32 v17, v13;
	v15 =	vmul.f32 v15, v2  }
0x1ce: {  	v17 =	vld [tilespmem:s0+$0x10B80];
	[tilespmem:s29+$0x1AB80] =	vst v12;
	v11 =	vadd.f32 v14, v11;
	v12 =	vmul.f32 v16, v2  }
0x1cf: {  	v14 =	vld [tilespmem:s0+$0x14BF0];
	[tilespmem:s29+$0x1AB90] =	vst v13;
	v10 =	vadd.f32 v15, v10;
	v13 =	vmul.f32 v18, v2  }
0x1d0: {  	v15 =	vld [tilespmem:s0+$0x12B80];
	[tilespmem:s29+$0x1ABA0] =	vst v11;
	v8 =	vadd.f32 v12, v8;
	v11 =	vmul.f32 v19, v2  }
0x1d1: {  	v12 =	vld [tilespmem:s0+$0x16BF0];
	[tilespmem:s29+$0x1ABB0] =	vst v10;
	v9 =	vadd.f32 v13, v9  }
0x1d2: {  	v13 =	vmul.f32 v21, v3;
	v10 =	vld [tilespmem:s0+$0x10B90];
	v16 =	vmul.f32 v20, v4;
	[tilespmem:s29+$0x1ABC0] =	vst v8;
	v7 =	vadd.f32 v11, v7  }
0x1d3: {  	v8 =	vmul.f32 v17, v3;
	v11 =	vld [tilespmem:s0+$0x18BF0];
	[tilespmem:s29+$0x1ABD0] =	vst v9  }
0x1d4: {  	v9 =	vld [tilespmem:s0+$0x12B90];
	v13 =	vadd.f32 v16, v13;
	v14 =	vmul.f32 v14, v5;
	[tilespmem:s29+$0x1ABE0] =	vst v7;
	s29 =	smov.u32 s0  }
0x1d5: {  	v7 =	vmul.f32 v15, v4;
	v15 =	vld [tilespmem:s29+$0x10BA0]  }
0x1d6: {  	v16 =	vld [tilespmem:s29+$0x12BA0];
	v13 =	vadd.f32 v14, v13;
	v12 =	vmul.f32 v12, v6  }
0x1d7: {  	v7 =	vadd.f32 v7, v8;
	v8 =	vmul.f32 v10, v3;
	v10 =	vld [tilespmem:s29+$0x10BB0]  }
0x1d8: {  	v14 =	vld [tilespmem:s29+$0x12BB0];
	v12 =	vadd.f32 v12, v13;
	v11 =	vmul.f32 v11, v2  }
0x1d9: {  	v9 =	vmul.f32 v9, v4;
	v13 =	vld [tilespmem:s29+$0x10BC0]  }
0x1da: {  	v15 =	vmul.f32 v15, v3;
	v17 =	vld [tilespmem:s29+$0x12BC0];
	v11 =	vadd.f32 v11, v12  }
0x1db: {  	v8 =	vadd.f32 v9, v8;
	v9 =	vmul.f32 v16, v4;
	v12 =	vld [tilespmem:s29+$0x10BD0]  }
0x1dc: {  	v10 =	vmul.f32 v10, v3;
	v16 =	vld [tilespmem:s29+$0x12BD0];
	[tilespmem:s29+$0x1ABF0] =	vst v11  }
0x1dd: {  	v9 =	vadd.f32 v9, v15;
	v11 =	vmul.f32 v14, v4;
	v14 =	vld [tilespmem:s29+$0x10BE0]  }
0x1de: {  	v13 =	vmul.f32 v13, v3;
	v15 =	vld [tilespmem:s29+$0x12BE0]  }
0x1df: {  	v18 =	vld [tilespmem:s29+$0x14B80];
	v10 =	vadd.f32 v11, v10;
	v11 =	vmul.f32 v17, v4  }
0x1e0: {  	v17 =	vld [tilespmem:s29+$0x14B90];
	v12 =	vmul.f32 v12, v3  }
0x1e1: {  	v19 =	vld [tilespmem:s29+$0x14BA0];
	v11 =	vadd.f32 v11, v13;
	v13 =	vmul.f32 v16, v4  }
0x1e2: {  	v16 =	vld [tilespmem:s29+$0x14BB0];
	v14 =	vmul.f32 v14, v3  }
0x1e3: {  	v20 =	vld [tilespmem:s29+$0x14BC0];
	v12 =	vadd.f32 v13, v12;
	v13 =	vmul.f32 v15, v4  }
0x1e4: {  	v15 =	vmul.f32 v18, v5;
	v18 =	vld [tilespmem:s29+$0x14BD0]  }
0x1e5: {  	v17 =	vmul.f32 v17, v5;
	v13 =	vadd.f32 v13, v14;
	v14 =	vld [tilespmem:s29+$0x14BE0]  }
0x1e6: {  	v15 =	vadd.f32 v15, v7;
	v7 =	vld [tilespmem:s29+$0x16B80];
	v19 =	vmul.f32 v19, v5  }
0x1e7: {  	v8 =	vadd.f32 v17, v8;
	v17 =	vld [tilespmem:s29+$0x16B90];
	v16 =	vmul.f32 v16, v5  }
0x1e8: {  	v9 =	vadd.f32 v19, v9;
	v19 =	vld [tilespmem:s29+$0x16BA0];
	v20 =	vmul.f32 v20, v5  }
0x1e9: {  	v10 =	vadd.f32 v16, v10;
	v16 =	vld [tilespmem:s29+$0x16BB0];
	v18 =	vmul.f32 v18, v5  }
0x1ea: {  	v20 =	vadd.f32 v20, v11;
	v21 =	vld [tilespmem:s29+$0x16BC0];
	v11 =	vmul.f32 v14, v5  }
0x1eb: {  	v14 =	vmul.f32 v7, v6;
	v18 =	vadd.f32 v18, v12;
	v22 =	vld [tilespmem:s29+$0x16BD0]  }
0x1ec: {  	v17 =	vmul.f32 v17, v6;
	v7 =	vadd.f32 v11, v13;
	v23 =	vld [tilespmem:s29+$0x16BE0]  }
0x1ed: {  	v12 =	vadd.f32 v14, v15;
	v24 =	vld [tilespmem:s29+$0x18B80];
	v11 =	vmul.f32 v19, v6  }
.Ltmp7:
0x1ee: {  	v13 =	vadd.f32 v17, v8;
	v17 =	vld [tilespmem:s29+$0x18B90];
	v8 =	vmul.f32 v16, v6;
	(pc) =	sbr.rel @p0 .LBB2_9-.Ltmp7, $4  }
0x1ef: {  	v11 =	vadd.f32 v11, v9;
	v14 =	vld [tilespmem:s29+$0x18BA0];
	v9 =	vmul.f32 v21, v6  }
0x1f0: {  	v10 =	vadd.f32 v8, v10;
	v15 =	vld [tilespmem:s29+$0x18BB0];
	v21 =	vmul.f32 v22, v6  }
0x1f1: {  	v8 =	vadd.f32 v9, v20;
	v16 =	vld [tilespmem:s29+$0x18BC0];
	v19 =	vmul.f32 v23, v6  }
0x1f2: {  	s31 =	sadd.s32 $0x1000, s31;
	v20 =	vmul.f32 v24, v2;
	v9 =	vadd.f32 v21, v18;
	v18 =	vld [tilespmem:s29+$0x18BD0]  }
0x1f3: {  	v3 =	vmul.f32 v17, v2;
	v4 =	vld [tilespmem:s29+$0x18BE0]  }
0x1f4: {  	v5 =	vadd.f32 v20, v12;
	v6 =	vmul.f32 v14, v2  }
0x1f5: {  	v3 =	vadd.f32 v3, v13;
	v12 =	vmul.f32 v15, v2  }
0x1f6: {  	[tilespmem:s29+$0x1AB80] =	vst v5;
	v5 =	vadd.f32 v6, v11;
	v6 =	vmul.f32 v16, v2  }
0x1f7: {  	[tilespmem:s29+$0x1AB90] =	vst v3;
	v3 =	vadd.f32 v12, v10;
	v10 =	vmul.f32 v18, v2  }
0x1f8: {  	v7 =	vadd.f32 v19, v7;
	[tilespmem:s29+$0x1ABA0] =	vst v5;
	v5 =	vadd.f32 v6, v8;
	v2 =	vmul.f32 v4, v2  }
0x1f9: {  	[tilespmem:s29+$0x1ABB0] =	vst v3;
	v3 =	vadd.f32 v10, v9  }
0x1fa: {  	[tilespmem:s29+$0x1ABC0] =	vst v5;
	v2 =	vadd.f32 v2, v7  }
0x1fb: {  	[tilespmem:s29+$0x1ABD0] =	vst v3  }
0x1fc: {  	[tilespmem:s29+$0x1ABE0] =	vst v2  }
0x1fd: {  	s29 =	simm.s32 $0x0;
	v2 =	vld [tilespmem:s28+$0xC00]  }
0x1fe: {  	v6 =	vld [tilespmem:s29+$0x10C70]  }
0x1ff: {  	v7 =	vld [tilespmem:s29+$0x12C70]  }
0x200: {  	v8 =	vld [tilespmem:s29+$0x10C00]  }
0x201: {  	v9 =	vld [tilespmem:s29+$0x14C70]  }
0x202: {  	v10 =	vld [tilespmem:s29+$0x12C00]  }
0x203: {  	v11 =	vld [tilespmem:s29+$0x16C70]  }
0x204: {  	v12 =	vld [tilespmem:s29+$0x10C10]  }
0x205: {  	v14 =	vld [tilespmem:s29+$0x18C70]  }
0x206: {  	v15 =	vld [tilespmem:s29+$0x12C10]  }
0x207: {  	v16 =	vld [tilespmem:s29+$0x12C20]  }
0x208: {  	v17 =	vld [tilespmem:s29+$0x12C30]  }
0x209: {  	v18 =	vld [tilespmem:s29+$0x12C40];
	v3 =	vbroadcast v2, $0x0;
	v4 =	vbroadcast v2, $0x1  }
0x20a: {  	v19 =	vld [tilespmem:s29+$0x12C50];
	v5 =	vbroadcast v2, $0x2  }
0x20b: {  	v20 =	vld [tilespmem:s29+$0x12C60];
	v13 =	vmul.f32 v6, v3;
	v7 =	vmul.f32 v7, v4  }
0x20c: {  	v21 =	vld [tilespmem:s29+$0x14C00]  }
0x20d: {  	v22 =	vld [tilespmem:s29+$0x14C10];
	v6 =	vbroadcast v2, $0x3;
	v9 =	vmul.f32 v9, v5;
	v7 =	vadd.f32 v7, v13  }
0x20e: {  	v23 =	vld [tilespmem:s29+$0x14C20]  }
0x20f: {  	v24 =	vld [tilespmem:s29+$0x14C30];
	v2 =	vbroadcast v2, $0x4;
	v7 =	vadd.f32 v9, v7;
	v9 =	vmul.f32 v11, v6  }
0x210: {  	v13 =	vld [tilespmem:s29+$0x10C20]  }
0x211: {  	v25 =	vld [tilespmem:s29+$0x14C40];
	v7 =	vadd.f32 v9, v7;
	v9 =	vmul.f32 v14, v2  }
0x212: {  	v11 =	vld [tilespmem:s29+$0x10C30]  }
0x213: {  	v8 =	vmul.f32 v8, v3;
	v10 =	vmul.f32 v10, v4;
	v14 =	vld [tilespmem:s29+$0x10C40];
	v7 =	vadd.f32 v9, v7  }
0x214: {  	v12 =	vmul.f32 v12, v3;
	v15 =	vmul.f32 v15, v4;
	v9 =	vld [tilespmem:s29+$0x10C50]  }
0x215: {  	v16 =	vmul.f32 v16, v4;
	v13 =	vmul.f32 v13, v3;
	[tilespmem:s29+$0x1AC70] =	vst v7;
	v7 =	vld [tilespmem:s29+$0x10C60]  }
0x216: {  	v26 =	vld [tilespmem:s29+$0x14C50];
	v17 =	vmul.f32 v17, v4;
	v12 =	vadd.f32 v15, v12;
	v15 =	vmul.f32 v19, v4  }
0x217: {  	v19 =	vld [tilespmem:s29+$0x16C00];
	v11 =	vmul.f32 v11, v3;
	v13 =	vadd.f32 v16, v13;
	v16 =	vmul.f32 v20, v4  }
0x218: {  	v8 =	vadd.f32 v10, v8;
	v20 =	vld [tilespmem:s29+$0x16C10];
	v10 =	vmul.f32 v14, v3;
	v14 =	vmul.f32 v18, v4  }
0x219: {  	v18 =	vld [tilespmem:s29+$0x14C60];
	v11 =	vadd.f32 v17, v11;
	v9 =	vmul.f32 v9, v3  }
0x21a: {  	v17 =	vld [tilespmem:s29+$0x16C20];
	v10 =	vadd.f32 v14, v10;
	v14 =	vmul.f32 v21, v5;
	v7 =	vmul.f32 v7, v3  }
0x21b: {  	v21 =	vmul.f32 v24, v5;
	v9 =	vadd.f32 v15, v9;
	v15 =	vmul.f32 v22, v5;
	v22 =	vld [tilespmem:s29+$0x16C40]  }
0x21c: {  	v8 =	vadd.f32 v14, v8;
	v14 =	vmul.f32 v23, v5;
	v7 =	vadd.f32 v16, v7;
	v16 =	vld [tilespmem:s29+$0x16C30]  }
0x21d: {  	v61 =	vld [tilespmem:s29+$0x16C50];
	v23 =	vmul.f32 v26, v5;
	v15 =	vadd.f32 v15, v12;
	v12 =	vmul.f32 v25, v5  }
0x21e: {  	v21 =	vadd.f32 v21, v11;
	v11 =	vmul.f32 v18, v5;
	v18 =	vld [tilespmem:s29+$0x16C60];
	v62 =	vadd.f32 v14, v13  }
0x21f: {  	v9 =	vadd.f32 v23, v9;
	v23 =	vld [tilespmem:s29+$0x18C00];
	v63 =	vadd.f32 v12, v10;
	v10 =	vmul.f32 v19, v6  }
0x220: {  	v13 =	vmul.f32 v20, v6;
	v7 =	vadd.f32 v11, v7;
	v11 =	vmul.f32 v17, v6;
	v17 =	vld [tilespmem:s29+$0x18C10]  }
0x221: {  	v14 =	vld [tilespmem:s29+$0x18C20];
	v12 =	vadd.f32 v10, v8;
	v8 =	vmul.f32 v16, v6;
	v16 =	vmul.f32 v22, v6  }
0x222: {  	v13 =	vadd.f32 v13, v15;
	v15 =	vld [tilespmem:s29+$0x18C30];
	v22 =	vmul.f32 v61, v6  }
0x223: {  	v19 =	vmul.f32 v18, v6;
	v10 =	vadd.f32 v8, v21;
	v8 =	vadd.f32 v16, v63;
	v16 =	vld [tilespmem:s29+$0x18C40]  }
0x224: {  	s30 =	simm.s32 $0x0;
	s31 =	simm.s32 $0x1000;
	v11 =	vadd.f32 v11, v62;
	v18 =	vld [tilespmem:s29+$0x18C50];
	v20 =	vmul.f32 v23, v2;
	v9 =	vadd.f32 v22, v9  }
.LBB2_11:
0x225: {  	s0 =	sshra.s32 s31, $0x2;
	v17 =	vmul.f32 v17, v2;
	v7 =	vadd.f32 v19, v7;
	v19 =	vld [tilespmem:s29+$0x18C60]  }
0x226: {  	s30 =	sadd.s32 $0x8, s30;
	v21 =	vld [tilespmem:s0+$0x10C70];
	v12 =	vadd.f32 v20, v12;
	v14 =	vmul.f32 v14, v2  }
0x227: {  	p0 =	slt.u32 s30, $0x38;
	v20 =	vld [tilespmem:s0+$0x12C70];
	v13 =	vadd.f32 v17, v13;
	v15 =	vmul.f32 v15, v2  }
0x228: {  	v17 =	vld [tilespmem:s0+$0x10C00];
	[tilespmem:s29+$0x1AC00] =	vst v12;
	v11 =	vadd.f32 v14, v11;
	v12 =	vmul.f32 v16, v2  }
0x229: {  	v14 =	vld [tilespmem:s0+$0x14C70];
	[tilespmem:s29+$0x1AC10] =	vst v13;
	v10 =	vadd.f32 v15, v10;
	v13 =	vmul.f32 v18, v2  }
0x22a: {  	v15 =	vld [tilespmem:s0+$0x12C00];
	[tilespmem:s29+$0x1AC20] =	vst v11;
	v8 =	vadd.f32 v12, v8;
	v11 =	vmul.f32 v19, v2  }
0x22b: {  	v12 =	vld [tilespmem:s0+$0x16C70];
	[tilespmem:s29+$0x1AC30] =	vst v10;
	v9 =	vadd.f32 v13, v9  }
0x22c: {  	v13 =	vmul.f32 v21, v3;
	v10 =	vld [tilespmem:s0+$0x10C10];
	v16 =	vmul.f32 v20, v4;
	[tilespmem:s29+$0x1AC40] =	vst v8;
	v7 =	vadd.f32 v11, v7  }
0x22d: {  	v8 =	vmul.f32 v17, v3;
	v11 =	vld [tilespmem:s0+$0x18C70];
	[tilespmem:s29+$0x1AC50] =	vst v9  }
0x22e: {  	v9 =	vld [tilespmem:s0+$0x12C10];
	v13 =	vadd.f32 v16, v13;
	v14 =	vmul.f32 v14, v5;
	[tilespmem:s29+$0x1AC60] =	vst v7;
	s29 =	smov.u32 s0  }
0x22f: {  	v7 =	vmul.f32 v15, v4;
	v15 =	vld [tilespmem:s29+$0x10C20]  }
0x230: {  	v16 =	vld [tilespmem:s29+$0x12C20];
	v13 =	vadd.f32 v14, v13;
	v12 =	vmul.f32 v12, v6  }
0x231: {  	v7 =	vadd.f32 v7, v8;
	v8 =	vmul.f32 v10, v3;
	v10 =	vld [tilespmem:s29+$0x10C30]  }
0x232: {  	v14 =	vld [tilespmem:s29+$0x12C30];
	v12 =	vadd.f32 v12, v13;
	v11 =	vmul.f32 v11, v2  }
0x233: {  	v9 =	vmul.f32 v9, v4;
	v13 =	vld [tilespmem:s29+$0x10C40]  }
0x234: {  	v15 =	vmul.f32 v15, v3;
	v17 =	vld [tilespmem:s29+$0x12C40];
	v11 =	vadd.f32 v11, v12  }
0x235: {  	v8 =	vadd.f32 v9, v8;
	v9 =	vmul.f32 v16, v4;
	v12 =	vld [tilespmem:s29+$0x10C50]  }
0x236: {  	v10 =	vmul.f32 v10, v3;
	v16 =	vld [tilespmem:s29+$0x12C50];
	[tilespmem:s29+$0x1AC70] =	vst v11  }
0x237: {  	v9 =	vadd.f32 v9, v15;
	v11 =	vmul.f32 v14, v4;
	v14 =	vld [tilespmem:s29+$0x10C60]  }
0x238: {  	v13 =	vmul.f32 v13, v3;
	v15 =	vld [tilespmem:s29+$0x12C60]  }
0x239: {  	v18 =	vld [tilespmem:s29+$0x14C00];
	v10 =	vadd.f32 v11, v10;
	v11 =	vmul.f32 v17, v4  }
0x23a: {  	v17 =	vld [tilespmem:s29+$0x14C10];
	v12 =	vmul.f32 v12, v3  }
0x23b: {  	v19 =	vld [tilespmem:s29+$0x14C20];
	v11 =	vadd.f32 v11, v13;
	v13 =	vmul.f32 v16, v4  }
0x23c: {  	v16 =	vld [tilespmem:s29+$0x14C30];
	v14 =	vmul.f32 v14, v3  }
0x23d: {  	v20 =	vld [tilespmem:s29+$0x14C40];
	v12 =	vadd.f32 v13, v12;
	v13 =	vmul.f32 v15, v4  }
0x23e: {  	v15 =	vmul.f32 v18, v5;
	v18 =	vld [tilespmem:s29+$0x14C50]  }
0x23f: {  	v17 =	vmul.f32 v17, v5;
	v13 =	vadd.f32 v13, v14;
	v14 =	vld [tilespmem:s29+$0x14C60]  }
0x240: {  	v15 =	vadd.f32 v15, v7;
	v7 =	vld [tilespmem:s29+$0x16C00];
	v19 =	vmul.f32 v19, v5  }
0x241: {  	v8 =	vadd.f32 v17, v8;
	v17 =	vld [tilespmem:s29+$0x16C10];
	v16 =	vmul.f32 v16, v5  }
0x242: {  	v9 =	vadd.f32 v19, v9;
	v19 =	vld [tilespmem:s29+$0x16C20];
	v20 =	vmul.f32 v20, v5  }
0x243: {  	v10 =	vadd.f32 v16, v10;
	v16 =	vld [tilespmem:s29+$0x16C30];
	v18 =	vmul.f32 v18, v5  }
0x244: {  	v20 =	vadd.f32 v20, v11;
	v21 =	vld [tilespmem:s29+$0x16C40];
	v11 =	vmul.f32 v14, v5  }
0x245: {  	v14 =	vmul.f32 v7, v6;
	v18 =	vadd.f32 v18, v12;
	v22 =	vld [tilespmem:s29+$0x16C50]  }
0x246: {  	v17 =	vmul.f32 v17, v6;
	v7 =	vadd.f32 v11, v13;
	v23 =	vld [tilespmem:s29+$0x16C60]  }
0x247: {  	v12 =	vadd.f32 v14, v15;
	v24 =	vld [tilespmem:s29+$0x18C00];
	v11 =	vmul.f32 v19, v6  }
.Ltmp8:
0x248: {  	v13 =	vadd.f32 v17, v8;
	v17 =	vld [tilespmem:s29+$0x18C10];
	v8 =	vmul.f32 v16, v6;
	(pc) =	sbr.rel @p0 .LBB2_11-.Ltmp8, $4  }
0x249: {  	v11 =	vadd.f32 v11, v9;
	v14 =	vld [tilespmem:s29+$0x18C20];
	v9 =	vmul.f32 v21, v6  }
0x24a: {  	v10 =	vadd.f32 v8, v10;
	v15 =	vld [tilespmem:s29+$0x18C30];
	v21 =	vmul.f32 v22, v6  }
0x24b: {  	v8 =	vadd.f32 v9, v20;
	v16 =	vld [tilespmem:s29+$0x18C40];
	v19 =	vmul.f32 v23, v6  }
0x24c: {  	s31 =	sadd.s32 $0x1000, s31;
	v20 =	vmul.f32 v24, v2;
	v9 =	vadd.f32 v21, v18;
	v18 =	vld [tilespmem:s29+$0x18C50]  }
0x24d: {  	v3 =	vmul.f32 v17, v2;
	v4 =	vld [tilespmem:s29+$0x18C60]  }
0x24e: {  	v5 =	vadd.f32 v20, v12;
	v6 =	vmul.f32 v14, v2  }
0x24f: {  	v3 =	vadd.f32 v3, v13;
	v12 =	vmul.f32 v15, v2  }
0x250: {  	[tilespmem:s29+$0x1AC00] =	vst v5;
	v5 =	vadd.f32 v6, v11;
	v6 =	vmul.f32 v16, v2  }
0x251: {  	[tilespmem:s29+$0x1AC10] =	vst v3;
	v3 =	vadd.f32 v12, v10;
	v10 =	vmul.f32 v18, v2  }
0x252: {  	v7 =	vadd.f32 v19, v7;
	[tilespmem:s29+$0x1AC20] =	vst v5;
	v5 =	vadd.f32 v6, v8;
	v2 =	vmul.f32 v4, v2  }
0x253: {  	[tilespmem:s29+$0x1AC30] =	vst v3;
	v3 =	vadd.f32 v10, v9  }
0x254: {  	[tilespmem:s29+$0x1AC40] =	vst v5;
	v2 =	vadd.f32 v2, v7  }
0x255: {  	[tilespmem:s29+$0x1AC50] =	vst v3  }
0x256: {  	[tilespmem:s29+$0x1AC60] =	vst v2  }
0x257: {  	s29 =	simm.s32 $0x0;
	v2 =	vld [tilespmem:s28+$0xC80]  }
0x258: {  	v6 =	vld [tilespmem:s29+$0x10CF0]  }
0x259: {  	v7 =	vld [tilespmem:s29+$0x12CF0]  }
0x25a: {  	v8 =	vld [tilespmem:s29+$0x10C80]  }
0x25b: {  	v9 =	vld [tilespmem:s29+$0x14CF0]  }
0x25c: {  	v10 =	vld [tilespmem:s29+$0x12C80]  }
0x25d: {  	v11 =	vld [tilespmem:s29+$0x16CF0]  }
0x25e: {  	v12 =	vld [tilespmem:s29+$0x10C90]  }
0x25f: {  	v14 =	vld [tilespmem:s29+$0x18CF0]  }
0x260: {  	v15 =	vld [tilespmem:s29+$0x12C90]  }
0x261: {  	v16 =	vld [tilespmem:s29+$0x12CA0]  }
0x262: {  	v17 =	vld [tilespmem:s29+$0x12CB0]  }
0x263: {  	v18 =	vld [tilespmem:s29+$0x12CC0];
	v3 =	vbroadcast v2, $0x0;
	v4 =	vbroadcast v2, $0x1  }
0x264: {  	v19 =	vld [tilespmem:s29+$0x12CD0];
	v5 =	vbroadcast v2, $0x2  }
0x265: {  	v20 =	vld [tilespmem:s29+$0x12CE0];
	v13 =	vmul.f32 v6, v3;
	v7 =	vmul.f32 v7, v4  }
0x266: {  	v21 =	vld [tilespmem:s29+$0x14C80]  }
0x267: {  	v22 =	vld [tilespmem:s29+$0x14C90];
	v6 =	vbroadcast v2, $0x3;
	v9 =	vmul.f32 v9, v5;
	v7 =	vadd.f32 v7, v13  }
0x268: {  	v23 =	vld [tilespmem:s29+$0x14CA0]  }
0x269: {  	v24 =	vld [tilespmem:s29+$0x14CB0];
	v2 =	vbroadcast v2, $0x4;
	v7 =	vadd.f32 v9, v7;
	v9 =	vmul.f32 v11, v6  }
0x26a: {  	v13 =	vld [tilespmem:s29+$0x10CA0]  }
0x26b: {  	v25 =	vld [tilespmem:s29+$0x14CC0];
	v7 =	vadd.f32 v9, v7;
	v9 =	vmul.f32 v14, v2  }
0x26c: {  	v11 =	vld [tilespmem:s29+$0x10CB0]  }
0x26d: {  	v8 =	vmul.f32 v8, v3;
	v10 =	vmul.f32 v10, v4;
	v14 =	vld [tilespmem:s29+$0x10CC0];
	v7 =	vadd.f32 v9, v7  }
0x26e: {  	v12 =	vmul.f32 v12, v3;
	v15 =	vmul.f32 v15, v4;
	v9 =	vld [tilespmem:s29+$0x10CD0]  }
0x26f: {  	v16 =	vmul.f32 v16, v4;
	v13 =	vmul.f32 v13, v3;
	[tilespmem:s29+$0x1ACF0] =	vst v7;
	v7 =	vld [tilespmem:s29+$0x10CE0]  }
0x270: {  	v26 =	vld [tilespmem:s29+$0x14CD0];
	v17 =	vmul.f32 v17, v4;
	v12 =	vadd.f32 v15, v12;
	v15 =	vmul.f32 v19, v4  }
0x271: {  	v19 =	vld [tilespmem:s29+$0x16C80];
	v11 =	vmul.f32 v11, v3;
	v13 =	vadd.f32 v16, v13;
	v16 =	vmul.f32 v20, v4  }
0x272: {  	v8 =	vadd.f32 v10, v8;
	v20 =	vld [tilespmem:s29+$0x16C90];
	v10 =	vmul.f32 v14, v3;
	v14 =	vmul.f32 v18, v4  }
0x273: {  	v18 =	vld [tilespmem:s29+$0x14CE0];
	v11 =	vadd.f32 v17, v11;
	v9 =	vmul.f32 v9, v3  }
0x274: {  	v17 =	vld [tilespmem:s29+$0x16CA0];
	v10 =	vadd.f32 v14, v10;
	v14 =	vmul.f32 v21, v5;
	v7 =	vmul.f32 v7, v3  }
0x275: {  	v21 =	vmul.f32 v24, v5;
	v9 =	vadd.f32 v15, v9;
	v15 =	vmul.f32 v22, v5;
	v22 =	vld [tilespmem:s29+$0x16CC0]  }
0x276: {  	v8 =	vadd.f32 v14, v8;
	v14 =	vmul.f32 v23, v5;
	v7 =	vadd.f32 v16, v7;
	v16 =	vld [tilespmem:s29+$0x16CB0]  }
0x277: {  	v61 =	vld [tilespmem:s29+$0x16CD0];
	v23 =	vmul.f32 v26, v5;
	v15 =	vadd.f32 v15, v12;
	v12 =	vmul.f32 v25, v5  }
0x278: {  	v21 =	vadd.f32 v21, v11;
	v11 =	vmul.f32 v18, v5;
	v18 =	vld [tilespmem:s29+$0x16CE0];
	v62 =	vadd.f32 v14, v13  }
0x279: {  	v9 =	vadd.f32 v23, v9;
	v23 =	vld [tilespmem:s29+$0x18C80];
	v63 =	vadd.f32 v12, v10;
	v10 =	vmul.f32 v19, v6  }
0x27a: {  	v13 =	vmul.f32 v20, v6;
	v7 =	vadd.f32 v11, v7;
	v11 =	vmul.f32 v17, v6;
	v17 =	vld [tilespmem:s29+$0x18C90]  }
0x27b: {  	v14 =	vld [tilespmem:s29+$0x18CA0];
	v12 =	vadd.f32 v10, v8;
	v8 =	vmul.f32 v16, v6;
	v16 =	vmul.f32 v22, v6  }
0x27c: {  	v13 =	vadd.f32 v13, v15;
	v15 =	vld [tilespmem:s29+$0x18CB0];
	v22 =	vmul.f32 v61, v6  }
0x27d: {  	v19 =	vmul.f32 v18, v6;
	v10 =	vadd.f32 v8, v21;
	v8 =	vadd.f32 v16, v63;
	v16 =	vld [tilespmem:s29+$0x18CC0]  }
0x27e: {  	s30 =	simm.s32 $0x0;
	s31 =	simm.s32 $0x1000;
	v11 =	vadd.f32 v11, v62;
	v18 =	vld [tilespmem:s29+$0x18CD0];
	v20 =	vmul.f32 v23, v2;
	v9 =	vadd.f32 v22, v9  }
.LBB2_13:
0x27f: {  	s0 =	sshra.s32 s31, $0x2;
	v17 =	vmul.f32 v17, v2;
	v7 =	vadd.f32 v19, v7;
	v19 =	vld [tilespmem:s29+$0x18CE0]  }
0x280: {  	s30 =	sadd.s32 $0x8, s30;
	v21 =	vld [tilespmem:s0+$0x10CF0];
	v12 =	vadd.f32 v20, v12;
	v14 =	vmul.f32 v14, v2  }
0x281: {  	p0 =	slt.u32 s30, $0x38;
	v20 =	vld [tilespmem:s0+$0x12CF0];
	v13 =	vadd.f32 v17, v13;
	v15 =	vmul.f32 v15, v2  }
0x282: {  	v17 =	vld [tilespmem:s0+$0x10C80];
	[tilespmem:s29+$0x1AC80] =	vst v12;
	v11 =	vadd.f32 v14, v11;
	v12 =	vmul.f32 v16, v2  }
0x283: {  	v14 =	vld [tilespmem:s0+$0x14CF0];
	[tilespmem:s29+$0x1AC90] =	vst v13;
	v10 =	vadd.f32 v15, v10;
	v13 =	vmul.f32 v18, v2  }
0x284: {  	v15 =	vld [tilespmem:s0+$0x12C80];
	[tilespmem:s29+$0x1ACA0] =	vst v11;
	v8 =	vadd.f32 v12, v8;
	v11 =	vmul.f32 v19, v2  }
0x285: {  	v12 =	vld [tilespmem:s0+$0x16CF0];
	[tilespmem:s29+$0x1ACB0] =	vst v10;
	v9 =	vadd.f32 v13, v9  }
0x286: {  	v13 =	vmul.f32 v21, v3;
	v10 =	vld [tilespmem:s0+$0x10C90];
	v16 =	vmul.f32 v20, v4;
	[tilespmem:s29+$0x1ACC0] =	vst v8;
	v7 =	vadd.f32 v11, v7  }
0x287: {  	v8 =	vmul.f32 v17, v3;
	v11 =	vld [tilespmem:s0+$0x18CF0];
	[tilespmem:s29+$0x1ACD0] =	vst v9  }
0x288: {  	v9 =	vld [tilespmem:s0+$0x12C90];
	v13 =	vadd.f32 v16, v13;
	v14 =	vmul.f32 v14, v5;
	[tilespmem:s29+$0x1ACE0] =	vst v7;
	s29 =	smov.u32 s0  }
0x289: {  	v7 =	vmul.f32 v15, v4;
	v15 =	vld [tilespmem:s29+$0x10CA0]  }
0x28a: {  	v16 =	vld [tilespmem:s29+$0x12CA0];
	v13 =	vadd.f32 v14, v13;
	v12 =	vmul.f32 v12, v6  }
0x28b: {  	v7 =	vadd.f32 v7, v8;
	v8 =	vmul.f32 v10, v3;
	v10 =	vld [tilespmem:s29+$0x10CB0]  }
0x28c: {  	v14 =	vld [tilespmem:s29+$0x12CB0];
	v12 =	vadd.f32 v12, v13;
	v11 =	vmul.f32 v11, v2  }
0x28d: {  	v9 =	vmul.f32 v9, v4;
	v13 =	vld [tilespmem:s29+$0x10CC0]  }
0x28e: {  	v15 =	vmul.f32 v15, v3;
	v17 =	vld [tilespmem:s29+$0x12CC0];
	v11 =	vadd.f32 v11, v12  }
0x28f: {  	v8 =	vadd.f32 v9, v8;
	v9 =	vmul.f32 v16, v4;
	v12 =	vld [tilespmem:s29+$0x10CD0]  }
0x290: {  	v10 =	vmul.f32 v10, v3;
	v16 =	vld [tilespmem:s29+$0x12CD0];
	[tilespmem:s29+$0x1ACF0] =	vst v11  }
0x291: {  	v9 =	vadd.f32 v9, v15;
	v11 =	vmul.f32 v14, v4;
	v14 =	vld [tilespmem:s29+$0x10CE0]  }
0x292: {  	v13 =	vmul.f32 v13, v3;
	v15 =	vld [tilespmem:s29+$0x12CE0]  }
0x293: {  	v18 =	vld [tilespmem:s29+$0x14C80];
	v10 =	vadd.f32 v11, v10;
	v11 =	vmul.f32 v17, v4  }
0x294: {  	v17 =	vld [tilespmem:s29+$0x14C90];
	v12 =	vmul.f32 v12, v3  }
0x295: {  	v19 =	vld [tilespmem:s29+$0x14CA0];
	v11 =	vadd.f32 v11, v13;
	v13 =	vmul.f32 v16, v4  }
0x296: {  	v16 =	vld [tilespmem:s29+$0x14CB0];
	v14 =	vmul.f32 v14, v3  }
0x297: {  	v20 =	vld [tilespmem:s29+$0x14CC0];
	v12 =	vadd.f32 v13, v12;
	v13 =	vmul.f32 v15, v4  }
0x298: {  	v15 =	vmul.f32 v18, v5;
	v18 =	vld [tilespmem:s29+$0x14CD0]  }
0x299: {  	v17 =	vmul.f32 v17, v5;
	v13 =	vadd.f32 v13, v14;
	v14 =	vld [tilespmem:s29+$0x14CE0]  }
0x29a: {  	v15 =	vadd.f32 v15, v7;
	v7 =	vld [tilespmem:s29+$0x16C80];
	v19 =	vmul.f32 v19, v5  }
0x29b: {  	v8 =	vadd.f32 v17, v8;
	v17 =	vld [tilespmem:s29+$0x16C90];
	v16 =	vmul.f32 v16, v5  }
0x29c: {  	v9 =	vadd.f32 v19, v9;
	v19 =	vld [tilespmem:s29+$0x16CA0];
	v20 =	vmul.f32 v20, v5  }
0x29d: {  	v10 =	vadd.f32 v16, v10;
	v16 =	vld [tilespmem:s29+$0x16CB0];
	v18 =	vmul.f32 v18, v5  }
0x29e: {  	v20 =	vadd.f32 v20, v11;
	v21 =	vld [tilespmem:s29+$0x16CC0];
	v11 =	vmul.f32 v14, v5  }
0x29f: {  	v14 =	vmul.f32 v7, v6;
	v18 =	vadd.f32 v18, v12;
	v22 =	vld [tilespmem:s29+$0x16CD0]  }
0x2a0: {  	v17 =	vmul.f32 v17, v6;
	v7 =	vadd.f32 v11, v13;
	v23 =	vld [tilespmem:s29+$0x16CE0]  }
0x2a1: {  	v12 =	vadd.f32 v14, v15;
	v24 =	vld [tilespmem:s29+$0x18C80];
	v11 =	vmul.f32 v19, v6  }
.Ltmp9:
0x2a2: {  	v13 =	vadd.f32 v17, v8;
	v17 =	vld [tilespmem:s29+$0x18C90];
	v8 =	vmul.f32 v16, v6;
	(pc) =	sbr.rel @p0 .LBB2_13-.Ltmp9, $4  }
0x2a3: {  	v11 =	vadd.f32 v11, v9;
	v14 =	vld [tilespmem:s29+$0x18CA0];
	v9 =	vmul.f32 v21, v6  }
0x2a4: {  	v10 =	vadd.f32 v8, v10;
	v15 =	vld [tilespmem:s29+$0x18CB0];
	v21 =	vmul.f32 v22, v6  }
0x2a5: {  	v8 =	vadd.f32 v9, v20;
	v16 =	vld [tilespmem:s29+$0x18CC0];
	v19 =	vmul.f32 v23, v6  }
0x2a6: {  	s31 =	sadd.s32 $0x1000, s31;
	v20 =	vmul.f32 v24, v2;
	v9 =	vadd.f32 v21, v18;
	v18 =	vld [tilespmem:s29+$0x18CD0]  }
0x2a7: {  	v3 =	vmul.f32 v17, v2;
	v4 =	vld [tilespmem:s29+$0x18CE0]  }
0x2a8: {  	v5 =	vadd.f32 v20, v12;
	v6 =	vmul.f32 v14, v2  }
0x2a9: {  	v3 =	vadd.f32 v3, v13;
	v12 =	vmul.f32 v15, v2  }
0x2aa: {  	[tilespmem:s29+$0x1AC80] =	vst v5;
	v5 =	vadd.f32 v6, v11;
	v6 =	vmul.f32 v16, v2  }
0x2ab: {  	[tilespmem:s29+$0x1AC90] =	vst v3;
	v3 =	vadd.f32 v12, v10;
	v10 =	vmul.f32 v18, v2  }
0x2ac: {  	v7 =	vadd.f32 v19, v7;
	[tilespmem:s29+$0x1ACA0] =	vst v5;
	v5 =	vadd.f32 v6, v8;
	v2 =	vmul.f32 v4, v2  }
0x2ad: {  	[tilespmem:s29+$0x1ACB0] =	vst v3;
	v3 =	vadd.f32 v10, v9  }
0x2ae: {  	[tilespmem:s29+$0x1ACC0] =	vst v5;
	v2 =	vadd.f32 v2, v7  }
0x2af: {  	[tilespmem:s29+$0x1ACD0] =	vst v3  }
0x2b0: {  	[tilespmem:s29+$0x1ACE0] =	vst v2  }
0x2b1: {  	s29 =	simm.s32 $0x0;
	v2 =	vld [tilespmem:s28+$0xD00]  }
0x2b2: {  	v6 =	vld [tilespmem:s29+$0x10D70]  }
0x2b3: {  	v7 =	vld [tilespmem:s29+$0x12D70]  }
0x2b4: {  	v8 =	vld [tilespmem:s29+$0x10D00]  }
0x2b5: {  	v9 =	vld [tilespmem:s29+$0x14D70]  }
0x2b6: {  	v10 =	vld [tilespmem:s29+$0x12D00]  }
0x2b7: {  	v11 =	vld [tilespmem:s29+$0x16D70]  }
0x2b8: {  	v12 =	vld [tilespmem:s29+$0x10D10]  }
0x2b9: {  	v14 =	vld [tilespmem:s29+$0x18D70]  }
0x2ba: {  	v15 =	vld [tilespmem:s29+$0x12D10]  }
0x2bb: {  	v16 =	vld [tilespmem:s29+$0x12D20]  }
0x2bc: {  	v17 =	vld [tilespmem:s29+$0x12D30]  }
0x2bd: {  	v18 =	vld [tilespmem:s29+$0x12D40];
	v3 =	vbroadcast v2, $0x0;
	v4 =	vbroadcast v2, $0x1  }
0x2be: {  	v19 =	vld [tilespmem:s29+$0x12D50];
	v5 =	vbroadcast v2, $0x2  }
0x2bf: {  	v20 =	vld [tilespmem:s29+$0x12D60];
	v13 =	vmul.f32 v6, v3;
	v7 =	vmul.f32 v7, v4  }
0x2c0: {  	v21 =	vld [tilespmem:s29+$0x14D00]  }
0x2c1: {  	v22 =	vld [tilespmem:s29+$0x14D10];
	v6 =	vbroadcast v2, $0x3;
	v9 =	vmul.f32 v9, v5;
	v7 =	vadd.f32 v7, v13  }
0x2c2: {  	v23 =	vld [tilespmem:s29+$0x14D20]  }
0x2c3: {  	v24 =	vld [tilespmem:s29+$0x14D30];
	v2 =	vbroadcast v2, $0x4;
	v7 =	vadd.f32 v9, v7;
	v9 =	vmul.f32 v11, v6  }
0x2c4: {  	v13 =	vld [tilespmem:s29+$0x10D20]  }
0x2c5: {  	v25 =	vld [tilespmem:s29+$0x14D40];
	v7 =	vadd.f32 v9, v7;
	v9 =	vmul.f32 v14, v2  }
0x2c6: {  	v11 =	vld [tilespmem:s29+$0x10D30]  }
0x2c7: {  	v8 =	vmul.f32 v8, v3;
	v10 =	vmul.f32 v10, v4;
	v14 =	vld [tilespmem:s29+$0x10D40];
	v7 =	vadd.f32 v9, v7  }
0x2c8: {  	v12 =	vmul.f32 v12, v3;
	v15 =	vmul.f32 v15, v4;
	v9 =	vld [tilespmem:s29+$0x10D50]  }
0x2c9: {  	v16 =	vmul.f32 v16, v4;
	v13 =	vmul.f32 v13, v3;
	[tilespmem:s29+$0x1AD70] =	vst v7;
	v7 =	vld [tilespmem:s29+$0x10D60]  }
0x2ca: {  	v26 =	vld [tilespmem:s29+$0x14D50];
	v17 =	vmul.f32 v17, v4;
	v12 =	vadd.f32 v15, v12;
	v15 =	vmul.f32 v19, v4  }
0x2cb: {  	v19 =	vld [tilespmem:s29+$0x16D00];
	v11 =	vmul.f32 v11, v3;
	v13 =	vadd.f32 v16, v13;
	v16 =	vmul.f32 v20, v4  }
0x2cc: {  	v8 =	vadd.f32 v10, v8;
	v20 =	vld [tilespmem:s29+$0x16D10];
	v10 =	vmul.f32 v14, v3;
	v14 =	vmul.f32 v18, v4  }
0x2cd: {  	v18 =	vld [tilespmem:s29+$0x14D60];
	v11 =	vadd.f32 v17, v11;
	v9 =	vmul.f32 v9, v3  }
0x2ce: {  	v17 =	vld [tilespmem:s29+$0x16D20];
	v10 =	vadd.f32 v14, v10;
	v14 =	vmul.f32 v21, v5;
	v7 =	vmul.f32 v7, v3  }
0x2cf: {  	v21 =	vmul.f32 v24, v5;
	v9 =	vadd.f32 v15, v9;
	v15 =	vmul.f32 v22, v5;
	v22 =	vld [tilespmem:s29+$0x16D40]  }
0x2d0: {  	v8 =	vadd.f32 v14, v8;
	v14 =	vmul.f32 v23, v5;
	v7 =	vadd.f32 v16, v7;
	v16 =	vld [tilespmem:s29+$0x16D30]  }
0x2d1: {  	v61 =	vld [tilespmem:s29+$0x16D50];
	v23 =	vmul.f32 v26, v5;
	v15 =	vadd.f32 v15, v12;
	v12 =	vmul.f32 v25, v5  }
0x2d2: {  	v21 =	vadd.f32 v21, v11;
	v11 =	vmul.f32 v18, v5;
	v18 =	vld [tilespmem:s29+$0x16D60];
	v62 =	vadd.f32 v14, v13  }
0x2d3: {  	v9 =	vadd.f32 v23, v9;
	v23 =	vld [tilespmem:s29+$0x18D00];
	v63 =	vadd.f32 v12, v10;
	v10 =	vmul.f32 v19, v6  }
0x2d4: {  	v13 =	vmul.f32 v20, v6;
	v7 =	vadd.f32 v11, v7;
	v11 =	vmul.f32 v17, v6;
	v17 =	vld [tilespmem:s29+$0x18D10]  }
0x2d5: {  	v14 =	vld [tilespmem:s29+$0x18D20];
	v12 =	vadd.f32 v10, v8;
	v8 =	vmul.f32 v16, v6;
	v16 =	vmul.f32 v22, v6  }
0x2d6: {  	v13 =	vadd.f32 v13, v15;
	v15 =	vld [tilespmem:s29+$0x18D30];
	v22 =	vmul.f32 v61, v6  }
0x2d7: {  	v19 =	vmul.f32 v18, v6;
	v10 =	vadd.f32 v8, v21;
	v8 =	vadd.f32 v16, v63;
	v16 =	vld [tilespmem:s29+$0x18D40]  }
0x2d8: {  	s30 =	simm.s32 $0x0;
	s31 =	simm.s32 $0x1000;
	v11 =	vadd.f32 v11, v62;
	v18 =	vld [tilespmem:s29+$0x18D50];
	v20 =	vmul.f32 v23, v2;
	v9 =	vadd.f32 v22, v9  }
.LBB2_15:
0x2d9: {  	s0 =	sshra.s32 s31, $0x2;
	v17 =	vmul.f32 v17, v2;
	v7 =	vadd.f32 v19, v7;
	v19 =	vld [tilespmem:s29+$0x18D60]  }
0x2da: {  	s30 =	sadd.s32 $0x8, s30;
	v21 =	vld [tilespmem:s0+$0x10D70];
	v12 =	vadd.f32 v20, v12;
	v14 =	vmul.f32 v14, v2  }
0x2db: {  	p0 =	slt.u32 s30, $0x38;
	v20 =	vld [tilespmem:s0+$0x12D70];
	v13 =	vadd.f32 v17, v13;
	v15 =	vmul.f32 v15, v2  }
0x2dc: {  	v17 =	vld [tilespmem:s0+$0x10D00];
	[tilespmem:s29+$0x1AD00] =	vst v12;
	v11 =	vadd.f32 v14, v11;
	v12 =	vmul.f32 v16, v2  }
0x2dd: {  	v14 =	vld [tilespmem:s0+$0x14D70];
	[tilespmem:s29+$0x1AD10] =	vst v13;
	v10 =	vadd.f32 v15, v10;
	v13 =	vmul.f32 v18, v2  }
0x2de: {  	v15 =	vld [tilespmem:s0+$0x12D00];
	[tilespmem:s29+$0x1AD20] =	vst v11;
	v8 =	vadd.f32 v12, v8;
	v11 =	vmul.f32 v19, v2  }
0x2df: {  	v12 =	vld [tilespmem:s0+$0x16D70];
	[tilespmem:s29+$0x1AD30] =	vst v10;
	v9 =	vadd.f32 v13, v9  }
0x2e0: {  	v13 =	vmul.f32 v21, v3;
	v10 =	vld [tilespmem:s0+$0x10D10];
	v16 =	vmul.f32 v20, v4;
	[tilespmem:s29+$0x1AD40] =	vst v8;
	v7 =	vadd.f32 v11, v7  }
0x2e1: {  	v8 =	vmul.f32 v17, v3;
	v11 =	vld [tilespmem:s0+$0x18D70];
	[tilespmem:s29+$0x1AD50] =	vst v9  }
0x2e2: {  	v9 =	vld [tilespmem:s0+$0x12D10];
	v13 =	vadd.f32 v16, v13;
	v14 =	vmul.f32 v14, v5;
	[tilespmem:s29+$0x1AD60] =	vst v7;
	s29 =	smov.u32 s0  }
0x2e3: {  	v7 =	vmul.f32 v15, v4;
	v15 =	vld [tilespmem:s29+$0x10D20]  }
0x2e4: {  	v16 =	vld [tilespmem:s29+$0x12D20];
	v13 =	vadd.f32 v14, v13;
	v12 =	vmul.f32 v12, v6  }
0x2e5: {  	v7 =	vadd.f32 v7, v8;
	v8 =	vmul.f32 v10, v3;
	v10 =	vld [tilespmem:s29+$0x10D30]  }
0x2e6: {  	v14 =	vld [tilespmem:s29+$0x12D30];
	v12 =	vadd.f32 v12, v13;
	v11 =	vmul.f32 v11, v2  }
0x2e7: {  	v9 =	vmul.f32 v9, v4;
	v13 =	vld [tilespmem:s29+$0x10D40]  }
0x2e8: {  	v15 =	vmul.f32 v15, v3;
	v17 =	vld [tilespmem:s29+$0x12D40];
	v11 =	vadd.f32 v11, v12  }
0x2e9: {  	v8 =	vadd.f32 v9, v8;
	v9 =	vmul.f32 v16, v4;
	v12 =	vld [tilespmem:s29+$0x10D50]  }
0x2ea: {  	v10 =	vmul.f32 v10, v3;
	v16 =	vld [tilespmem:s29+$0x12D50];
	[tilespmem:s29+$0x1AD70] =	vst v11  }
0x2eb: {  	v9 =	vadd.f32 v9, v15;
	v11 =	vmul.f32 v14, v4;
	v14 =	vld [tilespmem:s29+$0x10D60]  }
0x2ec: {  	v13 =	vmul.f32 v13, v3;
	v15 =	vld [tilespmem:s29+$0x12D60]  }
0x2ed: {  	v18 =	vld [tilespmem:s29+$0x14D00];
	v10 =	vadd.f32 v11, v10;
	v11 =	vmul.f32 v17, v4  }
0x2ee: {  	v17 =	vld [tilespmem:s29+$0x14D10];
	v12 =	vmul.f32 v12, v3  }
0x2ef: {  	v19 =	vld [tilespmem:s29+$0x14D20];
	v11 =	vadd.f32 v11, v13;
	v13 =	vmul.f32 v16, v4  }
0x2f0: {  	v16 =	vld [tilespmem:s29+$0x14D30];
	v14 =	vmul.f32 v14, v3  }
0x2f1: {  	v20 =	vld [tilespmem:s29+$0x14D40];
	v12 =	vadd.f32 v13, v12;
	v13 =	vmul.f32 v15, v4  }
0x2f2: {  	v15 =	vmul.f32 v18, v5;
	v18 =	vld [tilespmem:s29+$0x14D50]  }
0x2f3: {  	v17 =	vmul.f32 v17, v5;
	v13 =	vadd.f32 v13, v14;
	v14 =	vld [tilespmem:s29+$0x14D60]  }
0x2f4: {  	v15 =	vadd.f32 v15, v7;
	v7 =	vld [tilespmem:s29+$0x16D00];
	v19 =	vmul.f32 v19, v5  }
0x2f5: {  	v8 =	vadd.f32 v17, v8;
	v17 =	vld [tilespmem:s29+$0x16D10];
	v16 =	vmul.f32 v16, v5  }
0x2f6: {  	v9 =	vadd.f32 v19, v9;
	v19 =	vld [tilespmem:s29+$0x16D20];
	v20 =	vmul.f32 v20, v5  }
0x2f7: {  	v10 =	vadd.f32 v16, v10;
	v16 =	vld [tilespmem:s29+$0x16D30];
	v18 =	vmul.f32 v18, v5  }
0x2f8: {  	v20 =	vadd.f32 v20, v11;
	v21 =	vld [tilespmem:s29+$0x16D40];
	v11 =	vmul.f32 v14, v5  }
0x2f9: {  	v14 =	vmul.f32 v7, v6;
	v18 =	vadd.f32 v18, v12;
	v22 =	vld [tilespmem:s29+$0x16D50]  }
0x2fa: {  	v17 =	vmul.f32 v17, v6;
	v7 =	vadd.f32 v11, v13;
	v23 =	vld [tilespmem:s29+$0x16D60]  }
0x2fb: {  	v12 =	vadd.f32 v14, v15;
	v24 =	vld [tilespmem:s29+$0x18D00];
	v11 =	vmul.f32 v19, v6  }
.Ltmp10:
0x2fc: {  	v13 =	vadd.f32 v17, v8;
	v17 =	vld [tilespmem:s29+$0x18D10];
	v8 =	vmul.f32 v16, v6;
	(pc) =	sbr.rel @p0 .LBB2_15-.Ltmp10, $4  }
0x2fd: {  	v11 =	vadd.f32 v11, v9;
	v14 =	vld [tilespmem:s29+$0x18D20];
	v9 =	vmul.f32 v21, v6  }
0x2fe: {  	v10 =	vadd.f32 v8, v10;
	v15 =	vld [tilespmem:s29+$0x18D30];
	v21 =	vmul.f32 v22, v6  }
0x2ff: {  	v8 =	vadd.f32 v9, v20;
	v16 =	vld [tilespmem:s29+$0x18D40];
	v19 =	vmul.f32 v23, v6  }
0x300: {  	s31 =	sadd.s32 $0x1000, s31;
	v20 =	vmul.f32 v24, v2;
	v9 =	vadd.f32 v21, v18;
	v18 =	vld [tilespmem:s29+$0x18D50]  }
0x301: {  	v3 =	vmul.f32 v17, v2;
	v4 =	vld [tilespmem:s29+$0x18D60]  }
0x302: {  	v5 =	vadd.f32 v20, v12;
	v6 =	vmul.f32 v14, v2  }
0x303: {  	v3 =	vadd.f32 v3, v13;
	v12 =	vmul.f32 v15, v2  }
0x304: {  	[tilespmem:s29+$0x1AD00] =	vst v5;
	v5 =	vadd.f32 v6, v11;
	v6 =	vmul.f32 v16, v2  }
0x305: {  	[tilespmem:s29+$0x1AD10] =	vst v3;
	v3 =	vadd.f32 v12, v10;
	v10 =	vmul.f32 v18, v2  }
0x306: {  	v7 =	vadd.f32 v19, v7;
	[tilespmem:s29+$0x1AD20] =	vst v5;
	v5 =	vadd.f32 v6, v8;
	v2 =	vmul.f32 v4, v2  }
0x307: {  	[tilespmem:s29+$0x1AD30] =	vst v3;
	v3 =	vadd.f32 v10, v9  }
0x308: {  	[tilespmem:s29+$0x1AD40] =	vst v5;
	v2 =	vadd.f32 v2, v7  }
0x309: {  	[tilespmem:s29+$0x1AD50] =	vst v3  }
0x30a: {  	[tilespmem:s29+$0x1AD60] =	vst v2  }
0x30b: {  	v2 =	vld [tilespmem:s28+$0xD80];
	s28 =	simm.s32 $0x0  }
0x30c: {  	v6 =	vld [tilespmem:s28+$0x10DF0]  }
0x30d: {  	v7 =	vld [tilespmem:s28+$0x12DF0]  }
0x30e: {  	v8 =	vld [tilespmem:s28+$0x10D80]  }
0x30f: {  	v9 =	vld [tilespmem:s28+$0x14DF0]  }
0x310: {  	v10 =	vld [tilespmem:s28+$0x12D80]  }
0x311: {  	v11 =	vld [tilespmem:s28+$0x16DF0]  }
0x312: {  	v12 =	vld [tilespmem:s28+$0x10D90]  }
0x313: {  	v14 =	vld [tilespmem:s28+$0x18DF0]  }
0x314: {  	v15 =	vld [tilespmem:s28+$0x12D90]  }
0x315: {  	v16 =	vld [tilespmem:s28+$0x12DA0]  }
0x316: {  	v17 =	vld [tilespmem:s28+$0x12DB0]  }
0x317: {  	v18 =	vld [tilespmem:s28+$0x12DC0];
	v3 =	vbroadcast v2, $0x0;
	v4 =	vbroadcast v2, $0x1  }
0x318: {  	v19 =	vld [tilespmem:s28+$0x12DD0];
	v5 =	vbroadcast v2, $0x2  }
0x319: {  	v20 =	vld [tilespmem:s28+$0x12DE0];
	v13 =	vmul.f32 v6, v3;
	v7 =	vmul.f32 v7, v4  }
0x31a: {  	v21 =	vld [tilespmem:s28+$0x14D80]  }
0x31b: {  	v22 =	vld [tilespmem:s28+$0x14D90];
	v6 =	vbroadcast v2, $0x3;
	v9 =	vmul.f32 v9, v5;
	v7 =	vadd.f32 v7, v13  }
0x31c: {  	v23 =	vld [tilespmem:s28+$0x14DA0]  }
0x31d: {  	v24 =	vld [tilespmem:s28+$0x14DB0];
	v2 =	vbroadcast v2, $0x4;
	v7 =	vadd.f32 v9, v7;
	v9 =	vmul.f32 v11, v6  }
0x31e: {  	v13 =	vld [tilespmem:s28+$0x10DA0]  }
0x31f: {  	v25 =	vld [tilespmem:s28+$0x14DC0];
	v7 =	vadd.f32 v9, v7;
	v9 =	vmul.f32 v14, v2  }
0x320: {  	v11 =	vld [tilespmem:s28+$0x10DB0]  }
0x321: {  	v8 =	vmul.f32 v8, v3;
	v10 =	vmul.f32 v10, v4;
	v14 =	vld [tilespmem:s28+$0x10DC0];
	v7 =	vadd.f32 v9, v7  }
0x322: {  	v12 =	vmul.f32 v12, v3;
	v15 =	vmul.f32 v15, v4;
	v9 =	vld [tilespmem:s28+$0x10DD0]  }
0x323: {  	v16 =	vmul.f32 v16, v4;
	v13 =	vmul.f32 v13, v3;
	[tilespmem:s28+$0x1ADF0] =	vst v7;
	v7 =	vld [tilespmem:s28+$0x10DE0]  }
0x324: {  	v26 =	vld [tilespmem:s28+$0x14DD0];
	v17 =	vmul.f32 v17, v4;
	v12 =	vadd.f32 v15, v12;
	v15 =	vmul.f32 v19, v4  }
0x325: {  	v19 =	vld [tilespmem:s28+$0x16D80];
	v11 =	vmul.f32 v11, v3;
	v13 =	vadd.f32 v16, v13;
	v16 =	vmul.f32 v20, v4  }
0x326: {  	v8 =	vadd.f32 v10, v8;
	v20 =	vld [tilespmem:s28+$0x16D90];
	v10 =	vmul.f32 v14, v3;
	v14 =	vmul.f32 v18, v4  }
0x327: {  	v18 =	vld [tilespmem:s28+$0x14DE0];
	v11 =	vadd.f32 v17, v11;
	v9 =	vmul.f32 v9, v3  }
0x328: {  	v17 =	vld [tilespmem:s28+$0x16DA0];
	v10 =	vadd.f32 v14, v10;
	v14 =	vmul.f32 v21, v5;
	v7 =	vmul.f32 v7, v3  }
0x329: {  	v21 =	vmul.f32 v24, v5;
	v9 =	vadd.f32 v15, v9;
	v15 =	vmul.f32 v22, v5;
	v22 =	vld [tilespmem:s28+$0x16DC0]  }
0x32a: {  	v8 =	vadd.f32 v14, v8;
	v14 =	vmul.f32 v23, v5;
	v7 =	vadd.f32 v16, v7;
	v16 =	vld [tilespmem:s28+$0x16DB0]  }
0x32b: {  	v61 =	vld [tilespmem:s28+$0x16DD0];
	v23 =	vmul.f32 v26, v5;
	v15 =	vadd.f32 v15, v12;
	v12 =	vmul.f32 v25, v5  }
0x32c: {  	v21 =	vadd.f32 v21, v11;
	v11 =	vmul.f32 v18, v5;
	v18 =	vld [tilespmem:s28+$0x16DE0];
	v62 =	vadd.f32 v14, v13  }
0x32d: {  	v9 =	vadd.f32 v23, v9;
	v23 =	vld [tilespmem:s28+$0x18D80];
	v63 =	vadd.f32 v12, v10;
	v10 =	vmul.f32 v19, v6  }
0x32e: {  	v13 =	vmul.f32 v20, v6;
	v7 =	vadd.f32 v11, v7;
	v11 =	vmul.f32 v17, v6;
	v17 =	vld [tilespmem:s28+$0x18D90]  }
0x32f: {  	v14 =	vld [tilespmem:s28+$0x18DA0];
	v12 =	vadd.f32 v10, v8;
	v8 =	vmul.f32 v16, v6;
	v16 =	vmul.f32 v22, v6  }
0x330: {  	v13 =	vadd.f32 v13, v15;
	v15 =	vld [tilespmem:s28+$0x18DB0];
	v22 =	vmul.f32 v61, v6  }
0x331: {  	v19 =	vmul.f32 v18, v6;
	v10 =	vadd.f32 v8, v21;
	v8 =	vadd.f32 v16, v63;
	v16 =	vld [tilespmem:s28+$0x18DC0]  }
0x332: {  	s30 =	simm.s32 $0x1000;
	s29 =	simm.s32 $0x0;
	v11 =	vadd.f32 v11, v62;
	v18 =	vld [tilespmem:s28+$0x18DD0];
	v20 =	vmul.f32 v23, v2;
	v9 =	vadd.f32 v22, v9  }
.LBB2_17:
0x333: {  	s0 =	sshra.s32 s30, $0x2;
	v17 =	vmul.f32 v17, v2;
	v7 =	vadd.f32 v19, v7;
	v19 =	vld [tilespmem:s28+$0x18DE0]  }
0x334: {  	s29 =	sadd.s32 $0x8, s29;
	v21 =	vld [tilespmem:s0+$0x10DF0];
	v12 =	vadd.f32 v20, v12;
	v14 =	vmul.f32 v14, v2  }
0x335: {  	p0 =	slt.u32 s29, $0x38;
	v20 =	vld [tilespmem:s0+$0x12DF0];
	v13 =	vadd.f32 v17, v13;
	v15 =	vmul.f32 v15, v2  }
0x336: {  	v17 =	vld [tilespmem:s0+$0x10D80];
	[tilespmem:s28+$0x1AD80] =	vst v12;
	v11 =	vadd.f32 v14, v11;
	v12 =	vmul.f32 v16, v2  }
0x337: {  	v14 =	vld [tilespmem:s0+$0x14DF0];
	[tilespmem:s28+$0x1AD90] =	vst v13;
	v10 =	vadd.f32 v15, v10;
	v13 =	vmul.f32 v18, v2  }
0x338: {  	v15 =	vld [tilespmem:s0+$0x12D80];
	[tilespmem:s28+$0x1ADA0] =	vst v11;
	v8 =	vadd.f32 v12, v8;
	v11 =	vmul.f32 v19, v2  }
0x339: {  	v12 =	vld [tilespmem:s0+$0x16DF0];
	[tilespmem:s28+$0x1ADB0] =	vst v10;
	v9 =	vadd.f32 v13, v9  }
0x33a: {  	v13 =	vmul.f32 v21, v3;
	v10 =	vld [tilespmem:s0+$0x10D90];
	v16 =	vmul.f32 v20, v4;
	[tilespmem:s28+$0x1ADC0] =	vst v8;
	v7 =	vadd.f32 v11, v7  }
0x33b: {  	v8 =	vmul.f32 v17, v3;
	v11 =	vld [tilespmem:s0+$0x18DF0];
	[tilespmem:s28+$0x1ADD0] =	vst v9  }
0x33c: {  	v9 =	vld [tilespmem:s0+$0x12D90];
	v13 =	vadd.f32 v16, v13;
	v14 =	vmul.f32 v14, v5;
	[tilespmem:s28+$0x1ADE0] =	vst v7;
	s28 =	smov.u32 s0  }
0x33d: {  	v7 =	vmul.f32 v15, v4;
	v15 =	vld [tilespmem:s28+$0x10DA0]  }
0x33e: {  	v16 =	vld [tilespmem:s28+$0x12DA0];
	v13 =	vadd.f32 v14, v13;
	v12 =	vmul.f32 v12, v6  }
0x33f: {  	v7 =	vadd.f32 v7, v8;
	v8 =	vmul.f32 v10, v3;
	v10 =	vld [tilespmem:s28+$0x10DB0]  }
0x340: {  	v14 =	vld [tilespmem:s28+$0x12DB0];
	v12 =	vadd.f32 v12, v13;
	v11 =	vmul.f32 v11, v2  }
0x341: {  	v9 =	vmul.f32 v9, v4;
	v13 =	vld [tilespmem:s28+$0x10DC0]  }
0x342: {  	v15 =	vmul.f32 v15, v3;
	v17 =	vld [tilespmem:s28+$0x12DC0];
	v11 =	vadd.f32 v11, v12  }
0x343: {  	v8 =	vadd.f32 v9, v8;
	v9 =	vmul.f32 v16, v4;
	v12 =	vld [tilespmem:s28+$0x10DD0]  }
0x344: {  	v10 =	vmul.f32 v10, v3;
	v16 =	vld [tilespmem:s28+$0x12DD0];
	[tilespmem:s28+$0x1ADF0] =	vst v11  }
0x345: {  	v9 =	vadd.f32 v9, v15;
	v11 =	vmul.f32 v14, v4;
	v14 =	vld [tilespmem:s28+$0x10DE0]  }
0x346: {  	v13 =	vmul.f32 v13, v3;
	v15 =	vld [tilespmem:s28+$0x12DE0]  }
0x347: {  	v18 =	vld [tilespmem:s28+$0x14D80];
	v10 =	vadd.f32 v11, v10;
	v11 =	vmul.f32 v17, v4  }
0x348: {  	v17 =	vld [tilespmem:s28+$0x14D90];
	v12 =	vmul.f32 v12, v3  }
0x349: {  	v19 =	vld [tilespmem:s28+$0x14DA0];
	v11 =	vadd.f32 v11, v13;
	v13 =	vmul.f32 v16, v4  }
0x34a: {  	v16 =	vld [tilespmem:s28+$0x14DB0];
	v14 =	vmul.f32 v14, v3  }
0x34b: {  	v20 =	vld [tilespmem:s28+$0x14DC0];
	v12 =	vadd.f32 v13, v12;
	v13 =	vmul.f32 v15, v4  }
0x34c: {  	v15 =	vmul.f32 v18, v5;
	v18 =	vld [tilespmem:s28+$0x14DD0]  }
0x34d: {  	v17 =	vmul.f32 v17, v5;
	v13 =	vadd.f32 v13, v14;
	v14 =	vld [tilespmem:s28+$0x14DE0]  }
0x34e: {  	v15 =	vadd.f32 v15, v7;
	v7 =	vld [tilespmem:s28+$0x16D80];
	v19 =	vmul.f32 v19, v5  }
0x34f: {  	v8 =	vadd.f32 v17, v8;
	v17 =	vld [tilespmem:s28+$0x16D90];
	v16 =	vmul.f32 v16, v5  }
0x350: {  	v9 =	vadd.f32 v19, v9;
	v19 =	vld [tilespmem:s28+$0x16DA0];
	v20 =	vmul.f32 v20, v5  }
0x351: {  	v10 =	vadd.f32 v16, v10;
	v16 =	vld [tilespmem:s28+$0x16DB0];
	v18 =	vmul.f32 v18, v5  }
0x352: {  	v20 =	vadd.f32 v20, v11;
	v21 =	vld [tilespmem:s28+$0x16DC0];
	v11 =	vmul.f32 v14, v5  }
0x353: {  	v14 =	vmul.f32 v7, v6;
	v18 =	vadd.f32 v18, v12;
	v22 =	vld [tilespmem:s28+$0x16DD0]  }
0x354: {  	v17 =	vmul.f32 v17, v6;
	v7 =	vadd.f32 v11, v13;
	v23 =	vld [tilespmem:s28+$0x16DE0]  }
0x355: {  	v12 =	vadd.f32 v14, v15;
	v24 =	vld [tilespmem:s28+$0x18D80];
	v11 =	vmul.f32 v19, v6  }
.Ltmp11:
0x356: {  	v13 =	vadd.f32 v17, v8;
	v17 =	vld [tilespmem:s28+$0x18D90];
	v8 =	vmul.f32 v16, v6;
	(pc) =	sbr.rel @p0 .LBB2_17-.Ltmp11, $4  }
0x357: {  	v11 =	vadd.f32 v11, v9;
	v14 =	vld [tilespmem:s28+$0x18DA0];
	v9 =	vmul.f32 v21, v6  }
0x358: {  	v10 =	vadd.f32 v8, v10;
	v15 =	vld [tilespmem:s28+$0x18DB0];
	v21 =	vmul.f32 v22, v6  }
0x359: {  	v8 =	vadd.f32 v9, v20;
	v16 =	vld [tilespmem:s28+$0x18DC0];
	v19 =	vmul.f32 v23, v6  }
0x35a: {  	s30 =	sadd.s32 $0x1000, s30;
	v20 =	vmul.f32 v24, v2;
	v9 =	vadd.f32 v21, v18;
	v18 =	vld [tilespmem:s28+$0x18DD0]  }
0x35b: {  	v3 =	vmul.f32 v17, v2;
	v4 =	vld [tilespmem:s28+$0x18DE0]  }
0x35c: {  	v5 =	vadd.f32 v20, v12;
	v6 =	vmul.f32 v14, v2  }
0x35d: {  	v3 =	vadd.f32 v3, v13;
	v59 =	vmul.f32 v15, v2  }
0x35e: {  	[tilespmem:s28+$0x1AD80] =	vst v5;
	v60 =	vadd.f32 v6, v11;
	v61 =	vmul.f32 v16, v2  }
0x35f: {  	p0 =	seq.s32 s26, $0x3F;
	[tilespmem:s28+$0x1AD90] =	vst v3;
	v3 =	vadd.f32 v59, v10;
	v62 =	vmul.f32 v18, v2  }
.Ltmp12:
0x360: {  	v7 =	vadd.f32 v19, v7;
	[tilespmem:s28+$0x1ADA0] =	vst v60;
	v63 =	vadd.f32 v61, v8;
	v2 =	vmul.f32 v4, v2;
	(pc) =	sbr.rel @p0 .LBB2_20-.Ltmp12, $4  }
0x361: {  	[tilespmem:s28+$0x1ADB0] =	vst v3;
	v3 =	vadd.f32 v62, v9  }
0x362: {  	[tilespmem:s28+$0x1ADC0] =	vst v63;
	v2 =	vadd.f32 v2, v7  }
0x363: {  	[tilespmem:s28+$0x1ADD0] =	vst v3  }
0x364: {  	[tilespmem:s28+$0x1ADE0] =	vst v2;
	s28 =	sadd.s32 $0x1, s26  }
0x365: {  	s0 =	sshll.u32 s28, $0x3  }
0x366: {  	v2 =	vld.msk [tilespmem:s0+$0x0], $0xff;
	_ =	sdelay $0x4  }
0x367: {  	v3 =	vshll.u32 v2, $0x3  }
0x368: {  	v2 =	vand.u32 $0x7, v2;
	v3 =	vand.u32 $0xFFFFFFC0, v3  }
0x369: {  	v2 =	vor.u32 v2, v3  }
0x36a: {  	v2 =	vperm.xlane v2, v0;
	_ =	sdelay $0x1  }
0x36b: {  	v2 =	vadd.s32 v1, v2;
	_ =	sdelay $0x3  }
0x36c: {  	s29 =	simm.s32 $0x10A00  }
0x36d: {  	[tilespmem:s29], [sflag:$0x1] =	stream.indirect_vreg.gather [hbm4b:s1+s4], $0x80, v2, vm0, $0xb8;
	[tilespmem:$0x1CA00] =	vst v63  }
0x36e: {  	s30 =	simm.s32 $0x11200  }
0x36f: {  	[tilespmem:s30], [sflag:$0x1] =	stream.indirect_vreg.gather [hbm4b:s11+s4], $0x80, v2, vm0, $0xb8;
	[tilespmem:$0x1CA00] =	vst v63  }
0x370: {  	s31 =	simm.s32 $0x11A00  }
0x371: {  	[tilespmem:s31], [sflag:$0x1] =	stream.indirect_vreg.gather [hbm4b:s12+s4], $0x80, v2, vm0, $0xb8;
	[tilespmem:$0x1CA00] =	vst v63  }
0x372: {  	s30 =	simm.s32 $0x12200  }
0x373: {  	[tilespmem:s30], [sflag:$0x1] =	stream.indirect_vreg.gather [hbm4b:s13+s4], $0x80, v2, vm0, $0xb8;
	[tilespmem:$0x1CA00] =	vst v63  }
0x374: {  	v2 =	vld.msk [tilespmem:s0+$0x200], $0xff;
	_ =	sdelay $0x4  }
0x375: {  	v3 =	vshll.u32 v2, $0x3  }
0x376: {  	v2 =	vand.u32 $0x7, v2;
	v3 =	vand.u32 $0xFFFFFFC0, v3  }
0x377: {  	v2 =	vor.u32 v2, v3  }
0x378: {  	v2 =	vperm.xlane v2, v0;
	_ =	sdelay $0x1  }
0x379: {  	v2 =	vadd.s32 v1, v2;
	_ =	sdelay $0x3  }
0x37a: {  	s31 =	simm.s32 $0x12A00  }
0x37b: {  	[tilespmem:s31], [sflag:$0x2] =	stream.indirect_vreg.gather [hbm4b:s1+s4], $0x80, v2, vm0, $0xb8;
	[tilespmem:$0x1CA00] =	vst v63  }
0x37c: {  	s30 =	simm.s32 $0x13200  }
0x37d: {  	[tilespmem:s30], [sflag:$0x2] =	stream.indirect_vreg.gather [hbm4b:s11+s4], $0x80, v2, vm0, $0xb8;
	[tilespmem:$0x1CA00] =	vst v63  }
0x37e: {  	s31 =	simm.s32 $0x13A00  }
0x37f: {  	[tilespmem:s31], [sflag:$0x2] =	stream.indirect_vreg.gather [hbm4b:s12+s4], $0x80, v2, vm0, $0xb8;
	[tilespmem:$0x1CA00] =	vst v63  }
0x380: {  	s30 =	simm.s32 $0x14200  }
0x381: {  	[tilespmem:s30], [sflag:$0x2] =	stream.indirect_vreg.gather [hbm4b:s13+s4], $0x80, v2, vm0, $0xb8;
	[tilespmem:$0x1CA00] =	vst v63  }
0x382: {  	v2 =	vld.msk [tilespmem:s0+$0x400], $0xff;
	_ =	sdelay $0x4  }
0x383: {  	v3 =	vshll.u32 v2, $0x3  }
0x384: {  	v2 =	vand.u32 $0x7, v2;
	v3 =	vand.u32 $0xFFFFFFC0, v3  }
0x385: {  	v2 =	vor.u32 v2, v3  }
0x386: {  	v2 =	vperm.xlane v2, v0;
	_ =	sdelay $0x1  }
0x387: {  	v2 =	vadd.s32 v1, v2;
	_ =	sdelay $0x3  }
0x388: {  	s31 =	simm.s32 $0x14A00  }
0x389: {  	[tilespmem:s31], [sflag:$0x3] =	stream.indirect_vreg.gather [hbm4b:s1+s4], $0x80, v2, vm0, $0xb8;
	[tilespmem:$0x1CA00] =	vst v63  }
0x38a: {  	_ = 	snop  }
0x38b: {  	[tilespmem:s2], [sflag:$0x3] =	stream.indirect_vreg.gather [hbm4b:s11+s4], $0x80, v2, vm0, $0xb8;
	[tilespmem:$0x1CA00] =	vst v63  }
0x38c: {  	_ = 	snop  }
0x38d: {  	[tilespmem:s19], [sflag:$0x3] =	stream.indirect_vreg.gather [hbm4b:s12+s4], $0x80, v2, vm0, $0xb8;
	[tilespmem:$0x1CA00] =	vst v63  }
0x38e: {  	_ = 	snop  }
0x38f: {  	[tilespmem:s20], [sflag:$0x3] =	stream.indirect_vreg.gather [hbm4b:s13+s4], $0x80, v2, vm0, $0xb8;
	[tilespmem:$0x1CA00] =	vst v63  }
0x390: {  	v2 =	vld.msk [tilespmem:s0+$0x600], $0xff;
	_ =	sdelay $0x4  }
0x391: {  	v3 =	vshll.u32 v2, $0x3  }
0x392: {  	v2 =	vand.u32 $0x7, v2;
	v3 =	vand.u32 $0xFFFFFFC0, v3  }
0x393: {  	v2 =	vor.u32 v2, v3  }
0x394: {  	v2 =	vperm.xlane v2, v0;
	_ =	sdelay $0x1  }
0x395: {  	v2 =	vadd.s32 v1, v2;
	_ =	sdelay $0x4  }
0x396: {  	[tilespmem:s21], [sflag:$0x4] =	stream.indirect_vreg.gather [hbm4b:s1+s4], $0x80, v2, vm0, $0xb8;
	[tilespmem:$0x1CA00] =	vst v63  }
0x397: {  	_ = 	snop  }
0x398: {  	[tilespmem:s22], [sflag:$0x4] =	stream.indirect_vreg.gather [hbm4b:s11+s4], $0x80, v2, vm0, $0xb8;
	[tilespmem:$0x1CA00] =	vst v63  }
0x399: {  	_ = 	snop  }
0x39a: {  	[tilespmem:s5], [sflag:$0x4] =	stream.indirect_vreg.gather [hbm4b:s12+s4], $0x80, v2, vm0, $0xb8;
	[tilespmem:$0x1CA00] =	vst v63  }
0x39b: {  	_ = 	snop  }
0x39c: {  	[tilespmem:s6], [sflag:$0x4] =	stream.indirect_vreg.gather [hbm4b:s13+s4], $0x80, v2, vm0, $0xb8;
	[tilespmem:$0x1CA00] =	vst v63  }
0x39d: {  	v2 =	vld.msk [tilespmem:s0+$0x800], $0xff;
	_ =	sdelay $0x4  }
0x39e: {  	v3 =	vshll.u32 v2, $0x3  }
0x39f: {  	v2 =	vand.u32 $0x7, v2;
	v3 =	vand.u32 $0xFFFFFFC0, v3  }
0x3a0: {  	v2 =	vor.u32 v2, v3  }
0x3a1: {  	v2 =	vperm.xlane v2, v0;
	_ =	sdelay $0x1  }
0x3a2: {  	v2 =	vadd.s32 v1, v2;
	_ =	sdelay $0x4  }
0x3a3: {  	[tilespmem:s7], [sflag:$0x5] =	stream.indirect_vreg.gather [hbm4b:s1+s4], $0x80, v2, vm0, $0xb8;
	[tilespmem:$0x1CA00] =	vst v63  }
0x3a4: {  	_ = 	snop  }
0x3a5: {  	[tilespmem:s8], [sflag:$0x5] =	stream.indirect_vreg.gather [hbm4b:s11+s4], $0x80, v2, vm0, $0xb8;
	[tilespmem:$0x1CA00] =	vst v63  }
.Ltmp13:
0x3a6: {  	_ = 	snop;
	(pc) =	sbr.rel .LBB2_20-.Ltmp13, $4  }
0x3a7: {  	_ = 	snop  }
0x3a8: {  	[tilespmem:s9], [sflag:$0x5] =	stream.indirect_vreg.gather [hbm4b:s12+s4], $0x80, v2, vm0, $0xb8;
	[tilespmem:$0x1CA00] =	vst v63  }
0x3a9: {  	_ = 	snop  }
0x3aa: {  	[tilespmem:s10], [sflag:$0x5] =	stream.indirect_vreg.gather [hbm4b:s13+s4], $0x80, v2, vm0, $0xb8;
	[tilespmem:$0x1CA00] =	vst v63  }
.LBB2_22:
0x3ab: {  	_ =	sfence.sel $0x180000  }
0x3ac: {  	[bflag:$0x0] =	sbarrier.arrive $0xFFFF  }
0x3ad: {  	_ =	strace $0x90000047  }
0x3ae: {  	s0 =	stileid.u32;
	[bflag:$0x2] =	sbarrier.arrive $0xFFFF  }
0x3af: {  	p0 =	sne.s32 s0, $0x0;
	s0 =	rddreg [dreg:$0x3]  }
0x3b0: {  	s0 =	sadd.s32 @!p0 $0x100000, s0  }
0x3b1: {  	[sflag:s0] =	ssyncadd.tile.s32 @!p0 $0x1;
	_ =	shalt  }
.Lfunc_end2:
_tile_overlayer_lowered:
.L_overlay_start_2:
0x3b2: {  	(tag) =	ssettag $0x2  }
0x3b3: {  	s0 =	rddreg [dreg:$0x0];
	s2 =	stileid.u32  }
0x3b4: {  	s1 =	rddreg [dreg:$0x1];
	p0 =	sne.s32 s2, $0x0  }
0x3b5: {  	s3 =	rddreg [dreg:$0x2];
	[bflag:$0x3] =	sbarrier.arrive $0xFFFF;
	s2 =	simm.s32 @!p0 $0x1C07  }
0x3b6: {  	[timem:s3], [sflag:s2] =	dma.local @!p0 [hbm:s0], s1  }
0x3b7: {  	s0 =	simm.s32 @!p0 $0x7  }
0x3b8: {  	_ =	swait.ge @!p0 [sflag:s0], s1  }
0x3b9: {  	s1 =	ssub.s32 @!p0 $0x0, s1;
	[sflag:s0] =	ssyncset.done @!p0 $0x0  }
0x3ba: {  	[sflag:s0] =	ssyncadd.s32 @!p0 s1  }
0x3bb: {  	[bflag:$0x3] =	sbarrier.arrive $0xFFFF  }
0x3bc: {  	_ =	shalt  }

</sc_bundles>
